<compile_context>
chip_gen: v7x
topology: tpu7x:2x2x1
jax: 0.10.2.dev20260603
libtpu: 0.0.44.dev20260713+nightly
codegen_flags: <defaults>
</compile_context>

<pallas_src>
import functools

import jax
import jax.numpy as jnp
from jax import lax
from jax.experimental import pallas as pl
from jax.experimental.pallas import tpu as pltpu
from jax.experimental.pallas import tpu_sc as plsc

N = 10000
NPAD = 10112
D = 128
E = 320000
K = 144
NTILES = 32
CHT0 = 70
CHT1 = 70
CHTM = max(CHT0, CHT1)
EPAD = 16 * (CHT0 + CHT1) * K
NG = 128
GB = 136
POOL_T = NPAD // NTILES
BPAD = 336

_mesh = plsc.VectorSubcoreMesh(core_axis_name="c", subcore_axis_name="s")
_sc_params = pltpu.CompilerParams(needs_layout_passes=False,
                                 use_tc_tiling_on_sc=False)


@functools.partial(
    pl.kernel, mesh=_mesh,
    out_type=jax.ShapeDtypeStruct((NTILES, NPAD), jnp.float32),
    scratch_types=[pltpu.VMEM((CHTM * K,), jnp.int32),
                   pltpu.VMEM((NPAD,), jnp.float32)],
    compiler_params=_sc_params,
)
def _deg_kernel(pk_hbm, out_hbm, idxv, accv):
    wid = lax.axis_index("s") * 2 + lax.axis_index("c")
    pltpu.sync_copy(pk_hbm.at[wid], idxv)
    zero16 = jnp.zeros((16,), jnp.float32)

    def _z(i, c):
        accv[pl.ds(i * 16, 16)] = zero16
        return c
    lax.fori_loop(0, NPAD // 16, _z, 0)

    ones16 = jnp.ones((16,), jnp.float32)

    def _s(i, c):
        d16 = lax.shift_right_logical(idxv[pl.ds(i * 16, 16)], 16)
        plsc.addupdate_scatter(accv, [d16], ones16)
        return c
    lax.fori_loop(0, CHTM * K // 16, _s, 0)
    pltpu.sync_copy(accv, out_hbm.at[wid])


@functools.partial(
    pl.kernel, mesh=_mesh,
    out_type=jax.ShapeDtypeStruct((2, NPAD, D), jnp.float32),
    scratch_types=[pltpu.VMEM((CHTM * K,), jnp.int32),
                   pltpu.VMEM((K,), jnp.int32),
                   pltpu.VMEM((K,), jnp.int32),
                   pltpu.VMEM((K,), jnp.int32),
                   pltpu.VMEM((K,), jnp.int32),
                   pltpu.VMEM((K, D), jnp.float32),
                   pltpu.VMEM((K, D), jnp.float32),
                   pltpu.VMEM_SHARED((NPAD, D), jnp.float32),
                   pltpu.SemaphoreType.DMA,
                   pltpu.SemaphoreType.DMA],
    compiler_params=_sc_params,
)
def _conv_kernel(xs_hbm, pk_hbm, zeros_hbm, out_hbm,
                 pkv, srcxa, dstxa, srcxb, dstxb, bufa, bufb, acc,
                 sema, semb):
    cid = lax.axis_index("c")
    sid = lax.axis_index("s")
    wid = sid * 2 + cid
    pltpu.sync_copy(pk_hbm.at[wid], pkv)
    nrows = NPAD // 16
    r0 = sid * nrows
    pltpu.sync_copy(zeros_hbm.at[pl.ds(r0, nrows)], acc.at[pl.ds(r0, nrows)])
    plsc.subcore_barrier()

    ncht = jnp.where(cid == 0, CHT0, CHT1)

    def _unpack(j, sx, dx):
        base = j * K
        for i in range(K // 16):
            p = pkv[pl.ds(base + i * 16, 16)]
            sx[pl.ds(i * 16, 16)] = p & 0xFFFF
            dx[pl.ds(i * 16, 16)] = lax.shift_right_logical(p, 16)

    _unpack(0, srcxa, dstxa)
    pltpu.async_copy(xs_hbm.at[srcxa], bufa, sema)

    def _pair(jj, c):
        j0 = jj * 2
        _unpack(j0 + 1, srcxb, dstxb)
        pltpu.make_async_copy(xs_hbm.at[srcxa], bufa, sema).wait()
        pltpu.async_copy(xs_hbm.at[srcxb], bufb, semb)
        pltpu.sync_copy(bufa, acc.at[dstxa], add=True)

        @pl.when(j0 + 2 < ncht)
        def _():
            _unpack(j0 + 2, srcxa, dstxa)
            pltpu.async_copy(xs_hbm.at[srcxa], bufa, sema)
        pltpu.make_async_copy(xs_hbm.at[srcxb], bufb, semb).wait()
        pltpu.sync_copy(bufb, acc.at[dstxb], add=True)
        return c
    lax.fori_loop(0, ncht // 2, _pair, 0)
    plsc.subcore_barrier()
    pltpu.sync_copy(acc.at[pl.ds(r0, nrows)],
                    out_hbm.at[cid, pl.ds(r0, nrows)])


@functools.partial(
    pl.kernel, mesh=_mesh,
    out_type=[jax.ShapeDtypeStruct((NTILES, GB * D), jnp.float32),
              jax.ShapeDtypeStruct((NTILES, GB * D), jnp.float32)],
    scratch_types=[pltpu.VMEM((POOL_T * D,), jnp.float32),
                   pltpu.VMEM((BPAD,), jnp.int32),
                   pltpu.VMEM((GB * D,), jnp.float32),
                   pltpu.VMEM((GB * D,), jnp.float32)],
    compiler_params=_sc_params,
)
def _pool_kernel(x2_hbm, batch_hbm, outmax_hbm, outsum_hbm, xv, bv, mxb, smb):
    wid = lax.axis_index("s") * 2 + lax.axis_index("c")
    pltpu.sync_copy(x2_hbm.at[wid], xv)
    pltpu.sync_copy(batch_hbm.at[wid], bv)
    neg16 = jnp.full((16,), -jnp.inf, jnp.float32)
    zero16 = jnp.zeros((16,), jnp.float32)

    def _z(i, c):
        mxb[pl.ds(i * 16, 16)] = neg16
        smb[pl.ds(i * 16, 16)] = zero16
        return c
    lax.fori_loop(0, GB * D // 16, _z, 0)

    def _n(i, c):
        g = bv[pl.ds(i, 16)][0]
        off = g * D
        xoff = i * D
        for j in range(D // 16):
            v = xv[pl.ds(xoff + j * 16, 16)]
            mxb[pl.ds(off + j * 16, 16)] = jnp.maximum(
                mxb[pl.ds(off + j * 16, 16)], v)
            smb[pl.ds(off + j * 16, 16)] = smb[pl.ds(off + j * 16, 16)] + v
        return c
    lax.fori_loop(0, POOL_T, _n, 0)
    pltpu.sync_copy(mxb, outmax_hbm.at[wid])
    pltpu.sync_copy(smb, outsum_hbm.at[wid])


def _prep_body(degp_ref, x_ref, dinv_ref, xs_ref):
    deg = jnp.sum(degp_ref[...], axis=1, keepdims=True) + 1.0
    dinv = lax.rsqrt(deg)
    mask = lax.broadcasted_iota(jnp.int32, (NPAD, 1), 0) < N
    dinv = jnp.where(mask, dinv, 0.0)
    dinv_ref[...] = dinv
    xs_ref[...] = x_ref[...] * dinv


_prep = pl.pallas_call(
    _prep_body,
    out_shape=[jax.ShapeDtypeStruct((NPAD, 1), jnp.float32),
               jax.ShapeDtypeStruct((NPAD, D), jnp.float32)],
)


def _tail_body(p_ref, dinv_ref, xin_ref, w_ref, b_ref, xn_ref, xsn_ref):
    t = p_ref[0] + p_ref[1]
    dinv = dinv_ref[...]
    agg = dinv * t + (dinv * dinv) * xin_ref[...]
    h = jnp.maximum(
        jnp.dot(agg, w_ref[...], preferred_element_type=jnp.float32)
        + b_ref[...], 0.0)
    xn = h + xin_ref[...]
    xn_ref[...] = xn
    xsn_ref[...] = xn * dinv


_tail = pl.pallas_call(
    _tail_body,
    out_shape=[jax.ShapeDtypeStruct((NPAD, D), jnp.float32),
               jax.ShapeDtypeStruct((NPAD, D), jnp.float32)],
)


def _head_body(mx_ref, sm_ref, mol_ref, wm_ref, bm_ref, g_ref, be_ref,
               wa_ref, ba_ref, wb_ref, bb_ref, out_ref):
    mx = jnp.full((GB, D), -jnp.inf, jnp.float32)
    sm = jnp.zeros((GB, D), jnp.float32)
    for w in range(NTILES):
        mx = jnp.maximum(mx, mx_ref[pl.ds(w * GB, GB), :])
        sm = sm + sm_ref[pl.ds(w * GB, GB), :]
    mx = mx[:NG]
    sm = sm[:NG]
    mol = jnp.dot(mol_ref[...], wm_ref[...],
                  preferred_element_type=jnp.float32) + bm_ref[...]
    mol = jnp.maximum(g_ref[...] * mol + be_ref[...], 0.0)
    cat = jnp.concatenate([mx, sm, mol], axis=1)
    hid = jnp.maximum(
        jnp.dot(cat, wa_ref[...], preferred_element_type=jnp.float32)
        + ba_ref[...], 0.0)
    out_ref[...] = jnp.dot(hid, wb_ref[...],
                           preferred_element_type=jnp.float32) + bb_ref[...]


_headk = pl.pallas_call(
    _head_body,
    out_shape=jax.ShapeDtypeStruct((NG, 1), jnp.float32),
)


def kernel(x, edge_index, batch, molecule_features, W1, b1, W2, b2,
           Wm, bm, gamma, beta, Wa, ba, Wb, bb):
    src = edge_index[0]
    dst = edge_index[1]
    padi = jnp.full((EPAD - E,), N, jnp.int32)
    n0 = 16 * CHT0 * K

    def _split(flat):
        fill = N | (N << 16)
        p0 = jnp.pad(flat[:n0].reshape(16, CHT0, K),
                     ((0, 0), (0, CHTM - CHT0), (0, 0)), constant_values=fill)
        p1 = jnp.pad(flat[n0:].reshape(16, CHT1, K),
                     ((0, 0), (0, CHTM - CHT1), (0, 0)), constant_values=fill)
        return jnp.stack([p0, p1], axis=1).reshape(NTILES, CHTM, K)

    pk = (jnp.concatenate([src, padi])
          | (jnp.concatenate([dst, padi]) << 16))
    pk2 = _split(pk).reshape(NTILES, CHTM * K)
    xpad = jnp.pad(x, ((0, NPAD - N), (0, 0)))
    zeros = jnp.zeros((NPAD, D), jnp.float32)

    degp = _deg_kernel(pk2)
    dinv, xs = _prep(degp.T, xpad)
    p1 = _conv_kernel(xs, pk2, zeros)
    x1, xs1 = _tail(p1, dinv, xpad, W1, b1.reshape(1, D))
    p2 = _conv_kernel(xs1, pk2, zeros)
    x2, _ = _tail(p2, dinv, x1, W2, b2.reshape(1, D))

    bp = jnp.full((NTILES, BPAD), NG, jnp.int32)
    bp = bp.at[:, :POOL_T].set(
        jnp.pad(batch, (0, NPAD - N), constant_values=NG).reshape(
            NTILES, POOL_T))
    mxp, smp = _pool_kernel(x2.reshape(NTILES, POOL_T * D), bp)
    out = _headk(mxp.reshape(NTILES * GB, D), smp.reshape(NTILES * GB, D),
                 molecule_features, Wm, bm.reshape(1, -1),
                 gamma.reshape(1, -1), beta.reshape(1, -1),
                 Wa, ba.reshape(1, D), Wb, bb.reshape(1, 1))
    return out

# --- scband reference (transcript-rebuilt; emitter-appended) ---
"""Pipeline reference for scband-graph-convolutional-network-24644522344685 (READ-ONLY COPY).

The authoritative reference and input builder live on the scoring server;
editing this copy changes nothing except your own understanding.
"""

import jax, jax.numpy as jnp
import numpy as np

N_NODES = 10000
N_EDGES = 320000
D_FEAT = 128
HIDDEN = 128
MOL_FEAT = 32
N_GRAPHS = 128
OUT_FEAT = 1


def setup_inputs(seed: int = 0) -> dict:
    key = jax.random.key(seed)
    ks = jax.random.split(key, 16)
    x = jax.random.normal(ks[0], (N_NODES, D_FEAT), dtype=jnp.float32)
    edge_index = jax.random.randint(ks[1], (2, N_EDGES), 0, N_NODES, dtype=jnp.int64 if jax.config.jax_enable_x64 else jnp.int32).astype(jnp.int32)
    batch = jnp.sort(jax.random.randint(ks[2], (N_NODES,), 0, N_GRAPHS)).astype(jnp.int32)
    molecule_features = jax.random.normal(ks[3], (N_GRAPHS, MOL_FEAT), dtype=jnp.float32)
    # learned params
    W1 = jax.random.normal(ks[4], (D_FEAT, HIDDEN), dtype=jnp.float32) * 0.05
    b1 = jnp.zeros((HIDDEN,), dtype=jnp.float32)
    W2 = jax.random.normal(ks[5], (HIDDEN, HIDDEN), dtype=jnp.float32) * 0.05
    b2 = jnp.zeros((HIDDEN,), dtype=jnp.float32)
    Wm = jax.random.normal(ks[6], (MOL_FEAT, HIDDEN // 4), dtype=jnp.float32) * 0.1
    bm = jnp.zeros((HIDDEN // 4,), dtype=jnp.float32)
    gamma = jnp.ones((HIDDEN // 4,), dtype=jnp.float32)
    beta = jnp.zeros((HIDDEN // 4,), dtype=jnp.float32)
    Wa = jax.random.normal(ks[7], (2 * HIDDEN + HIDDEN // 4, HIDDEN), dtype=jnp.float32) * 0.05
    ba = jnp.zeros((HIDDEN,), dtype=jnp.float32)
    Wb = jax.random.normal(ks[8], (HIDDEN, OUT_FEAT), dtype=jnp.float32) * 0.05
    bb = jnp.zeros((OUT_FEAT,), dtype=jnp.float32)
    return {
        'x': x, 'edge_index': edge_index, 'batch': batch,
        'molecule_features': molecule_features,
        'W1': W1, 'b1': b1, 'W2': W2, 'b2': b2,
        'Wm': Wm, 'bm': bm, 'gamma': gamma, 'beta': beta,
        'Wa': Wa, 'ba': ba, 'Wb': Wb, 'bb': bb,
    }


def _gcn_conv(x, src, dst, W, b, n_nodes):
    # GCNConv with self-loops and symmetric normalization
    loop = jnp.arange(n_nodes, dtype=src.dtype)
    s = jnp.concatenate([src, loop])
    d = jnp.concatenate([dst, loop])
    deg = jax.ops.segment_sum(jnp.ones_like(s, dtype=x.dtype), d, num_segments=n_nodes)
    dinv = jnp.where(deg > 0, deg ** -0.5, 0.0)
    norm = dinv[s] * dinv[d]
    msg = x[s] * norm[:, None]
    agg = jax.ops.segment_sum(msg, d, num_segments=n_nodes)
    return agg @ W + b


def reference(x, edge_index, batch, molecule_features, W1, b1, W2, b2, Wm, bm, gamma, beta, Wa, ba, Wb, bb):
    n_nodes = x.shape[0]
    src, dst = edge_index[0], edge_index[1]
    # Layer 1: conv -> ReLU -> residual (dropout = identity at eval)
    h = jax.nn.relu(_gcn_conv(x, src, dst, W1, b1, n_nodes))
    x1 = h + x  # is_residual, in_features == hidden_features
    # Layer 2
    h = jax.nn.relu(_gcn_conv(x1, src, dst, W2, b2, n_nodes))
    x2 = h + x1
    # Global pooling per graph
    max_pool = jax.ops.segment_max(x2, batch, num_segments=N_GRAPHS)
    add_pool = jax.ops.segment_sum(x2, batch, num_segments=N_GRAPHS)
    # Molecular head: Linear -> Dropout(eval=id) -> BatchNorm1d(eval, running 0/1) -> ReLU
    mol = molecule_features @ Wm + bm
    mol = gamma * mol + beta
    mol = jax.nn.relu(mol)
    cat = jnp.concatenate([max_pool, add_pool, mol], axis=1)
    out = jax.nn.relu(cat @ Wa + ba) @ Wb + bb
    return out

if __name__ == "__main__":
    import jax
    _d = setup_inputs()
    print(jax.jit(kernel)(*tuple(_d.values())))

</pallas_src>

<mosaic_0001>
#map = affine_map<(d0, d1) -> (0, 0)>
#map1 = affine_map<(d0, d1) -> (0, 0, 0)>
module attributes {stable_mosaic.version = 14 : i64} {
  func.func @_conv_kernel(%arg0: i32, %arg1: i32, %arg2: memref<10112x128xf32, #tpu.memory_space<hbm>>, %arg3: memref<32x10080xi32, #tpu.memory_space<hbm>>, %arg4: memref<10112x128xf32, #tpu.memory_space<hbm>>, %arg5: memref<2x10112x128xf32, #tpu.memory_space<hbm>>, %arg6: memref<10080xi32, #tpu.memory_space<vmem>>, %arg7: memref<144xi32, #tpu.memory_space<vmem>>, %arg8: memref<144xi32, #tpu.memory_space<vmem>>, %arg9: memref<144xi32, #tpu.memory_space<vmem>>, %arg10: memref<144xi32, #tpu.memory_space<vmem>>, %arg11: memref<144x128xf32, #tpu.memory_space<vmem>>, %arg12: memref<144x128xf32, #tpu.memory_space<vmem>>, %arg13: memref<10112x128xf32, #tpu.memory_space<vmem_shared>>, %arg14: memref<!tpu.dma_semaphore, #tpu.memory_space<semaphore_mem>>, %arg15: memref<!tpu.dma_semaphore, #tpu.memory_space<semaphore_mem>>) attributes {dimension_semantics = [#tpu.dimension_semantics<core_parallel>, #tpu.dimension_semantics<subcore_parallel>], iteration_bounds = array<i64: 2, 16>, scalar_prefetch = 0 : i64, scratch_operands = 10 : i64, tpu.core_type = #tpu.core_type<sc_vector_subcore>, window_params = [{transform_indices = #map}, {transform_indices = #map}, {transform_indices = #map}, {transform_indices = #map1}]} {
    %mul3A = arith.constant 2 : i32
    %mul3A_0 = arith.muli %arg1, %mul3A : i32
    %add3A = arith.addi %mul3A_0, %arg0 : i32
    "tpu.region"() ({
      %run_scoped3A = tpu.sem_alloc : memref<!tpu.dma_semaphore, #tpu.memory_space<semaphore_mem>>
      %dma_start3A_140 = arith.constant 0 : i32
      %dma_start3A_141 = tpu.memref_slice %arg3[%add3A, %dma_start3A_140] : memref<32x10080xi32, #tpu.memory_space<hbm>> -> memref<1x10080xi32, #tpu.memory_space<hbm>>
      %dma_start3A_142 = tpu.memref_squeeze %dma_start3A_141 : memref<1x10080xi32, #tpu.memory_space<hbm>> -> memref<10080xi32, #tpu.memory_space<hbm>>
      %dma_start3A_143 = arith.constant 0 : i32
      %dma_start3A_144 = tpu.memref_slice %arg3[%add3A, %dma_start3A_143] : memref<32x10080xi32, #tpu.memory_space<hbm>> -> memref<1x10080xi32, #tpu.memory_space<hbm>>
      %dma_start3A_145 = tpu.memref_squeeze %dma_start3A_144 : memref<1x10080xi32, #tpu.memory_space<hbm>> -> memref<10080xi32, #tpu.memory_space<hbm>>
      tpu.enqueue_dma source(%dma_start3A_145 : memref<10080xi32, #tpu.memory_space<hbm>>) target(%arg6 : memref<10080xi32, #tpu.memory_space<vmem>>) target_semaphore(%run_scoped3A : memref<!tpu.dma_semaphore, #tpu.memory_space<semaphore_mem>>)
      %dma_wait3A = arith.constant 0 : i32
      %dma_wait3A_146 = tpu.memref_slice %arg3[%add3A, %dma_wait3A] : memref<32x10080xi32, #tpu.memory_space<hbm>> -> memref<1x10080xi32, #tpu.memory_space<hbm>>
      %dma_wait3A_147 = tpu.memref_squeeze %dma_wait3A_146 : memref<1x10080xi32, #tpu.memory_space<hbm>> -> memref<10080xi32, #tpu.memory_space<hbm>>
      %dma_wait3A_148 = arith.constant 0 : i32
      %dma_wait3A_149 = tpu.memref_slice %arg3[%add3A, %dma_wait3A_148] : memref<32x10080xi32, #tpu.memory_space<hbm>> -> memref<1x10080xi32, #tpu.memory_space<hbm>>
      %dma_wait3A_150 = tpu.memref_squeeze %dma_wait3A_149 : memref<1x10080xi32, #tpu.memory_space<hbm>> -> memref<10080xi32, #tpu.memory_space<hbm>>
      tpu.wait_dma2 semaphore(%run_scoped3A : memref<!tpu.dma_semaphore, #tpu.memory_space<semaphore_mem>>) src(%dma_wait3A_150 : memref<10080xi32, #tpu.memory_space<hbm>>) dst(%arg6 : memref<10080xi32, #tpu.memory_space<vmem>>)
      tpu.yield
    }) : () -> ()
    %mul3A_1 = arith.constant 632 : i32
    %mul3A_2 = arith.muli %arg1, %mul3A_1 : i32
    "tpu.region"() ({
      %run_scoped3A = tpu.sem_alloc : memref<!tpu.dma_semaphore, #tpu.memory_space<semaphore_mem>>
      %dma_start3A_140 = arith.constant 0 : i32
      %dma_start3A_141 = tpu.memref_slice %arg13[%mul3A_2, %dma_start3A_140] : memref<10112x128xf32, #tpu.memory_space<vmem_shared>> -> memref<632x128xf32, #tpu.memory_space<vmem_shared>>
      %dma_start3A_142 = arith.constant 0 : i32
      %dma_start3A_143 = tpu.memref_slice %arg4[%mul3A_2, %dma_start3A_142] : memref<10112x128xf32, #tpu.memory_space<hbm>> -> memref<632x128xf32, #tpu.memory_space<hbm>>
      tpu.enqueue_dma source(%dma_start3A_143 : memref<632x128xf32, #tpu.memory_space<hbm>>) target(%dma_start3A_141 : memref<632x128xf32, #tpu.memory_space<vmem_shared>>) target_semaphore(%run_scoped3A : memref<!tpu.dma_semaphore, #tpu.memory_space<semaphore_mem>>)
      %dma_wait3A = arith.constant 0 : i32
      %dma_wait3A_144 = tpu.memref_slice %arg13[%mul3A_2, %dma_wait3A] : memref<10112x128xf32, #tpu.memory_space<vmem_shared>> -> memref<632x128xf32, #tpu.memory_space<vmem_shared>>
      %dma_wait3A_145 = arith.constant 0 : i32
      %dma_wait3A_146 = tpu.memref_slice %arg4[%mul3A_2, %dma_wait3A_145] : memref<10112x128xf32, #tpu.memory_space<hbm>> -> memref<632x128xf32, #tpu.memory_space<hbm>>
      tpu.wait_dma2 semaphore(%run_scoped3A : memref<!tpu.dma_semaphore, #tpu.memory_space<semaphore_mem>>) src(%dma_wait3A_146 : memref<632x128xf32, #tpu.memory_space<hbm>>) dst(%dma_wait3A_144 : memref<632x128xf32, #tpu.memory_space<vmem_shared>>)
      tpu.yield
    }) : () -> ()
    %barrier3A = arith.constant 0 : index
    tpu.barrier barrier_id(%barrier3A)
    %eq3A = arith.constant 0 : i32
    %eq3A_3 = arith.cmpi eq, %arg0, %eq3A : i32
    %jit3A = arith.constant 70 : i32
    %jit3A_4 = arith.constant 70 : i32
    %select_n3A = arith.select %eq3A_3, %jit3A, %jit3A_4 : i32
    %get3A = arith.constant 0 : index
    %get3A_5 = tpu.vector_load %arg6[%get3A] {strides = array<i32>} : memref<10080xi32, #tpu.memory_space<vmem>>, vector<16xi32>,
    %and3A = arith.constant 65535 : i32
    %and3A_6 = vector.broadcast %and3A : i32 to vector<16xi32>
    %and3A_7 = arith.andi %get3A_5, %and3A_6 : vector<16xi32>
    %swap3A = arith.constant 0 : index
    %swap3A_8 = tpu.vector_load %arg7[%swap3A] {strides = array<i32>} : memref<144xi32, #tpu.memory_space<vmem>>, vector<16xi32>,
    tpu.vector_store %arg7[%swap3A], %and3A_7 {strides = array<i32>} : memref<144xi32, #tpu.memory_space<vmem>>, vector<16xi32>,
    %shift_right_logical3A = arith.constant 16 : i32
    %shift_right_logical3A_9 = vector.broadcast %shift_right_logical3A : i32 to vector<16xi32>
    %shift_right_logical3A_10 = arith.shrui %get3A_5, %shift_right_logical3A_9 : vector<16xi32>
    %swap3A_11 = arith.constant 0 : index
    %swap3A_12 = tpu.vector_load %arg8[%swap3A_11] {strides = array<i32>} : memref<144xi32, #tpu.memory_space<vmem>>, vector<16xi32>,
    tpu.vector_store %arg8[%swap3A_11], %shift_right_logical3A_10 {strides = array<i32>} : memref<144xi32, #tpu.memory_space<vmem>>, vector<16xi32>,
    %get3A_13 = arith.constant 16 : index
    %get3A_14 = tpu.vector_load %arg6[%get3A_13] {strides = array<i32>} : memref<10080xi32, #tpu.memory_space<vmem>>, vector<16xi32>,
    %and3A_15 = arith.constant 65535 : i32
    %and3A_16 = vector.broadcast %and3A_15 : i32 to vector<16xi32>
    %and3A_17 = arith.andi %get3A_14, %and3A_16 : vector<16xi32>
    %swap3A_18 = arith.constant 16 : index
    %swap3A_19 = tpu.vector_load %arg7[%swap3A_18] {strides = array<i32>} : memref<144xi32, #tpu.memory_space<vmem>>, vector<16xi32>,
    tpu.vector_store %arg7[%swap3A_18], %and3A_17 {strides = array<i32>} : memref<144xi32, #tpu.memory_space<vmem>>, vector<16xi32>,
    %shift_right_logical3A_20 = arith.constant 16 : i32
    %shift_right_logical3A_21 = vector.broadcast %shift_right_logical3A_20 : i32 to vector<16xi32>
    %shift_right_logical3A_22 = arith.shrui %get3A_14, %shift_right_logical3A_21 : vector<16xi32>
    %swap3A_23 = arith.constant 16 : index
    %swap3A_24 = tpu.vector_load %arg8[%swap3A_23] {strides = array<i32>} : memref<144xi32, #tpu.memory_space<vmem>>, vector<16xi32>,
    tpu.vector_store %arg8[%swap3A_23], %shift_right_logical3A_22 {strides = array<i32>} : memref<144xi32, #tpu.memory_space<vmem>>, vector<16xi32>,
    %get3A_25 = arith.constant 32 : index
    %get3A_26 = tpu.vector_load %arg6[%get3A_25] {strides = array<i32>} : memref<10080xi32, #tpu.memory_space<vmem>>, vector<16xi32>,
    %and3A_27 = arith.constant 65535 : i32
    %and3A_28 = vector.broadcast %and3A_27 : i32 to vector<16xi32>
    %and3A_29 = arith.andi %get3A_26, %and3A_28 : vector<16xi32>
    %swap3A_30 = arith.constant 32 : index
    %swap3A_31 = tpu.vector_load %arg7[%swap3A_30] {strides = array<i32>} : memref<144xi32, #tpu.memory_space<vmem>>, vector<16xi32>,
    tpu.vector_store %arg7[%swap3A_30], %and3A_29 {strides = array<i32>} : memref<144xi32, #tpu.memory_space<vmem>>, vector<16xi32>,
    %shift_right_logical3A_32 = arith.constant 16 : i32
    %shift_right_logical3A_33 = vector.broadcast %shift_right_logical3A_32 : i32 to vector<16xi32>
    %shift_right_logical3A_34 = arith.shrui %get3A_26, %shift_right_logical3A_33 : vector<16xi32>
    %swap3A_35 = arith.constant 32 : index
    %swap3A_36 = tpu.vector_load %arg8[%swap3A_35] {strides = array<i32>} : memref<144xi32, #tpu.memory_space<vmem>>, vector<16xi32>,
    tpu.vector_store %arg8[%swap3A_35], %shift_right_logical3A_34 {strides = array<i32>} : memref<144xi32, #tpu.memory_space<vmem>>, vector<16xi32>,
    %get3A_37 = arith.constant 48 : index
    %get3A_38 = tpu.vector_load %arg6[%get3A_37] {strides = array<i32>} : memref<10080xi32, #tpu.memory_space<vmem>>, vector<16xi32>,
    %and3A_39 = arith.constant 65535 : i32
    %and3A_40 = vector.broadcast %and3A_39 : i32 to vector<16xi32>
    %and3A_41 = arith.andi %get3A_38, %and3A_40 : vector<16xi32>
    %swap3A_42 = arith.constant 48 : index
    %swap3A_43 = tpu.vector_load %arg7[%swap3A_42] {strides = array<i32>} : memref<144xi32, #tpu.memory_space<vmem>>, vector<16xi32>,
    tpu.vector_store %arg7[%swap3A_42], %and3A_41 {strides = array<i32>} : memref<144xi32, #tpu.memory_space<vmem>>, vector<16xi32>,
    %shift_right_logical3A_44 = arith.constant 16 : i32
    %shift_right_logical3A_45 = vector.broadcast %shift_right_logical3A_44 : i32 to vector<16xi32>
    %shift_right_logical3A_46 = arith.shrui %get3A_38, %shift_right_logical3A_45 : vector<16xi32>
    %swap3A_47 = arith.constant 48 : index
    %swap3A_48 = tpu.vector_load %arg8[%swap3A_47] {strides = array<i32>} : memref<144xi32, #tpu.memory_space<vmem>>, vector<16xi32>,
    tpu.vector_store %arg8[%swap3A_47], %shift_right_logical3A_46 {strides = array<i32>} : memref<144xi32, #tpu.memory_space<vmem>>, vector<16xi32>,
    %get3A_49 = arith.constant 64 : index
    %get3A_50 = tpu.vector_load %arg6[%get3A_49] {strides = array<i32>} : memref<10080xi32, #tpu.memory_space<vmem>>, vector<16xi32>,
    %and3A_51 = arith.constant 65535 : i32
    %and3A_52 = vector.broadcast %and3A_51 : i32 to vector<16xi32>
    %and3A_53 = arith.andi %get3A_50, %and3A_52 : vector<16xi32>
    %swap3A_54 = arith.constant 64 : index
    %swap3A_55 = tpu.vector_load %arg7[%swap3A_54] {strides = array<i32>} : memref<144xi32, #tpu.memory_space<vmem>>, vector<16xi32>,
    tpu.vector_store %arg7[%swap3A_54], %and3A_53 {strides = array<i32>} : memref<144xi32, #tpu.memory_space<vmem>>, vector<16xi32>,
    %shift_right_logical3A_56 = arith.constant 16 : i32
    %shift_right_logical3A_57 = vector.broadcast %shift_right_logical3A_56 : i32 to vector<16xi32>
    %shift_right_logical3A_58 = arith.shrui %get3A_50, %shift_right_logical3A_57 : vector<16xi32>
    %swap3A_59 = arith.constant 64 : index
    %swap3A_60 = tpu.vector_load %arg8[%swap3A_59] {strides = array<i32>} : memref<144xi32, #tpu.memory_space<vmem>>, vector<16xi32>,
    tpu.vector_store %arg8[%swap3A_59], %shift_right_logical3A_58 {strides = array<i32>} : memref<144xi32, #tpu.memory_space<vmem>>, vector<16xi32>,
    %get3A_61 = arith.constant 80 : index
    %get3A_62 = tpu.vector_load %arg6[%get3A_61] {strides = array<i32>} : memref<10080xi32, #tpu.memory_space<vmem>>, vector<16xi32>,
    %and3A_63 = arith.constant 65535 : i32
    %and3A_64 = vector.broadcast %and3A_63 : i32 to vector<16xi32>
    %and3A_65 = arith.andi %get3A_62, %and3A_64 : vector<16xi32>
    %swap3A_66 = arith.constant 80 : index
    %swap3A_67 = tpu.vector_load %arg7[%swap3A_66] {strides = array<i32>} : memref<144xi32, #tpu.memory_space<vmem>>, vector<16xi32>,
    tpu.vector_store %arg7[%swap3A_66], %and3A_65 {strides = array<i32>} : memref<144xi32, #tpu.memory_space<vmem>>, vector<16xi32>,
    %shift_right_logical3A_68 = arith.constant 16 : i32
    %shift_right_logical3A_69 = vector.broadcast %shift_right_logical3A_68 : i32 to vector<16xi32>
    %shift_right_logical3A_70 = arith.shrui %get3A_62, %shift_right_logical3A_69 : vector<16xi32>
    %swap3A_71 = arith.constant 80 : index
    %swap3A_72 = tpu.vector_load %arg8[%swap3A_71] {strides = array<i32>} : memref<144xi32, #tpu.memory_space<vmem>>, vector<16xi32>,
    tpu.vector_store %arg8[%swap3A_71], %shift_right_logical3A_70 {strides = array<i32>} : memref<144xi32, #tpu.memory_space<vmem>>, vector<16xi32>,
    %get3A_73 = arith.constant 96 : index
    %get3A_74 = tpu.vector_load %arg6[%get3A_73] {strides = array<i32>} : memref<10080xi32, #tpu.memory_space<vmem>>, vector<16xi32>,
    %and3A_75 = arith.constant 65535 : i32
    %and3A_76 = vector.broadcast %and3A_75 : i32 to vector<16xi32>
    %and3A_77 = arith.andi %get3A_74, %and3A_76 : vector<16xi32>
    %swap3A_78 = arith.constant 96 : index
    %swap3A_79 = tpu.vector_load %arg7[%swap3A_78] {strides = array<i32>} : memref<144xi32, #tpu.memory_space<vmem>>, vector<16xi32>,
    tpu.vector_store %arg7[%swap3A_78], %and3A_77 {strides = array<i32>} : memref<144xi32, #tpu.memory_space<vmem>>, vector<16xi32>,
    %shift_right_logical3A_80 = arith.constant 16 : i32
    %shift_right_logical3A_81 = vector.broadcast %shift_right_logical3A_80 : i32 to vector<16xi32>
    %shift_right_logical3A_82 = arith.shrui %get3A_74, %shift_right_logical3A_81 : vector<16xi32>
    %swap3A_83 = arith.constant 96 : index
    %swap3A_84 = tpu.vector_load %arg8[%swap3A_83] {strides = array<i32>} : memref<144xi32, #tpu.memory_space<vmem>>, vector<16xi32>,
    tpu.vector_store %arg8[%swap3A_83], %shift_right_logical3A_82 {strides = array<i32>} : memref<144xi32, #tpu.memory_space<vmem>>, vector<16xi32>,
    %get3A_85 = arith.constant 112 : index
    %get3A_86 = tpu.vector_load %arg6[%get3A_85] {strides = array<i32>} : memref<10080xi32, #tpu.memory_space<vmem>>, vector<16xi32>,
    %and3A_87 = arith.constant 65535 : i32
    %and3A_88 = vector.broadcast %and3A_87 : i32 to vector<16xi32>
    %and3A_89 = arith.andi %get3A_86, %and3A_88 : vector<16xi32>
    %swap3A_90 = arith.constant 112 : index
    %swap3A_91 = tpu.vector_load %arg7[%swap3A_90] {strides = array<i32>} : memref<144xi32, #tpu.memory_space<vmem>>, vector<16xi32>,
    tpu.vector_store %arg7[%swap3A_90], %and3A_89 {strides = array<i32>} : memref<144xi32, #tpu.memory_space<vmem>>, vector<16xi32>,
    %shift_right_logical3A_92 = arith.constant 16 : i32
    %shift_right_logical3A_93 = vector.broadcast %shift_right_logical3A_92 : i32 to vector<16xi32>
    %shift_right_logical3A_94 = arith.shrui %get3A_86, %shift_right_logical3A_93 : vector<16xi32>
    %swap3A_95 = arith.constant 112 : index
    %swap3A_96 = tpu.vector_load %arg8[%swap3A_95] {strides = array<i32>} : memref<144xi32, #tpu.memory_space<vmem>>, vector<16xi32>,
    tpu.vector_store %arg8[%swap3A_95], %shift_right_logical3A_94 {strides = array<i32>} : memref<144xi32, #tpu.memory_space<vmem>>, vector<16xi32>,
    %get3A_97 = arith.constant 128 : index
    %get3A_98 = tpu.vector_load %arg6[%get3A_97] {strides = array<i32>} : memref<10080xi32, #tpu.memory_space<vmem>>, vector<16xi32>,
    %and3A_99 = arith.constant 65535 : i32
    %and3A_100 = vector.broadcast %and3A_99 : i32 to vector<16xi32>
    %and3A_101 = arith.andi %get3A_98, %and3A_100 : vector<16xi32>
    %swap3A_102 = arith.constant 128 : index
    %swap3A_103 = tpu.vector_load %arg7[%swap3A_102] {strides = array<i32>} : memref<144xi32, #tpu.memory_space<vmem>>, vector<16xi32>,
    tpu.vector_store %arg7[%swap3A_102], %and3A_101 {strides = array<i32>} : memref<144xi32, #tpu.memory_space<vmem>>, vector<16xi32>,
    %shift_right_logical3A_104 = arith.constant 16 : i32
    %shift_right_logical3A_105 = vector.broadcast %shift_right_logical3A_104 : i32 to vector<16xi32>
    %shift_right_logical3A_106 = arith.shrui %get3A_98, %shift_right_logical3A_105 : vector<16xi32>
    %swap3A_107 = arith.constant 128 : index
    %swap3A_108 = tpu.vector_load %arg8[%swap3A_107] {strides = array<i32>} : memref<144xi32, #tpu.memory_space<vmem>>, vector<16xi32>,
    tpu.vector_store %arg8[%swap3A_107], %shift_right_logical3A_106 {strides = array<i32>} : memref<144xi32, #tpu.memory_space<vmem>>, vector<16xi32>,
    %dma_start3A = arith.constant 0 : i32
    %dma_start3A_109 = arith.constant 0 : i32
    %dma_start3A_110 = tpu.memref_slice %arg2[%dma_start3A, %dma_start3A_109] : memref<10112x128xf32, #tpu.memory_space<hbm>> -> memref<10112x128xf32, #tpu.memory_space<hbm>>
    tpu.enqueue_indirect_dma source(%dma_start3A_110 : memref<10112x128xf32, #tpu.memory_space<hbm>>) target(%arg11 : memref<144x128xf32, #tpu.memory_space<vmem>>) offsets(%arg7 : memref<144xi32, #tpu.memory_space<vmem>>) semaphore(%arg14 : memref<!tpu.dma_semaphore, #tpu.memory_space<semaphore_mem>>)
    %jit3A_111 = arith.constant 2 : i32
    %div3A = arith.divsi %select_n3A, %jit3A_111 : i32
    %sign3A = arith.constant 0 : i32
    %sign3A_112 = arith.cmpi sgt, %select_n3A, %sign3A : i32
    %sign3A_113 = arith.extui %sign3A_112 : i1 to i32
    %sign3A_114 = arith.constant 0 : i32
    %sign3A_115 = arith.cmpi slt, %select_n3A, %sign3A_114 : i32
    %sign3A_116 = arith.extui %sign3A_115 : i1 to i32
    %sign3A_117 = arith.subi %sign3A_113, %sign3A_116 : i32
    %sign3A_118 = arith.constant 0 : i32
    %sign3A_119 = arith.cmpi sgt, %jit3A_111, %sign3A_118 : i32
    %sign3A_120 = arith.extui %sign3A_119 : i1 to i32
    %sign3A_121 = arith.constant 0 : i32
    %sign3A_122 = arith.cmpi slt, %jit3A_111, %sign3A_121 : i32
    %sign3A_123 = arith.extui %sign3A_122 : i1 to i32
    %sign3A_124 = arith.subi %sign3A_120, %sign3A_123 : i32
    %ne3A = arith.cmpi ne, %sign3A_117, %sign3A_124 : i32
    %rem3A = arith.remsi %select_n3A, %jit3A_111 : i32
    %ne3A_125 = arith.constant 0 : i32
    %ne3A_126 = arith.cmpi ne, %rem3A, %ne3A_125 : i32
    %and3A_127 = arith.andi %ne3A, %ne3A_126 : i1
    %sub3A = arith.constant 1 : i32
    %sub3A_128 = arith.subi %div3A, %sub3A : i32
    %select_n3A_129 = arith.select %and3A_127, %sub3A_128, %div3A : i32
    %while3A = arith.constant 0 : i32
    %while3A_130 = arith.constant 0 : i32
    %while3A_131 = arith.subi %select_n3A_129, %while3A_130 : i32
    %while3A_132 = arith.addi %while3A_130, %while3A_131 : i32
    %while3A_133 = arith.constant 1 : i32
    %while3A_134 = arith.divsi %while3A_131, %while3A_133 : i32
    %while3A_135 = arith.muli %while3A_134, %while3A_133 : i32
    %while3A_136 = arith.addi %while3A_130, %while3A_135 : i32
    %while3A_137 = arith.constant 1 : i32
    scf.for %while3A_140 = %while3A_130 to %while3A_136 step %while3A_137  : i32 {
      %mul3A_141 = arith.constant 2 : i32
      %mul3A_142 = arith.muli %while3A_140, %mul3A_141 : i32
      %add3A_143 = arith.constant 1 : i32
      %add3A_144 = arith.addi %mul3A_142, %add3A_143 : i32
      %mul3A_145 = arith.constant 144 : i32
      %mul3A_146 = arith.muli %add3A_144, %mul3A_145 : i32
      %add3A_147 = arith.constant 0 : i32
      %add3A_148 = arith.addi %mul3A_146, %add3A_147 : i32
      %get3A_149 = arith.index_cast %add3A_148 : i32 to index
      %get3A_150 = tpu.vector_load %arg6[%get3A_149] {strides = array<i32>} : memref<10080xi32, #tpu.memory_space<vmem>>, vector<16xi32>,
      %and3A_151 = arith.constant 65535 : i32
      %and3A_152 = vector.broadcast %and3A_151 : i32 to vector<16xi32>
      %and3A_153 = arith.andi %get3A_150, %and3A_152 : vector<16xi32>
      %swap3A_154 = arith.constant 0 : index
      %swap3A_155 = tpu.vector_load %arg9[%swap3A_154] {strides = array<i32>} : memref<144xi32, #tpu.memory_space<vmem>>, vector<16xi32>,
      tpu.vector_store %arg9[%swap3A_154], %and3A_153 {strides = array<i32>} : memref<144xi32, #tpu.memory_space<vmem>>, vector<16xi32>,
      %shift_right_logical3A_156 = arith.constant 16 : i32
      %shift_right_logical3A_157 = vector.broadcast %shift_right_logical3A_156 : i32 to vector<16xi32>
      %shift_right_logical3A_158 = arith.shrui %get3A_150, %shift_right_logical3A_157 : vector<16xi32>
      %swap3A_159 = arith.constant 0 : index
      %swap3A_160 = tpu.vector_load %arg10[%swap3A_159] {strides = array<i32>} : memref<144xi32, #tpu.memory_space<vmem>>, vector<16xi32>,
      tpu.vector_store %arg10[%swap3A_159], %shift_right_logical3A_158 {strides = array<i32>} : memref<144xi32, #tpu.memory_space<vmem>>, vector<16xi32>,
      %add3A_161 = arith.constant 16 : i32
      %add3A_162 = arith.addi %mul3A_146, %add3A_161 : i32
      %get3A_163 = arith.index_cast %add3A_162 : i32 to index
      %get3A_164 = tpu.vector_load %arg6[%get3A_163] {strides = array<i32>} : memref<10080xi32, #tpu.memory_space<vmem>>, vector<16xi32>,
      %and3A_165 = arith.constant 65535 : i32
      %and3A_166 = vector.broadcast %and3A_165 : i32 to vector<16xi32>
      %and3A_167 = arith.andi %get3A_164, %and3A_166 : vector<16xi32>
      %swap3A_168 = arith.constant 16 : index
      %swap3A_169 = tpu.vector_load %arg9[%swap3A_168] {strides = array<i32>} : memref<144xi32, #tpu.memory_space<vmem>>, vector<16xi32>,
      tpu.vector_store %arg9[%swap3A_168], %and3A_167 {strides = array<i32>} : memref<144xi32, #tpu.memory_space<vmem>>, vector<16xi32>,
      %shift_right_logical3A_170 = arith.constant 16 : i32
      %shift_right_logical3A_171 = vector.broadcast %shift_right_logical3A_170 : i32 to vector<16xi32>
      %shift_right_logical3A_172 = arith.shrui %get3A_164, %shift_right_logical3A_171 : vector<16xi32>
      %swap3A_173 = arith.constant 16 : index
      %swap3A_174 = tpu.vector_load %arg10[%swap3A_173] {strides = array<i32>} : memref<144xi32, #tpu.memory_space<vmem>>, vector<16xi32>,
      tpu.vector_store %arg10[%swap3A_173], %shift_right_logical3A_172 {strides = array<i32>} : memref<144xi32, #tpu.memory_space<vmem>>, vector<16xi32>,
      %add3A_175 = arith.constant 32 : i32
      %add3A_176 = arith.addi %mul3A_146, %add3A_175 : i32
      %get3A_177 = arith.index_cast %add3A_176 : i32 to index
      %get3A_178 = tpu.vector_load %arg6[%get3A_177] {strides = array<i32>} : memref<10080xi32, #tpu.memory_space<vmem>>, vector<16xi32>,
      %and3A_179 = arith.constant 65535 : i32
      %and3A_180 = vector.broadcast %and3A_179 : i32 to vector<16xi32>
      %and3A_181 = arith.andi %get3A_178, %and3A_180 : vector<16xi32>
      %swap3A_182 = arith.constant 32 : index
      %swap3A_183 = tpu.vector_load %arg9[%swap3A_182] {strides = array<i32>} : memref<144xi32, #tpu.memory_space<vmem>>, vector<16xi32>,
      tpu.vector_store %arg9[%swap3A_182], %and3A_181 {strides = array<i32>} : memref<144xi32, #tpu.memory_space<vmem>>, vector<16xi32>,
      %shift_right_logical3A_184 = arith.constant 16 : i32
      %shift_right_logical3A_185 = vector.broadcast %shift_right_logical3A_184 : i32 to vector<16xi32>
      %shift_right_logical3A_186 = arith.shrui %get3A_178, %shift_right_logical3A_185 : vector<16xi32>
      %swap3A_187 = arith.constant 32 : index
      %swap3A_188 = tpu.vector_load %arg10[%swap3A_187] {strides = array<i32>} : memref<144xi32, #tpu.memory_space<vmem>>, vector<16xi32>,
      tpu.vector_store %arg10[%swap3A_187], %shift_right_logical3A_186 {strides = array<i32>} : memref<144xi32, #tpu.memory_space<vmem>>, vector<16xi32>,
      %add3A_189 = arith.constant 48 : i32
      %add3A_190 = arith.addi %mul3A_146, %add3A_189 : i32
      %get3A_191 = arith.index_cast %add3A_190 : i32 to index
      %get3A_192 = tpu.vector_load %arg6[%get3A_191] {strides = array<i32>} : memref<10080xi32, #tpu.memory_space<vmem>>, vector<16xi32>,
      %and3A_193 = arith.constant 65535 : i32
      %and3A_194 = vector.broadcast %and3A_193 : i32 to vector<16xi32>
      %and3A_195 = arith.andi %get3A_192, %and3A_194 : vector<16xi32>
      %swap3A_196 = arith.constant 48 : index
      %swap3A_197 = tpu.vector_load %arg9[%swap3A_196] {strides = array<i32>} : memref<144xi32, #tpu.memory_space<vmem>>, vector<16xi32>,
      tpu.vector_store %arg9[%swap3A_196], %and3A_195 {strides = array<i32>} : memref<144xi32, #tpu.memory_space<vmem>>, vector<16xi32>,
      %shift_right_logical3A_198 = arith.constant 16 : i32
      %shift_right_logical3A_199 = vector.broadcast %shift_right_logical3A_198 : i32 to vector<16xi32>
      %shift_right_logical3A_200 = arith.shrui %get3A_192, %shift_right_logical3A_199 : vector<16xi32>
      %swap3A_201 = arith.constant 48 : index
      %swap3A_202 = tpu.vector_load %arg10[%swap3A_201] {strides = array<i32>} : memref<144xi32, #tpu.memory_space<vmem>>, vector<16xi32>,
      tpu.vector_store %arg10[%swap3A_201], %shift_right_logical3A_200 {strides = array<i32>} : memref<144xi32, #tpu.memory_space<vmem>>, vector<16xi32>,
      %add3A_203 = arith.constant 64 : i32
      %add3A_204 = arith.addi %mul3A_146, %add3A_203 : i32
      %get3A_205 = arith.index_cast %add3A_204 : i32 to index
      %get3A_206 = tpu.vector_load %arg6[%get3A_205] {strides = array<i32>} : memref<10080xi32, #tpu.memory_space<vmem>>, vector<16xi32>,
      %and3A_207 = arith.constant 65535 : i32
      %and3A_208 = vector.broadcast %and3A_207 : i32 to vector<16xi32>
      %and3A_209 = arith.andi %get3A_206, %and3A_208 : vector<16xi32>
      %swap3A_210 = arith.constant 64 : index
      %swap3A_211 = tpu.vector_load %arg9[%swap3A_210] {strides = array<i32>} : memref<144xi32, #tpu.memory_space<vmem>>, vector<16xi32>,
      tpu.vector_store %arg9[%swap3A_210], %and3A_209 {strides = array<i32>} : memref<144xi32, #tpu.memory_space<vmem>>, vector<16xi32>,
      %shift_right_logical3A_212 = arith.constant 16 : i32
      %shift_right_logical3A_213 = vector.broadcast %shift_right_logical3A_212 : i32 to vector<16xi32>
      %shift_right_logical3A_214 = arith.shrui %get3A_206, %shift_right_logical3A_213 : vector<16xi32>
      %swap3A_215 = arith.constant 64 : index
      %swap3A_216 = tpu.vector_load %arg10[%swap3A_215] {strides = array<i32>} : memref<144xi32, #tpu.memory_space<vmem>>, vector<16xi32>,
      tpu.vector_store %arg10[%swap3A_215], %shift_right_logical3A_214 {strides = array<i32>} : memref<144xi32, #tpu.memory_space<vmem>>, vector<16xi32>,
      %add3A_217 = arith.constant 80 : i32
      %add3A_218 = arith.addi %mul3A_146, %add3A_217 : i32
      %get3A_219 = arith.index_cast %add3A_218 : i32 to index
      %get3A_220 = tpu.vector_load %arg6[%get3A_219] {strides = array<i32>} : memref<10080xi32, #tpu.memory_space<vmem>>, vector<16xi32>,
      %and3A_221 = arith.constant 65535 : i32
      %and3A_222 = vector.broadcast %and3A_221 : i32 to vector<16xi32>
      %and3A_223 = arith.andi %get3A_220, %and3A_222 : vector<16xi32>
      %swap3A_224 = arith.constant 80 : index
      %swap3A_225 = tpu.vector_load %arg9[%swap3A_224] {strides = array<i32>} : memref<144xi32, #tpu.memory_space<vmem>>, vector<16xi32>,
      tpu.vector_store %arg9[%swap3A_224], %and3A_223 {strides = array<i32>} : memref<144xi32, #tpu.memory_space<vmem>>, vector<16xi32>,
      %shift_right_logical3A_226 = arith.constant 16 : i32
      %shift_right_logical3A_227 = vector.broadcast %shift_right_logical3A_226 : i32 to vector<16xi32>
      %shift_right_logical3A_228 = arith.shrui %get3A_220, %shift_right_logical3A_227 : vector<16xi32>
      %swap3A_229 = arith.constant 80 : index
      %swap3A_230 = tpu.vector_load %arg10[%swap3A_229] {strides = array<i32>} : memref<144xi32, #tpu.memory_space<vmem>>, vector<16xi32>,
      tpu.vector_store %arg10[%swap3A_229], %shift_right_logical3A_228 {strides = array<i32>} : memref<144xi32, #tpu.memory_space<vmem>>, vector<16xi32>,
      %add3A_231 = arith.constant 96 : i32
      %add3A_232 = arith.addi %mul3A_146, %add3A_231 : i32
      %get3A_233 = arith.index_cast %add3A_232 : i32 to index
      %get3A_234 = tpu.vector_load %arg6[%get3A_233] {strides = array<i32>} : memref<10080xi32, #tpu.memory_space<vmem>>, vector<16xi32>,
      %and3A_235 = arith.constant 65535 : i32
      %and3A_236 = vector.broadcast %and3A_235 : i32 to vector<16xi32>
      %and3A_237 = arith.andi %get3A_234, %and3A_236 : vector<16xi32>
      %swap3A_238 = arith.constant 96 : index
      %swap3A_239 = tpu.vector_load %arg9[%swap3A_238] {strides = array<i32>} : memref<144xi32, #tpu.memory_space<vmem>>, vector<16xi32>,
      tpu.vector_store %arg9[%swap3A_238], %and3A_237 {strides = array<i32>} : memref<144xi32, #tpu.memory_space<vmem>>, vector<16xi32>,
      %shift_right_logical3A_240 = arith.constant 16 : i32
      %shift_right_logical3A_241 = vector.broadcast %shift_right_logical3A_240 : i32 to vector<16xi32>
      %shift_right_logical3A_242 = arith.shrui %get3A_234, %shift_right_logical3A_241 : vector<16xi32>
      %swap3A_243 = arith.constant 96 : index
      %swap3A_244 = tpu.vector_load %arg10[%swap3A_243] {strides = array<i32>} : memref<144xi32, #tpu.memory_space<vmem>>, vector<16xi32>,
      tpu.vector_store %arg10[%swap3A_243], %shift_right_logical3A_242 {strides = array<i32>} : memref<144xi32, #tpu.memory_space<vmem>>, vector<16xi32>,
      %add3A_245 = arith.constant 112 : i32
      %add3A_246 = arith.addi %mul3A_146, %add3A_245 : i32
      %get3A_247 = arith.index_cast %add3A_246 : i32 to index
      %get3A_248 = tpu.vector_load %arg6[%get3A_247] {strides = array<i32>} : memref<10080xi32, #tpu.memory_space<vmem>>, vector<16xi32>,
      %and3A_249 = arith.constant 65535 : i32
      %and3A_250 = vector.broadcast %and3A_249 : i32 to vector<16xi32>
      %and3A_251 = arith.andi %get3A_248, %and3A_250 : vector<16xi32>
      %swap3A_252 = arith.constant 112 : index
      %swap3A_253 = tpu.vector_load %arg9[%swap3A_252] {strides = array<i32>} : memref<144xi32, #tpu.memory_space<vmem>>, vector<16xi32>,
      tpu.vector_store %arg9[%swap3A_252], %and3A_251 {strides = array<i32>} : memref<144xi32, #tpu.memory_space<vmem>>, vector<16xi32>,
      %shift_right_logical3A_254 = arith.constant 16 : i32
      %shift_right_logical3A_255 = vector.broadcast %shift_right_logical3A_254 : i32 to vector<16xi32>
      %shift_right_logical3A_256 = arith.shrui %get3A_248, %shift_right_logical3A_255 : vector<16xi32>
      %swap3A_257 = arith.constant 112 : index
      %swap3A_258 = tpu.vector_load %arg10[%swap3A_257] {strides = array<i32>} : memref<144xi32, #tpu.memory_space<vmem>>, vector<16xi32>,
      tpu.vector_store %arg10[%swap3A_257], %shift_right_logical3A_256 {strides = array<i32>} : memref<144xi32, #tpu.memory_space<vmem>>, vector<16xi32>,
      %add3A_259 = arith.constant 128 : i32
      %add3A_260 = arith.addi %mul3A_146, %add3A_259 : i32
      %get3A_261 = arith.index_cast %add3A_260 : i32 to index
      %get3A_262 = tpu.vector_load %arg6[%get3A_261] {strides = array<i32>} : memref<10080xi32, #tpu.memory_space<vmem>>, vector<16xi32>,
      %and3A_263 = arith.constant 65535 : i32
      %and3A_264 = vector.broadcast %and3A_263 : i32 to vector<16xi32>
      %and3A_265 = arith.andi %get3A_262, %and3A_264 : vector<16xi32>
      %swap3A_266 = arith.constant 128 : index
      %swap3A_267 = tpu.vector_load %arg9[%swap3A_266] {strides = array<i32>} : memref<144xi32, #tpu.memory_space<vmem>>, vector<16xi32>,
      tpu.vector_store %arg9[%swap3A_266], %and3A_265 {strides = array<i32>} : memref<144xi32, #tpu.memory_space<vmem>>, vector<16xi32>,
      %shift_right_logical3A_268 = arith.constant 16 : i32
      %shift_right_logical3A_269 = vector.broadcast %shift_right_logical3A_268 : i32 to vector<16xi32>
      %shift_right_logical3A_270 = arith.shrui %get3A_262, %shift_right_logical3A_269 : vector<16xi32>
      %swap3A_271 = arith.constant 128 : index
      %swap3A_272 = tpu.vector_load %arg10[%swap3A_271] {strides = array<i32>} : memref<144xi32, #tpu.memory_space<vmem>>, vector<16xi32>,
      tpu.vector_store %arg10[%swap3A_271], %shift_right_logical3A_270 {strides = array<i32>} : memref<144xi32, #tpu.memory_space<vmem>>, vector<16xi32>,
      %dma_wait3A = arith.constant 0 : i32
      %dma_wait3A_273 = arith.constant 0 : i32
      %dma_wait3A_274 = tpu.memref_slice %arg2[%dma_wait3A, %dma_wait3A_273] : memref<10112x128xf32, #tpu.memory_space<hbm>> -> memref<10112x128xf32, #tpu.memory_space<hbm>>
      tpu.wait_indirect_dma semaphore(%arg14 : memref<!tpu.dma_semaphore, #tpu.memory_space<semaphore_mem>>) src(%dma_wait3A_274 : memref<10112x128xf32, #tpu.memory_space<hbm>>) dst(%arg11 : memref<144x128xf32, #tpu.memory_space<vmem>>)
      %dma_start3A_275 = arith.constant 0 : i32
      %dma_start3A_276 = arith.constant 0 : i32
      %dma_start3A_277 = tpu.memref_slice %arg2[%dma_start3A_275, %dma_start3A_276] : memref<10112x128xf32, #tpu.memory_space<hbm>> -> memref<10112x128xf32, #tpu.memory_space<hbm>>
      tpu.enqueue_indirect_dma source(%dma_start3A_277 : memref<10112x128xf32, #tpu.memory_space<hbm>>) target(%arg12 : memref<144x128xf32, #tpu.memory_space<vmem>>) offsets(%arg9 : memref<144xi32, #tpu.memory_space<vmem>>) semaphore(%arg15 : memref<!tpu.dma_semaphore, #tpu.memory_space<semaphore_mem>>)
      "tpu.region"() ({
        %run_scoped3A = tpu.sem_alloc : memref<!tpu.dma_semaphore, #tpu.memory_space<semaphore_mem>>
        %dma_start3A_284 = arith.constant 0 : i32
        %dma_start3A_285 = arith.constant 0 : i32
        %dma_start3A_286 = tpu.memref_slice %arg13[%dma_start3A_284, %dma_start3A_285] : memref<10112x128xf32, #tpu.memory_space<vmem_shared>> -> memref<10112x128xf32, #tpu.memory_space<vmem_shared>>
        tpu.enqueue_indirect_dma source(%arg11 : memref<144x128xf32, #tpu.memory_space<vmem>>) target(%dma_start3A_286 : memref<10112x128xf32, #tpu.memory_space<vmem_shared>>) offsets(%arg8 : memref<144xi32, #tpu.memory_space<vmem>>) semaphore(%run_scoped3A : memref<!tpu.dma_semaphore, #tpu.memory_space<semaphore_mem>>) {add = true}
        %dma_wait3A_287 = arith.constant 0 : i32
        %dma_wait3A_288 = arith.constant 0 : i32
        %dma_wait3A_289 = tpu.memref_slice %arg13[%dma_wait3A_287, %dma_wait3A_288] : memref<10112x128xf32, #tpu.memory_space<vmem_shared>> -> memref<10112x128xf32, #tpu.memory_space<vmem_shared>>
        tpu.wait_indirect_dma semaphore(%run_scoped3A : memref<!tpu.dma_semaphore, #tpu.memory_space<semaphore_mem>>) src(%arg11 : memref<144x128xf32, #tpu.memory_space<vmem>>) dst(%dma_wait3A_289 : memref<10112x128xf32, #tpu.memory_space<vmem_shared>>)
        tpu.yield
      }) : () -> ()
      %add3A_278 = arith.constant 2 : i32
      %add3A_279 = arith.addi %mul3A_142, %add3A_278 : i32
      %lt3A = arith.cmpi slt, %add3A_279, %select_n3A : i32
      %convert_element_type3A = arith.extui %lt3A : i1 to i32
      %cond3A = arith.constant 0 : i32
      %cond3A_280 = arith.cmpi ne, %convert_element_type3A, %cond3A : i32
      scf.if %cond3A_280 {
        %add3A_284 = arith.constant 2 : i32
        %add3A_285 = arith.addi %mul3A_142, %add3A_284 : i32
        %mul3A_286 = arith.constant 144 : i32
        %mul3A_287 = arith.muli %add3A_285, %mul3A_286 : i32
        %add3A_288 = arith.constant 0 : i32
        %add3A_289 = arith.addi %mul3A_287, %add3A_288 : i32
        %get3A_290 = arith.index_cast %add3A_289 : i32 to index
        %get3A_291 = tpu.vector_load %arg6[%get3A_290] {strides = array<i32>} : memref<10080xi32, #tpu.memory_space<vmem>>, vector<16xi32>,
        %and3A_292 = arith.constant 65535 : i32
        %and3A_293 = vector.broadcast %and3A_292 : i32 to vector<16xi32>
        %and3A_294 = arith.andi %get3A_291, %and3A_293 : vector<16xi32>
        %swap3A_295 = arith.constant 0 : index
        %swap3A_296 = tpu.vector_load %arg7[%swap3A_295] {strides = array<i32>} : memref<144xi32, #tpu.memory_space<vmem>>, vector<16xi32>,
        tpu.vector_store %arg7[%swap3A_295], %and3A_294 {strides = array<i32>} : memref<144xi32, #tpu.memory_space<vmem>>, vector<16xi32>,
        %shift_right_logical3A_297 = arith.constant 16 : i32
        %shift_right_logical3A_298 = vector.broadcast %shift_right_logical3A_297 : i32 to vector<16xi32>
        %shift_right_logical3A_299 = arith.shrui %get3A_291, %shift_right_logical3A_298 : vector<16xi32>
        %swap3A_300 = arith.constant 0 : index
        %swap3A_301 = tpu.vector_load %arg8[%swap3A_300] {strides = array<i32>} : memref<144xi32, #tpu.memory_space<vmem>>, vector<16xi32>,
        tpu.vector_store %arg8[%swap3A_300], %shift_right_logical3A_299 {strides = array<i32>} : memref<144xi32, #tpu.memory_space<vmem>>, vector<16xi32>,
        %add3A_302 = arith.constant 16 : i32
        %add3A_303 = arith.addi %mul3A_287, %add3A_302 : i32
        %get3A_304 = arith.index_cast %add3A_303 : i32 to index
        %get3A_305 = tpu.vector_load %arg6[%get3A_304] {strides = array<i32>} : memref<10080xi32, #tpu.memory_space<vmem>>, vector<16xi32>,
        %and3A_306 = arith.constant 65535 : i32
        %and3A_307 = vector.broadcast %and3A_306 : i32 to vector<16xi32>
        %and3A_308 = arith.andi %get3A_305, %and3A_307 : vector<16xi32>
        %swap3A_309 = arith.constant 16 : index
        %swap3A_310 = tpu.vector_load %arg7[%swap3A_309] {strides = array<i32>} : memref<144xi32, #tpu.memory_space<vmem>>, vector<16xi32>,
        tpu.vector_store %arg7[%swap3A_309], %and3A_308 {strides = array<i32>} : memref<144xi32, #tpu.memory_space<vmem>>, vector<16xi32>,
        %shift_right_logical3A_311 = arith.constant 16 : i32
        %shift_right_logical3A_312 = vector.broadcast %shift_right_logical3A_311 : i32 to vector<16xi32>
        %shift_right_logical3A_313 = arith.shrui %get3A_305, %shift_right_logical3A_312 : vector<16xi32>
        %swap3A_314 = arith.constant 16 : index
        %swap3A_315 = tpu.vector_load %arg8[%swap3A_314] {strides = array<i32>} : memref<144xi32, #tpu.memory_space<vmem>>, vector<16xi32>,
        tpu.vector_store %arg8[%swap3A_314], %shift_right_logical3A_313 {strides = array<i32>} : memref<144xi32, #tpu.memory_space<vmem>>, vector<16xi32>,
        %add3A_316 = arith.constant 32 : i32
        %add3A_317 = arith.addi %mul3A_287, %add3A_316 : i32
        %get3A_318 = arith.index_cast %add3A_317 : i32 to index
        %get3A_319 = tpu.vector_load %arg6[%get3A_318] {strides = array<i32>} : memref<10080xi32, #tpu.memory_space<vmem>>, vector<16xi32>,
        %and3A_320 = arith.constant 65535 : i32
        %and3A_321 = vector.broadcast %and3A_320 : i32 to vector<16xi32>
        %and3A_322 = arith.andi %get3A_319, %and3A_321 : vector<16xi32>
        %swap3A_323 = arith.constant 32 : index
        %swap3A_324 = tpu.vector_load %arg7[%swap3A_323] {strides = array<i32>} : memref<144xi32, #tpu.memory_space<vmem>>, vector<16xi32>,
        tpu.vector_store %arg7[%swap3A_323], %and3A_322 {strides = array<i32>} : memref<144xi32, #tpu.memory_space<vmem>>, vector<16xi32>,
        %shift_right_logical3A_325 = arith.constant 16 : i32
        %shift_right_logical3A_326 = vector.broadcast %shift_right_logical3A_325 : i32 to vector<16xi32>
        %shift_right_logical3A_327 = arith.shrui %get3A_319, %shift_right_logical3A_326 : vector<16xi32>
        %swap3A_328 = arith.constant 32 : index
        %swap3A_329 = tpu.vector_load %arg8[%swap3A_328] {strides = array<i32>} : memref<144xi32, #tpu.memory_space<vmem>>, vector<16xi32>,
        tpu.vector_store %arg8[%swap3A_328], %shift_right_logical3A_327 {strides = array<i32>} : memref<144xi32, #tpu.memory_space<vmem>>, vector<16xi32>,
        %add3A_330 = arith.constant 48 : i32
        %add3A_331 = arith.addi %mul3A_287, %add3A_330 : i32
        %get3A_332 = arith.index_cast %add3A_331 : i32 to index
        %get3A_333 = tpu.vector_load %arg6[%get3A_332] {strides = array<i32>} : memref<10080xi32, #tpu.memory_space<vmem>>, vector<16xi32>,
        %and3A_334 = arith.constant 65535 : i32
        %and3A_335 = vector.broadcast %and3A_334 : i32 to vector<16xi32>
        %and3A_336 = arith.andi %get3A_333, %and3A_335 : vector<16xi32>
        %swap3A_337 = arith.constant 48 : index
        %swap3A_338 = tpu.vector_load %arg7[%swap3A_337] {strides = array<i32>} : memref<144xi32, #tpu.memory_space<vmem>>, vector<16xi32>,
        tpu.vector_store %arg7[%swap3A_337], %and3A_336 {strides = array<i32>} : memref<144xi32, #tpu.memory_space<vmem>>, vector<16xi32>,
        %shift_right_logical3A_339 = arith.constant 16 : i32
        %shift_right_logical3A_340 = vector.broadcast %shift_right_logical3A_339 : i32 to vector<16xi32>
        %shift_right_logical3A_341 = arith.shrui %get3A_333, %shift_right_logical3A_340 : vector<16xi32>
        %swap3A_342 = arith.constant 48 : index
        %swap3A_343 = tpu.vector_load %arg8[%swap3A_342] {strides = array<i32>} : memref<144xi32, #tpu.memory_space<vmem>>, vector<16xi32>,
        tpu.vector_store %arg8[%swap3A_342], %shift_right_logical3A_341 {strides = array<i32>} : memref<144xi32, #tpu.memory_space<vmem>>, vector<16xi32>,
        %add3A_344 = arith.constant 64 : i32
        %add3A_345 = arith.addi %mul3A_287, %add3A_344 : i32
        %get3A_346 = arith.index_cast %add3A_345 : i32 to index
        %get3A_347 = tpu.vector_load %arg6[%get3A_346] {strides = array<i32>} : memref<10080xi32, #tpu.memory_space<vmem>>, vector<16xi32>,
        %and3A_348 = arith.constant 65535 : i32
        %and3A_349 = vector.broadcast %and3A_348 : i32 to vector<16xi32>
        %and3A_350 = arith.andi %get3A_347, %and3A_349 : vector<16xi32>
        %swap3A_351 = arith.constant 64 : index
        %swap3A_352 = tpu.vector_load %arg7[%swap3A_351] {strides = array<i32>} : memref<144xi32, #tpu.memory_space<vmem>>, vector<16xi32>,
        tpu.vector_store %arg7[%swap3A_351], %and3A_350 {strides = array<i32>} : memref<144xi32, #tpu.memory_space<vmem>>, vector<16xi32>,
        %shift_right_logical3A_353 = arith.constant 16 : i32
        %shift_right_logical3A_354 = vector.broadcast %shift_right_logical3A_353 : i32 to vector<16xi32>
        %shift_right_logical3A_355 = arith.shrui %get3A_347, %shift_right_logical3A_354 : vector<16xi32>
        %swap3A_356 = arith.constant 64 : index
        %swap3A_357 = tpu.vector_load %arg8[%swap3A_356] {strides = array<i32>} : memref<144xi32, #tpu.memory_space<vmem>>, vector<16xi32>,
        tpu.vector_store %arg8[%swap3A_356], %shift_right_logical3A_355 {strides = array<i32>} : memref<144xi32, #tpu.memory_space<vmem>>, vector<16xi32>,
        %add3A_358 = arith.constant 80 : i32
        %add3A_359 = arith.addi %mul3A_287, %add3A_358 : i32
        %get3A_360 = arith.index_cast %add3A_359 : i32 to index
        %get3A_361 = tpu.vector_load %arg6[%get3A_360] {strides = array<i32>} : memref<10080xi32, #tpu.memory_space<vmem>>, vector<16xi32>,
        %and3A_362 = arith.constant 65535 : i32
        %and3A_363 = vector.broadcast %and3A_362 : i32 to vector<16xi32>
        %and3A_364 = arith.andi %get3A_361, %and3A_363 : vector<16xi32>
        %swap3A_365 = arith.constant 80 : index
        %swap3A_366 = tpu.vector_load %arg7[%swap3A_365] {strides = array<i32>} : memref<144xi32, #tpu.memory_space<vmem>>, vector<16xi32>,
        tpu.vector_store %arg7[%swap3A_365], %and3A_364 {strides = array<i32>} : memref<144xi32, #tpu.memory_space<vmem>>, vector<16xi32>,
        %shift_right_logical3A_367 = arith.constant 16 : i32
        %shift_right_logical3A_368 = vector.broadcast %shift_right_logical3A_367 : i32 to vector<16xi32>
        %shift_right_logical3A_369 = arith.shrui %get3A_361, %shift_right_logical3A_368 : vector<16xi32>
        %swap3A_370 = arith.constant 80 : index
        %swap3A_371 = tpu.vector_load %arg8[%swap3A_370] {strides = array<i32>} : memref<144xi32, #tpu.memory_space<vmem>>, vector<16xi32>,
        tpu.vector_store %arg8[%swap3A_370], %shift_right_logical3A_369 {strides = array<i32>} : memref<144xi32, #tpu.memory_space<vmem>>, vector<16xi32>,
        %add3A_372 = arith.constant 96 : i32
        %add3A_373 = arith.addi %mul3A_287, %add3A_372 : i32
        %get3A_374 = arith.index_cast %add3A_373 : i32 to index
        %get3A_375 = tpu.vector_load %arg6[%get3A_374] {strides = array<i32>} : memref<10080xi32, #tpu.memory_space<vmem>>, vector<16xi32>,
        %and3A_376 = arith.constant 65535 : i32
        %and3A_377 = vector.broadcast %and3A_376 : i32 to vector<16xi32>
        %and3A_378 = arith.andi %get3A_375, %and3A_377 : vector<16xi32>
        %swap3A_379 = arith.constant 96 : index
        %swap3A_380 = tpu.vector_load %arg7[%swap3A_379] {strides = array<i32>} : memref<144xi32, #tpu.memory_space<vmem>>, vector<16xi32>,
        tpu.vector_store %arg7[%swap3A_379], %and3A_378 {strides = array<i32>} : memref<144xi32, #tpu.memory_space<vmem>>, vector<16xi32>,
        %shift_right_logical3A_381 = arith.constant 16 : i32
        %shift_right_logical3A_382 = vector.broadcast %shift_right_logical3A_381 : i32 to vector<16xi32>
        %shift_right_logical3A_383 = arith.shrui %get3A_375, %shift_right_logical3A_382 : vector<16xi32>
        %swap3A_384 = arith.constant 96 : index
        %swap3A_385 = tpu.vector_load %arg8[%swap3A_384] {strides = array<i32>} : memref<144xi32, #tpu.memory_space<vmem>>, vector<16xi32>,
        tpu.vector_store %arg8[%swap3A_384], %shift_right_logical3A_383 {strides = array<i32>} : memref<144xi32, #tpu.memory_space<vmem>>, vector<16xi32>,
        %add3A_386 = arith.constant 112 : i32
        %add3A_387 = arith.addi %mul3A_287, %add3A_386 : i32
        %get3A_388 = arith.index_cast %add3A_387 : i32 to index
        %get3A_389 = tpu.vector_load %arg6[%get3A_388] {strides = array<i32>} : memref<10080xi32, #tpu.memory_space<vmem>>, vector<16xi32>,
        %and3A_390 = arith.constant 65535 : i32
        %and3A_391 = vector.broadcast %and3A_390 : i32 to vector<16xi32>
        %and3A_392 = arith.andi %get3A_389, %and3A_391 : vector<16xi32>
        %swap3A_393 = arith.constant 112 : index
        %swap3A_394 = tpu.vector_load %arg7[%swap3A_393] {strides = array<i32>} : memref<144xi32, #tpu.memory_space<vmem>>, vector<16xi32>,
        tpu.vector_store %arg7[%swap3A_393], %and3A_392 {strides = array<i32>} : memref<144xi32, #tpu.memory_space<vmem>>, vector<16xi32>,
        %shift_right_logical3A_395 = arith.constant 16 : i32
        %shift_right_logical3A_396 = vector.broadcast %shift_right_logical3A_395 : i32 to vector<16xi32>
        %shift_right_logical3A_397 = arith.shrui %get3A_389, %shift_right_logical3A_396 : vector<16xi32>
        %swap3A_398 = arith.constant 112 : index
        %swap3A_399 = tpu.vector_load %arg8[%swap3A_398] {strides = array<i32>} : memref<144xi32, #tpu.memory_space<vmem>>, vector<16xi32>,
        tpu.vector_store %arg8[%swap3A_398], %shift_right_logical3A_397 {strides = array<i32>} : memref<144xi32, #tpu.memory_space<vmem>>, vector<16xi32>,
        %add3A_400 = arith.constant 128 : i32
        %add3A_401 = arith.addi %mul3A_287, %add3A_400 : i32
        %get3A_402 = arith.index_cast %add3A_401 : i32 to index
        %get3A_403 = tpu.vector_load %arg6[%get3A_402] {strides = array<i32>} : memref<10080xi32, #tpu.memory_space<vmem>>, vector<16xi32>,
        %and3A_404 = arith.constant 65535 : i32
        %and3A_405 = vector.broadcast %and3A_404 : i32 to vector<16xi32>
        %and3A_406 = arith.andi %get3A_403, %and3A_405 : vector<16xi32>
        %swap3A_407 = arith.constant 128 : index
        %swap3A_408 = tpu.vector_load %arg7[%swap3A_407] {strides = array<i32>} : memref<144xi32, #tpu.memory_space<vmem>>, vector<16xi32>,
        tpu.vector_store %arg7[%swap3A_407], %and3A_406 {strides = array<i32>} : memref<144xi32, #tpu.memory_space<vmem>>, vector<16xi32>,
        %shift_right_logical3A_409 = arith.constant 16 : i32
        %shift_right_logical3A_410 = vector.broadcast %shift_right_logical3A_409 : i32 to vector<16xi32>
        %shift_right_logical3A_411 = arith.shrui %get3A_403, %shift_right_logical3A_410 : vector<16xi32>
        %swap3A_412 = arith.constant 128 : index
        %swap3A_413 = tpu.vector_load %arg8[%swap3A_412] {strides = array<i32>} : memref<144xi32, #tpu.memory_space<vmem>>, vector<16xi32>,
        tpu.vector_store %arg8[%swap3A_412], %shift_right_logical3A_411 {strides = array<i32>} : memref<144xi32, #tpu.memory_space<vmem>>, vector<16xi32>,
        %dma_start3A_414 = arith.constant 0 : i32
        %dma_start3A_415 = arith.constant 0 : i32
        %dma_start3A_416 = tpu.memref_slice %arg2[%dma_start3A_414, %dma_start3A_415] : memref<10112x128xf32, #tpu.memory_space<hbm>> -> memref<10112x128xf32, #tpu.memory_space<hbm>>
        tpu.enqueue_indirect_dma source(%dma_start3A_416 : memref<10112x128xf32, #tpu.memory_space<hbm>>) target(%arg11 : memref<144x128xf32, #tpu.memory_space<vmem>>) offsets(%arg7 : memref<144xi32, #tpu.memory_space<vmem>>) semaphore(%arg14 : memref<!tpu.dma_semaphore, #tpu.memory_space<semaphore_mem>>)
      } else {
      }
      %dma_wait3A_281 = arith.constant 0 : i32
      %dma_wait3A_282 = arith.constant 0 : i32
      %dma_wait3A_283 = tpu.memref_slice %arg2[%dma_wait3A_281, %dma_wait3A_282] : memref<10112x128xf32, #tpu.memory_space<hbm>> -> memref<10112x128xf32, #tpu.memory_space<hbm>>
      tpu.wait_indirect_dma semaphore(%arg15 : memref<!tpu.dma_semaphore, #tpu.memory_space<semaphore_mem>>) src(%dma_wait3A_283 : memref<10112x128xf32, #tpu.memory_space<hbm>>) dst(%arg12 : memref<144x128xf32, #tpu.memory_space<vmem>>)
      "tpu.region"() ({
        %run_scoped3A = tpu.sem_alloc : memref<!tpu.dma_semaphore, #tpu.memory_space<semaphore_mem>>
        %dma_start3A_284 = arith.constant 0 : i32
        %dma_start3A_285 = arith.constant 0 : i32
        %dma_start3A_286 = tpu.memref_slice %arg13[%dma_start3A_284, %dma_start3A_285] : memref<10112x128xf32, #tpu.memory_space<vmem_shared>> -> memref<10112x128xf32, #tpu.memory_space<vmem_shared>>
        tpu.enqueue_indirect_dma source(%arg12 : memref<144x128xf32, #tpu.memory_space<vmem>>) target(%dma_start3A_286 : memref<10112x128xf32, #tpu.memory_space<vmem_shared>>) offsets(%arg10 : memref<144xi32, #tpu.memory_space<vmem>>) semaphore(%run_scoped3A : memref<!tpu.dma_semaphore, #tpu.memory_space<semaphore_mem>>) {add = true}
        %dma_wait3A_287 = arith.constant 0 : i32
        %dma_wait3A_288 = arith.constant 0 : i32
        %dma_wait3A_289 = tpu.memref_slice %arg13[%dma_wait3A_287, %dma_wait3A_288] : memref<10112x128xf32, #tpu.memory_space<vmem_shared>> -> memref<10112x128xf32, #tpu.memory_space<vmem_shared>>
        tpu.wait_indirect_dma semaphore(%run_scoped3A : memref<!tpu.dma_semaphore, #tpu.memory_space<semaphore_mem>>) src(%arg12 : memref<144x128xf32, #tpu.memory_space<vmem>>) dst(%dma_wait3A_289 : memref<10112x128xf32, #tpu.memory_space<vmem_shared>>)
        tpu.yield
      }) : () -> ()
    }
    %while3A_138 = arith.constant 1 : i32
    scf.for %while3A_140 = %while3A_136 to %while3A_132 step %while3A_138  : i32 {
      %mul3A_141 = arith.constant 2 : i32
      %mul3A_142 = arith.muli %while3A_140, %mul3A_141 : i32
      %add3A_143 = arith.constant 1 : i32
      %add3A_144 = arith.addi %mul3A_142, %add3A_143 : i32
      %mul3A_145 = arith.constant 144 : i32
      %mul3A_146 = arith.muli %add3A_144, %mul3A_145 : i32
      %add3A_147 = arith.constant 0 : i32
      %add3A_148 = arith.addi %mul3A_146, %add3A_147 : i32
      %get3A_149 = arith.index_cast %add3A_148 : i32 to index
      %get3A_150 = tpu.vector_load %arg6[%get3A_149] {strides = array<i32>} : memref<10080xi32, #tpu.memory_space<vmem>>, vector<16xi32>,
      %and3A_151 = arith.constant 65535 : i32
      %and3A_152 = vector.broadcast %and3A_151 : i32 to vector<16xi32>
      %and3A_153 = arith.andi %get3A_150, %and3A_152 : vector<16xi32>
      %swap3A_154 = arith.constant 0 : index
      %swap3A_155 = tpu.vector_load %arg9[%swap3A_154] {strides = array<i32>} : memref<144xi32, #tpu.memory_space<vmem>>, vector<16xi32>,
      tpu.vector_store %arg9[%swap3A_154], %and3A_153 {strides = array<i32>} : memref<144xi32, #tpu.memory_space<vmem>>, vector<16xi32>,
      %shift_right_logical3A_156 = arith.constant 16 : i32
      %shift_right_logical3A_157 = vector.broadcast %shift_right_logical3A_156 : i32 to vector<16xi32>
      %shift_right_logical3A_158 = arith.shrui %get3A_150, %shift_right_logical3A_157 : vector<16xi32>
      %swap3A_159 = arith.constant 0 : index
      %swap3A_160 = tpu.vector_load %arg10[%swap3A_159] {strides = array<i32>} : memref<144xi32, #tpu.memory_space<vmem>>, vector<16xi32>,
      tpu.vector_store %arg10[%swap3A_159], %shift_right_logical3A_158 {strides = array<i32>} : memref<144xi32, #tpu.memory_space<vmem>>, vector<16xi32>,
      %add3A_161 = arith.constant 16 : i32
      %add3A_162 = arith.addi %mul3A_146, %add3A_161 : i32
      %get3A_163 = arith.index_cast %add3A_162 : i32 to index
      %get3A_164 = tpu.vector_load %arg6[%get3A_163] {strides = array<i32>} : memref<10080xi32, #tpu.memory_space<vmem>>, vector<16xi32>,
      %and3A_165 = arith.constant 65535 : i32
      %and3A_166 = vector.broadcast %and3A_165 : i32 to vector<16xi32>
      %and3A_167 = arith.andi %get3A_164, %and3A_166 : vector<16xi32>
      %swap3A_168 = arith.constant 16 : index
      %swap3A_169 = tpu.vector_load %arg9[%swap3A_168] {strides = array<i32>} : memref<144xi32, #tpu.memory_space<vmem>>, vector<16xi32>,
      tpu.vector_store %arg9[%swap3A_168], %and3A_167 {strides = array<i32>} : memref<144xi32, #tpu.memory_space<vmem>>, vector<16xi32>,
      %shift_right_logical3A_170 = arith.constant 16 : i32
      %shift_right_logical3A_171 = vector.broadcast %shift_right_logical3A_170 : i32 to vector<16xi32>
      %shift_right_logical3A_172 = arith.shrui %get3A_164, %shift_right_logical3A_171 : vector<16xi32>
      %swap3A_173 = arith.constant 16 : index
      %swap3A_174 = tpu.vector_load %arg10[%swap3A_173] {strides = array<i32>} : memref<144xi32, #tpu.memory_space<vmem>>, vector<16xi32>,
      tpu.vector_store %arg10[%swap3A_173], %shift_right_logical3A_172 {strides = array<i32>} : memref<144xi32, #tpu.memory_space<vmem>>, vector<16xi32>,
      %add3A_175 = arith.constant 32 : i32
      %add3A_176 = arith.addi %mul3A_146, %add3A_175 : i32
      %get3A_177 = arith.index_cast %add3A_176 : i32 to index
      %get3A_178 = tpu.vector_load %arg6[%get3A_177] {strides = array<i32>} : memref<10080xi32, #tpu.memory_space<vmem>>, vector<16xi32>,
      %and3A_179 = arith.constant 65535 : i32
      %and3A_180 = vector.broadcast %and3A_179 : i32 to vector<16xi32>
      %and3A_181 = arith.andi %get3A_178, %and3A_180 : vector<16xi32>
      %swap3A_182 = arith.constant 32 : index
      %swap3A_183 = tpu.vector_load %arg9[%swap3A_182] {strides = array<i32>} : memref<144xi32, #tpu.memory_space<vmem>>, vector<16xi32>,
      tpu.vector_store %arg9[%swap3A_182], %and3A_181 {strides = array<i32>} : memref<144xi32, #tpu.memory_space<vmem>>, vector<16xi32>,
      %shift_right_logical3A_184 = arith.constant 16 : i32
      %shift_right_logical3A_185 = vector.broadcast %shift_right_logical3A_184 : i32 to vector<16xi32>
      %shift_right_logical3A_186 = arith.shrui %get3A_178, %shift_right_logical3A_185 : vector<16xi32>
      %swap3A_187 = arith.constant 32 : index
      %swap3A_188 = tpu.vector_load %arg10[%swap3A_187] {strides = array<i32>} : memref<144xi32, #tpu.memory_space<vmem>>, vector<16xi32>,
      tpu.vector_store %arg10[%swap3A_187], %shift_right_logical3A_186 {strides = array<i32>} : memref<144xi32, #tpu.memory_space<vmem>>, vector<16xi32>,
      %add3A_189 = arith.constant 48 : i32
      %add3A_190 = arith.addi %mul3A_146, %add3A_189 : i32
      %get3A_191 = arith.index_cast %add3A_190 : i32 to index
      %get3A_192 = tpu.vector_load %arg6[%get3A_191] {strides = array<i32>} : memref<10080xi32, #tpu.memory_space<vmem>>, vector<16xi32>,
      %and3A_193 = arith.constant 65535 : i32
      %and3A_194 = vector.broadcast %and3A_193 : i32 to vector<16xi32>
      %and3A_195 = arith.andi %get3A_192, %and3A_194 : vector<16xi32>
      %swap3A_196 = arith.constant 48 : index
      %swap3A_197 = tpu.vector_load %arg9[%swap3A_196] {strides = array<i32>} : memref<144xi32, #tpu.memory_space<vmem>>, vector<16xi32>,
      tpu.vector_store %arg9[%swap3A_196], %and3A_195 {strides = array<i32>} : memref<144xi32, #tpu.memory_space<vmem>>, vector<16xi32>,
      %shift_right_logical3A_198 = arith.constant 16 : i32
      %shift_right_logical3A_199 = vector.broadcast %shift_right_logical3A_198 : i32 to vector<16xi32>
      %shift_right_logical3A_200 = arith.shrui %get3A_192, %shift_right_logical3A_199 : vector<16xi32>
      %swap3A_201 = arith.constant 48 : index
      %swap3A_202 = tpu.vector_load %arg10[%swap3A_201] {strides = array<i32>} : memref<144xi32, #tpu.memory_space<vmem>>, vector<16xi32>,
      tpu.vector_store %arg10[%swap3A_201], %shift_right_logical3A_200 {strides = array<i32>} : memref<144xi32, #tpu.memory_space<vmem>>, vector<16xi32>,
      %add3A_203 = arith.constant 64 : i32
      %add3A_204 = arith.addi %mul3A_146, %add3A_203 : i32
      %get3A_205 = arith.index_cast %add3A_204 : i32 to index
      %get3A_206 = tpu.vector_load %arg6[%get3A_205] {strides = array<i32>} : memref<10080xi32, #tpu.memory_space<vmem>>, vector<16xi32>,
      %and3A_207 = arith.constant 65535 : i32
      %and3A_208 = vector.broadcast %and3A_207 : i32 to vector<16xi32>
      %and3A_209 = arith.andi %get3A_206, %and3A_208 : vector<16xi32>
      %swap3A_210 = arith.constant 64 : index
      %swap3A_211 = tpu.vector_load %arg9[%swap3A_210] {strides = array<i32>} : memref<144xi32, #tpu.memory_space<vmem>>, vector<16xi32>,
      tpu.vector_store %arg9[%swap3A_210], %and3A_209 {strides = array<i32>} : memref<144xi32, #tpu.memory_space<vmem>>, vector<16xi32>,
      %shift_right_logical3A_212 = arith.constant 16 : i32
      %shift_right_logical3A_213 = vector.broadcast %shift_right_logical3A_212 : i32 to vector<16xi32>
      %shift_right_logical3A_214 = arith.shrui %get3A_206, %shift_right_logical3A_213 : vector<16xi32>
      %swap3A_215 = arith.constant 64 : index
      %swap3A_216 = tpu.vector_load %arg10[%swap3A_215] {strides = array<i32>} : memref<144xi32, #tpu.memory_space<vmem>>, vector<16xi32>,
      tpu.vector_store %arg10[%swap3A_215], %shift_right_logical3A_214 {strides = array<i32>} : memref<144xi32, #tpu.memory_space<vmem>>, vector<16xi32>,
      %add3A_217 = arith.constant 80 : i32
      %add3A_218 = arith.addi %mul3A_146, %add3A_217 : i32
      %get3A_219 = arith.index_cast %add3A_218 : i32 to index
      %get3A_220 = tpu.vector_load %arg6[%get3A_219] {strides = array<i32>} : memref<10080xi32, #tpu.memory_space<vmem>>, vector<16xi32>,
      %and3A_221 = arith.constant 65535 : i32
      %and3A_222 = vector.broadcast %and3A_221 : i32 to vector<16xi32>
      %and3A_223 = arith.andi %get3A_220, %and3A_222 : vector<16xi32>
      %swap3A_224 = arith.constant 80 : index
      %swap3A_225 = tpu.vector_load %arg9[%swap3A_224] {strides = array<i32>} : memref<144xi32, #tpu.memory_space<vmem>>, vector<16xi32>,
      tpu.vector_store %arg9[%swap3A_224], %and3A_223 {strides = array<i32>} : memref<144xi32, #tpu.memory_space<vmem>>, vector<16xi32>,
      %shift_right_logical3A_226 = arith.constant 16 : i32
      %shift_right_logical3A_227 = vector.broadcast %shift_right_logical3A_226 : i32 to vector<16xi32>
      %shift_right_logical3A_228 = arith.shrui %get3A_220, %shift_right_logical3A_227 : vector<16xi32>
      %swap3A_229 = arith.constant 80 : index
      %swap3A_230 = tpu.vector_load %arg10[%swap3A_229] {strides = array<i32>} : memref<144xi32, #tpu.memory_space<vmem>>, vector<16xi32>,
      tpu.vector_store %arg10[%swap3A_229], %shift_right_logical3A_228 {strides = array<i32>} : memref<144xi32, #tpu.memory_space<vmem>>, vector<16xi32>,
      %add3A_231 = arith.constant 96 : i32
      %add3A_232 = arith.addi %mul3A_146, %add3A_231 : i32
      %get3A_233 = arith.index_cast %add3A_232 : i32 to index
      %get3A_234 = tpu.vector_load %arg6[%get3A_233] {strides = array<i32>} : memref<10080xi32, #tpu.memory_space<vmem>>, vector<16xi32>,
      %and3A_235 = arith.constant 65535 : i32
      %and3A_236 = vector.broadcast %and3A_235 : i32 to vector<16xi32>
      %and3A_237 = arith.andi %get3A_234, %and3A_236 : vector<16xi32>
      %swap3A_238 = arith.constant 96 : index
      %swap3A_239 = tpu.vector_load %arg9[%swap3A_238] {strides = array<i32>} : memref<144xi32, #tpu.memory_space<vmem>>, vector<16xi32>,
      tpu.vector_store %arg9[%swap3A_238], %and3A_237 {strides = array<i32>} : memref<144xi32, #tpu.memory_space<vmem>>, vector<16xi32>,
      %shift_right_logical3A_240 = arith.constant 16 : i32
      %shift_right_logical3A_241 = vector.broadcast %shift_right_logical3A_240 : i32 to vector<16xi32>
      %shift_right_logical3A_242 = arith.shrui %get3A_234, %shift_right_logical3A_241 : vector<16xi32>
      %swap3A_243 = arith.constant 96 : index
      %swap3A_244 = tpu.vector_load %arg10[%swap3A_243] {strides = array<i32>} : memref<144xi32, #tpu.memory_space<vmem>>, vector<16xi32>,
      tpu.vector_store %arg10[%swap3A_243], %shift_right_logical3A_242 {strides = array<i32>} : memref<144xi32, #tpu.memory_space<vmem>>, vector<16xi32>,
      %add3A_245 = arith.constant 112 : i32
      %add3A_246 = arith.addi %mul3A_146, %add3A_245 : i32
      %get3A_247 = arith.index_cast %add3A_246 : i32 to index
      %get3A_248 = tpu.vector_load %arg6[%get3A_247] {strides = array<i32>} : memref<10080xi32, #tpu.memory_space<vmem>>, vector<16xi32>,
      %and3A_249 = arith.constant 65535 : i32
      %and3A_250 = vector.broadcast %and3A_249 : i32 to vector<16xi32>
      %and3A_251 = arith.andi %get3A_248, %and3A_250 : vector<16xi32>
      %swap3A_252 = arith.constant 112 : index
      %swap3A_253 = tpu.vector_load %arg9[%swap3A_252] {strides = array<i32>} : memref<144xi32, #tpu.memory_space<vmem>>, vector<16xi32>,
      tpu.vector_store %arg9[%swap3A_252], %and3A_251 {strides = array<i32>} : memref<144xi32, #tpu.memory_space<vmem>>, vector<16xi32>,
      %shift_right_logical3A_254 = arith.constant 16 : i32
      %shift_right_logical3A_255 = vector.broadcast %shift_right_logical3A_254 : i32 to vector<16xi32>
      %shift_right_logical3A_256 = arith.shrui %get3A_248, %shift_right_logical3A_255 : vector<16xi32>
      %swap3A_257 = arith.constant 112 : index
      %swap3A_258 = tpu.vector_load %arg10[%swap3A_257] {strides = array<i32>} : memref<144xi32, #tpu.memory_space<vmem>>, vector<16xi32>,
      tpu.vector_store %arg10[%swap3A_257], %shift_right_logical3A_256 {strides = array<i32>} : memref<144xi32, #tpu.memory_space<vmem>>, vector<16xi32>,
      %add3A_259 = arith.constant 128 : i32
      %add3A_260 = arith.addi %mul3A_146, %add3A_259 : i32
      %get3A_261 = arith.index_cast %add3A_260 : i32 to index
      %get3A_262 = tpu.vector_load %arg6[%get3A_261] {strides = array<i32>} : memref<10080xi32, #tpu.memory_space<vmem>>, vector<16xi32>,
      %and3A_263 = arith.constant 65535 : i32
      %and3A_264 = vector.broadcast %and3A_263 : i32 to vector<16xi32>
      %and3A_265 = arith.andi %get3A_262, %and3A_264 : vector<16xi32>
      %swap3A_266 = arith.constant 128 : index
      %swap3A_267 = tpu.vector_load %arg9[%swap3A_266] {strides = array<i32>} : memref<144xi32, #tpu.memory_space<vmem>>, vector<16xi32>,
      tpu.vector_store %arg9[%swap3A_266], %and3A_265 {strides = array<i32>} : memref<144xi32, #tpu.memory_space<vmem>>, vector<16xi32>,
      %shift_right_logical3A_268 = arith.constant 16 : i32
      %shift_right_logical3A_269 = vector.broadcast %shift_right_logical3A_268 : i32 to vector<16xi32>
      %shift_right_logical3A_270 = arith.shrui %get3A_262, %shift_right_logical3A_269 : vector<16xi32>
      %swap3A_271 = arith.constant 128 : index
      %swap3A_272 = tpu.vector_load %arg10[%swap3A_271] {strides = array<i32>} : memref<144xi32, #tpu.memory_space<vmem>>, vector<16xi32>,
      tpu.vector_store %arg10[%swap3A_271], %shift_right_logical3A_270 {strides = array<i32>} : memref<144xi32, #tpu.memory_space<vmem>>, vector<16xi32>,
      %dma_wait3A = arith.constant 0 : i32
      %dma_wait3A_273 = arith.constant 0 : i32
      %dma_wait3A_274 = tpu.memref_slice %arg2[%dma_wait3A, %dma_wait3A_273] : memref<10112x128xf32, #tpu.memory_space<hbm>> -> memref<10112x128xf32, #tpu.memory_space<hbm>>
      tpu.wait_indirect_dma semaphore(%arg14 : memref<!tpu.dma_semaphore, #tpu.memory_space<semaphore_mem>>) src(%dma_wait3A_274 : memref<10112x128xf32, #tpu.memory_space<hbm>>) dst(%arg11 : memref<144x128xf32, #tpu.memory_space<vmem>>)
      %dma_start3A_275 = arith.constant 0 : i32
      %dma_start3A_276 = arith.constant 0 : i32
      %dma_start3A_277 = tpu.memref_slice %arg2[%dma_start3A_275, %dma_start3A_276] : memref<10112x128xf32, #tpu.memory_space<hbm>> -> memref<10112x128xf32, #tpu.memory_space<hbm>>
      tpu.enqueue_indirect_dma source(%dma_start3A_277 : memref<10112x128xf32, #tpu.memory_space<hbm>>) target(%arg12 : memref<144x128xf32, #tpu.memory_space<vmem>>) offsets(%arg9 : memref<144xi32, #tpu.memory_space<vmem>>) semaphore(%arg15 : memref<!tpu.dma_semaphore, #tpu.memory_space<semaphore_mem>>)
      "tpu.region"() ({
        %run_scoped3A = tpu.sem_alloc : memref<!tpu.dma_semaphore, #tpu.memory_space<semaphore_mem>>
        %dma_start3A_284 = arith.constant 0 : i32
        %dma_start3A_285 = arith.constant 0 : i32
        %dma_start3A_286 = tpu.memref_slice %arg13[%dma_start3A_284, %dma_start3A_285] : memref<10112x128xf32, #tpu.memory_space<vmem_shared>> -> memref<10112x128xf32, #tpu.memory_space<vmem_shared>>
        tpu.enqueue_indirect_dma source(%arg11 : memref<144x128xf32, #tpu.memory_space<vmem>>) target(%dma_start3A_286 : memref<10112x128xf32, #tpu.memory_space<vmem_shared>>) offsets(%arg8 : memref<144xi32, #tpu.memory_space<vmem>>) semaphore(%run_scoped3A : memref<!tpu.dma_semaphore, #tpu.memory_space<semaphore_mem>>) {add = true}
        %dma_wait3A_287 = arith.constant 0 : i32
        %dma_wait3A_288 = arith.constant 0 : i32
        %dma_wait3A_289 = tpu.memref_slice %arg13[%dma_wait3A_287, %dma_wait3A_288] : memref<10112x128xf32, #tpu.memory_space<vmem_shared>> -> memref<10112x128xf32, #tpu.memory_space<vmem_shared>>
        tpu.wait_indirect_dma semaphore(%run_scoped3A : memref<!tpu.dma_semaphore, #tpu.memory_space<semaphore_mem>>) src(%arg11 : memref<144x128xf32, #tpu.memory_space<vmem>>) dst(%dma_wait3A_289 : memref<10112x128xf32, #tpu.memory_space<vmem_shared>>)
        tpu.yield
      }) : () -> ()
      %add3A_278 = arith.constant 2 : i32
      %add3A_279 = arith.addi %mul3A_142, %add3A_278 : i32
      %lt3A = arith.cmpi slt, %add3A_279, %select_n3A : i32
      %convert_element_type3A = arith.extui %lt3A : i1 to i32
      %cond3A = arith.constant 0 : i32
      %cond3A_280 = arith.cmpi ne, %convert_element_type3A, %cond3A : i32
      scf.if %cond3A_280 {
        %add3A_284 = arith.constant 2 : i32
        %add3A_285 = arith.addi %mul3A_142, %add3A_284 : i32
        %mul3A_286 = arith.constant 144 : i32
        %mul3A_287 = arith.muli %add3A_285, %mul3A_286 : i32
        %add3A_288 = arith.constant 0 : i32
        %add3A_289 = arith.addi %mul3A_287, %add3A_288 : i32
        %get3A_290 = arith.index_cast %add3A_289 : i32 to index
        %get3A_291 = tpu.vector_load %arg6[%get3A_290] {strides = array<i32>} : memref<10080xi32, #tpu.memory_space<vmem>>, vector<16xi32>,
        %and3A_292 = arith.constant 65535 : i32
        %and3A_293 = vector.broadcast %and3A_292 : i32 to vector<16xi32>
        %and3A_294 = arith.andi %get3A_291, %and3A_293 : vector<16xi32>
        %swap3A_295 = arith.constant 0 : index
        %swap3A_296 = tpu.vector_load %arg7[%swap3A_295] {strides = array<i32>} : memref<144xi32, #tpu.memory_space<vmem>>, vector<16xi32>,
        tpu.vector_store %arg7[%swap3A_295], %and3A_294 {strides = array<i32>} : memref<144xi32, #tpu.memory_space<vmem>>, vector<16xi32>,
        %shift_right_logical3A_297 = arith.constant 16 : i32
        %shift_right_logical3A_298 = vector.broadcast %shift_right_logical3A_297 : i32 to vector<16xi32>
        %shift_right_logical3A_299 = arith.shrui %get3A_291, %shift_right_logical3A_298 : vector<16xi32>
        %swap3A_300 = arith.constant 0 : index
        %swap3A_301 = tpu.vector_load %arg8[%swap3A_300] {strides = array<i32>} : memref<144xi32, #tpu.memory_space<vmem>>, vector<16xi32>,
        tpu.vector_store %arg8[%swap3A_300], %shift_right_logical3A_299 {strides = array<i32>} : memref<144xi32, #tpu.memory_space<vmem>>, vector<16xi32>,
        %add3A_302 = arith.constant 16 : i32
        %add3A_303 = arith.addi %mul3A_287, %add3A_302 : i32
        %get3A_304 = arith.index_cast %add3A_303 : i32 to index
        %get3A_305 = tpu.vector_load %arg6[%get3A_304] {strides = array<i32>} : memref<10080xi32, #tpu.memory_space<vmem>>, vector<16xi32>,
        %and3A_306 = arith.constant 65535 : i32
        %and3A_307 = vector.broadcast %and3A_306 : i32 to vector<16xi32>
        %and3A_308 = arith.andi %get3A_305, %and3A_307 : vector<16xi32>
        %swap3A_309 = arith.constant 16 : index
        %swap3A_310 = tpu.vector_load %arg7[%swap3A_309] {strides = array<i32>} : memref<144xi32, #tpu.memory_space<vmem>>, vector<16xi32>,
        tpu.vector_store %arg7[%swap3A_309], %and3A_308 {strides = array<i32>} : memref<144xi32, #tpu.memory_space<vmem>>, vector<16xi32>,
        %shift_right_logical3A_311 = arith.constant 16 : i32
        %shift_right_logical3A_312 = vector.broadcast %shift_right_logical3A_311 : i32 to vector<16xi32>
        %shift_right_logical3A_313 = arith.shrui %get3A_305, %shift_right_logical3A_312 : vector<16xi32>
        %swap3A_314 = arith.constant 16 : index
        %swap3A_315 = tpu.vector_load %arg8[%swap3A_314] {strides = array<i32>} : memref<144xi32, #tpu.memory_space<vmem>>, vector<16xi32>,
        tpu.vector_store %arg8[%swap3A_314], %shift_right_logical3A_313 {strides = array<i32>} : memref<144xi32, #tpu.memory_space<vmem>>, vector<16xi32>,
        %add3A_316 = arith.constant 32 : i32
        %add3A_317 = arith.addi %mul3A_287, %add3A_316 : i32
        %get3A_318 = arith.index_cast %add3A_317 : i32 to index
        %get3A_319 = tpu.vector_load %arg6[%get3A_318] {strides = array<i32>} : memref<10080xi32, #tpu.memory_space<vmem>>, vector<16xi32>,
        %and3A_320 = arith.constant 65535 : i32
        %and3A_321 = vector.broadcast %and3A_320 : i32 to vector<16xi32>
        %and3A_322 = arith.andi %get3A_319, %and3A_321 : vector<16xi32>
        %swap3A_323 = arith.constant 32 : index
        %swap3A_324 = tpu.vector_load %arg7[%swap3A_323] {strides = array<i32>} : memref<144xi32, #tpu.memory_space<vmem>>, vector<16xi32>,
        tpu.vector_store %arg7[%swap3A_323], %and3A_322 {strides = array<i32>} : memref<144xi32, #tpu.memory_space<vmem>>, vector<16xi32>,
        %shift_right_logical3A_325 = arith.constant 16 : i32
        %shift_right_logical3A_326 = vector.broadcast %shift_right_logical3A_325 : i32 to vector<16xi32>
        %shift_right_logical3A_327 = arith.shrui %get3A_319, %shift_right_logical3A_326 : vector<16xi32>
        %swap3A_328 = arith.constant 32 : index
        %swap3A_329 = tpu.vector_load %arg8[%swap3A_328] {strides = array<i32>} : memref<144xi32, #tpu.memory_space<vmem>>, vector<16xi32>,
        tpu.vector_store %arg8[%swap3A_328], %shift_right_logical3A_327 {strides = array<i32>} : memref<144xi32, #tpu.memory_space<vmem>>, vector<16xi32>,
        %add3A_330 = arith.constant 48 : i32
        %add3A_331 = arith.addi %mul3A_287, %add3A_330 : i32
        %get3A_332 = arith.index_cast %add3A_331 : i32 to index
        %get3A_333 = tpu.vector_load %arg6[%get3A_332] {strides = array<i32>} : memref<10080xi32, #tpu.memory_space<vmem>>, vector<16xi32>,
        %and3A_334 = arith.constant 65535 : i32
        %and3A_335 = vector.broadcast %and3A_334 : i32 to vector<16xi32>
        %and3A_336 = arith.andi %get3A_333, %and3A_335 : vector<16xi32>
        %swap3A_337 = arith.constant 48 : index
        %swap3A_338 = tpu.vector_load %arg7[%swap3A_337] {strides = array<i32>} : memref<144xi32, #tpu.memory_space<vmem>>, vector<16xi32>,
        tpu.vector_store %arg7[%swap3A_337], %and3A_336 {strides = array<i32>} : memref<144xi32, #tpu.memory_space<vmem>>, vector<16xi32>,
        %shift_right_logical3A_339 = arith.constant 16 : i32
        %shift_right_logical3A_340 = vector.broadcast %shift_right_logical3A_339 : i32 to vector<16xi32>
        %shift_right_logical3A_341 = arith.shrui %get3A_333, %shift_right_logical3A_340 : vector<16xi32>
        %swap3A_342 = arith.constant 48 : index
        %swap3A_343 = tpu.vector_load %arg8[%swap3A_342] {strides = array<i32>} : memref<144xi32, #tpu.memory_space<vmem>>, vector<16xi32>,
        tpu.vector_store %arg8[%swap3A_342], %shift_right_logical3A_341 {strides = array<i32>} : memref<144xi32, #tpu.memory_space<vmem>>, vector<16xi32>,
        %add3A_344 = arith.constant 64 : i32
        %add3A_345 = arith.addi %mul3A_287, %add3A_344 : i32
        %get3A_346 = arith.index_cast %add3A_345 : i32 to index
        %get3A_347 = tpu.vector_load %arg6[%get3A_346] {strides = array<i32>} : memref<10080xi32, #tpu.memory_space<vmem>>, vector<16xi32>,
        %and3A_348 = arith.constant 65535 : i32
        %and3A_349 = vector.broadcast %and3A_348 : i32 to vector<16xi32>
        %and3A_350 = arith.andi %get3A_347, %and3A_349 : vector<16xi32>
        %swap3A_351 = arith.constant 64 : index
        %swap3A_352 = tpu.vector_load %arg7[%swap3A_351] {strides = array<i32>} : memref<144xi32, #tpu.memory_space<vmem>>, vector<16xi32>,
        tpu.vector_store %arg7[%swap3A_351], %and3A_350 {strides = array<i32>} : memref<144xi32, #tpu.memory_space<vmem>>, vector<16xi32>,
        %shift_right_logical3A_353 = arith.constant 16 : i32
        %shift_right_logical3A_354 = vector.broadcast %shift_right_logical3A_353 : i32 to vector<16xi32>
        %shift_right_logical3A_355 = arith.shrui %get3A_347, %shift_right_logical3A_354 : vector<16xi32>
        %swap3A_356 = arith.constant 64 : index
        %swap3A_357 = tpu.vector_load %arg8[%swap3A_356] {strides = array<i32>} : memref<144xi32, #tpu.memory_space<vmem>>, vector<16xi32>,
        tpu.vector_store %arg8[%swap3A_356], %shift_right_logical3A_355 {strides = array<i32>} : memref<144xi32, #tpu.memory_space<vmem>>, vector<16xi32>,
        %add3A_358 = arith.constant 80 : i32
        %add3A_359 = arith.addi %mul3A_287, %add3A_358 : i32
        %get3A_360 = arith.index_cast %add3A_359 : i32 to index
        %get3A_361 = tpu.vector_load %arg6[%get3A_360] {strides = array<i32>} : memref<10080xi32, #tpu.memory_space<vmem>>, vector<16xi32>,
        %and3A_362 = arith.constant 65535 : i32
        %and3A_363 = vector.broadcast %and3A_362 : i32 to vector<16xi32>
        %and3A_364 = arith.andi %get3A_361, %and3A_363 : vector<16xi32>
        %swap3A_365 = arith.constant 80 : index
        %swap3A_366 = tpu.vector_load %arg7[%swap3A_365] {strides = array<i32>} : memref<144xi32, #tpu.memory_space<vmem>>, vector<16xi32>,
        tpu.vector_store %arg7[%swap3A_365], %and3A_364 {strides = array<i32>} : memref<144xi32, #tpu.memory_space<vmem>>, vector<16xi32>,
        %shift_right_logical3A_367 = arith.constant 16 : i32
        %shift_right_logical3A_368 = vector.broadcast %shift_right_logical3A_367 : i32 to vector<16xi32>
        %shift_right_logical3A_369 = arith.shrui %get3A_361, %shift_right_logical3A_368 : vector<16xi32>
        %swap3A_370 = arith.constant 80 : index
        %swap3A_371 = tpu.vector_load %arg8[%swap3A_370] {strides = array<i32>} : memref<144xi32, #tpu.memory_space<vmem>>, vector<16xi32>,
        tpu.vector_store %arg8[%swap3A_370], %shift_right_logical3A_369 {strides = array<i32>} : memref<144xi32, #tpu.memory_space<vmem>>, vector<16xi32>,
        %add3A_372 = arith.constant 96 : i32
        %add3A_373 = arith.addi %mul3A_287, %add3A_372 : i32
        %get3A_374 = arith.index_cast %add3A_373 : i32 to index
        %get3A_375 = tpu.vector_load %arg6[%get3A_374] {strides = array<i32>} : memref<10080xi32, #tpu.memory_space<vmem>>, vector<16xi32>,
        %and3A_376 = arith.constant 65535 : i32
        %and3A_377 = vector.broadcast %and3A_376 : i32 to vector<16xi32>
        %and3A_378 = arith.andi %get3A_375, %and3A_377 : vector<16xi32>
        %swap3A_379 = arith.constant 96 : index
        %swap3A_380 = tpu.vector_load %arg7[%swap3A_379] {strides = array<i32>} : memref<144xi32, #tpu.memory_space<vmem>>, vector<16xi32>,
        tpu.vector_store %arg7[%swap3A_379], %and3A_378 {strides = array<i32>} : memref<144xi32, #tpu.memory_space<vmem>>, vector<16xi32>,
        %shift_right_logical3A_381 = arith.constant 16 : i32
        %shift_right_logical3A_382 = vector.broadcast %shift_right_logical3A_381 : i32 to vector<16xi32>
        %shift_right_logical3A_383 = arith.shrui %get3A_375, %shift_right_logical3A_382 : vector<16xi32>
        %swap3A_384 = arith.constant 96 : index
        %swap3A_385 = tpu.vector_load %arg8[%swap3A_384] {strides = array<i32>} : memref<144xi32, #tpu.memory_space<vmem>>, vector<16xi32>,
        tpu.vector_store %arg8[%swap3A_384], %shift_right_logical3A_383 {strides = array<i32>} : memref<144xi32, #tpu.memory_space<vmem>>, vector<16xi32>,
        %add3A_386 = arith.constant 112 : i32
        %add3A_387 = arith.addi %mul3A_287, %add3A_386 : i32
        %get3A_388 = arith.index_cast %add3A_387 : i32 to index
        %get3A_389 = tpu.vector_load %arg6[%get3A_388] {strides = array<i32>} : memref<10080xi32, #tpu.memory_space<vmem>>, vector<16xi32>,
        %and3A_390 = arith.constant 65535 : i32
        %and3A_391 = vector.broadcast %and3A_390 : i32 to vector<16xi32>
        %and3A_392 = arith.andi %get3A_389, %and3A_391 : vector<16xi32>
        %swap3A_393 = arith.constant 112 : index
        %swap3A_394 = tpu.vector_load %arg7[%swap3A_393] {strides = array<i32>} : memref<144xi32, #tpu.memory_space<vmem>>, vector<16xi32>,
        tpu.vector_store %arg7[%swap3A_393], %and3A_392 {strides = array<i32>} : memref<144xi32, #tpu.memory_space<vmem>>, vector<16xi32>,
        %shift_right_logical3A_395 = arith.constant 16 : i32
        %shift_right_logical3A_396 = vector.broadcast %shift_right_logical3A_395 : i32 to vector<16xi32>
        %shift_right_logical3A_397 = arith.shrui %get3A_389, %shift_right_logical3A_396 : vector<16xi32>
        %swap3A_398 = arith.constant 112 : index
        %swap3A_399 = tpu.vector_load %arg8[%swap3A_398] {strides = array<i32>} : memref<144xi32, #tpu.memory_space<vmem>>, vector<16xi32>,
        tpu.vector_store %arg8[%swap3A_398], %shift_right_logical3A_397 {strides = array<i32>} : memref<144xi32, #tpu.memory_space<vmem>>, vector<16xi32>,
        %add3A_400 = arith.constant 128 : i32
        %add3A_401 = arith.addi %mul3A_287, %add3A_400 : i32
        %get3A_402 = arith.index_cast %add3A_401 : i32 to index
        %get3A_403 = tpu.vector_load %arg6[%get3A_402] {strides = array<i32>} : memref<10080xi32, #tpu.memory_space<vmem>>, vector<16xi32>,
        %and3A_404 = arith.constant 65535 : i32
        %and3A_405 = vector.broadcast %and3A_404 : i32 to vector<16xi32>
        %and3A_406 = arith.andi %get3A_403, %and3A_405 : vector<16xi32>
        %swap3A_407 = arith.constant 128 : index
        %swap3A_408 = tpu.vector_load %arg7[%swap3A_407] {strides = array<i32>} : memref<144xi32, #tpu.memory_space<vmem>>, vector<16xi32>,
        tpu.vector_store %arg7[%swap3A_407], %and3A_406 {strides = array<i32>} : memref<144xi32, #tpu.memory_space<vmem>>, vector<16xi32>,
        %shift_right_logical3A_409 = arith.constant 16 : i32
        %shift_right_logical3A_410 = vector.broadcast %shift_right_logical3A_409 : i32 to vector<16xi32>
        %shift_right_logical3A_411 = arith.shrui %get3A_403, %shift_right_logical3A_410 : vector<16xi32>
        %swap3A_412 = arith.constant 128 : index
        %swap3A_413 = tpu.vector_load %arg8[%swap3A_412] {strides = array<i32>} : memref<144xi32, #tpu.memory_space<vmem>>, vector<16xi32>,
        tpu.vector_store %arg8[%swap3A_412], %shift_right_logical3A_411 {strides = array<i32>} : memref<144xi32, #tpu.memory_space<vmem>>, vector<16xi32>,
        %dma_start3A_414 = arith.constant 0 : i32
        %dma_start3A_415 = arith.constant 0 : i32
        %dma_start3A_416 = tpu.memref_slice %arg2[%dma_start3A_414, %dma_start3A_415] : memref<10112x128xf32, #tpu.memory_space<hbm>> -> memref<10112x128xf32, #tpu.memory_space<hbm>>
        tpu.enqueue_indirect_dma source(%dma_start3A_416 : memref<10112x128xf32, #tpu.memory_space<hbm>>) target(%arg11 : memref<144x128xf32, #tpu.memory_space<vmem>>) offsets(%arg7 : memref<144xi32, #tpu.memory_space<vmem>>) semaphore(%arg14 : memref<!tpu.dma_semaphore, #tpu.memory_space<semaphore_mem>>)
      } else {
      }
      %dma_wait3A_281 = arith.constant 0 : i32
      %dma_wait3A_282 = arith.constant 0 : i32
      %dma_wait3A_283 = tpu.memref_slice %arg2[%dma_wait3A_281, %dma_wait3A_282] : memref<10112x128xf32, #tpu.memory_space<hbm>> -> memref<10112x128xf32, #tpu.memory_space<hbm>>
      tpu.wait_indirect_dma semaphore(%arg15 : memref<!tpu.dma_semaphore, #tpu.memory_space<semaphore_mem>>) src(%dma_wait3A_283 : memref<10112x128xf32, #tpu.memory_space<hbm>>) dst(%arg12 : memref<144x128xf32, #tpu.memory_space<vmem>>)
      "tpu.region"() ({
        %run_scoped3A = tpu.sem_alloc : memref<!tpu.dma_semaphore, #tpu.memory_space<semaphore_mem>>
        %dma_start3A_284 = arith.constant 0 : i32
        %dma_start3A_285 = arith.constant 0 : i32
        %dma_start3A_286 = tpu.memref_slice %arg13[%dma_start3A_284, %dma_start3A_285] : memref<10112x128xf32, #tpu.memory_space<vmem_shared>> -> memref<10112x128xf32, #tpu.memory_space<vmem_shared>>
        tpu.enqueue_indirect_dma source(%arg12 : memref<144x128xf32, #tpu.memory_space<vmem>>) target(%dma_start3A_286 : memref<10112x128xf32, #tpu.memory_space<vmem_shared>>) offsets(%arg10 : memref<144xi32, #tpu.memory_space<vmem>>) semaphore(%run_scoped3A : memref<!tpu.dma_semaphore, #tpu.memory_space<semaphore_mem>>) {add = true}
        %dma_wait3A_287 = arith.constant 0 : i32
        %dma_wait3A_288 = arith.constant 0 : i32
        %dma_wait3A_289 = tpu.memref_slice %arg13[%dma_wait3A_287, %dma_wait3A_288] : memref<10112x128xf32, #tpu.memory_space<vmem_shared>> -> memref<10112x128xf32, #tpu.memory_space<vmem_shared>>
        tpu.wait_indirect_dma semaphore(%run_scoped3A : memref<!tpu.dma_semaphore, #tpu.memory_space<semaphore_mem>>) src(%arg12 : memref<144x128xf32, #tpu.memory_space<vmem>>) dst(%dma_wait3A_289 : memref<10112x128xf32, #tpu.memory_space<vmem_shared>>)
        tpu.yield
      }) : () -> ()
    }
    %barrier3A_139 = arith.constant 0 : index
    tpu.barrier barrier_id(%barrier3A_139)
    "tpu.region"() ({
      %run_scoped3A = tpu.sem_alloc : memref<!tpu.dma_semaphore, #tpu.memory_space<semaphore_mem>>
      %dma_start3A_140 = arith.constant 0 : i32
      %dma_start3A_141 = tpu.memref_slice %arg5[%arg0, %mul3A_2, %dma_start3A_140] : memref<2x10112x128xf32, #tpu.memory_space<hbm>> -> memref<1x632x128xf32, #tpu.memory_space<hbm>>
      %dma_start3A_142 = tpu.memref_squeeze %dma_start3A_141 : memref<1x632x128xf32, #tpu.memory_space<hbm>> -> memref<632x128xf32, #tpu.memory_space<hbm>>
      %dma_start3A_143 = arith.constant 0 : i32
      %dma_start3A_144 = tpu.memref_slice %arg13[%mul3A_2, %dma_start3A_143] : memref<10112x128xf32, #tpu.memory_space<vmem_shared>> -> memref<632x128xf32, #tpu.memory_space<vmem_shared>>
      tpu.enqueue_dma source(%dma_start3A_144 : memref<632x128xf32, #tpu.memory_space<vmem_shared>>) target(%dma_start3A_142 : memref<632x128xf32, #tpu.memory_space<hbm>>) target_semaphore(%run_scoped3A : memref<!tpu.dma_semaphore, #tpu.memory_space<semaphore_mem>>)
      %dma_wait3A = arith.constant 0 : i32
      %dma_wait3A_145 = tpu.memref_slice %arg5[%arg0, %mul3A_2, %dma_wait3A] : memref<2x10112x128xf32, #tpu.memory_space<hbm>> -> memref<1x632x128xf32, #tpu.memory_space<hbm>>
      %dma_wait3A_146 = tpu.memref_squeeze %dma_wait3A_145 : memref<1x632x128xf32, #tpu.memory_space<hbm>> -> memref<632x128xf32, #tpu.memory_space<hbm>>
      %dma_wait3A_147 = arith.constant 0 : i32
      %dma_wait3A_148 = tpu.memref_slice %arg13[%mul3A_2, %dma_wait3A_147] : memref<10112x128xf32, #tpu.memory_space<vmem_shared>> -> memref<632x128xf32, #tpu.memory_space<vmem_shared>>
      tpu.wait_dma2 semaphore(%run_scoped3A : memref<!tpu.dma_semaphore, #tpu.memory_space<semaphore_mem>>) src(%dma_wait3A_148 : memref<632x128xf32, #tpu.memory_space<vmem_shared>>) dst(%dma_wait3A_146 : memref<632x128xf32, #tpu.memory_space<hbm>>)
      tpu.yield
    }) : () -> ()
    return
  }
}

#map = affine_map<(d0, d1) -> (0, 0)>
module attributes {stable_mosaic.version = 14 : i64} {
  func.func @_deg_kernel(%arg0: i32, %arg1: i32, %arg2: memref<32x10080xi32, #tpu.memory_space<hbm>>, %arg3: memref<32x10112xf32, #tpu.memory_space<hbm>>, %arg4: memref<10080xi32, #tpu.memory_space<vmem>>, %arg5: memref<10112xf32, #tpu.memory_space<vmem>>) attributes {dimension_semantics = [#tpu.dimension_semantics<core_parallel>, #tpu.dimension_semantics<subcore_parallel>], iteration_bounds = array<i64: 2, 16>, scalar_prefetch = 0 : i64, scratch_operands = 2 : i64, tpu.core_type = #tpu.core_type<sc_vector_subcore>, window_params = [{transform_indices = #map}, {transform_indices = #map}]} {
    %mul3A = arith.constant 2 : i32
    %mul3A_0 = arith.muli %arg1, %mul3A : i32
    %add3A = arith.addi %mul3A_0, %arg0 : i32
    "tpu.region"() ({
      %run_scoped3A = tpu.sem_alloc : memref<!tpu.dma_semaphore, #tpu.memory_space<semaphore_mem>>
      %dma_start3A = arith.constant 0 : i32
      %dma_start3A_15 = tpu.memref_slice %arg2[%add3A, %dma_start3A] : memref<32x10080xi32, #tpu.memory_space<hbm>> -> memref<1x10080xi32, #tpu.memory_space<hbm>>
      %dma_start3A_16 = tpu.memref_squeeze %dma_start3A_15 : memref<1x10080xi32, #tpu.memory_space<hbm>> -> memref<10080xi32, #tpu.memory_space<hbm>>
      %dma_start3A_17 = arith.constant 0 : i32
      %dma_start3A_18 = tpu.memref_slice %arg2[%add3A, %dma_start3A_17] : memref<32x10080xi32, #tpu.memory_space<hbm>> -> memref<1x10080xi32, #tpu.memory_space<hbm>>
      %dma_start3A_19 = tpu.memref_squeeze %dma_start3A_18 : memref<1x10080xi32, #tpu.memory_space<hbm>> -> memref<10080xi32, #tpu.memory_space<hbm>>
      tpu.enqueue_dma source(%dma_start3A_19 : memref<10080xi32, #tpu.memory_space<hbm>>) target(%arg4 : memref<10080xi32, #tpu.memory_space<vmem>>) target_semaphore(%run_scoped3A : memref<!tpu.dma_semaphore, #tpu.memory_space<semaphore_mem>>)
      %dma_wait3A = arith.constant 0 : i32
      %dma_wait3A_20 = tpu.memref_slice %arg2[%add3A, %dma_wait3A] : memref<32x10080xi32, #tpu.memory_space<hbm>> -> memref<1x10080xi32, #tpu.memory_space<hbm>>
      %dma_wait3A_21 = tpu.memref_squeeze %dma_wait3A_20 : memref<1x10080xi32, #tpu.memory_space<hbm>> -> memref<10080xi32, #tpu.memory_space<hbm>>
      %dma_wait3A_22 = arith.constant 0 : i32
      %dma_wait3A_23 = tpu.memref_slice %arg2[%add3A, %dma_wait3A_22] : memref<32x10080xi32, #tpu.memory_space<hbm>> -> memref<1x10080xi32, #tpu.memory_space<hbm>>
      %dma_wait3A_24 = tpu.memref_squeeze %dma_wait3A_23 : memref<1x10080xi32, #tpu.memory_space<hbm>> -> memref<10080xi32, #tpu.memory_space<hbm>>
      tpu.wait_dma2 semaphore(%run_scoped3A : memref<!tpu.dma_semaphore, #tpu.memory_space<semaphore_mem>>) src(%dma_wait3A_24 : memref<10080xi32, #tpu.memory_space<hbm>>) dst(%arg4 : memref<10080xi32, #tpu.memory_space<vmem>>)
      tpu.yield
    }) : () -> ()
    %broadcast_in_dim3A = arith.constant 0.000000e+00 : f32
    %broadcast_in_dim3A_1 = vector.broadcast %broadcast_in_dim3A : f32 to vector<16xf32>
    %scan3A = arith.constant 0 : i32
    %scan3A_2 = arith.constant 0 : i32
    %scan3A_3 = arith.constant 632 : i32
    %scan3A_4 = arith.addi %scan3A_2, %scan3A_3 : i32
    %scan3A_5 = arith.constant 1 : i32
    scf.for %scan3A_15 = %scan3A_2 to %scan3A_4 step %scan3A_5  : i32 {
      %mul3A_16 = arith.constant 16 : i32
      %mul3A_17 = arith.muli %scan3A_15, %mul3A_16 : i32
      %swap3A = arith.index_cast %mul3A_17 : i32 to index
      %swap3A_18 = tpu.vector_load %arg5[%swap3A] {strides = array<i32>} : memref<10112xf32, #tpu.memory_space<vmem>>, vector<16xf32>,
      tpu.vector_store %arg5[%swap3A], %broadcast_in_dim3A_1 {strides = array<i32>} : memref<10112xf32, #tpu.memory_space<vmem>>, vector<16xf32>,
    }
    %scan3A_6 = arith.constant 632 : i32
    %broadcast_in_dim3A_7 = arith.constant 1.000000e+00 : f32
    %broadcast_in_dim3A_8 = vector.broadcast %broadcast_in_dim3A_7 : f32 to vector<16xf32>
    %scan3A_9 = arith.constant 0 : i32
    %scan3A_10 = arith.constant 0 : i32
    %scan3A_11 = arith.constant 630 : i32
    %scan3A_12 = arith.addi %scan3A_10, %scan3A_11 : i32
    %scan3A_13 = arith.constant 1 : i32
    scf.for %scan3A_15 = %scan3A_10 to %scan3A_12 step %scan3A_13  : i32 {
      %mul3A_16 = arith.constant 16 : i32
      %mul3A_17 = arith.muli %scan3A_15, %mul3A_16 : i32
      %get3A = arith.index_cast %mul3A_17 : i32 to index
      %get3A_18 = tpu.vector_load %arg4[%get3A] {strides = array<i32>} : memref<10080xi32, #tpu.memory_space<vmem>>, vector<16xi32>,
      %shift_right_logical3A = arith.constant 16 : i32
      %shift_right_logical3A_19 = vector.broadcast %shift_right_logical3A : i32 to vector<16xi32>
      %shift_right_logical3A_20 = arith.shrui %get3A_18, %shift_right_logical3A_19 : vector<16xi32>
      tpu.vector_store_idx %arg5[%shift_right_logical3A_20], %broadcast_in_dim3A_8 {add = true} : memref<10112xf32, #tpu.memory_space<vmem>>[vector<16xi32>], vector<16xf32>,
    }
    %scan3A_14 = arith.constant 630 : i32
    "tpu.region"() ({
      %run_scoped3A = tpu.sem_alloc : memref<!tpu.dma_semaphore, #tpu.memory_space<semaphore_mem>>
      %dma_start3A = arith.constant 0 : i32
      %dma_start3A_15 = tpu.memref_slice %arg3[%add3A, %dma_start3A] : memref<32x10112xf32, #tpu.memory_space<hbm>> -> memref<1x10112xf32, #tpu.memory_space<hbm>>
      %dma_start3A_16 = tpu.memref_squeeze %dma_start3A_15 : memref<1x10112xf32, #tpu.memory_space<hbm>> -> memref<10112xf32, #tpu.memory_space<hbm>>
      %dma_start3A_17 = arith.constant 0 : i32
      %dma_start3A_18 = tpu.memref_slice %arg3[%add3A, %dma_start3A_17] : memref<32x10112xf32, #tpu.memory_space<hbm>> -> memref<1x10112xf32, #tpu.memory_space<hbm>>
      %dma_start3A_19 = tpu.memref_squeeze %dma_start3A_18 : memref<1x10112xf32, #tpu.memory_space<hbm>> -> memref<10112xf32, #tpu.memory_space<hbm>>
      tpu.enqueue_dma source(%arg5 : memref<10112xf32, #tpu.memory_space<vmem>>) target(%dma_start3A_19 : memref<10112xf32, #tpu.memory_space<hbm>>) target_semaphore(%run_scoped3A : memref<!tpu.dma_semaphore, #tpu.memory_space<semaphore_mem>>)
      %dma_wait3A = arith.constant 0 : i32
      %dma_wait3A_20 = tpu.memref_slice %arg3[%add3A, %dma_wait3A] : memref<32x10112xf32, #tpu.memory_space<hbm>> -> memref<1x10112xf32, #tpu.memory_space<hbm>>
      %dma_wait3A_21 = tpu.memref_squeeze %dma_wait3A_20 : memref<1x10112xf32, #tpu.memory_space<hbm>> -> memref<10112xf32, #tpu.memory_space<hbm>>
      %dma_wait3A_22 = arith.constant 0 : i32
      %dma_wait3A_23 = tpu.memref_slice %arg3[%add3A, %dma_wait3A_22] : memref<32x10112xf32, #tpu.memory_space<hbm>> -> memref<1x10112xf32, #tpu.memory_space<hbm>>
      %dma_wait3A_24 = tpu.memref_squeeze %dma_wait3A_23 : memref<1x10112xf32, #tpu.memory_space<hbm>> -> memref<10112xf32, #tpu.memory_space<hbm>>
      tpu.wait_dma2 semaphore(%run_scoped3A : memref<!tpu.dma_semaphore, #tpu.memory_space<semaphore_mem>>) src(%arg5 : memref<10112xf32, #tpu.memory_space<vmem>>) dst(%dma_wait3A_24 : memref<10112xf32, #tpu.memory_space<hbm>>)
      tpu.yield
    }) : () -> ()
    return
  }
}

#map = affine_map<(d0, d1) -> (0, 0)>
module attributes {stable_mosaic.version = 14 : i64} {
  func.func @_pool_kernel(%arg0: i32, %arg1: i32, %arg2: memref<32x40448xf32, #tpu.memory_space<hbm>>, %arg3: memref<32x336xi32, #tpu.memory_space<hbm>>, %arg4: memref<32x17408xf32, #tpu.memory_space<hbm>>, %arg5: memref<32x17408xf32, #tpu.memory_space<hbm>>, %arg6: memref<40448xf32, #tpu.memory_space<vmem>>, %arg7: memref<336xi32, #tpu.memory_space<vmem>>, %arg8: memref<17408xf32, #tpu.memory_space<vmem>>, %arg9: memref<17408xf32, #tpu.memory_space<vmem>>) attributes {dimension_semantics = [#tpu.dimension_semantics<core_parallel>, #tpu.dimension_semantics<subcore_parallel>], iteration_bounds = array<i64: 2, 16>, scalar_prefetch = 0 : i64, scratch_operands = 4 : i64, tpu.core_type = #tpu.core_type<sc_vector_subcore>, window_params = [{transform_indices = #map}, {transform_indices = #map}, {transform_indices = #map}, {transform_indices = #map}]} {
    %mul3A = arith.constant 2 : i32
    %mul3A_0 = arith.muli %arg1, %mul3A : i32
    %add3A = arith.addi %mul3A_0, %arg0 : i32
    "tpu.region"() ({
      %run_scoped3A = tpu.sem_alloc : memref<!tpu.dma_semaphore, #tpu.memory_space<semaphore_mem>>
      %dma_start3A = arith.constant 0 : i32
      %dma_start3A_15 = tpu.memref_slice %arg2[%add3A, %dma_start3A] : memref<32x40448xf32, #tpu.memory_space<hbm>> -> memref<1x40448xf32, #tpu.memory_space<hbm>>
      %dma_start3A_16 = tpu.memref_squeeze %dma_start3A_15 : memref<1x40448xf32, #tpu.memory_space<hbm>> -> memref<40448xf32, #tpu.memory_space<hbm>>
      %dma_start3A_17 = arith.constant 0 : i32
      %dma_start3A_18 = tpu.memref_slice %arg2[%add3A, %dma_start3A_17] : memref<32x40448xf32, #tpu.memory_space<hbm>> -> memref<1x40448xf32, #tpu.memory_space<hbm>>
      %dma_start3A_19 = tpu.memref_squeeze %dma_start3A_18 : memref<1x40448xf32, #tpu.memory_space<hbm>> -> memref<40448xf32, #tpu.memory_space<hbm>>
      tpu.enqueue_dma source(%dma_start3A_19 : memref<40448xf32, #tpu.memory_space<hbm>>) target(%arg6 : memref<40448xf32, #tpu.memory_space<vmem>>) target_semaphore(%run_scoped3A : memref<!tpu.dma_semaphore, #tpu.memory_space<semaphore_mem>>)
      %dma_wait3A = arith.constant 0 : i32
      %dma_wait3A_20 = tpu.memref_slice %arg2[%add3A, %dma_wait3A] : memref<32x40448xf32, #tpu.memory_space<hbm>> -> memref<1x40448xf32, #tpu.memory_space<hbm>>
      %dma_wait3A_21 = tpu.memref_squeeze %dma_wait3A_20 : memref<1x40448xf32, #tpu.memory_space<hbm>> -> memref<40448xf32, #tpu.memory_space<hbm>>
      %dma_wait3A_22 = arith.constant 0 : i32
      %dma_wait3A_23 = tpu.memref_slice %arg2[%add3A, %dma_wait3A_22] : memref<32x40448xf32, #tpu.memory_space<hbm>> -> memref<1x40448xf32, #tpu.memory_space<hbm>>
      %dma_wait3A_24 = tpu.memref_squeeze %dma_wait3A_23 : memref<1x40448xf32, #tpu.memory_space<hbm>> -> memref<40448xf32, #tpu.memory_space<hbm>>
      tpu.wait_dma2 semaphore(%run_scoped3A : memref<!tpu.dma_semaphore, #tpu.memory_space<semaphore_mem>>) src(%dma_wait3A_24 : memref<40448xf32, #tpu.memory_space<hbm>>) dst(%arg6 : memref<40448xf32, #tpu.memory_space<vmem>>)
      tpu.yield
    }) : () -> ()
    "tpu.region"() ({
      %run_scoped3A = tpu.sem_alloc : memref<!tpu.dma_semaphore, #tpu.memory_space<semaphore_mem>>
      %dma_start3A = arith.constant 0 : i32
      %dma_start3A_15 = tpu.memref_slice %arg3[%add3A, %dma_start3A] : memref<32x336xi32, #tpu.memory_space<hbm>> -> memref<1x336xi32, #tpu.memory_space<hbm>>
      %dma_start3A_16 = tpu.memref_squeeze %dma_start3A_15 : memref<1x336xi32, #tpu.memory_space<hbm>> -> memref<336xi32, #tpu.memory_space<hbm>>
      %dma_start3A_17 = arith.constant 0 : i32
      %dma_start3A_18 = tpu.memref_slice %arg3[%add3A, %dma_start3A_17] : memref<32x336xi32, #tpu.memory_space<hbm>> -> memref<1x336xi32, #tpu.memory_space<hbm>>
      %dma_start3A_19 = tpu.memref_squeeze %dma_start3A_18 : memref<1x336xi32, #tpu.memory_space<hbm>> -> memref<336xi32, #tpu.memory_space<hbm>>
      tpu.enqueue_dma source(%dma_start3A_19 : memref<336xi32, #tpu.memory_space<hbm>>) target(%arg7 : memref<336xi32, #tpu.memory_space<vmem>>) target_semaphore(%run_scoped3A : memref<!tpu.dma_semaphore, #tpu.memory_space<semaphore_mem>>)
      %dma_wait3A = arith.constant 0 : i32
      %dma_wait3A_20 = tpu.memref_slice %arg3[%add3A, %dma_wait3A] : memref<32x336xi32, #tpu.memory_space<hbm>> -> memref<1x336xi32, #tpu.memory_space<hbm>>
      %dma_wait3A_21 = tpu.memref_squeeze %dma_wait3A_20 : memref<1x336xi32, #tpu.memory_space<hbm>> -> memref<336xi32, #tpu.memory_space<hbm>>
      %dma_wait3A_22 = arith.constant 0 : i32
      %dma_wait3A_23 = tpu.memref_slice %arg3[%add3A, %dma_wait3A_22] : memref<32x336xi32, #tpu.memory_space<hbm>> -> memref<1x336xi32, #tpu.memory_space<hbm>>
      %dma_wait3A_24 = tpu.memref_squeeze %dma_wait3A_23 : memref<1x336xi32, #tpu.memory_space<hbm>> -> memref<336xi32, #tpu.memory_space<hbm>>
      tpu.wait_dma2 semaphore(%run_scoped3A : memref<!tpu.dma_semaphore, #tpu.memory_space<semaphore_mem>>) src(%dma_wait3A_24 : memref<336xi32, #tpu.memory_space<hbm>>) dst(%arg7 : memref<336xi32, #tpu.memory_space<vmem>>)
      tpu.yield
    }) : () -> ()
    %broadcast_in_dim3A = arith.constant 0xFF800000 : f32
    %broadcast_in_dim3A_1 = vector.broadcast %broadcast_in_dim3A : f32 to vector<16xf32>
    %broadcast_in_dim3A_2 = arith.constant 0.000000e+00 : f32
    %broadcast_in_dim3A_3 = vector.broadcast %broadcast_in_dim3A_2 : f32 to vector<16xf32>
    %scan3A = arith.constant 0 : i32
    %scan3A_4 = arith.constant 0 : i32
    %scan3A_5 = arith.constant 1088 : i32
    %scan3A_6 = arith.addi %scan3A_4, %scan3A_5 : i32
    %scan3A_7 = arith.constant 1 : i32
    scf.for %scan3A_15 = %scan3A_4 to %scan3A_6 step %scan3A_7  : i32 {
      %mul3A_16 = arith.constant 16 : i32
      %mul3A_17 = arith.muli %scan3A_15, %mul3A_16 : i32
      %swap3A = arith.index_cast %mul3A_17 : i32 to index
      %swap3A_18 = tpu.vector_load %arg8[%swap3A] {strides = array<i32>} : memref<17408xf32, #tpu.memory_space<vmem>>, vector<16xf32>,
      tpu.vector_store %arg8[%swap3A], %broadcast_in_dim3A_1 {strides = array<i32>} : memref<17408xf32, #tpu.memory_space<vmem>>, vector<16xf32>,
      %mul3A_19 = arith.constant 16 : i32
      %mul3A_20 = arith.muli %scan3A_15, %mul3A_19 : i32
      %swap3A_21 = arith.index_cast %mul3A_20 : i32 to index
      %swap3A_22 = tpu.vector_load %arg9[%swap3A_21] {strides = array<i32>} : memref<17408xf32, #tpu.memory_space<vmem>>, vector<16xf32>,
      tpu.vector_store %arg9[%swap3A_21], %broadcast_in_dim3A_3 {strides = array<i32>} : memref<17408xf32, #tpu.memory_space<vmem>>, vector<16xf32>,
    }
    %scan3A_8 = arith.constant 1088 : i32
    %scan3A_9 = arith.constant 0 : i32
    %scan3A_10 = arith.constant 0 : i32
    %scan3A_11 = arith.constant 316 : i32
    %scan3A_12 = arith.addi %scan3A_10, %scan3A_11 : i32
    %scan3A_13 = arith.constant 1 : i32
    scf.for %scan3A_15 = %scan3A_10 to %scan3A_12 step %scan3A_13  : i32 {
      %get3A = arith.index_cast %scan3A_15 : i32 to index
      %get3A_16 = tpu.vector_load %arg7[%get3A] {strides = array<i32>} : memref<336xi32, #tpu.memory_space<vmem>>, vector<16xi32>,
      %slice3A = vector.extract_strided_slice %get3A_16 {offsets = [0], sizes = [1], strides = [1]} : vector<16xi32> to vector<1xi32>
      %squeeze3A = vector.extract %slice3A[0] : i32 from vector<1xi32>
      %mul3A_17 = arith.constant 128 : i32
      %mul3A_18 = arith.muli %squeeze3A, %mul3A_17 : i32
      %mul3A_19 = arith.constant 128 : i32
      %mul3A_20 = arith.muli %scan3A_15, %mul3A_19 : i32
      %add3A_21 = arith.constant 0 : i32
      %add3A_22 = arith.addi %mul3A_20, %add3A_21 : i32
      %get3A_23 = arith.index_cast %add3A_22 : i32 to index
      %get3A_24 = tpu.vector_load %arg6[%get3A_23] {strides = array<i32>} : memref<40448xf32, #tpu.memory_space<vmem>>, vector<16xf32>,
      %add3A_25 = arith.constant 0 : i32
      %add3A_26 = arith.addi %mul3A_18, %add3A_25 : i32
      %get3A_27 = arith.index_cast %add3A_26 : i32 to index
      %get3A_28 = tpu.vector_load %arg8[%get3A_27] {strides = array<i32>} : memref<17408xf32, #tpu.memory_space<vmem>>, vector<16xf32>,
      %max3A = arith.maximumf %get3A_28, %get3A_24 : vector<16xf32>
      %add3A_29 = arith.constant 0 : i32
      %add3A_30 = arith.addi %mul3A_18, %add3A_29 : i32
      %swap3A = arith.index_cast %add3A_30 : i32 to index
      %swap3A_31 = tpu.vector_load %arg8[%swap3A] {strides = array<i32>} : memref<17408xf32, #tpu.memory_space<vmem>>, vector<16xf32>,
      tpu.vector_store %arg8[%swap3A], %max3A {strides = array<i32>} : memref<17408xf32, #tpu.memory_space<vmem>>, vector<16xf32>,
      %add3A_32 = arith.constant 0 : i32
      %add3A_33 = arith.addi %mul3A_18, %add3A_32 : i32
      %get3A_34 = arith.index_cast %add3A_33 : i32 to index
      %get3A_35 = tpu.vector_load %arg9[%get3A_34] {strides = array<i32>} : memref<17408xf32, #tpu.memory_space<vmem>>, vector<16xf32>,
      %add3A_36 = arith.addf %get3A_35, %get3A_24 : vector<16xf32>
      %add3A_37 = arith.constant 0 : i32
      %add3A_38 = arith.addi %mul3A_18, %add3A_37 : i32
      %swap3A_39 = arith.index_cast %add3A_38 : i32 to index
      %swap3A_40 = tpu.vector_load %arg9[%swap3A_39] {strides = array<i32>} : memref<17408xf32, #tpu.memory_space<vmem>>, vector<16xf32>,
      tpu.vector_store %arg9[%swap3A_39], %add3A_36 {strides = array<i32>} : memref<17408xf32, #tpu.memory_space<vmem>>, vector<16xf32>,
      %add3A_41 = arith.constant 16 : i32
      %add3A_42 = arith.addi %mul3A_20, %add3A_41 : i32
      %get3A_43 = arith.index_cast %add3A_42 : i32 to index
      %get3A_44 = tpu.vector_load %arg6[%get3A_43] {strides = array<i32>} : memref<40448xf32, #tpu.memory_space<vmem>>, vector<16xf32>,
      %add3A_45 = arith.constant 16 : i32
      %add3A_46 = arith.addi %mul3A_18, %add3A_45 : i32
      %get3A_47 = arith.index_cast %add3A_46 : i32 to index
      %get3A_48 = tpu.vector_load %arg8[%get3A_47] {strides = array<i32>} : memref<17408xf32, #tpu.memory_space<vmem>>, vector<16xf32>,
      %max3A_49 = arith.maximumf %get3A_48, %get3A_44 : vector<16xf32>
      %add3A_50 = arith.constant 16 : i32
      %add3A_51 = arith.addi %mul3A_18, %add3A_50 : i32
      %swap3A_52 = arith.index_cast %add3A_51 : i32 to index
      %swap3A_53 = tpu.vector_load %arg8[%swap3A_52] {strides = array<i32>} : memref<17408xf32, #tpu.memory_space<vmem>>, vector<16xf32>,
      tpu.vector_store %arg8[%swap3A_52], %max3A_49 {strides = array<i32>} : memref<17408xf32, #tpu.memory_space<vmem>>, vector<16xf32>,
      %add3A_54 = arith.constant 16 : i32
      %add3A_55 = arith.addi %mul3A_18, %add3A_54 : i32
      %get3A_56 = arith.index_cast %add3A_55 : i32 to index
      %get3A_57 = tpu.vector_load %arg9[%get3A_56] {strides = array<i32>} : memref<17408xf32, #tpu.memory_space<vmem>>, vector<16xf32>,
      %add3A_58 = arith.addf %get3A_57, %get3A_44 : vector<16xf32>
      %add3A_59 = arith.constant 16 : i32
      %add3A_60 = arith.addi %mul3A_18, %add3A_59 : i32
      %swap3A_61 = arith.index_cast %add3A_60 : i32 to index
      %swap3A_62 = tpu.vector_load %arg9[%swap3A_61] {strides = array<i32>} : memref<17408xf32, #tpu.memory_space<vmem>>, vector<16xf32>,
      tpu.vector_store %arg9[%swap3A_61], %add3A_58 {strides = array<i32>} : memref<17408xf32, #tpu.memory_space<vmem>>, vector<16xf32>,
      %add3A_63 = arith.constant 32 : i32
      %add3A_64 = arith.addi %mul3A_20, %add3A_63 : i32
      %get3A_65 = arith.index_cast %add3A_64 : i32 to index
      %get3A_66 = tpu.vector_load %arg6[%get3A_65] {strides = array<i32>} : memref<40448xf32, #tpu.memory_space<vmem>>, vector<16xf32>,
      %add3A_67 = arith.constant 32 : i32
      %add3A_68 = arith.addi %mul3A_18, %add3A_67 : i32
      %get3A_69 = arith.index_cast %add3A_68 : i32 to index
      %get3A_70 = tpu.vector_load %arg8[%get3A_69] {strides = array<i32>} : memref<17408xf32, #tpu.memory_space<vmem>>, vector<16xf32>,
      %max3A_71 = arith.maximumf %get3A_70, %get3A_66 : vector<16xf32>
      %add3A_72 = arith.constant 32 : i32
      %add3A_73 = arith.addi %mul3A_18, %add3A_72 : i32
      %swap3A_74 = arith.index_cast %add3A_73 : i32 to index
      %swap3A_75 = tpu.vector_load %arg8[%swap3A_74] {strides = array<i32>} : memref<17408xf32, #tpu.memory_space<vmem>>, vector<16xf32>,
      tpu.vector_store %arg8[%swap3A_74], %max3A_71 {strides = array<i32>} : memref<17408xf32, #tpu.memory_space<vmem>>, vector<16xf32>,
      %add3A_76 = arith.constant 32 : i32
      %add3A_77 = arith.addi %mul3A_18, %add3A_76 : i32
      %get3A_78 = arith.index_cast %add3A_77 : i32 to index
      %get3A_79 = tpu.vector_load %arg9[%get3A_78] {strides = array<i32>} : memref<17408xf32, #tpu.memory_space<vmem>>, vector<16xf32>,
      %add3A_80 = arith.addf %get3A_79, %get3A_66 : vector<16xf32>
      %add3A_81 = arith.constant 32 : i32
      %add3A_82 = arith.addi %mul3A_18, %add3A_81 : i32
      %swap3A_83 = arith.index_cast %add3A_82 : i32 to index
      %swap3A_84 = tpu.vector_load %arg9[%swap3A_83] {strides = array<i32>} : memref<17408xf32, #tpu.memory_space<vmem>>, vector<16xf32>,
      tpu.vector_store %arg9[%swap3A_83], %add3A_80 {strides = array<i32>} : memref<17408xf32, #tpu.memory_space<vmem>>, vector<16xf32>,
      %add3A_85 = arith.constant 48 : i32
      %add3A_86 = arith.addi %mul3A_20, %add3A_85 : i32
      %get3A_87 = arith.index_cast %add3A_86 : i32 to index
      %get3A_88 = tpu.vector_load %arg6[%get3A_87] {strides = array<i32>} : memref<40448xf32, #tpu.memory_space<vmem>>, vector<16xf32>,
      %add3A_89 = arith.constant 48 : i32
      %add3A_90 = arith.addi %mul3A_18, %add3A_89 : i32
      %get3A_91 = arith.index_cast %add3A_90 : i32 to index
      %get3A_92 = tpu.vector_load %arg8[%get3A_91] {strides = array<i32>} : memref<17408xf32, #tpu.memory_space<vmem>>, vector<16xf32>,
      %max3A_93 = arith.maximumf %get3A_92, %get3A_88 : vector<16xf32>
      %add3A_94 = arith.constant 48 : i32
      %add3A_95 = arith.addi %mul3A_18, %add3A_94 : i32
      %swap3A_96 = arith.index_cast %add3A_95 : i32 to index
      %swap3A_97 = tpu.vector_load %arg8[%swap3A_96] {strides = array<i32>} : memref<17408xf32, #tpu.memory_space<vmem>>, vector<16xf32>,
      tpu.vector_store %arg8[%swap3A_96], %max3A_93 {strides = array<i32>} : memref<17408xf32, #tpu.memory_space<vmem>>, vector<16xf32>,
      %add3A_98 = arith.constant 48 : i32
      %add3A_99 = arith.addi %mul3A_18, %add3A_98 : i32
      %get3A_100 = arith.index_cast %add3A_99 : i32 to index
      %get3A_101 = tpu.vector_load %arg9[%get3A_100] {strides = array<i32>} : memref<17408xf32, #tpu.memory_space<vmem>>, vector<16xf32>,
      %add3A_102 = arith.addf %get3A_101, %get3A_88 : vector<16xf32>
      %add3A_103 = arith.constant 48 : i32
      %add3A_104 = arith.addi %mul3A_18, %add3A_103 : i32
      %swap3A_105 = arith.index_cast %add3A_104 : i32 to index
      %swap3A_106 = tpu.vector_load %arg9[%swap3A_105] {strides = array<i32>} : memref<17408xf32, #tpu.memory_space<vmem>>, vector<16xf32>,
      tpu.vector_store %arg9[%swap3A_105], %add3A_102 {strides = array<i32>} : memref<17408xf32, #tpu.memory_space<vmem>>, vector<16xf32>,
      %add3A_107 = arith.constant 64 : i32
      %add3A_108 = arith.addi %mul3A_20, %add3A_107 : i32
      %get3A_109 = arith.index_cast %add3A_108 : i32 to index
      %get3A_110 = tpu.vector_load %arg6[%get3A_109] {strides = array<i32>} : memref<40448xf32, #tpu.memory_space<vmem>>, vector<16xf32>,
      %add3A_111 = arith.constant 64 : i32
      %add3A_112 = arith.addi %mul3A_18, %add3A_111 : i32
      %get3A_113 = arith.index_cast %add3A_112 : i32 to index
      %get3A_114 = tpu.vector_load %arg8[%get3A_113] {strides = array<i32>} : memref<17408xf32, #tpu.memory_space<vmem>>, vector<16xf32>,
      %max3A_115 = arith.maximumf %get3A_114, %get3A_110 : vector<16xf32>
      %add3A_116 = arith.constant 64 : i32
      %add3A_117 = arith.addi %mul3A_18, %add3A_116 : i32
      %swap3A_118 = arith.index_cast %add3A_117 : i32 to index
      %swap3A_119 = tpu.vector_load %arg8[%swap3A_118] {strides = array<i32>} : memref<17408xf32, #tpu.memory_space<vmem>>, vector<16xf32>,
      tpu.vector_store %arg8[%swap3A_118], %max3A_115 {strides = array<i32>} : memref<17408xf32, #tpu.memory_space<vmem>>, vector<16xf32>,
      %add3A_120 = arith.constant 64 : i32
      %add3A_121 = arith.addi %mul3A_18, %add3A_120 : i32
      %get3A_122 = arith.index_cast %add3A_121 : i32 to index
      %get3A_123 = tpu.vector_load %arg9[%get3A_122] {strides = array<i32>} : memref<17408xf32, #tpu.memory_space<vmem>>, vector<16xf32>,
      %add3A_124 = arith.addf %get3A_123, %get3A_110 : vector<16xf32>
      %add3A_125 = arith.constant 64 : i32
      %add3A_126 = arith.addi %mul3A_18, %add3A_125 : i32
      %swap3A_127 = arith.index_cast %add3A_126 : i32 to index
      %swap3A_128 = tpu.vector_load %arg9[%swap3A_127] {strides = array<i32>} : memref<17408xf32, #tpu.memory_space<vmem>>, vector<16xf32>,
      tpu.vector_store %arg9[%swap3A_127], %add3A_124 {strides = array<i32>} : memref<17408xf32, #tpu.memory_space<vmem>>, vector<16xf32>,
      %add3A_129 = arith.constant 80 : i32
      %add3A_130 = arith.addi %mul3A_20, %add3A_129 : i32
      %get3A_131 = arith.index_cast %add3A_130 : i32 to index
      %get3A_132 = tpu.vector_load %arg6[%get3A_131] {strides = array<i32>} : memref<40448xf32, #tpu.memory_space<vmem>>, vector<16xf32>,
      %add3A_133 = arith.constant 80 : i32
      %add3A_134 = arith.addi %mul3A_18, %add3A_133 : i32
      %get3A_135 = arith.index_cast %add3A_134 : i32 to index
      %get3A_136 = tpu.vector_load %arg8[%get3A_135] {strides = array<i32>} : memref<17408xf32, #tpu.memory_space<vmem>>, vector<16xf32>,
      %max3A_137 = arith.maximumf %get3A_136, %get3A_132 : vector<16xf32>
      %add3A_138 = arith.constant 80 : i32
      %add3A_139 = arith.addi %mul3A_18, %add3A_138 : i32
      %swap3A_140 = arith.index_cast %add3A_139 : i32 to index
      %swap3A_141 = tpu.vector_load %arg8[%swap3A_140] {strides = array<i32>} : memref<17408xf32, #tpu.memory_space<vmem>>, vector<16xf32>,
      tpu.vector_store %arg8[%swap3A_140], %max3A_137 {strides = array<i32>} : memref<17408xf32, #tpu.memory_space<vmem>>, vector<16xf32>,
      %add3A_142 = arith.constant 80 : i32
      %add3A_143 = arith.addi %mul3A_18, %add3A_142 : i32
      %get3A_144 = arith.index_cast %add3A_143 : i32 to index
      %get3A_145 = tpu.vector_load %arg9[%get3A_144] {strides = array<i32>} : memref<17408xf32, #tpu.memory_space<vmem>>, vector<16xf32>,
      %add3A_146 = arith.addf %get3A_145, %get3A_132 : vector<16xf32>
      %add3A_147 = arith.constant 80 : i32
      %add3A_148 = arith.addi %mul3A_18, %add3A_147 : i32
      %swap3A_149 = arith.index_cast %add3A_148 : i32 to index
      %swap3A_150 = tpu.vector_load %arg9[%swap3A_149] {strides = array<i32>} : memref<17408xf32, #tpu.memory_space<vmem>>, vector<16xf32>,
      tpu.vector_store %arg9[%swap3A_149], %add3A_146 {strides = array<i32>} : memref<17408xf32, #tpu.memory_space<vmem>>, vector<16xf32>,
      %add3A_151 = arith.constant 96 : i32
      %add3A_152 = arith.addi %mul3A_20, %add3A_151 : i32
      %get3A_153 = arith.index_cast %add3A_152 : i32 to index
      %get3A_154 = tpu.vector_load %arg6[%get3A_153] {strides = array<i32>} : memref<40448xf32, #tpu.memory_space<vmem>>, vector<16xf32>,
      %add3A_155 = arith.constant 96 : i32
      %add3A_156 = arith.addi %mul3A_18, %add3A_155 : i32
      %get3A_157 = arith.index_cast %add3A_156 : i32 to index
      %get3A_158 = tpu.vector_load %arg8[%get3A_157] {strides = array<i32>} : memref<17408xf32, #tpu.memory_space<vmem>>, vector<16xf32>,
      %max3A_159 = arith.maximumf %get3A_158, %get3A_154 : vector<16xf32>
      %add3A_160 = arith.constant 96 : i32
      %add3A_161 = arith.addi %mul3A_18, %add3A_160 : i32
      %swap3A_162 = arith.index_cast %add3A_161 : i32 to index
      %swap3A_163 = tpu.vector_load %arg8[%swap3A_162] {strides = array<i32>} : memref<17408xf32, #tpu.memory_space<vmem>>, vector<16xf32>,
      tpu.vector_store %arg8[%swap3A_162], %max3A_159 {strides = array<i32>} : memref<17408xf32, #tpu.memory_space<vmem>>, vector<16xf32>,
      %add3A_164 = arith.constant 96 : i32
      %add3A_165 = arith.addi %mul3A_18, %add3A_164 : i32
      %get3A_166 = arith.index_cast %add3A_165 : i32 to index
      %get3A_167 = tpu.vector_load %arg9[%get3A_166] {strides = array<i32>} : memref<17408xf32, #tpu.memory_space<vmem>>, vector<16xf32>,
      %add3A_168 = arith.addf %get3A_167, %get3A_154 : vector<16xf32>
      %add3A_169 = arith.constant 96 : i32
      %add3A_170 = arith.addi %mul3A_18, %add3A_169 : i32
      %swap3A_171 = arith.index_cast %add3A_170 : i32 to index
      %swap3A_172 = tpu.vector_load %arg9[%swap3A_171] {strides = array<i32>} : memref<17408xf32, #tpu.memory_space<vmem>>, vector<16xf32>,
      tpu.vector_store %arg9[%swap3A_171], %add3A_168 {strides = array<i32>} : memref<17408xf32, #tpu.memory_space<vmem>>, vector<16xf32>,
      %add3A_173 = arith.constant 112 : i32
      %add3A_174 = arith.addi %mul3A_20, %add3A_173 : i32
      %get3A_175 = arith.index_cast %add3A_174 : i32 to index
      %get3A_176 = tpu.vector_load %arg6[%get3A_175] {strides = array<i32>} : memref<40448xf32, #tpu.memory_space<vmem>>, vector<16xf32>,
      %add3A_177 = arith.constant 112 : i32
      %add3A_178 = arith.addi %mul3A_18, %add3A_177 : i32
      %get3A_179 = arith.index_cast %add3A_178 : i32 to index
      %get3A_180 = tpu.vector_load %arg8[%get3A_179] {strides = array<i32>} : memref<17408xf32, #tpu.memory_space<vmem>>, vector<16xf32>,
      %max3A_181 = arith.maximumf %get3A_180, %get3A_176 : vector<16xf32>
      %add3A_182 = arith.constant 112 : i32
      %add3A_183 = arith.addi %mul3A_18, %add3A_182 : i32
      %swap3A_184 = arith.index_cast %add3A_183 : i32 to index
      %swap3A_185 = tpu.vector_load %arg8[%swap3A_184] {strides = array<i32>} : memref<17408xf32, #tpu.memory_space<vmem>>, vector<16xf32>,
      tpu.vector_store %arg8[%swap3A_184], %max3A_181 {strides = array<i32>} : memref<17408xf32, #tpu.memory_space<vmem>>, vector<16xf32>,
      %add3A_186 = arith.constant 112 : i32
      %add3A_187 = arith.addi %mul3A_18, %add3A_186 : i32
      %get3A_188 = arith.index_cast %add3A_187 : i32 to index
      %get3A_189 = tpu.vector_load %arg9[%get3A_188] {strides = array<i32>} : memref<17408xf32, #tpu.memory_space<vmem>>, vector<16xf32>,
      %add3A_190 = arith.addf %get3A_189, %get3A_176 : vector<16xf32>
      %add3A_191 = arith.constant 112 : i32
      %add3A_192 = arith.addi %mul3A_18, %add3A_191 : i32
      %swap3A_193 = arith.index_cast %add3A_192 : i32 to index
      %swap3A_194 = tpu.vector_load %arg9[%swap3A_193] {strides = array<i32>} : memref<17408xf32, #tpu.memory_space<vmem>>, vector<16xf32>,
      tpu.vector_store %arg9[%swap3A_193], %add3A_190 {strides = array<i32>} : memref<17408xf32, #tpu.memory_space<vmem>>, vector<16xf32>,
    }
    %scan3A_14 = arith.constant 316 : i32
    "tpu.region"() ({
      %run_scoped3A = tpu.sem_alloc : memref<!tpu.dma_semaphore, #tpu.memory_space<semaphore_mem>>
      %dma_start3A = arith.constant 0 : i32
      %dma_start3A_15 = tpu.memref_slice %arg4[%add3A, %dma_start3A] : memref<32x17408xf32, #tpu.memory_space<hbm>> -> memref<1x17408xf32, #tpu.memory_space<hbm>>
      %dma_start3A_16 = tpu.memref_squeeze %dma_start3A_15 : memref<1x17408xf32, #tpu.memory_space<hbm>> -> memref<17408xf32, #tpu.memory_space<hbm>>
      %dma_start3A_17 = arith.constant 0 : i32
      %dma_start3A_18 = tpu.memref_slice %arg4[%add3A, %dma_start3A_17] : memref<32x17408xf32, #tpu.memory_space<hbm>> -> memref<1x17408xf32, #tpu.memory_space<hbm>>
      %dma_start3A_19 = tpu.memref_squeeze %dma_start3A_18 : memref<1x17408xf32, #tpu.memory_space<hbm>> -> memref<17408xf32, #tpu.memory_space<hbm>>
      tpu.enqueue_dma source(%arg8 : memref<17408xf32, #tpu.memory_space<vmem>>) target(%dma_start3A_19 : memref<17408xf32, #tpu.memory_space<hbm>>) target_semaphore(%run_scoped3A : memref<!tpu.dma_semaphore, #tpu.memory_space<semaphore_mem>>)
      %dma_wait3A = arith.constant 0 : i32
      %dma_wait3A_20 = tpu.memref_slice %arg4[%add3A, %dma_wait3A] : memref<32x17408xf32, #tpu.memory_space<hbm>> -> memref<1x17408xf32, #tpu.memory_space<hbm>>
      %dma_wait3A_21 = tpu.memref_squeeze %dma_wait3A_20 : memref<1x17408xf32, #tpu.memory_space<hbm>> -> memref<17408xf32, #tpu.memory_space<hbm>>
      %dma_wait3A_22 = arith.constant 0 : i32
      %dma_wait3A_23 = tpu.memref_slice %arg4[%add3A, %dma_wait3A_22] : memref<32x17408xf32, #tpu.memory_space<hbm>> -> memref<1x17408xf32, #tpu.memory_space<hbm>>
      %dma_wait3A_24 = tpu.memref_squeeze %dma_wait3A_23 : memref<1x17408xf32, #tpu.memory_space<hbm>> -> memref<17408xf32, #tpu.memory_space<hbm>>
      tpu.wait_dma2 semaphore(%run_scoped3A : memref<!tpu.dma_semaphore, #tpu.memory_space<semaphore_mem>>) src(%arg8 : memref<17408xf32, #tpu.memory_space<vmem>>) dst(%dma_wait3A_24 : memref<17408xf32, #tpu.memory_space<hbm>>)
      tpu.yield
    }) : () -> ()
    "tpu.region"() ({
      %run_scoped3A = tpu.sem_alloc : memref<!tpu.dma_semaphore, #tpu.memory_space<semaphore_mem>>
      %dma_start3A = arith.constant 0 : i32
      %dma_start3A_15 = tpu.memref_slice %arg5[%add3A, %dma_start3A] : memref<32x17408xf32, #tpu.memory_space<hbm>> -> memref<1x17408xf32, #tpu.memory_space<hbm>>
      %dma_start3A_16 = tpu.memref_squeeze %dma_start3A_15 : memref<1x17408xf32, #tpu.memory_space<hbm>> -> memref<17408xf32, #tpu.memory_space<hbm>>
      %dma_start3A_17 = arith.constant 0 : i32
      %dma_start3A_18 = tpu.memref_slice %arg5[%add3A, %dma_start3A_17] : memref<32x17408xf32, #tpu.memory_space<hbm>> -> memref<1x17408xf32, #tpu.memory_space<hbm>>
      %dma_start3A_19 = tpu.memref_squeeze %dma_start3A_18 : memref<1x17408xf32, #tpu.memory_space<hbm>> -> memref<17408xf32, #tpu.memory_space<hbm>>
      tpu.enqueue_dma source(%arg9 : memref<17408xf32, #tpu.memory_space<vmem>>) target(%dma_start3A_19 : memref<17408xf32, #tpu.memory_space<hbm>>) target_semaphore(%run_scoped3A : memref<!tpu.dma_semaphore, #tpu.memory_space<semaphore_mem>>)
      %dma_wait3A = arith.constant 0 : i32
      %dma_wait3A_20 = tpu.memref_slice %arg5[%add3A, %dma_wait3A] : memref<32x17408xf32, #tpu.memory_space<hbm>> -> memref<1x17408xf32, #tpu.memory_space<hbm>>
      %dma_wait3A_21 = tpu.memref_squeeze %dma_wait3A_20 : memref<1x17408xf32, #tpu.memory_space<hbm>> -> memref<17408xf32, #tpu.memory_space<hbm>>
      %dma_wait3A_22 = arith.constant 0 : i32
      %dma_wait3A_23 = tpu.memref_slice %arg5[%add3A, %dma_wait3A_22] : memref<32x17408xf32, #tpu.memory_space<hbm>> -> memref<1x17408xf32, #tpu.memory_space<hbm>>
      %dma_wait3A_24 = tpu.memref_squeeze %dma_wait3A_23 : memref<1x17408xf32, #tpu.memory_space<hbm>> -> memref<17408xf32, #tpu.memory_space<hbm>>
      tpu.wait_dma2 semaphore(%run_scoped3A : memref<!tpu.dma_semaphore, #tpu.memory_space<semaphore_mem>>) src(%arg9 : memref<17408xf32, #tpu.memory_space<vmem>>) dst(%dma_wait3A_24 : memref<17408xf32, #tpu.memory_space<hbm>>)
      tpu.yield
    }) : () -> ()
    return
  }
}

#map = affine_map<(d0, d1) -> (0, 0)>
#map1 = affine_map<(d0, d1) -> (0, 0, 0)>
module attributes {stable_mosaic.version = 14 : i64} {
  func.func @_conv_kernel(%arg0: i32, %arg1: i32, %arg2: memref<10112x128xf32, #tpu.memory_space<hbm>>, %arg3: memref<32x10080xi32, #tpu.memory_space<hbm>>, %arg4: memref<10112x128xf32, #tpu.memory_space<hbm>>, %arg5: memref<2x10112x128xf32, #tpu.memory_space<hbm>>, %arg6: memref<10080xi32, #tpu.memory_space<vmem>>, %arg7: memref<144xi32, #tpu.memory_space<vmem>>, %arg8: memref<144xi32, #tpu.memory_space<vmem>>, %arg9: memref<144xi32, #tpu.memory_space<vmem>>, %arg10: memref<144xi32, #tpu.memory_space<vmem>>, %arg11: memref<144x128xf32, #tpu.memory_space<vmem>>, %arg12: memref<144x128xf32, #tpu.memory_space<vmem>>, %arg13: memref<10112x128xf32, #tpu.memory_space<vmem_shared>>, %arg14: memref<!tpu.dma_semaphore, #tpu.memory_space<semaphore_mem>>, %arg15: memref<!tpu.dma_semaphore, #tpu.memory_space<semaphore_mem>>) attributes {dimension_semantics = [#tpu.dimension_semantics<core_parallel>, #tpu.dimension_semantics<subcore_parallel>], iteration_bounds = array<i64: 2, 16>, scalar_prefetch = 0 : i64, scratch_operands = 10 : i64, tpu.core_type = #tpu.core_type<sc_vector_subcore>, window_params = [{transform_indices = #map}, {transform_indices = #map}, {transform_indices = #map}, {transform_indices = #map1}]} {
    %mul3A = arith.constant 2 : i32
    %mul3A_0 = arith.muli %arg1, %mul3A : i32
    %add3A = arith.addi %mul3A_0, %arg0 : i32
    "tpu.region"() ({
      %run_scoped3A = tpu.sem_alloc : memref<!tpu.dma_semaphore, #tpu.memory_space<semaphore_mem>>
      %dma_start3A_140 = arith.constant 0 : i32
      %dma_start3A_141 = tpu.memref_slice %arg3[%add3A, %dma_start3A_140] : memref<32x10080xi32, #tpu.memory_space<hbm>> -> memref<1x10080xi32, #tpu.memory_space<hbm>>
      %dma_start3A_142 = tpu.memref_squeeze %dma_start3A_141 : memref<1x10080xi32, #tpu.memory_space<hbm>> -> memref<10080xi32, #tpu.memory_space<hbm>>
      %dma_start3A_143 = arith.constant 0 : i32
      %dma_start3A_144 = tpu.memref_slice %arg3[%add3A, %dma_start3A_143] : memref<32x10080xi32, #tpu.memory_space<hbm>> -> memref<1x10080xi32, #tpu.memory_space<hbm>>
      %dma_start3A_145 = tpu.memref_squeeze %dma_start3A_144 : memref<1x10080xi32, #tpu.memory_space<hbm>> -> memref<10080xi32, #tpu.memory_space<hbm>>
      tpu.enqueue_dma source(%dma_start3A_145 : memref<10080xi32, #tpu.memory_space<hbm>>) target(%arg6 : memref<10080xi32, #tpu.memory_space<vmem>>) target_semaphore(%run_scoped3A : memref<!tpu.dma_semaphore, #tpu.memory_space<semaphore_mem>>)
      %dma_wait3A = arith.constant 0 : i32
      %dma_wait3A_146 = tpu.memref_slice %arg3[%add3A, %dma_wait3A] : memref<32x10080xi32, #tpu.memory_space<hbm>> -> memref<1x10080xi32, #tpu.memory_space<hbm>>
      %dma_wait3A_147 = tpu.memref_squeeze %dma_wait3A_146 : memref<1x10080xi32, #tpu.memory_space<hbm>> -> memref<10080xi32, #tpu.memory_space<hbm>>
      %dma_wait3A_148 = arith.constant 0 : i32
      %dma_wait3A_149 = tpu.memref_slice %arg3[%add3A, %dma_wait3A_148] : memref<32x10080xi32, #tpu.memory_space<hbm>> -> memref<1x10080xi32, #tpu.memory_space<hbm>>
      %dma_wait3A_150 = tpu.memref_squeeze %dma_wait3A_149 : memref<1x10080xi32, #tpu.memory_space<hbm>> -> memref<10080xi32, #tpu.memory_space<hbm>>
      tpu.wait_dma2 semaphore(%run_scoped3A : memref<!tpu.dma_semaphore, #tpu.memory_space<semaphore_mem>>) src(%dma_wait3A_150 : memref<10080xi32, #tpu.memory_space<hbm>>) dst(%arg6 : memref<10080xi32, #tpu.memory_space<vmem>>)
      tpu.yield
    }) : () -> ()
    %mul3A_1 = arith.constant 632 : i32
    %mul3A_2 = arith.muli %arg1, %mul3A_1 : i32
    "tpu.region"() ({
      %run_scoped3A = tpu.sem_alloc : memref<!tpu.dma_semaphore, #tpu.memory_space<semaphore_mem>>
      %dma_start3A_140 = arith.constant 0 : i32
      %dma_start3A_141 = tpu.memref_slice %arg13[%mul3A_2, %dma_start3A_140] : memref<10112x128xf32, #tpu.memory_space<vmem_shared>> -> memref<632x128xf32, #tpu.memory_space<vmem_shared>>
      %dma_start3A_142 = arith.constant 0 : i32
      %dma_start3A_143 = tpu.memref_slice %arg4[%mul3A_2, %dma_start3A_142] : memref<10112x128xf32, #tpu.memory_space<hbm>> -> memref<632x128xf32, #tpu.memory_space<hbm>>
      tpu.enqueue_dma source(%dma_start3A_143 : memref<632x128xf32, #tpu.memory_space<hbm>>) target(%dma_start3A_141 : memref<632x128xf32, #tpu.memory_space<vmem_shared>>) target_semaphore(%run_scoped3A : memref<!tpu.dma_semaphore, #tpu.memory_space<semaphore_mem>>)
      %dma_wait3A = arith.constant 0 : i32
      %dma_wait3A_144 = tpu.memref_slice %arg13[%mul3A_2, %dma_wait3A] : memref<10112x128xf32, #tpu.memory_space<vmem_shared>> -> memref<632x128xf32, #tpu.memory_space<vmem_shared>>
      %dma_wait3A_145 = arith.constant 0 : i32
      %dma_wait3A_146 = tpu.memref_slice %arg4[%mul3A_2, %dma_wait3A_145] : memref<10112x128xf32, #tpu.memory_space<hbm>> -> memref<632x128xf32, #tpu.memory_space<hbm>>
      tpu.wait_dma2 semaphore(%run_scoped3A : memref<!tpu.dma_semaphore, #tpu.memory_space<semaphore_mem>>) src(%dma_wait3A_146 : memref<632x128xf32, #tpu.memory_space<hbm>>) dst(%dma_wait3A_144 : memref<632x128xf32, #tpu.memory_space<vmem_shared>>)
      tpu.yield
    }) : () -> ()
    %barrier3A = arith.constant 0 : index
    tpu.barrier barrier_id(%barrier3A)
    %eq3A = arith.constant 0 : i32
    %eq3A_3 = arith.cmpi eq, %arg0, %eq3A : i32
    %jit3A = arith.constant 70 : i32
    %jit3A_4 = arith.constant 70 : i32
    %select_n3A = arith.select %eq3A_3, %jit3A, %jit3A_4 : i32
    %get3A = arith.constant 0 : index
    %get3A_5 = tpu.vector_load %arg6[%get3A] {strides = array<i32>} : memref<10080xi32, #tpu.memory_space<vmem>>, vector<16xi32>,
    %and3A = arith.constant 65535 : i32
    %and3A_6 = vector.broadcast %and3A : i32 to vector<16xi32>
    %and3A_7 = arith.andi %get3A_5, %and3A_6 : vector<16xi32>
    %swap3A = arith.constant 0 : index
    %swap3A_8 = tpu.vector_load %arg7[%swap3A] {strides = array<i32>} : memref<144xi32, #tpu.memory_space<vmem>>, vector<16xi32>,
    tpu.vector_store %arg7[%swap3A], %and3A_7 {strides = array<i32>} : memref<144xi32, #tpu.memory_space<vmem>>, vector<16xi32>,
    %shift_right_logical3A = arith.constant 16 : i32
    %shift_right_logical3A_9 = vector.broadcast %shift_right_logical3A : i32 to vector<16xi32>
    %shift_right_logical3A_10 = arith.shrui %get3A_5, %shift_right_logical3A_9 : vector<16xi32>
    %swap3A_11 = arith.constant 0 : index
    %swap3A_12 = tpu.vector_load %arg8[%swap3A_11] {strides = array<i32>} : memref<144xi32, #tpu.memory_space<vmem>>, vector<16xi32>,
    tpu.vector_store %arg8[%swap3A_11], %shift_right_logical3A_10 {strides = array<i32>} : memref<144xi32, #tpu.memory_space<vmem>>, vector<16xi32>,
    %get3A_13 = arith.constant 16 : index
    %get3A_14 = tpu.vector_load %arg6[%get3A_13] {strides = array<i32>} : memref<10080xi32, #tpu.memory_space<vmem>>, vector<16xi32>,
    %and3A_15 = arith.constant 65535 : i32
    %and3A_16 = vector.broadcast %and3A_15 : i32 to vector<16xi32>
    %and3A_17 = arith.andi %get3A_14, %and3A_16 : vector<16xi32>
    %swap3A_18 = arith.constant 16 : index
    %swap3A_19 = tpu.vector_load %arg7[%swap3A_18] {strides = array<i32>} : memref<144xi32, #tpu.memory_space<vmem>>, vector<16xi32>,
    tpu.vector_store %arg7[%swap3A_18], %and3A_17 {strides = array<i32>} : memref<144xi32, #tpu.memory_space<vmem>>, vector<16xi32>,
    %shift_right_logical3A_20 = arith.constant 16 : i32
    %shift_right_logical3A_21 = vector.broadcast %shift_right_logical3A_20 : i32 to vector<16xi32>
    %shift_right_logical3A_22 = arith.shrui %get3A_14, %shift_right_logical3A_21 : vector<16xi32>
    %swap3A_23 = arith.constant 16 : index
    %swap3A_24 = tpu.vector_load %arg8[%swap3A_23] {strides = array<i32>} : memref<144xi32, #tpu.memory_space<vmem>>, vector<16xi32>,
    tpu.vector_store %arg8[%swap3A_23], %shift_right_logical3A_22 {strides = array<i32>} : memref<144xi32, #tpu.memory_space<vmem>>, vector<16xi32>,
    %get3A_25 = arith.constant 32 : index
    %get3A_26 = tpu.vector_load %arg6[%get3A_25] {strides = array<i32>} : memref<10080xi32, #tpu.memory_space<vmem>>, vector<16xi32>,
    %and3A_27 = arith.constant 65535 : i32
    %and3A_28 = vector.broadcast %and3A_27 : i32 to vector<16xi32>
    %and3A_29 = arith.andi %get3A_26, %and3A_28 : vector<16xi32>
    %swap3A_30 = arith.constant 32 : index
    %swap3A_31 = tpu.vector_load %arg7[%swap3A_30] {strides = array<i32>} : memref<144xi32, #tpu.memory_space<vmem>>, vector<16xi32>,
    tpu.vector_store %arg7[%swap3A_30], %and3A_29 {strides = array<i32>} : memref<144xi32, #tpu.memory_space<vmem>>, vector<16xi32>,
    %shift_right_logical3A_32 = arith.constant 16 : i32
    %shift_right_logical3A_33 = vector.broadcast %shift_right_logical3A_32 : i32 to vector<16xi32>
    %shift_right_logical3A_34 = arith.shrui %get3A_26, %shift_right_logical3A_33 : vector<16xi32>
    %swap3A_35 = arith.constant 32 : index
    %swap3A_36 = tpu.vector_load %arg8[%swap3A_35] {strides = array<i32>} : memref<144xi32, #tpu.memory_space<vmem>>, vector<16xi32>,
    tpu.vector_store %arg8[%swap3A_35], %shift_right_logical3A_34 {strides = array<i32>} : memref<144xi32, #tpu.memory_space<vmem>>, vector<16xi32>,
    %get3A_37 = arith.constant 48 : index
    %get3A_38 = tpu.vector_load %arg6[%get3A_37] {strides = array<i32>} : memref<10080xi32, #tpu.memory_space<vmem>>, vector<16xi32>,
    %and3A_39 = arith.constant 65535 : i32
    %and3A_40 = vector.broadcast %and3A_39 : i32 to vector<16xi32>
    %and3A_41 = arith.andi %get3A_38, %and3A_40 : vector<16xi32>
    %swap3A_42 = arith.constant 48 : index
    %swap3A_43 = tpu.vector_load %arg7[%swap3A_42] {strides = array<i32>} : memref<144xi32, #tpu.memory_space<vmem>>, vector<16xi32>,
    tpu.vector_store %arg7[%swap3A_42], %and3A_41 {strides = array<i32>} : memref<144xi32, #tpu.memory_space<vmem>>, vector<16xi32>,
    %shift_right_logical3A_44 = arith.constant 16 : i32
    %shift_right_logical3A_45 = vector.broadcast %shift_right_logical3A_44 : i32 to vector<16xi32>
    %shift_right_logical3A_46 = arith.shrui %get3A_38, %shift_right_logical3A_45 : vector<16xi32>
    %swap3A_47 = arith.constant 48 : index
    %swap3A_48 = tpu.vector_load %arg8[%swap3A_47] {strides = array<i32>} : memref<144xi32, #tpu.memory_space<vmem>>, vector<16xi32>,
    tpu.vector_store %arg8[%swap3A_47], %shift_right_logical3A_46 {strides = array<i32>} : memref<144xi32, #tpu.memory_space<vmem>>, vector<16xi32>,
    %get3A_49 = arith.constant 64 : index
    %get3A_50 = tpu.vector_load %arg6[%get3A_49] {strides = array<i32>} : memref<10080xi32, #tpu.memory_space<vmem>>, vector<16xi32>,
    %and3A_51 = arith.constant 65535 : i32
    %and3A_52 = vector.broadcast %and3A_51 : i32 to vector<16xi32>
    %and3A_53 = arith.andi %get3A_50, %and3A_52 : vector<16xi32>
    %swap3A_54 = arith.constant 64 : index
    %swap3A_55 = tpu.vector_load %arg7[%swap3A_54] {strides = array<i32>} : memref<144xi32, #tpu.memory_space<vmem>>, vector<16xi32>,
    tpu.vector_store %arg7[%swap3A_54], %and3A_53 {strides = array<i32>} : memref<144xi32, #tpu.memory_space<vmem>>, vector<16xi32>,
    %shift_right_logical3A_56 = arith.constant 16 : i32
    %shift_right_logical3A_57 = vector.broadcast %shift_right_logical3A_56 : i32 to vector<16xi32>
    %shift_right_logical3A_58 = arith.shrui %get3A_50, %shift_right_logical3A_57 : vector<16xi32>
    %swap3A_59 = arith.constant 64 : index
    %swap3A_60 = tpu.vector_load %arg8[%swap3A_59] {strides = array<i32>} : memref<144xi32, #tpu.memory_space<vmem>>, vector<16xi32>,
    tpu.vector_store %arg8[%swap3A_59], %shift_right_logical3A_58 {strides = array<i32>} : memref<144xi32, #tpu.memory_space<vmem>>, vector<16xi32>,
    %get3A_61 = arith.constant 80 : index
    %get3A_62 = tpu.vector_load %arg6[%get3A_61] {strides = array<i32>} : memref<10080xi32, #tpu.memory_space<vmem>>, vector<16xi32>,
    %and3A_63 = arith.constant 65535 : i32
    %and3A_64 = vector.broadcast %and3A_63 : i32 to vector<16xi32>
    %and3A_65 = arith.andi %get3A_62, %and3A_64 : vector<16xi32>
    %swap3A_66 = arith.constant 80 : index
    %swap3A_67 = tpu.vector_load %arg7[%swap3A_66] {strides = array<i32>} : memref<144xi32, #tpu.memory_space<vmem>>, vector<16xi32>,
    tpu.vector_store %arg7[%swap3A_66], %and3A_65 {strides = array<i32>} : memref<144xi32, #tpu.memory_space<vmem>>, vector<16xi32>,
    %shift_right_logical3A_68 = arith.constant 16 : i32
    %shift_right_logical3A_69 = vector.broadcast %shift_right_logical3A_68 : i32 to vector<16xi32>
    %shift_right_logical3A_70 = arith.shrui %get3A_62, %shift_right_logical3A_69 : vector<16xi32>
    %swap3A_71 = arith.constant 80 : index
    %swap3A_72 = tpu.vector_load %arg8[%swap3A_71] {strides = array<i32>} : memref<144xi32, #tpu.memory_space<vmem>>, vector<16xi32>,
    tpu.vector_store %arg8[%swap3A_71], %shift_right_logical3A_70 {strides = array<i32>} : memref<144xi32, #tpu.memory_space<vmem>>, vector<16xi32>,
    %get3A_73 = arith.constant 96 : index
    %get3A_74 = tpu.vector_load %arg6[%get3A_73] {strides = array<i32>} : memref<10080xi32, #tpu.memory_space<vmem>>, vector<16xi32>,
    %and3A_75 = arith.constant 65535 : i32
    %and3A_76 = vector.broadcast %and3A_75 : i32 to vector<16xi32>
    %and3A_77 = arith.andi %get3A_74, %and3A_76 : vector<16xi32>
    %swap3A_78 = arith.constant 96 : index
    %swap3A_79 = tpu.vector_load %arg7[%swap3A_78] {strides = array<i32>} : memref<144xi32, #tpu.memory_space<vmem>>, vector<16xi32>,
    tpu.vector_store %arg7[%swap3A_78], %and3A_77 {strides = array<i32>} : memref<144xi32, #tpu.memory_space<vmem>>, vector<16xi32>,
    %shift_right_logical3A_80 = arith.constant 16 : i32
    %shift_right_logical3A_81 = vector.broadcast %shift_right_logical3A_80 : i32 to vector<16xi32>
    %shift_right_logical3A_82 = arith.shrui %get3A_74, %shift_right_logical3A_81 : vector<16xi32>
    %swap3A_83 = arith.constant 96 : index
    %swap3A_84 = tpu.vector_load %arg8[%swap3A_83] {strides = array<i32>} : memref<144xi32, #tpu.memory_space<vmem>>, vector<16xi32>,
    tpu.vector_store %arg8[%swap3A_83], %shift_right_logical3A_82 {strides = array<i32>} : memref<144xi32, #tpu.memory_space<vmem>>, vector<16xi32>,
    %get3A_85 = arith.constant 112 : index
    %get3A_86 = tpu.vector_load %arg6[%get3A_85] {strides = array<i32>} : memref<10080xi32, #tpu.memory_space<vmem>>, vector<16xi32>,
    %and3A_87 = arith.constant 65535 : i32
    %and3A_88 = vector.broadcast %and3A_87 : i32 to vector<16xi32>
    %and3A_89 = arith.andi %get3A_86, %and3A_88 : vector<16xi32>
    %swap3A_90 = arith.constant 112 : index
    %swap3A_91 = tpu.vector_load %arg7[%swap3A_90] {strides = array<i32>} : memref<144xi32, #tpu.memory_space<vmem>>, vector<16xi32>,
    tpu.vector_store %arg7[%swap3A_90], %and3A_89 {strides = array<i32>} : memref<144xi32, #tpu.memory_space<vmem>>, vector<16xi32>,
    %shift_right_logical3A_92 = arith.constant 16 : i32
    %shift_right_logical3A_93 = vector.broadcast %shift_right_logical3A_92 : i32 to vector<16xi32>
    %shift_right_logical3A_94 = arith.shrui %get3A_86, %shift_right_logical3A_93 : vector<16xi32>
    %swap3A_95 = arith.constant 112 : index
    %swap3A_96 = tpu.vector_load %arg8[%swap3A_95] {strides = array<i32>} : memref<144xi32, #tpu.memory_space<vmem>>, vector<16xi32>,
    tpu.vector_store %arg8[%swap3A_95], %shift_right_logical3A_94 {strides = array<i32>} : memref<144xi32, #tpu.memory_space<vmem>>, vector<16xi32>,
    %get3A_97 = arith.constant 128 : index
    %get3A_98 = tpu.vector_load %arg6[%get3A_97] {strides = array<i32>} : memref<10080xi32, #tpu.memory_space<vmem>>, vector<16xi32>,
    %and3A_99 = arith.constant 65535 : i32
    %and3A_100 = vector.broadcast %and3A_99 : i32 to vector<16xi32>
    %and3A_101 = arith.andi %get3A_98, %and3A_100 : vector<16xi32>
    %swap3A_102 = arith.constant 128 : index
    %swap3A_103 = tpu.vector_load %arg7[%swap3A_102] {strides = array<i32>} : memref<144xi32, #tpu.memory_space<vmem>>, vector<16xi32>,
    tpu.vector_store %arg7[%swap3A_102], %and3A_101 {strides = array<i32>} : memref<144xi32, #tpu.memory_space<vmem>>, vector<16xi32>,
    %shift_right_logical3A_104 = arith.constant 16 : i32
    %shift_right_logical3A_105 = vector.broadcast %shift_right_logical3A_104 : i32 to vector<16xi32>
    %shift_right_logical3A_106 = arith.shrui %get3A_98, %shift_right_logical3A_105 : vector<16xi32>
    %swap3A_107 = arith.constant 128 : index
    %swap3A_108 = tpu.vector_load %arg8[%swap3A_107] {strides = array<i32>} : memref<144xi32, #tpu.memory_space<vmem>>, vector<16xi32>,
    tpu.vector_store %arg8[%swap3A_107], %shift_right_logical3A_106 {strides = array<i32>} : memref<144xi32, #tpu.memory_space<vmem>>, vector<16xi32>,
    %dma_start3A = arith.constant 0 : i32
    %dma_start3A_109 = arith.constant 0 : i32
    %dma_start3A_110 = tpu.memref_slice %arg2[%dma_start3A, %dma_start3A_109] : memref<10112x128xf32, #tpu.memory_space<hbm>> -> memref<10112x128xf32, #tpu.memory_space<hbm>>
    tpu.enqueue_indirect_dma source(%dma_start3A_110 : memref<10112x128xf32, #tpu.memory_space<hbm>>) target(%arg11 : memref<144x128xf32, #tpu.memory_space<vmem>>) offsets(%arg7 : memref<144xi32, #tpu.memory_space<vmem>>) semaphore(%arg14 : memref<!tpu.dma_semaphore, #tpu.memory_space<semaphore_mem>>)
    %jit3A_111 = arith.constant 2 : i32
    %div3A = arith.divsi %select_n3A, %jit3A_111 : i32
    %sign3A = arith.constant 0 : i32
    %sign3A_112 = arith.cmpi sgt, %select_n3A, %sign3A : i32
    %sign3A_113 = arith.extui %sign3A_112 : i1 to i32
    %sign3A_114 = arith.constant 0 : i32
    %sign3A_115 = arith.cmpi slt, %select_n3A, %sign3A_114 : i32
    %sign3A_116 = arith.extui %sign3A_115 : i1 to i32
    %sign3A_117 = arith.subi %sign3A_113, %sign3A_116 : i32
    %sign3A_118 = arith.constant 0 : i32
    %sign3A_119 = arith.cmpi sgt, %jit3A_111, %sign3A_118 : i32
    %sign3A_120 = arith.extui %sign3A_119 : i1 to i32
    %sign3A_121 = arith.constant 0 : i32
    %sign3A_122 = arith.cmpi slt, %jit3A_111, %sign3A_121 : i32
    %sign3A_123 = arith.extui %sign3A_122 : i1 to i32
    %sign3A_124 = arith.subi %sign3A_120, %sign3A_123 : i32
    %ne3A = arith.cmpi ne, %sign3A_117, %sign3A_124 : i32
    %rem3A = arith.remsi %select_n3A, %jit3A_111 : i32
    %ne3A_125 = arith.constant 0 : i32
    %ne3A_126 = arith.cmpi ne, %rem3A, %ne3A_125 : i32
    %and3A_127 = arith.andi %ne3A, %ne3A_126 : i1
    %sub3A = arith.constant 1 : i32
    %sub3A_128 = arith.subi %div3A, %sub3A : i32
    %select_n3A_129 = arith.select %and3A_127, %sub3A_128, %div3A : i32
    %while3A = arith.constant 0 : i32
    %while3A_130 = arith.constant 0 : i32
    %while3A_131 = arith.subi %select_n3A_129, %while3A_130 : i32
    %while3A_132 = arith.addi %while3A_130, %while3A_131 : i32
    %while3A_133 = arith.constant 1 : i32
    %while3A_134 = arith.divsi %while3A_131, %while3A_133 : i32
    %while3A_135 = arith.muli %while3A_134, %while3A_133 : i32
    %while3A_136 = arith.addi %while3A_130, %while3A_135 : i32
    %while3A_137 = arith.constant 1 : i32
    scf.for %while3A_140 = %while3A_130 to %while3A_136 step %while3A_137  : i32 {
      %mul3A_141 = arith.constant 2 : i32
      %mul3A_142 = arith.muli %while3A_140, %mul3A_141 : i32
      %add3A_143 = arith.constant 1 : i32
      %add3A_144 = arith.addi %mul3A_142, %add3A_143 : i32
      %mul3A_145 = arith.constant 144 : i32
      %mul3A_146 = arith.muli %add3A_144, %mul3A_145 : i32
      %add3A_147 = arith.constant 0 : i32
      %add3A_148 = arith.addi %mul3A_146, %add3A_147 : i32
      %get3A_149 = arith.index_cast %add3A_148 : i32 to index
      %get3A_150 = tpu.vector_load %arg6[%get3A_149] {strides = array<i32>} : memref<10080xi32, #tpu.memory_space<vmem>>, vector<16xi32>,
      %and3A_151 = arith.constant 65535 : i32
      %and3A_152 = vector.broadcast %and3A_151 : i32 to vector<16xi32>
      %and3A_153 = arith.andi %get3A_150, %and3A_152 : vector<16xi32>
      %swap3A_154 = arith.constant 0 : index
      %swap3A_155 = tpu.vector_load %arg9[%swap3A_154] {strides = array<i32>} : memref<144xi32, #tpu.memory_space<vmem>>, vector<16xi32>,
      tpu.vector_store %arg9[%swap3A_154], %and3A_153 {strides = array<i32>} : memref<144xi32, #tpu.memory_space<vmem>>, vector<16xi32>,
      %shift_right_logical3A_156 = arith.constant 16 : i32
      %shift_right_logical3A_157 = vector.broadcast %shift_right_logical3A_156 : i32 to vector<16xi32>
      %shift_right_logical3A_158 = arith.shrui %get3A_150, %shift_right_logical3A_157 : vector<16xi32>
      %swap3A_159 = arith.constant 0 : index
      %swap3A_160 = tpu.vector_load %arg10[%swap3A_159] {strides = array<i32>} : memref<144xi32, #tpu.memory_space<vmem>>, vector<16xi32>,
      tpu.vector_store %arg10[%swap3A_159], %shift_right_logical3A_158 {strides = array<i32>} : memref<144xi32, #tpu.memory_space<vmem>>, vector<16xi32>,
      %add3A_161 = arith.constant 16 : i32
      %add3A_162 = arith.addi %mul3A_146, %add3A_161 : i32
      %get3A_163 = arith.index_cast %add3A_162 : i32 to index
      %get3A_164 = tpu.vector_load %arg6[%get3A_163] {strides = array<i32>} : memref<10080xi32, #tpu.memory_space<vmem>>, vector<16xi32>,
      %and3A_165 = arith.constant 65535 : i32
      %and3A_166 = vector.broadcast %and3A_165 : i32 to vector<16xi32>
      %and3A_167 = arith.andi %get3A_164, %and3A_166 : vector<16xi32>
      %swap3A_168 = arith.constant 16 : index
      %swap3A_169 = tpu.vector_load %arg9[%swap3A_168] {strides = array<i32>} : memref<144xi32, #tpu.memory_space<vmem>>, vector<16xi32>,
      tpu.vector_store %arg9[%swap3A_168], %and3A_167 {strides = array<i32>} : memref<144xi32, #tpu.memory_space<vmem>>, vector<16xi32>,
      %shift_right_logical3A_170 = arith.constant 16 : i32
      %shift_right_logical3A_171 = vector.broadcast %shift_right_logical3A_170 : i32 to vector<16xi32>
      %shift_right_logical3A_172 = arith.shrui %get3A_164, %shift_right_logical3A_171 : vector<16xi32>
      %swap3A_173 = arith.constant 16 : index
      %swap3A_174 = tpu.vector_load %arg10[%swap3A_173] {strides = array<i32>} : memref<144xi32, #tpu.memory_space<vmem>>, vector<16xi32>,
      tpu.vector_store %arg10[%swap3A_173], %shift_right_logical3A_172 {strides = array<i32>} : memref<144xi32, #tpu.memory_space<vmem>>, vector<16xi32>,
      %add3A_175 = arith.constant 32 : i32
      %add3A_176 = arith.addi %mul3A_146, %add3A_175 : i32
      %get3A_177 = arith.index_cast %add3A_176 : i32 to index
      %get3A_178 = tpu.vector_load %arg6[%get3A_177] {strides = array<i32>} : memref<10080xi32, #tpu.memory_space<vmem>>, vector<16xi32>,
      %and3A_179 = arith.constant 65535 : i32
      %and3A_180 = vector.broadcast %and3A_179 : i32 to vector<16xi32>
      %and3A_181 = arith.andi %get3A_178, %and3A_180 : vector<16xi32>
      %swap3A_182 = arith.constant 32 : index
      %swap3A_183 = tpu.vector_load %arg9[%swap3A_182] {strides = array<i32>} : memref<144xi32, #tpu.memory_space<vmem>>, vector<16xi32>,
      tpu.vector_store %arg9[%swap3A_182], %and3A_181 {strides = array<i32>} : memref<144xi32, #tpu.memory_space<vmem>>, vector<16xi32>,
      %shift_right_logical3A_184 = arith.constant 16 : i32
      %shift_right_logical3A_185 = vector.broadcast %shift_right_logical3A_184 : i32 to vector<16xi32>
      %shift_right_logical3A_186 = arith.shrui %get3A_178, %shift_right_logical3A_185 : vector<16xi32>
      %swap3A_187 = arith.constant 32 : index
      %swap3A_188 = tpu.vector_load %arg10[%swap3A_187] {strides = array<i32>} : memref<144xi32, #tpu.memory_space<vmem>>, vector<16xi32>,
      tpu.vector_store %arg10[%swap3A_187], %shift_right_logical3A_186 {strides = array<i32>} : memref<144xi32, #tpu.memory_space<vmem>>, vector<16xi32>,
      %add3A_189 = arith.constant 48 : i32
      %add3A_190 = arith.addi %mul3A_146, %add3A_189 : i32
      %get3A_191 = arith.index_cast %add3A_190 : i32 to index
      %get3A_192 = tpu.vector_load %arg6[%get3A_191] {strides = array<i32>} : memref<10080xi32, #tpu.memory_space<vmem>>, vector<16xi32>,
      %and3A_193 = arith.constant 65535 : i32
      %and3A_194 = vector.broadcast %and3A_193 : i32 to vector<16xi32>
      %and3A_195 = arith.andi %get3A_192, %and3A_194 : vector<16xi32>
      %swap3A_196 = arith.constant 48 : index
      %swap3A_197 = tpu.vector_load %arg9[%swap3A_196] {strides = array<i32>} : memref<144xi32, #tpu.memory_space<vmem>>, vector<16xi32>,
      tpu.vector_store %arg9[%swap3A_196], %and3A_195 {strides = array<i32>} : memref<144xi32, #tpu.memory_space<vmem>>, vector<16xi32>,
      %shift_right_logical3A_198 = arith.constant 16 : i32
      %shift_right_logical3A_199 = vector.broadcast %shift_right_logical3A_198 : i32 to vector<16xi32>
      %shift_right_logical3A_200 = arith.shrui %get3A_192, %shift_right_logical3A_199 : vector<16xi32>
      %swap3A_201 = arith.constant 48 : index
      %swap3A_202 = tpu.vector_load %arg10[%swap3A_201] {strides = array<i32>} : memref<144xi32, #tpu.memory_space<vmem>>, vector<16xi32>,
      tpu.vector_store %arg10[%swap3A_201], %shift_right_logical3A_200 {strides = array<i32>} : memref<144xi32, #tpu.memory_space<vmem>>, vector<16xi32>,
      %add3A_203 = arith.constant 64 : i32
      %add3A_204 = arith.addi %mul3A_146, %add3A_203 : i32
      %get3A_205 = arith.index_cast %add3A_204 : i32 to index
      %get3A_206 = tpu.vector_load %arg6[%get3A_205] {strides = array<i32>} : memref<10080xi32, #tpu.memory_space<vmem>>, vector<16xi32>,
      %and3A_207 = arith.constant 65535 : i32
      %and3A_208 = vector.broadcast %and3A_207 : i32 to vector<16xi32>
      %and3A_209 = arith.andi %get3A_206, %and3A_208 : vector<16xi32>
      %swap3A_210 = arith.constant 64 : index
      %swap3A_211 = tpu.vector_load %arg9[%swap3A_210] {strides = array<i32>} : memref<144xi32, #tpu.memory_space<vmem>>, vector<16xi32>,
      tpu.vector_store %arg9[%swap3A_210], %and3A_209 {strides = array<i32>} : memref<144xi32, #tpu.memory_space<vmem>>, vector<16xi32>,
      %shift_right_logical3A_212 = arith.constant 16 : i32
      %shift_right_logical3A_213 = vector.broadcast %shift_right_logical3A_212 : i32 to vector<16xi32>
      %shift_right_logical3A_214 = arith.shrui %get3A_206, %shift_right_logical3A_213 : vector<16xi32>
      %swap3A_215 = arith.constant 64 : index
      %swap3A_216 = tpu.vector_load %arg10[%swap3A_215] {strides = array<i32>} : memref<144xi32, #tpu.memory_space<vmem>>, vector<16xi32>,
      tpu.vector_store %arg10[%swap3A_215], %shift_right_logical3A_214 {strides = array<i32>} : memref<144xi32, #tpu.memory_space<vmem>>, vector<16xi32>,
      %add3A_217 = arith.constant 80 : i32
      %add3A_218 = arith.addi %mul3A_146, %add3A_217 : i32
      %get3A_219 = arith.index_cast %add3A_218 : i32 to index
      %get3A_220 = tpu.vector_load %arg6[%get3A_219] {strides = array<i32>} : memref<10080xi32, #tpu.memory_space<vmem>>, vector<16xi32>,
      %and3A_221 = arith.constant 65535 : i32
      %and3A_222 = vector.broadcast %and3A_221 : i32 to vector<16xi32>
      %and3A_223 = arith.andi %get3A_220, %and3A_222 : vector<16xi32>
      %swap3A_224 = arith.constant 80 : index
      %swap3A_225 = tpu.vector_load %arg9[%swap3A_224] {strides = array<i32>} : memref<144xi32, #tpu.memory_space<vmem>>, vector<16xi32>,
      tpu.vector_store %arg9[%swap3A_224], %and3A_223 {strides = array<i32>} : memref<144xi32, #tpu.memory_space<vmem>>, vector<16xi32>,
      %shift_right_logical3A_226 = arith.constant 16 : i32
      %shift_right_logical3A_227 = vector.broadcast %shift_right_logical3A_226 : i32 to vector<16xi32>
      %shift_right_logical3A_228 = arith.shrui %get3A_220, %shift_right_logical3A_227 : vector<16xi32>
      %swap3A_229 = arith.constant 80 : index
      %swap3A_230 = tpu.vector_load %arg10[%swap3A_229] {strides = array<i32>} : memref<144xi32, #tpu.memory_space<vmem>>, vector<16xi32>,
      tpu.vector_store %arg10[%swap3A_229], %shift_right_logical3A_228 {strides = array<i32>} : memref<144xi32, #tpu.memory_space<vmem>>, vector<16xi32>,
      %add3A_231 = arith.constant 96 : i32
      %add3A_232 = arith.addi %mul3A_146, %add3A_231 : i32
      %get3A_233 = arith.index_cast %add3A_232 : i32 to index
      %get3A_234 = tpu.vector_load %arg6[%get3A_233] {strides = array<i32>} : memref<10080xi32, #tpu.memory_space<vmem>>, vector<16xi32>,
      %and3A_235 = arith.constant 65535 : i32
      %and3A_236 = vector.broadcast %and3A_235 : i32 to vector<16xi32>
      %and3A_237 = arith.andi %get3A_234, %and3A_236 : vector<16xi32>
      %swap3A_238 = arith.constant 96 : index
      %swap3A_239 = tpu.vector_load %arg9[%swap3A_238] {strides = array<i32>} : memref<144xi32, #tpu.memory_space<vmem>>, vector<16xi32>,
      tpu.vector_store %arg9[%swap3A_238], %and3A_237 {strides = array<i32>} : memref<144xi32, #tpu.memory_space<vmem>>, vector<16xi32>,
      %shift_right_logical3A_240 = arith.constant 16 : i32
      %shift_right_logical3A_241 = vector.broadcast %shift_right_logical3A_240 : i32 to vector<16xi32>
      %shift_right_logical3A_242 = arith.shrui %get3A_234, %shift_right_logical3A_241 : vector<16xi32>
      %swap3A_243 = arith.constant 96 : index
      %swap3A_244 = tpu.vector_load %arg10[%swap3A_243] {strides = array<i32>} : memref<144xi32, #tpu.memory_space<vmem>>, vector<16xi32>,
      tpu.vector_store %arg10[%swap3A_243], %shift_right_logical3A_242 {strides = array<i32>} : memref<144xi32, #tpu.memory_space<vmem>>, vector<16xi32>,
      %add3A_245 = arith.constant 112 : i32
      %add3A_246 = arith.addi %mul3A_146, %add3A_245 : i32
      %get3A_247 = arith.index_cast %add3A_246 : i32 to index
      %get3A_248 = tpu.vector_load %arg6[%get3A_247] {strides = array<i32>} : memref<10080xi32, #tpu.memory_space<vmem>>, vector<16xi32>,
      %and3A_249 = arith.constant 65535 : i32
      %and3A_250 = vector.broadcast %and3A_249 : i32 to vector<16xi32>
      %and3A_251 = arith.andi %get3A_248, %and3A_250 : vector<16xi32>
      %swap3A_252 = arith.constant 112 : index
      %swap3A_253 = tpu.vector_load %arg9[%swap3A_252] {strides = array<i32>} : memref<144xi32, #tpu.memory_space<vmem>>, vector<16xi32>,
      tpu.vector_store %arg9[%swap3A_252], %and3A_251 {strides = array<i32>} : memref<144xi32, #tpu.memory_space<vmem>>, vector<16xi32>,
      %shift_right_logical3A_254 = arith.constant 16 : i32
      %shift_right_logical3A_255 = vector.broadcast %shift_right_logical3A_254 : i32 to vector<16xi32>
      %shift_right_logical3A_256 = arith.shrui %get3A_248, %shift_right_logical3A_255 : vector<16xi32>
      %swap3A_257 = arith.constant 112 : index
      %swap3A_258 = tpu.vector_load %arg10[%swap3A_257] {strides = array<i32>} : memref<144xi32, #tpu.memory_space<vmem>>, vector<16xi32>,
      tpu.vector_store %arg10[%swap3A_257], %shift_right_logical3A_256 {strides = array<i32>} : memref<144xi32, #tpu.memory_space<vmem>>, vector<16xi32>,
      %add3A_259 = arith.constant 128 : i32
      %add3A_260 = arith.addi %mul3A_146, %add3A_259 : i32
      %get3A_261 = arith.index_cast %add3A_260 : i32 to index
      %get3A_262 = tpu.vector_load %arg6[%get3A_261] {strides = array<i32>} : memref<10080xi32, #tpu.memory_space<vmem>>, vector<16xi32>,
      %and3A_263 = arith.constant 65535 : i32
      %and3A_264 = vector.broadcast %and3A_263 : i32 to vector<16xi32>
      %and3A_265 = arith.andi %get3A_262, %and3A_264 : vector<16xi32>
      %swap3A_266 = arith.constant 128 : index
      %swap3A_267 = tpu.vector_load %arg9[%swap3A_266] {strides = array<i32>} : memref<144xi32, #tpu.memory_space<vmem>>, vector<16xi32>,
      tpu.vector_store %arg9[%swap3A_266], %and3A_265 {strides = array<i32>} : memref<144xi32, #tpu.memory_space<vmem>>, vector<16xi32>,
      %shift_right_logical3A_268 = arith.constant 16 : i32
      %shift_right_logical3A_269 = vector.broadcast %shift_right_logical3A_268 : i32 to vector<16xi32>
      %shift_right_logical3A_270 = arith.shrui %get3A_262, %shift_right_logical3A_269 : vector<16xi32>
      %swap3A_271 = arith.constant 128 : index
      %swap3A_272 = tpu.vector_load %arg10[%swap3A_271] {strides = array<i32>} : memref<144xi32, #tpu.memory_space<vmem>>, vector<16xi32>,
      tpu.vector_store %arg10[%swap3A_271], %shift_right_logical3A_270 {strides = array<i32>} : memref<144xi32, #tpu.memory_space<vmem>>, vector<16xi32>,
      %dma_wait3A = arith.constant 0 : i32
      %dma_wait3A_273 = arith.constant 0 : i32
      %dma_wait3A_274 = tpu.memref_slice %arg2[%dma_wait3A, %dma_wait3A_273] : memref<10112x128xf32, #tpu.memory_space<hbm>> -> memref<10112x128xf32, #tpu.memory_space<hbm>>
      tpu.wait_indirect_dma semaphore(%arg14 : memref<!tpu.dma_semaphore, #tpu.memory_space<semaphore_mem>>) src(%dma_wait3A_274 : memref<10112x128xf32, #tpu.memory_space<hbm>>) dst(%arg11 : memref<144x128xf32, #tpu.memory_space<vmem>>)
      %dma_start3A_275 = arith.constant 0 : i32
      %dma_start3A_276 = arith.constant 0 : i32
      %dma_start3A_277 = tpu.memref_slice %arg2[%dma_start3A_275, %dma_start3A_276] : memref<10112x128xf32, #tpu.memory_space<hbm>> -> memref<10112x128xf32, #tpu.memory_space<hbm>>
      tpu.enqueue_indirect_dma source(%dma_start3A_277 : memref<10112x128xf32, #tpu.memory_space<hbm>>) target(%arg12 : memref<144x128xf32, #tpu.memory_space<vmem>>) offsets(%arg9 : memref<144xi32, #tpu.memory_space<vmem>>) semaphore(%arg15 : memref<!tpu.dma_semaphore, #tpu.memory_space<semaphore_mem>>)
      "tpu.region"() ({
        %run_scoped3A = tpu.sem_alloc : memref<!tpu.dma_semaphore, #tpu.memory_space<semaphore_mem>>
        %dma_start3A_284 = arith.constant 0 : i32
        %dma_start3A_285 = arith.constant 0 : i32
        %dma_start3A_286 = tpu.memref_slice %arg13[%dma_start3A_284, %dma_start3A_285] : memref<10112x128xf32, #tpu.memory_space<vmem_shared>> -> memref<10112x128xf32, #tpu.memory_space<vmem_shared>>
        tpu.enqueue_indirect_dma source(%arg11 : memref<144x128xf32, #tpu.memory_space<vmem>>) target(%dma_start3A_286 : memref<10112x128xf32, #tpu.memory_space<vmem_shared>>) offsets(%arg8 : memref<144xi32, #tpu.memory_space<vmem>>) semaphore(%run_scoped3A : memref<!tpu.dma_semaphore, #tpu.memory_space<semaphore_mem>>) {add = true}
        %dma_wait3A_287 = arith.constant 0 : i32
        %dma_wait3A_288 = arith.constant 0 : i32
        %dma_wait3A_289 = tpu.memref_slice %arg13[%dma_wait3A_287, %dma_wait3A_288] : memref<10112x128xf32, #tpu.memory_space<vmem_shared>> -> memref<10112x128xf32, #tpu.memory_space<vmem_shared>>
        tpu.wait_indirect_dma semaphore(%run_scoped3A : memref<!tpu.dma_semaphore, #tpu.memory_space<semaphore_mem>>) src(%arg11 : memref<144x128xf32, #tpu.memory_space<vmem>>) dst(%dma_wait3A_289 : memref<10112x128xf32, #tpu.memory_space<vmem_shared>>)
        tpu.yield
      }) : () -> ()
      %add3A_278 = arith.constant 2 : i32
      %add3A_279 = arith.addi %mul3A_142, %add3A_278 : i32
      %lt3A = arith.cmpi slt, %add3A_279, %select_n3A : i32
      %convert_element_type3A = arith.extui %lt3A : i1 to i32
      %cond3A = arith.constant 0 : i32
      %cond3A_280 = arith.cmpi ne, %convert_element_type3A, %cond3A : i32
      scf.if %cond3A_280 {
        %add3A_284 = arith.constant 2 : i32
        %add3A_285 = arith.addi %mul3A_142, %add3A_284 : i32
        %mul3A_286 = arith.constant 144 : i32
        %mul3A_287 = arith.muli %add3A_285, %mul3A_286 : i32
        %add3A_288 = arith.constant 0 : i32
        %add3A_289 = arith.addi %mul3A_287, %add3A_288 : i32
        %get3A_290 = arith.index_cast %add3A_289 : i32 to index
        %get3A_291 = tpu.vector_load %arg6[%get3A_290] {strides = array<i32>} : memref<10080xi32, #tpu.memory_space<vmem>>, vector<16xi32>,
        %and3A_292 = arith.constant 65535 : i32
        %and3A_293 = vector.broadcast %and3A_292 : i32 to vector<16xi32>
        %and3A_294 = arith.andi %get3A_291, %and3A_293 : vector<16xi32>
        %swap3A_295 = arith.constant 0 : index
        %swap3A_296 = tpu.vector_load %arg7[%swap3A_295] {strides = array<i32>} : memref<144xi32, #tpu.memory_space<vmem>>, vector<16xi32>,
        tpu.vector_store %arg7[%swap3A_295], %and3A_294 {strides = array<i32>} : memref<144xi32, #tpu.memory_space<vmem>>, vector<16xi32>,
        %shift_right_logical3A_297 = arith.constant 16 : i32
        %shift_right_logical3A_298 = vector.broadcast %shift_right_logical3A_297 : i32 to vector<16xi32>
        %shift_right_logical3A_299 = arith.shrui %get3A_291, %shift_right_logical3A_298 : vector<16xi32>
        %swap3A_300 = arith.constant 0 : index
        %swap3A_301 = tpu.vector_load %arg8[%swap3A_300] {strides = array<i32>} : memref<144xi32, #tpu.memory_space<vmem>>, vector<16xi32>,
        tpu.vector_store %arg8[%swap3A_300], %shift_right_logical3A_299 {strides = array<i32>} : memref<144xi32, #tpu.memory_space<vmem>>, vector<16xi32>,
        %add3A_302 = arith.constant 16 : i32
        %add3A_303 = arith.addi %mul3A_287, %add3A_302 : i32
        %get3A_304 = arith.index_cast %add3A_303 : i32 to index
        %get3A_305 = tpu.vector_load %arg6[%get3A_304] {strides = array<i32>} : memref<10080xi32, #tpu.memory_space<vmem>>, vector<16xi32>,
        %and3A_306 = arith.constant 65535 : i32
        %and3A_307 = vector.broadcast %and3A_306 : i32 to vector<16xi32>
        %and3A_308 = arith.andi %get3A_305, %and3A_307 : vector<16xi32>
        %swap3A_309 = arith.constant 16 : index
        %swap3A_310 = tpu.vector_load %arg7[%swap3A_309] {strides = array<i32>} : memref<144xi32, #tpu.memory_space<vmem>>, vector<16xi32>,
        tpu.vector_store %arg7[%swap3A_309], %and3A_308 {strides = array<i32>} : memref<144xi32, #tpu.memory_space<vmem>>, vector<16xi32>,
        %shift_right_logical3A_311 = arith.constant 16 : i32
        %shift_right_logical3A_312 = vector.broadcast %shift_right_logical3A_311 : i32 to vector<16xi32>
        %shift_right_logical3A_313 = arith.shrui %get3A_305, %shift_right_logical3A_312 : vector<16xi32>
        %swap3A_314 = arith.constant 16 : index
        %swap3A_315 = tpu.vector_load %arg8[%swap3A_314] {strides = array<i32>} : memref<144xi32, #tpu.memory_space<vmem>>, vector<16xi32>,
        tpu.vector_store %arg8[%swap3A_314], %shift_right_logical3A_313 {strides = array<i32>} : memref<144xi32, #tpu.memory_space<vmem>>, vector<16xi32>,
        %add3A_316 = arith.constant 32 : i32
        %add3A_317 = arith.addi %mul3A_287, %add3A_316 : i32
        %get3A_318 = arith.index_cast %add3A_317 : i32 to index
        %get3A_319 = tpu.vector_load %arg6[%get3A_318] {strides = array<i32>} : memref<10080xi32, #tpu.memory_space<vmem>>, vector<16xi32>,
        %and3A_320 = arith.constant 65535 : i32
        %and3A_321 = vector.broadcast %and3A_320 : i32 to vector<16xi32>
        %and3A_322 = arith.andi %get3A_319, %and3A_321 : vector<16xi32>
        %swap3A_323 = arith.constant 32 : index
        %swap3A_324 = tpu.vector_load %arg7[%swap3A_323] {strides = array<i32>} : memref<144xi32, #tpu.memory_space<vmem>>, vector<16xi32>,
        tpu.vector_store %arg7[%swap3A_323], %and3A_322 {strides = array<i32>} : memref<144xi32, #tpu.memory_space<vmem>>, vector<16xi32>,
        %shift_right_logical3A_325 = arith.constant 16 : i32
        %shift_right_logical3A_326 = vector.broadcast %shift_right_logical3A_325 : i32 to vector<16xi32>
        %shift_right_logical3A_327 = arith.shrui %get3A_319, %shift_right_logical3A_326 : vector<16xi32>
        %swap3A_328 = arith.constant 32 : index
        %swap3A_329 = tpu.vector_load %arg8[%swap3A_328] {strides = array<i32>} : memref<144xi32, #tpu.memory_space<vmem>>, vector<16xi32>,
        tpu.vector_store %arg8[%swap3A_328], %shift_right_logical3A_327 {strides = array<i32>} : memref<144xi32, #tpu.memory_space<vmem>>, vector<16xi32>,
        %add3A_330 = arith.constant 48 : i32
        %add3A_331 = arith.addi %mul3A_287, %add3A_330 : i32
        %get3A_332 = arith.index_cast %add3A_331 : i32 to index
        %get3A_333 = tpu.vector_load %arg6[%get3A_332] {strides = array<i32>} : memref<10080xi32, #tpu.memory_space<vmem>>, vector<16xi32>,
        %and3A_334 = arith.constant 65535 : i32
        %and3A_335 = vector.broadcast %and3A_334 : i32 to vector<16xi32>
        %and3A_336 = arith.andi %get3A_333, %and3A_335 : vector<16xi32>
        %swap3A_337 = arith.constant 48 : index
        %swap3A_338 = tpu.vector_load %arg7[%swap3A_337] {strides = array<i32>} : memref<144xi32, #tpu.memory_space<vmem>>, vector<16xi32>,
        tpu.vector_store %arg7[%swap3A_337], %and3A_336 {strides = array<i32>} : memref<144xi32, #tpu.memory_space<vmem>>, vector<16xi32>,
        %shift_right_logical3A_339 = arith.constant 16 : i32
        %shift_right_logical3A_340 = vector.broadcast %shift_right_logical3A_339 : i32 to vector<16xi32>
        %shift_right_logical3A_341 = arith.shrui %get3A_333, %shift_right_logical3A_340 : vector<16xi32>
        %swap3A_342 = arith.constant 48 : index
        %swap3A_343 = tpu.vector_load %arg8[%swap3A_342] {strides = array<i32>} : memref<144xi32, #tpu.memory_space<vmem>>, vector<16xi32>,
        tpu.vector_store %arg8[%swap3A_342], %shift_right_logical3A_341 {strides = array<i32>} : memref<144xi32, #tpu.memory_space<vmem>>, vector<16xi32>,
        %add3A_344 = arith.constant 64 : i32
        %add3A_345 = arith.addi %mul3A_287, %add3A_344 : i32
        %get3A_346 = arith.index_cast %add3A_345 : i32 to index
        %get3A_347 = tpu.vector_load %arg6[%get3A_346] {strides = array<i32>} : memref<10080xi32, #tpu.memory_space<vmem>>, vector<16xi32>,
        %and3A_348 = arith.constant 65535 : i32
        %and3A_349 = vector.broadcast %and3A_348 : i32 to vector<16xi32>
        %and3A_350 = arith.andi %get3A_347, %and3A_349 : vector<16xi32>
        %swap3A_351 = arith.constant 64 : index
        %swap3A_352 = tpu.vector_load %arg7[%swap3A_351] {strides = array<i32>} : memref<144xi32, #tpu.memory_space<vmem>>, vector<16xi32>,
        tpu.vector_store %arg7[%swap3A_351], %and3A_350 {strides = array<i32>} : memref<144xi32, #tpu.memory_space<vmem>>, vector<16xi32>,
        %shift_right_logical3A_353 = arith.constant 16 : i32
        %shift_right_logical3A_354 = vector.broadcast %shift_right_logical3A_353 : i32 to vector<16xi32>
        %shift_right_logical3A_355 = arith.shrui %get3A_347, %shift_right_logical3A_354 : vector<16xi32>
        %swap3A_356 = arith.constant 64 : index
        %swap3A_357 = tpu.vector_load %arg8[%swap3A_356] {strides = array<i32>} : memref<144xi32, #tpu.memory_space<vmem>>, vector<16xi32>,
        tpu.vector_store %arg8[%swap3A_356], %shift_right_logical3A_355 {strides = array<i32>} : memref<144xi32, #tpu.memory_space<vmem>>, vector<16xi32>,
        %add3A_358 = arith.constant 80 : i32
        %add3A_359 = arith.addi %mul3A_287, %add3A_358 : i32
        %get3A_360 = arith.index_cast %add3A_359 : i32 to index
        %get3A_361 = tpu.vector_load %arg6[%get3A_360] {strides = array<i32>} : memref<10080xi32, #tpu.memory_space<vmem>>, vector<16xi32>,
        %and3A_362 = arith.constant 65535 : i32
        %and3A_363 = vector.broadcast %and3A_362 : i32 to vector<16xi32>
        %and3A_364 = arith.andi %get3A_361, %and3A_363 : vector<16xi32>
        %swap3A_365 = arith.constant 80 : index
        %swap3A_366 = tpu.vector_load %arg7[%swap3A_365] {strides = array<i32>} : memref<144xi32, #tpu.memory_space<vmem>>, vector<16xi32>,
        tpu.vector_store %arg7[%swap3A_365], %and3A_364 {strides = array<i32>} : memref<144xi32, #tpu.memory_space<vmem>>, vector<16xi32>,
        %shift_right_logical3A_367 = arith.constant 16 : i32
        %shift_right_logical3A_368 = vector.broadcast %shift_right_logical3A_367 : i32 to vector<16xi32>
        %shift_right_logical3A_369 = arith.shrui %get3A_361, %shift_right_logical3A_368 : vector<16xi32>
        %swap3A_370 = arith.constant 80 : index
        %swap3A_371 = tpu.vector_load %arg8[%swap3A_370] {strides = array<i32>} : memref<144xi32, #tpu.memory_space<vmem>>, vector<16xi32>,
        tpu.vector_store %arg8[%swap3A_370], %shift_right_logical3A_369 {strides = array<i32>} : memref<144xi32, #tpu.memory_space<vmem>>, vector<16xi32>,
        %add3A_372 = arith.constant 96 : i32
        %add3A_373 = arith.addi %mul3A_287, %add3A_372 : i32
        %get3A_374 = arith.index_cast %add3A_373 : i32 to index
        %get3A_375 = tpu.vector_load %arg6[%get3A_374] {strides = array<i32>} : memref<10080xi32, #tpu.memory_space<vmem>>, vector<16xi32>,
        %and3A_376 = arith.constant 65535 : i32
        %and3A_377 = vector.broadcast %and3A_376 : i32 to vector<16xi32>
        %and3A_378 = arith.andi %get3A_375, %and3A_377 : vector<16xi32>
        %swap3A_379 = arith.constant 96 : index
        %swap3A_380 = tpu.vector_load %arg7[%swap3A_379] {strides = array<i32>} : memref<144xi32, #tpu.memory_space<vmem>>, vector<16xi32>,
        tpu.vector_store %arg7[%swap3A_379], %and3A_378 {strides = array<i32>} : memref<144xi32, #tpu.memory_space<vmem>>, vector<16xi32>,
        %shift_right_logical3A_381 = arith.constant 16 : i32
        %shift_right_logical3A_382 = vector.broadcast %shift_right_logical3A_381 : i32 to vector<16xi32>
        %shift_right_logical3A_383 = arith.shrui %get3A_375, %shift_right_logical3A_382 : vector<16xi32>
        %swap3A_384 = arith.constant 96 : index
        %swap3A_385 = tpu.vector_load %arg8[%swap3A_384] {strides = array<i32>} : memref<144xi32, #tpu.memory_space<vmem>>, vector<16xi32>,
        tpu.vector_store %arg8[%swap3A_384], %shift_right_logical3A_383 {strides = array<i32>} : memref<144xi32, #tpu.memory_space<vmem>>, vector<16xi32>,
        %add3A_386 = arith.constant 112 : i32
        %add3A_387 = arith.addi %mul3A_287, %add3A_386 : i32
        %get3A_388 = arith.index_cast %add3A_387 : i32 to index
        %get3A_389 = tpu.vector_load %arg6[%get3A_388] {strides = array<i32>} : memref<10080xi32, #tpu.memory_space<vmem>>, vector<16xi32>,
        %and3A_390 = arith.constant 65535 : i32
        %and3A_391 = vector.broadcast %and3A_390 : i32 to vector<16xi32>
        %and3A_392 = arith.andi %get3A_389, %and3A_391 : vector<16xi32>
        %swap3A_393 = arith.constant 112 : index
        %swap3A_394 = tpu.vector_load %arg7[%swap3A_393] {strides = array<i32>} : memref<144xi32, #tpu.memory_space<vmem>>, vector<16xi32>,
        tpu.vector_store %arg7[%swap3A_393], %and3A_392 {strides = array<i32>} : memref<144xi32, #tpu.memory_space<vmem>>, vector<16xi32>,
        %shift_right_logical3A_395 = arith.constant 16 : i32
        %shift_right_logical3A_396 = vector.broadcast %shift_right_logical3A_395 : i32 to vector<16xi32>
        %shift_right_logical3A_397 = arith.shrui %get3A_389, %shift_right_logical3A_396 : vector<16xi32>
        %swap3A_398 = arith.constant 112 : index
        %swap3A_399 = tpu.vector_load %arg8[%swap3A_398] {strides = array<i32>} : memref<144xi32, #tpu.memory_space<vmem>>, vector<16xi32>,
        tpu.vector_store %arg8[%swap3A_398], %shift_right_logical3A_397 {strides = array<i32>} : memref<144xi32, #tpu.memory_space<vmem>>, vector<16xi32>,
        %add3A_400 = arith.constant 128 : i32
        %add3A_401 = arith.addi %mul3A_287, %add3A_400 : i32
        %get3A_402 = arith.index_cast %add3A_401 : i32 to index
        %get3A_403 = tpu.vector_load %arg6[%get3A_402] {strides = array<i32>} : memref<10080xi32, #tpu.memory_space<vmem>>, vector<16xi32>,
        %and3A_404 = arith.constant 65535 : i32
        %and3A_405 = vector.broadcast %and3A_404 : i32 to vector<16xi32>
        %and3A_406 = arith.andi %get3A_403, %and3A_405 : vector<16xi32>
        %swap3A_407 = arith.constant 128 : index
        %swap3A_408 = tpu.vector_load %arg7[%swap3A_407] {strides = array<i32>} : memref<144xi32, #tpu.memory_space<vmem>>, vector<16xi32>,
        tpu.vector_store %arg7[%swap3A_407], %and3A_406 {strides = array<i32>} : memref<144xi32, #tpu.memory_space<vmem>>, vector<16xi32>,
        %shift_right_logical3A_409 = arith.constant 16 : i32
        %shift_right_logical3A_410 = vector.broadcast %shift_right_logical3A_409 : i32 to vector<16xi32>
        %shift_right_logical3A_411 = arith.shrui %get3A_403, %shift_right_logical3A_410 : vector<16xi32>
        %swap3A_412 = arith.constant 128 : index
        %swap3A_413 = tpu.vector_load %arg8[%swap3A_412] {strides = array<i32>} : memref<144xi32, #tpu.memory_space<vmem>>, vector<16xi32>,
        tpu.vector_store %arg8[%swap3A_412], %shift_right_logical3A_411 {strides = array<i32>} : memref<144xi32, #tpu.memory_space<vmem>>, vector<16xi32>,
        %dma_start3A_414 = arith.constant 0 : i32
        %dma_start3A_415 = arith.constant 0 : i32
        %dma_start3A_416 = tpu.memref_slice %arg2[%dma_start3A_414, %dma_start3A_415] : memref<10112x128xf32, #tpu.memory_space<hbm>> -> memref<10112x128xf32, #tpu.memory_space<hbm>>
        tpu.enqueue_indirect_dma source(%dma_start3A_416 : memref<10112x128xf32, #tpu.memory_space<hbm>>) target(%arg11 : memref<144x128xf32, #tpu.memory_space<vmem>>) offsets(%arg7 : memref<144xi32, #tpu.memory_space<vmem>>) semaphore(%arg14 : memref<!tpu.dma_semaphore, #tpu.memory_space<semaphore_mem>>)
      } else {
      }
      %dma_wait3A_281 = arith.constant 0 : i32
      %dma_wait3A_282 = arith.constant 0 : i32
      %dma_wait3A_283 = tpu.memref_slice %arg2[%dma_wait3A_281, %dma_wait3A_282] : memref<10112x128xf32, #tpu.memory_space<hbm>> -> memref<10112x128xf32, #tpu.memory_space<hbm>>
      tpu.wait_indirect_dma semaphore(%arg15 : memref<!tpu.dma_semaphore, #tpu.memory_space<semaphore_mem>>) src(%dma_wait3A_283 : memref<10112x128xf32, #tpu.memory_space<hbm>>) dst(%arg12 : memref<144x128xf32, #tpu.memory_space<vmem>>)
      "tpu.region"() ({
        %run_scoped3A = tpu.sem_alloc : memref<!tpu.dma_semaphore, #tpu.memory_space<semaphore_mem>>
        %dma_start3A_284 = arith.constant 0 : i32
        %dma_start3A_285 = arith.constant 0 : i32
        %dma_start3A_286 = tpu.memref_slice %arg13[%dma_start3A_284, %dma_start3A_285] : memref<10112x128xf32, #tpu.memory_space<vmem_shared>> -> memref<10112x128xf32, #tpu.memory_space<vmem_shared>>
        tpu.enqueue_indirect_dma source(%arg12 : memref<144x128xf32, #tpu.memory_space<vmem>>) target(%dma_start3A_286 : memref<10112x128xf32, #tpu.memory_space<vmem_shared>>) offsets(%arg10 : memref<144xi32, #tpu.memory_space<vmem>>) semaphore(%run_scoped3A : memref<!tpu.dma_semaphore, #tpu.memory_space<semaphore_mem>>) {add = true}
        %dma_wait3A_287 = arith.constant 0 : i32
        %dma_wait3A_288 = arith.constant 0 : i32
        %dma_wait3A_289 = tpu.memref_slice %arg13[%dma_wait3A_287, %dma_wait3A_288] : memref<10112x128xf32, #tpu.memory_space<vmem_shared>> -> memref<10112x128xf32, #tpu.memory_space<vmem_shared>>
        tpu.wait_indirect_dma semaphore(%run_scoped3A : memref<!tpu.dma_semaphore, #tpu.memory_space<semaphore_mem>>) src(%arg12 : memref<144x128xf32, #tpu.memory_space<vmem>>) dst(%dma_wait3A_289 : memref<10112x128xf32, #tpu.memory_space<vmem_shared>>)
        tpu.yield
      }) : () -> ()
    }
    %while3A_138 = arith.constant 1 : i32
    scf.for %while3A_140 = %while3A_136 to %while3A_132 step %while3A_138  : i32 {
      %mul3A_141 = arith.constant 2 : i32
      %mul3A_142 = arith.muli %while3A_140, %mul3A_141 : i32
      %add3A_143 = arith.constant 1 : i32
      %add3A_144 = arith.addi %mul3A_142, %add3A_143 : i32
      %mul3A_145 = arith.constant 144 : i32
      %mul3A_146 = arith.muli %add3A_144, %mul3A_145 : i32
      %add3A_147 = arith.constant 0 : i32
      %add3A_148 = arith.addi %mul3A_146, %add3A_147 : i32
      %get3A_149 = arith.index_cast %add3A_148 : i32 to index
      %get3A_150 = tpu.vector_load %arg6[%get3A_149] {strides = array<i32>} : memref<10080xi32, #tpu.memory_space<vmem>>, vector<16xi32>,
      %and3A_151 = arith.constant 65535 : i32
      %and3A_152 = vector.broadcast %and3A_151 : i32 to vector<16xi32>
      %and3A_153 = arith.andi %get3A_150, %and3A_152 : vector<16xi32>
      %swap3A_154 = arith.constant 0 : index
      %swap3A_155 = tpu.vector_load %arg9[%swap3A_154] {strides = array<i32>} : memref<144xi32, #tpu.memory_space<vmem>>, vector<16xi32>,
      tpu.vector_store %arg9[%swap3A_154], %and3A_153 {strides = array<i32>} : memref<144xi32, #tpu.memory_space<vmem>>, vector<16xi32>,
      %shift_right_logical3A_156 = arith.constant 16 : i32
      %shift_right_logical3A_157 = vector.broadcast %shift_right_logical3A_156 : i32 to vector<16xi32>
      %shift_right_logical3A_158 = arith.shrui %get3A_150, %shift_right_logical3A_157 : vector<16xi32>
      %swap3A_159 = arith.constant 0 : index
      %swap3A_160 = tpu.vector_load %arg10[%swap3A_159] {strides = array<i32>} : memref<144xi32, #tpu.memory_space<vmem>>, vector<16xi32>,
      tpu.vector_store %arg10[%swap3A_159], %shift_right_logical3A_158 {strides = array<i32>} : memref<144xi32, #tpu.memory_space<vmem>>, vector<16xi32>,
      %add3A_161 = arith.constant 16 : i32
      %add3A_162 = arith.addi %mul3A_146, %add3A_161 : i32
      %get3A_163 = arith.index_cast %add3A_162 : i32 to index
      %get3A_164 = tpu.vector_load %arg6[%get3A_163] {strides = array<i32>} : memref<10080xi32, #tpu.memory_space<vmem>>, vector<16xi32>,
      %and3A_165 = arith.constant 65535 : i32
      %and3A_166 = vector.broadcast %and3A_165 : i32 to vector<16xi32>
      %and3A_167 = arith.andi %get3A_164, %and3A_166 : vector<16xi32>
      %swap3A_168 = arith.constant 16 : index
      %swap3A_169 = tpu.vector_load %arg9[%swap3A_168] {strides = array<i32>} : memref<144xi32, #tpu.memory_space<vmem>>, vector<16xi32>,
      tpu.vector_store %arg9[%swap3A_168], %and3A_167 {strides = array<i32>} : memref<144xi32, #tpu.memory_space<vmem>>, vector<16xi32>,
      %shift_right_logical3A_170 = arith.constant 16 : i32
      %shift_right_logical3A_171 = vector.broadcast %shift_right_logical3A_170 : i32 to vector<16xi32>
      %shift_right_logical3A_172 = arith.shrui %get3A_164, %shift_right_logical3A_171 : vector<16xi32>
      %swap3A_173 = arith.constant 16 : index
      %swap3A_174 = tpu.vector_load %arg10[%swap3A_173] {strides = array<i32>} : memref<144xi32, #tpu.memory_space<vmem>>, vector<16xi32>,
      tpu.vector_store %arg10[%swap3A_173], %shift_right_logical3A_172 {strides = array<i32>} : memref<144xi32, #tpu.memory_space<vmem>>, vector<16xi32>,
      %add3A_175 = arith.constant 32 : i32
      %add3A_176 = arith.addi %mul3A_146, %add3A_175 : i32
      %get3A_177 = arith.index_cast %add3A_176 : i32 to index
      %get3A_178 = tpu.vector_load %arg6[%get3A_177] {strides = array<i32>} : memref<10080xi32, #tpu.memory_space<vmem>>, vector<16xi32>,
      %and3A_179 = arith.constant 65535 : i32
      %and3A_180 = vector.broadcast %and3A_179 : i32 to vector<16xi32>
      %and3A_181 = arith.andi %get3A_178, %and3A_180 : vector<16xi32>
      %swap3A_182 = arith.constant 32 : index
      %swap3A_183 = tpu.vector_load %arg9[%swap3A_182] {strides = array<i32>} : memref<144xi32, #tpu.memory_space<vmem>>, vector<16xi32>,
      tpu.vector_store %arg9[%swap3A_182], %and3A_181 {strides = array<i32>} : memref<144xi32, #tpu.memory_space<vmem>>, vector<16xi32>,
      %shift_right_logical3A_184 = arith.constant 16 : i32
      %shift_right_logical3A_185 = vector.broadcast %shift_right_logical3A_184 : i32 to vector<16xi32>
      %shift_right_logical3A_186 = arith.shrui %get3A_178, %shift_right_logical3A_185 : vector<16xi32>
      %swap3A_187 = arith.constant 32 : index
      %swap3A_188 = tpu.vector_load %arg10[%swap3A_187] {strides = array<i32>} : memref<144xi32, #tpu.memory_space<vmem>>, vector<16xi32>,
      tpu.vector_store %arg10[%swap3A_187], %shift_right_logical3A_186 {strides = array<i32>} : memref<144xi32, #tpu.memory_space<vmem>>, vector<16xi32>,
      %add3A_189 = arith.constant 48 : i32
      %add3A_190 = arith.addi %mul3A_146, %add3A_189 : i32
      %get3A_191 = arith.index_cast %add3A_190 : i32 to index
      %get3A_192 = tpu.vector_load %arg6[%get3A_191] {strides = array<i32>} : memref<10080xi32, #tpu.memory_space<vmem>>, vector<16xi32>,
      %and3A_193 = arith.constant 65535 : i32
      %and3A_194 = vector.broadcast %and3A_193 : i32 to vector<16xi32>
      %and3A_195 = arith.andi %get3A_192, %and3A_194 : vector<16xi32>
      %swap3A_196 = arith.constant 48 : index
      %swap3A_197 = tpu.vector_load %arg9[%swap3A_196] {strides = array<i32>} : memref<144xi32, #tpu.memory_space<vmem>>, vector<16xi32>,
      tpu.vector_store %arg9[%swap3A_196], %and3A_195 {strides = array<i32>} : memref<144xi32, #tpu.memory_space<vmem>>, vector<16xi32>,
      %shift_right_logical3A_198 = arith.constant 16 : i32
      %shift_right_logical3A_199 = vector.broadcast %shift_right_logical3A_198 : i32 to vector<16xi32>
      %shift_right_logical3A_200 = arith.shrui %get3A_192, %shift_right_logical3A_199 : vector<16xi32>
      %swap3A_201 = arith.constant 48 : index
      %swap3A_202 = tpu.vector_load %arg10[%swap3A_201] {strides = array<i32>} : memref<144xi32, #tpu.memory_space<vmem>>, vector<16xi32>,
      tpu.vector_store %arg10[%swap3A_201], %shift_right_logical3A_200 {strides = array<i32>} : memref<144xi32, #tpu.memory_space<vmem>>, vector<16xi32>,
      %add3A_203 = arith.constant 64 : i32
      %add3A_204 = arith.addi %mul3A_146, %add3A_203 : i32
      %get3A_205 = arith.index_cast %add3A_204 : i32 to index
      %get3A_206 = tpu.vector_load %arg6[%get3A_205] {strides = array<i32>} : memref<10080xi32, #tpu.memory_space<vmem>>, vector<16xi32>,
      %and3A_207 = arith.constant 65535 : i32
      %and3A_208 = vector.broadcast %and3A_207 : i32 to vector<16xi32>
      %and3A_209 = arith.andi %get3A_206, %and3A_208 : vector<16xi32>
      %swap3A_210 = arith.constant 64 : index
      %swap3A_211 = tpu.vector_load %arg9[%swap3A_210] {strides = array<i32>} : memref<144xi32, #tpu.memory_space<vmem>>, vector<16xi32>,
      tpu.vector_store %arg9[%swap3A_210], %and3A_209 {strides = array<i32>} : memref<144xi32, #tpu.memory_space<vmem>>, vector<16xi32>,
      %shift_right_logical3A_212 = arith.constant 16 : i32
      %shift_right_logical3A_213 = vector.broadcast %shift_right_logical3A_212 : i32 to vector<16xi32>
      %shift_right_logical3A_214 = arith.shrui %get3A_206, %shift_right_logical3A_213 : vector<16xi32>
      %swap3A_215 = arith.constant 64 : index
      %swap3A_216 = tpu.vector_load %arg10[%swap3A_215] {strides = array<i32>} : memref<144xi32, #tpu.memory_space<vmem>>, vector<16xi32>,
      tpu.vector_store %arg10[%swap3A_215], %shift_right_logical3A_214 {strides = array<i32>} : memref<144xi32, #tpu.memory_space<vmem>>, vector<16xi32>,
      %add3A_217 = arith.constant 80 : i32
      %add3A_218 = arith.addi %mul3A_146, %add3A_217 : i32
      %get3A_219 = arith.index_cast %add3A_218 : i32 to index
      %get3A_220 = tpu.vector_load %arg6[%get3A_219] {strides = array<i32>} : memref<10080xi32, #tpu.memory_space<vmem>>, vector<16xi32>,
      %and3A_221 = arith.constant 65535 : i32
      %and3A_222 = vector.broadcast %and3A_221 : i32 to vector<16xi32>
      %and3A_223 = arith.andi %get3A_220, %and3A_222 : vector<16xi32>
      %swap3A_224 = arith.constant 80 : index
      %swap3A_225 = tpu.vector_load %arg9[%swap3A_224] {strides = array<i32>} : memref<144xi32, #tpu.memory_space<vmem>>, vector<16xi32>,
      tpu.vector_store %arg9[%swap3A_224], %and3A_223 {strides = array<i32>} : memref<144xi32, #tpu.memory_space<vmem>>, vector<16xi32>,
      %shift_right_logical3A_226 = arith.constant 16 : i32
      %shift_right_logical3A_227 = vector.broadcast %shift_right_logical3A_226 : i32 to vector<16xi32>
      %shift_right_logical3A_228 = arith.shrui %get3A_220, %shift_right_logical3A_227 : vector<16xi32>
      %swap3A_229 = arith.constant 80 : index
      %swap3A_230 = tpu.vector_load %arg10[%swap3A_229] {strides = array<i32>} : memref<144xi32, #tpu.memory_space<vmem>>, vector<16xi32>,
      tpu.vector_store %arg10[%swap3A_229], %shift_right_logical3A_228 {strides = array<i32>} : memref<144xi32, #tpu.memory_space<vmem>>, vector<16xi32>,
      %add3A_231 = arith.constant 96 : i32
      %add3A_232 = arith.addi %mul3A_146, %add3A_231 : i32
      %get3A_233 = arith.index_cast %add3A_232 : i32 to index
      %get3A_234 = tpu.vector_load %arg6[%get3A_233] {strides = array<i32>} : memref<10080xi32, #tpu.memory_space<vmem>>, vector<16xi32>,
      %and3A_235 = arith.constant 65535 : i32
      %and3A_236 = vector.broadcast %and3A_235 : i32 to vector<16xi32>
      %and3A_237 = arith.andi %get3A_234, %and3A_236 : vector<16xi32>
      %swap3A_238 = arith.constant 96 : index
      %swap3A_239 = tpu.vector_load %arg9[%swap3A_238] {strides = array<i32>} : memref<144xi32, #tpu.memory_space<vmem>>, vector<16xi32>,
      tpu.vector_store %arg9[%swap3A_238], %and3A_237 {strides = array<i32>} : memref<144xi32, #tpu.memory_space<vmem>>, vector<16xi32>,
      %shift_right_logical3A_240 = arith.constant 16 : i32
      %shift_right_logical3A_241 = vector.broadcast %shift_right_logical3A_240 : i32 to vector<16xi32>
      %shift_right_logical3A_242 = arith.shrui %get3A_234, %shift_right_logical3A_241 : vector<16xi32>
      %swap3A_243 = arith.constant 96 : index
      %swap3A_244 = tpu.vector_load %arg10[%swap3A_243] {strides = array<i32>} : memref<144xi32, #tpu.memory_space<vmem>>, vector<16xi32>,
      tpu.vector_store %arg10[%swap3A_243], %shift_right_logical3A_242 {strides = array<i32>} : memref<144xi32, #tpu.memory_space<vmem>>, vector<16xi32>,
      %add3A_245 = arith.constant 112 : i32
      %add3A_246 = arith.addi %mul3A_146, %add3A_245 : i32
      %get3A_247 = arith.index_cast %add3A_246 : i32 to index
      %get3A_248 = tpu.vector_load %arg6[%get3A_247] {strides = array<i32>} : memref<10080xi32, #tpu.memory_space<vmem>>, vector<16xi32>,
      %and3A_249 = arith.constant 65535 : i32
      %and3A_250 = vector.broadcast %and3A_249 : i32 to vector<16xi32>
      %and3A_251 = arith.andi %get3A_248, %and3A_250 : vector<16xi32>
      %swap3A_252 = arith.constant 112 : index
      %swap3A_253 = tpu.vector_load %arg9[%swap3A_252] {strides = array<i32>} : memref<144xi32, #tpu.memory_space<vmem>>, vector<16xi32>,
      tpu.vector_store %arg9[%swap3A_252], %and3A_251 {strides = array<i32>} : memref<144xi32, #tpu.memory_space<vmem>>, vector<16xi32>,
      %shift_right_logical3A_254 = arith.constant 16 : i32
      %shift_right_logical3A_255 = vector.broadcast %shift_right_logical3A_254 : i32 to vector<16xi32>
      %shift_right_logical3A_256 = arith.shrui %get3A_248, %shift_right_logical3A_255 : vector<16xi32>
      %swap3A_257 = arith.constant 112 : index
      %swap3A_258 = tpu.vector_load %arg10[%swap3A_257] {strides = array<i32>} : memref<144xi32, #tpu.memory_space<vmem>>, vector<16xi32>,
      tpu.vector_store %arg10[%swap3A_257], %shift_right_logical3A_256 {strides = array<i32>} : memref<144xi32, #tpu.memory_space<vmem>>, vector<16xi32>,
      %add3A_259 = arith.constant 128 : i32
      %add3A_260 = arith.addi %mul3A_146, %add3A_259 : i32
      %get3A_261 = arith.index_cast %add3A_260 : i32 to index
      %get3A_262 = tpu.vector_load %arg6[%get3A_261] {strides = array<i32>} : memref<10080xi32, #tpu.memory_space<vmem>>, vector<16xi32>,
      %and3A_263 = arith.constant 65535 : i32
      %and3A_264 = vector.broadcast %and3A_263 : i32 to vector<16xi32>
      %and3A_265 = arith.andi %get3A_262, %and3A_264 : vector<16xi32>
      %swap3A_266 = arith.constant 128 : index
      %swap3A_267 = tpu.vector_load %arg9[%swap3A_266] {strides = array<i32>} : memref<144xi32, #tpu.memory_space<vmem>>, vector<16xi32>,
      tpu.vector_store %arg9[%swap3A_266], %and3A_265 {strides = array<i32>} : memref<144xi32, #tpu.memory_space<vmem>>, vector<16xi32>,
      %shift_right_logical3A_268 = arith.constant 16 : i32
      %shift_right_logical3A_269 = vector.broadcast %shift_right_logical3A_268 : i32 to vector<16xi32>
      %shift_right_logical3A_270 = arith.shrui %get3A_262, %shift_right_logical3A_269 : vector<16xi32>
      %swap3A_271 = arith.constant 128 : index
      %swap3A_272 = tpu.vector_load %arg10[%swap3A_271] {strides = array<i32>} : memref<144xi32, #tpu.memory_space<vmem>>, vector<16xi32>,
      tpu.vector_store %arg10[%swap3A_271], %shift_right_logical3A_270 {strides = array<i32>} : memref<144xi32, #tpu.memory_space<vmem>>, vector<16xi32>,
      %dma_wait3A = arith.constant 0 : i32
      %dma_wait3A_273 = arith.constant 0 : i32
      %dma_wait3A_274 = tpu.memref_slice %arg2[%dma_wait3A, %dma_wait3A_273] : memref<10112x128xf32, #tpu.memory_space<hbm>> -> memref<10112x128xf32, #tpu.memory_space<hbm>>
      tpu.wait_indirect_dma semaphore(%arg14 : memref<!tpu.dma_semaphore, #tpu.memory_space<semaphore_mem>>) src(%dma_wait3A_274 : memref<10112x128xf32, #tpu.memory_space<hbm>>) dst(%arg11 : memref<144x128xf32, #tpu.memory_space<vmem>>)
      %dma_start3A_275 = arith.constant 0 : i32
      %dma_start3A_276 = arith.constant 0 : i32
      %dma_start3A_277 = tpu.memref_slice %arg2[%dma_start3A_275, %dma_start3A_276] : memref<10112x128xf32, #tpu.memory_space<hbm>> -> memref<10112x128xf32, #tpu.memory_space<hbm>>
      tpu.enqueue_indirect_dma source(%dma_start3A_277 : memref<10112x128xf32, #tpu.memory_space<hbm>>) target(%arg12 : memref<144x128xf32, #tpu.memory_space<vmem>>) offsets(%arg9 : memref<144xi32, #tpu.memory_space<vmem>>) semaphore(%arg15 : memref<!tpu.dma_semaphore, #tpu.memory_space<semaphore_mem>>)
      "tpu.region"() ({
        %run_scoped3A = tpu.sem_alloc : memref<!tpu.dma_semaphore, #tpu.memory_space<semaphore_mem>>
        %dma_start3A_284 = arith.constant 0 : i32
        %dma_start3A_285 = arith.constant 0 : i32
        %dma_start3A_286 = tpu.memref_slice %arg13[%dma_start3A_284, %dma_start3A_285] : memref<10112x128xf32, #tpu.memory_space<vmem_shared>> -> memref<10112x128xf32, #tpu.memory_space<vmem_shared>>
        tpu.enqueue_indirect_dma source(%arg11 : memref<144x128xf32, #tpu.memory_space<vmem>>) target(%dma_start3A_286 : memref<10112x128xf32, #tpu.memory_space<vmem_shared>>) offsets(%arg8 : memref<144xi32, #tpu.memory_space<vmem>>) semaphore(%run_scoped3A : memref<!tpu.dma_semaphore, #tpu.memory_space<semaphore_mem>>) {add = true}
        %dma_wait3A_287 = arith.constant 0 : i32
        %dma_wait3A_288 = arith.constant 0 : i32
        %dma_wait3A_289 = tpu.memref_slice %arg13[%dma_wait3A_287, %dma_wait3A_288] : memref<10112x128xf32, #tpu.memory_space<vmem_shared>> -> memref<10112x128xf32, #tpu.memory_space<vmem_shared>>
        tpu.wait_indirect_dma semaphore(%run_scoped3A : memref<!tpu.dma_semaphore, #tpu.memory_space<semaphore_mem>>) src(%arg11 : memref<144x128xf32, #tpu.memory_space<vmem>>) dst(%dma_wait3A_289 : memref<10112x128xf32, #tpu.memory_space<vmem_shared>>)
        tpu.yield
      }) : () -> ()
      %add3A_278 = arith.constant 2 : i32
      %add3A_279 = arith.addi %mul3A_142, %add3A_278 : i32
      %lt3A = arith.cmpi slt, %add3A_279, %select_n3A : i32
      %convert_element_type3A = arith.extui %lt3A : i1 to i32
      %cond3A = arith.constant 0 : i32
      %cond3A_280 = arith.cmpi ne, %convert_element_type3A, %cond3A : i32
      scf.if %cond3A_280 {
        %add3A_284 = arith.constant 2 : i32
        %add3A_285 = arith.addi %mul3A_142, %add3A_284 : i32
        %mul3A_286 = arith.constant 144 : i32
        %mul3A_287 = arith.muli %add3A_285, %mul3A_286 : i32
        %add3A_288 = arith.constant 0 : i32
        %add3A_289 = arith.addi %mul3A_287, %add3A_288 : i32
        %get3A_290 = arith.index_cast %add3A_289 : i32 to index
        %get3A_291 = tpu.vector_load %arg6[%get3A_290] {strides = array<i32>} : memref<10080xi32, #tpu.memory_space<vmem>>, vector<16xi32>,
        %and3A_292 = arith.constant 65535 : i32
        %and3A_293 = vector.broadcast %and3A_292 : i32 to vector<16xi32>
        %and3A_294 = arith.andi %get3A_291, %and3A_293 : vector<16xi32>
        %swap3A_295 = arith.constant 0 : index
        %swap3A_296 = tpu.vector_load %arg7[%swap3A_295] {strides = array<i32>} : memref<144xi32, #tpu.memory_space<vmem>>, vector<16xi32>,
        tpu.vector_store %arg7[%swap3A_295], %and3A_294 {strides = array<i32>} : memref<144xi32, #tpu.memory_space<vmem>>, vector<16xi32>,
        %shift_right_logical3A_297 = arith.constant 16 : i32
        %shift_right_logical3A_298 = vector.broadcast %shift_right_logical3A_297 : i32 to vector<16xi32>
        %shift_right_logical3A_299 = arith.shrui %get3A_291, %shift_right_logical3A_298 : vector<16xi32>
        %swap3A_300 = arith.constant 0 : index
        %swap3A_301 = tpu.vector_load %arg8[%swap3A_300] {strides = array<i32>} : memref<144xi32, #tpu.memory_space<vmem>>, vector<16xi32>,
        tpu.vector_store %arg8[%swap3A_300], %shift_right_logical3A_299 {strides = array<i32>} : memref<144xi32, #tpu.memory_space<vmem>>, vector<16xi32>,
        %add3A_302 = arith.constant 16 : i32
        %add3A_303 = arith.addi %mul3A_287, %add3A_302 : i32
        %get3A_304 = arith.index_cast %add3A_303 : i32 to index
        %get3A_305 = tpu.vector_load %arg6[%get3A_304] {strides = array<i32>} : memref<10080xi32, #tpu.memory_space<vmem>>, vector<16xi32>,
        %and3A_306 = arith.constant 65535 : i32
        %and3A_307 = vector.broadcast %and3A_306 : i32 to vector<16xi32>
        %and3A_308 = arith.andi %get3A_305, %and3A_307 : vector<16xi32>
        %swap3A_309 = arith.constant 16 : index
        %swap3A_310 = tpu.vector_load %arg7[%swap3A_309] {strides = array<i32>} : memref<144xi32, #tpu.memory_space<vmem>>, vector<16xi32>,
        tpu.vector_store %arg7[%swap3A_309], %and3A_308 {strides = array<i32>} : memref<144xi32, #tpu.memory_space<vmem>>, vector<16xi32>,
        %shift_right_logical3A_311 = arith.constant 16 : i32
        %shift_right_logical3A_312 = vector.broadcast %shift_right_logical3A_311 : i32 to vector<16xi32>
        %shift_right_logical3A_313 = arith.shrui %get3A_305, %shift_right_logical3A_312 : vector<16xi32>
        %swap3A_314 = arith.constant 16 : index
        %swap3A_315 = tpu.vector_load %arg8[%swap3A_314] {strides = array<i32>} : memref<144xi32, #tpu.memory_space<vmem>>, vector<16xi32>,
        tpu.vector_store %arg8[%swap3A_314], %shift_right_logical3A_313 {strides = array<i32>} : memref<144xi32, #tpu.memory_space<vmem>>, vector<16xi32>,
        %add3A_316 = arith.constant 32 : i32
        %add3A_317 = arith.addi %mul3A_287, %add3A_316 : i32
        %get3A_318 = arith.index_cast %add3A_317 : i32 to index
        %get3A_319 = tpu.vector_load %arg6[%get3A_318] {strides = array<i32>} : memref<10080xi32, #tpu.memory_space<vmem>>, vector<16xi32>,
        %and3A_320 = arith.constant 65535 : i32
        %and3A_321 = vector.broadcast %and3A_320 : i32 to vector<16xi32>
        %and3A_322 = arith.andi %get3A_319, %and3A_321 : vector<16xi32>
        %swap3A_323 = arith.constant 32 : index
        %swap3A_324 = tpu.vector_load %arg7[%swap3A_323] {strides = array<i32>} : memref<144xi32, #tpu.memory_space<vmem>>, vector<16xi32>,
        tpu.vector_store %arg7[%swap3A_323], %and3A_322 {strides = array<i32>} : memref<144xi32, #tpu.memory_space<vmem>>, vector<16xi32>,
        %shift_right_logical3A_325 = arith.constant 16 : i32
        %shift_right_logical3A_326 = vector.broadcast %shift_right_logical3A_325 : i32 to vector<16xi32>
        %shift_right_logical3A_327 = arith.shrui %get3A_319, %shift_right_logical3A_326 : vector<16xi32>
        %swap3A_328 = arith.constant 32 : index
        %swap3A_329 = tpu.vector_load %arg8[%swap3A_328] {strides = array<i32>} : memref<144xi32, #tpu.memory_space<vmem>>, vector<16xi32>,
        tpu.vector_store %arg8[%swap3A_328], %shift_right_logical3A_327 {strides = array<i32>} : memref<144xi32, #tpu.memory_space<vmem>>, vector<16xi32>,
        %add3A_330 = arith.constant 48 : i32
        %add3A_331 = arith.addi %mul3A_287, %add3A_330 : i32
        %get3A_332 = arith.index_cast %add3A_331 : i32 to index
        %get3A_333 = tpu.vector_load %arg6[%get3A_332] {strides = array<i32>} : memref<10080xi32, #tpu.memory_space<vmem>>, vector<16xi32>,
        %and3A_334 = arith.constant 65535 : i32
        %and3A_335 = vector.broadcast %and3A_334 : i32 to vector<16xi32>
        %and3A_336 = arith.andi %get3A_333, %and3A_335 : vector<16xi32>
        %swap3A_337 = arith.constant 48 : index
        %swap3A_338 = tpu.vector_load %arg7[%swap3A_337] {strides = array<i32>} : memref<144xi32, #tpu.memory_space<vmem>>, vector<16xi32>,
        tpu.vector_store %arg7[%swap3A_337], %and3A_336 {strides = array<i32>} : memref<144xi32, #tpu.memory_space<vmem>>, vector<16xi32>,
        %shift_right_logical3A_339 = arith.constant 16 : i32
        %shift_right_logical3A_340 = vector.broadcast %shift_right_logical3A_339 : i32 to vector<16xi32>
        %shift_right_logical3A_341 = arith.shrui %get3A_333, %shift_right_logical3A_340 : vector<16xi32>
        %swap3A_342 = arith.constant 48 : index
        %swap3A_343 = tpu.vector_load %arg8[%swap3A_342] {strides = array<i32>} : memref<144xi32, #tpu.memory_space<vmem>>, vector<16xi32>,
        tpu.vector_store %arg8[%swap3A_342], %shift_right_logical3A_341 {strides = array<i32>} : memref<144xi32, #tpu.memory_space<vmem>>, vector<16xi32>,
        %add3A_344 = arith.constant 64 : i32
        %add3A_345 = arith.addi %mul3A_287, %add3A_344 : i32
        %get3A_346 = arith.index_cast %add3A_345 : i32 to index
        %get3A_347 = tpu.vector_load %arg6[%get3A_346] {strides = array<i32>} : memref<10080xi32, #tpu.memory_space<vmem>>, vector<16xi32>,
        %and3A_348 = arith.constant 65535 : i32
        %and3A_349 = vector.broadcast %and3A_348 : i32 to vector<16xi32>
        %and3A_350 = arith.andi %get3A_347, %and3A_349 : vector<16xi32>
        %swap3A_351 = arith.constant 64 : index
        %swap3A_352 = tpu.vector_load %arg7[%swap3A_351] {strides = array<i32>} : memref<144xi32, #tpu.memory_space<vmem>>, vector<16xi32>,
        tpu.vector_store %arg7[%swap3A_351], %and3A_350 {strides = array<i32>} : memref<144xi32, #tpu.memory_space<vmem>>, vector<16xi32>,
        %shift_right_logical3A_353 = arith.constant 16 : i32
        %shift_right_logical3A_354 = vector.broadcast %shift_right_logical3A_353 : i32 to vector<16xi32>
        %shift_right_logical3A_355 = arith.shrui %get3A_347, %shift_right_logical3A_354 : vector<16xi32>
        %swap3A_356 = arith.constant 64 : index
        %swap3A_357 = tpu.vector_load %arg8[%swap3A_356] {strides = array<i32>} : memref<144xi32, #tpu.memory_space<vmem>>, vector<16xi32>,
        tpu.vector_store %arg8[%swap3A_356], %shift_right_logical3A_355 {strides = array<i32>} : memref<144xi32, #tpu.memory_space<vmem>>, vector<16xi32>,
        %add3A_358 = arith.constant 80 : i32
        %add3A_359 = arith.addi %mul3A_287, %add3A_358 : i32
        %get3A_360 = arith.index_cast %add3A_359 : i32 to index
        %get3A_361 = tpu.vector_load %arg6[%get3A_360] {strides = array<i32>} : memref<10080xi32, #tpu.memory_space<vmem>>, vector<16xi32>,
        %and3A_362 = arith.constant 65535 : i32
        %and3A_363 = vector.broadcast %and3A_362 : i32 to vector<16xi32>
        %and3A_364 = arith.andi %get3A_361, %and3A_363 : vector<16xi32>
        %swap3A_365 = arith.constant 80 : index
        %swap3A_366 = tpu.vector_load %arg7[%swap3A_365] {strides = array<i32>} : memref<144xi32, #tpu.memory_space<vmem>>, vector<16xi32>,
        tpu.vector_store %arg7[%swap3A_365], %and3A_364 {strides = array<i32>} : memref<144xi32, #tpu.memory_space<vmem>>, vector<16xi32>,
        %shift_right_logical3A_367 = arith.constant 16 : i32
        %shift_right_logical3A_368 = vector.broadcast %shift_right_logical3A_367 : i32 to vector<16xi32>
        %shift_right_logical3A_369 = arith.shrui %get3A_361, %shift_right_logical3A_368 : vector<16xi32>
        %swap3A_370 = arith.constant 80 : index
        %swap3A_371 = tpu.vector_load %arg8[%swap3A_370] {strides = array<i32>} : memref<144xi32, #tpu.memory_space<vmem>>, vector<16xi32>,
        tpu.vector_store %arg8[%swap3A_370], %shift_right_logical3A_369 {strides = array<i32>} : memref<144xi32, #tpu.memory_space<vmem>>, vector<16xi32>,
        %add3A_372 = arith.constant 96 : i32
        %add3A_373 = arith.addi %mul3A_287, %add3A_372 : i32
        %get3A_374 = arith.index_cast %add3A_373 : i32 to index
        %get3A_375 = tpu.vector_load %arg6[%get3A_374] {strides = array<i32>} : memref<10080xi32, #tpu.memory_space<vmem>>, vector<16xi32>,
        %and3A_376 = arith.constant 65535 : i32
        %and3A_377 = vector.broadcast %and3A_376 : i32 to vector<16xi32>
        %and3A_378 = arith.andi %get3A_375, %and3A_377 : vector<16xi32>
        %swap3A_379 = arith.constant 96 : index
        %swap3A_380 = tpu.vector_load %arg7[%swap3A_379] {strides = array<i32>} : memref<144xi32, #tpu.memory_space<vmem>>, vector<16xi32>,
        tpu.vector_store %arg7[%swap3A_379], %and3A_378 {strides = array<i32>} : memref<144xi32, #tpu.memory_space<vmem>>, vector<16xi32>,
        %shift_right_logical3A_381 = arith.constant 16 : i32
        %shift_right_logical3A_382 = vector.broadcast %shift_right_logical3A_381 : i32 to vector<16xi32>
        %shift_right_logical3A_383 = arith.shrui %get3A_375, %shift_right_logical3A_382 : vector<16xi32>
        %swap3A_384 = arith.constant 96 : index
        %swap3A_385 = tpu.vector_load %arg8[%swap3A_384] {strides = array<i32>} : memref<144xi32, #tpu.memory_space<vmem>>, vector<16xi32>,
        tpu.vector_store %arg8[%swap3A_384], %shift_right_logical3A_383 {strides = array<i32>} : memref<144xi32, #tpu.memory_space<vmem>>, vector<16xi32>,
        %add3A_386 = arith.constant 112 : i32
        %add3A_387 = arith.addi %mul3A_287, %add3A_386 : i32
        %get3A_388 = arith.index_cast %add3A_387 : i32 to index
        %get3A_389 = tpu.vector_load %arg6[%get3A_388] {strides = array<i32>} : memref<10080xi32, #tpu.memory_space<vmem>>, vector<16xi32>,
        %and3A_390 = arith.constant 65535 : i32
        %and3A_391 = vector.broadcast %and3A_390 : i32 to vector<16xi32>
        %and3A_392 = arith.andi %get3A_389, %and3A_391 : vector<16xi32>
        %swap3A_393 = arith.constant 112 : index
        %swap3A_394 = tpu.vector_load %arg7[%swap3A_393] {strides = array<i32>} : memref<144xi32, #tpu.memory_space<vmem>>, vector<16xi32>,
        tpu.vector_store %arg7[%swap3A_393], %and3A_392 {strides = array<i32>} : memref<144xi32, #tpu.memory_space<vmem>>, vector<16xi32>,
        %shift_right_logical3A_395 = arith.constant 16 : i32
        %shift_right_logical3A_396 = vector.broadcast %shift_right_logical3A_395 : i32 to vector<16xi32>
        %shift_right_logical3A_397 = arith.shrui %get3A_389, %shift_right_logical3A_396 : vector<16xi32>
        %swap3A_398 = arith.constant 112 : index
        %swap3A_399 = tpu.vector_load %arg8[%swap3A_398] {strides = array<i32>} : memref<144xi32, #tpu.memory_space<vmem>>, vector<16xi32>,
        tpu.vector_store %arg8[%swap3A_398], %shift_right_logical3A_397 {strides = array<i32>} : memref<144xi32, #tpu.memory_space<vmem>>, vector<16xi32>,
        %add3A_400 = arith.constant 128 : i32
        %add3A_401 = arith.addi %mul3A_287, %add3A_400 : i32
        %get3A_402 = arith.index_cast %add3A_401 : i32 to index
        %get3A_403 = tpu.vector_load %arg6[%get3A_402] {strides = array<i32>} : memref<10080xi32, #tpu.memory_space<vmem>>, vector<16xi32>,
        %and3A_404 = arith.constant 65535 : i32
        %and3A_405 = vector.broadcast %and3A_404 : i32 to vector<16xi32>
        %and3A_406 = arith.andi %get3A_403, %and3A_405 : vector<16xi32>
        %swap3A_407 = arith.constant 128 : index
        %swap3A_408 = tpu.vector_load %arg7[%swap3A_407] {strides = array<i32>} : memref<144xi32, #tpu.memory_space<vmem>>, vector<16xi32>,
        tpu.vector_store %arg7[%swap3A_407], %and3A_406 {strides = array<i32>} : memref<144xi32, #tpu.memory_space<vmem>>, vector<16xi32>,
        %shift_right_logical3A_409 = arith.constant 16 : i32
        %shift_right_logical3A_410 = vector.broadcast %shift_right_logical3A_409 : i32 to vector<16xi32>
        %shift_right_logical3A_411 = arith.shrui %get3A_403, %shift_right_logical3A_410 : vector<16xi32>
        %swap3A_412 = arith.constant 128 : index
        %swap3A_413 = tpu.vector_load %arg8[%swap3A_412] {strides = array<i32>} : memref<144xi32, #tpu.memory_space<vmem>>, vector<16xi32>,
        tpu.vector_store %arg8[%swap3A_412], %shift_right_logical3A_411 {strides = array<i32>} : memref<144xi32, #tpu.memory_space<vmem>>, vector<16xi32>,
        %dma_start3A_414 = arith.constant 0 : i32
        %dma_start3A_415 = arith.constant 0 : i32
        %dma_start3A_416 = tpu.memref_slice %arg2[%dma_start3A_414, %dma_start3A_415] : memref<10112x128xf32, #tpu.memory_space<hbm>> -> memref<10112x128xf32, #tpu.memory_space<hbm>>
        tpu.enqueue_indirect_dma source(%dma_start3A_416 : memref<10112x128xf32, #tpu.memory_space<hbm>>) target(%arg11 : memref<144x128xf32, #tpu.memory_space<vmem>>) offsets(%arg7 : memref<144xi32, #tpu.memory_space<vmem>>) semaphore(%arg14 : memref<!tpu.dma_semaphore, #tpu.memory_space<semaphore_mem>>)
      } else {
      }
      %dma_wait3A_281 = arith.constant 0 : i32
      %dma_wait3A_282 = arith.constant 0 : i32
      %dma_wait3A_283 = tpu.memref_slice %arg2[%dma_wait3A_281, %dma_wait3A_282] : memref<10112x128xf32, #tpu.memory_space<hbm>> -> memref<10112x128xf32, #tpu.memory_space<hbm>>
      tpu.wait_indirect_dma semaphore(%arg15 : memref<!tpu.dma_semaphore, #tpu.memory_space<semaphore_mem>>) src(%dma_wait3A_283 : memref<10112x128xf32, #tpu.memory_space<hbm>>) dst(%arg12 : memref<144x128xf32, #tpu.memory_space<vmem>>)
      "tpu.region"() ({
        %run_scoped3A = tpu.sem_alloc : memref<!tpu.dma_semaphore, #tpu.memory_space<semaphore_mem>>
        %dma_start3A_284 = arith.constant 0 : i32
        %dma_start3A_285 = arith.constant 0 : i32
        %dma_start3A_286 = tpu.memref_slice %arg13[%dma_start3A_284, %dma_start3A_285] : memref<10112x128xf32, #tpu.memory_space<vmem_shared>> -> memref<10112x128xf32, #tpu.memory_space<vmem_shared>>
        tpu.enqueue_indirect_dma source(%arg12 : memref<144x128xf32, #tpu.memory_space<vmem>>) target(%dma_start3A_286 : memref<10112x128xf32, #tpu.memory_space<vmem_shared>>) offsets(%arg10 : memref<144xi32, #tpu.memory_space<vmem>>) semaphore(%run_scoped3A : memref<!tpu.dma_semaphore, #tpu.memory_space<semaphore_mem>>) {add = true}
        %dma_wait3A_287 = arith.constant 0 : i32
        %dma_wait3A_288 = arith.constant 0 : i32
        %dma_wait3A_289 = tpu.memref_slice %arg13[%dma_wait3A_287, %dma_wait3A_288] : memref<10112x128xf32, #tpu.memory_space<vmem_shared>> -> memref<10112x128xf32, #tpu.memory_space<vmem_shared>>
        tpu.wait_indirect_dma semaphore(%run_scoped3A : memref<!tpu.dma_semaphore, #tpu.memory_space<semaphore_mem>>) src(%arg12 : memref<144x128xf32, #tpu.memory_space<vmem>>) dst(%dma_wait3A_289 : memref<10112x128xf32, #tpu.memory_space<vmem_shared>>)
        tpu.yield
      }) : () -> ()
    }
    %barrier3A_139 = arith.constant 0 : index
    tpu.barrier barrier_id(%barrier3A_139)
    "tpu.region"() ({
      %run_scoped3A = tpu.sem_alloc : memref<!tpu.dma_semaphore, #tpu.memory_space<semaphore_mem>>
      %dma_start3A_140 = arith.constant 0 : i32
      %dma_start3A_141 = tpu.memref_slice %arg5[%arg0, %mul3A_2, %dma_start3A_140] : memref<2x10112x128xf32, #tpu.memory_space<hbm>> -> memref<1x632x128xf32, #tpu.memory_space<hbm>>
      %dma_start3A_142 = tpu.memref_squeeze %dma_start3A_141 : memref<1x632x128xf32, #tpu.memory_space<hbm>> -> memref<632x128xf32, #tpu.memory_space<hbm>>
      %dma_start3A_143 = arith.constant 0 : i32
      %dma_start3A_144 = tpu.memref_slice %arg13[%mul3A_2, %dma_start3A_143] : memref<10112x128xf32, #tpu.memory_space<vmem_shared>> -> memref<632x128xf32, #tpu.memory_space<vmem_shared>>
      tpu.enqueue_dma source(%dma_start3A_144 : memref<632x128xf32, #tpu.memory_space<vmem_shared>>) target(%dma_start3A_142 : memref<632x128xf32, #tpu.memory_space<hbm>>) target_semaphore(%run_scoped3A : memref<!tpu.dma_semaphore, #tpu.memory_space<semaphore_mem>>)
      %dma_wait3A = arith.constant 0 : i32
      %dma_wait3A_145 = tpu.memref_slice %arg5[%arg0, %mul3A_2, %dma_wait3A] : memref<2x10112x128xf32, #tpu.memory_space<hbm>> -> memref<1x632x128xf32, #tpu.memory_space<hbm>>
      %dma_wait3A_146 = tpu.memref_squeeze %dma_wait3A_145 : memref<1x632x128xf32, #tpu.memory_space<hbm>> -> memref<632x128xf32, #tpu.memory_space<hbm>>
      %dma_wait3A_147 = arith.constant 0 : i32
      %dma_wait3A_148 = tpu.memref_slice %arg13[%mul3A_2, %dma_wait3A_147] : memref<10112x128xf32, #tpu.memory_space<vmem_shared>> -> memref<632x128xf32, #tpu.memory_space<vmem_shared>>
      tpu.wait_dma2 semaphore(%run_scoped3A : memref<!tpu.dma_semaphore, #tpu.memory_space<semaphore_mem>>) src(%dma_wait3A_148 : memref<632x128xf32, #tpu.memory_space<vmem_shared>>) dst(%dma_wait3A_146 : memref<632x128xf32, #tpu.memory_space<hbm>>)
      tpu.yield
    }) : () -> ()
    return
  }
}

module attributes {stable_mosaic.version = 14 : i64} {
  func.func @_prep_body(%arg0: memref<10112x32xf32, #tpu.memory_space<vmem>>, %arg1: memref<10112x128xf32, #tpu.memory_space<vmem>>, %arg2: memref<10112x1xf32, #tpu.memory_space<vmem>>, %arg3: memref<10112x128xf32, #tpu.memory_space<vmem>>) attributes {dimension_semantics = [], scalar_prefetch = 0 : i64, scratch_operands = 0 : i64, tpu.core_type = #tpu.core_type<tc>} {
    %get3A = arith.constant 0 : index
    %get3A_0 = arith.constant 0 : index
    %get3A_1 = vector.load %arg0[%get3A, %get3A_0] : memref<10112x32xf32, #tpu.memory_space<vmem>>, vector<10112x32xf32>
    %reduce_sum3A = arith.constant dense<0.000000e+00> : vector<10112xf32>
    %reduce_sum3A_2 = vector.multi_reduction <add>, %get3A_1, %reduce_sum3A [1] : vector<10112x32xf32> to vector<10112xf32>
    %broadcast_in_dim3A = vector.shape_cast %reduce_sum3A_2 : vector<10112xf32> to vector<10112x1xf32>
    %add3A = arith.constant 1.000000e+00 : f32
    %add3A_3 = vector.broadcast %add3A : f32 to vector<10112x1xf32>
    %add3A_4 = arith.addf %broadcast_in_dim3A, %add3A_3 : vector<10112x1xf32>
    %rsqrt3A = math.rsqrt %add3A_4 : vector<10112x1xf32>
    %iota3A = tpu.iota {dimensions = array<i32: 0>} : vector<10112x1xi32>
    %lt3A = arith.constant 10000 : i32
    %lt3A_5 = vector.broadcast %lt3A : i32 to vector<10112x1xi32>
    %lt3A_6 = arith.cmpi slt, %iota3A, %lt3A_5 : vector<10112x1xi32>
    %jit3A = arith.constant 0.000000e+00 : f32
    %broadcast_in_dim3A_7 = vector.broadcast %jit3A : f32 to vector<10112x1xf32>
    %select_n3A = arith.select %lt3A_6, %rsqrt3A, %broadcast_in_dim3A_7 : vector<10112x1xi1>, vector<10112x1xf32>
    %swap3A = arith.constant 0 : index
    %swap3A_8 = arith.constant 0 : index
    %swap3A_9 = vector.load %arg2[%swap3A, %swap3A_8] : memref<10112x1xf32, #tpu.memory_space<vmem>>, vector<10112x1xf32>
    tpu.vector_store %arg2[%swap3A, %swap3A_8], %select_n3A {strides = array<i32>} : memref<10112x1xf32, #tpu.memory_space<vmem>>, vector<10112x1xf32>,
    %get3A_10 = arith.constant 0 : index
    %get3A_11 = arith.constant 0 : index
    %get3A_12 = vector.load %arg1[%get3A_10, %get3A_11] : memref<10112x128xf32, #tpu.memory_space<vmem>>, vector<10112x128xf32>
    %mul3A = vector.broadcast %select_n3A : vector<10112x1xf32> to vector<10112x128xf32>
    %mul3A_13 = arith.mulf %get3A_12, %mul3A : vector<10112x128xf32>
    %swap3A_14 = arith.constant 0 : index
    %swap3A_15 = arith.constant 0 : index
    %swap3A_16 = vector.load %arg3[%swap3A_14, %swap3A_15] : memref<10112x128xf32, #tpu.memory_space<vmem>>, vector<10112x128xf32>
    tpu.vector_store %arg3[%swap3A_14, %swap3A_15], %mul3A_13 {strides = array<i32>} : memref<10112x128xf32, #tpu.memory_space<vmem>>, vector<10112x128xf32>,
    return
  }
}

module attributes {stable_mosaic.version = 14 : i64} {
  func.func @_tail_body(%arg0: memref<2x10112x128xf32, #tpu.memory_space<vmem>>, %arg1: memref<10112x1xf32, #tpu.memory_space<vmem>>, %arg2: memref<10112x128xf32, #tpu.memory_space<vmem>>, %arg3: memref<128x128xf32, #tpu.memory_space<vmem>>, %arg4: memref<1x128xf32, #tpu.memory_space<vmem>>, %arg5: memref<10112x128xf32, #tpu.memory_space<vmem>>, %arg6: memref<10112x128xf32, #tpu.memory_space<vmem>>) attributes {dimension_semantics = [], scalar_prefetch = 0 : i64, scratch_operands = 0 : i64, tpu.core_type = #tpu.core_type<tc>} {
    %get3A = arith.constant 0 : index
    %get3A_0 = arith.constant 0 : index
    %get3A_1 = arith.constant 0 : index
    %get3A_2 = vector.load %arg0[%get3A, %get3A_0, %get3A_1] : memref<2x10112x128xf32, #tpu.memory_space<vmem>>, vector<1x10112x128xf32>
    %get3A_3 = vector.shape_cast %get3A_2 : vector<1x10112x128xf32> to vector<10112x128xf32>
    %get3A_4 = arith.constant 1 : index
    %get3A_5 = arith.constant 0 : index
    %get3A_6 = arith.constant 0 : index
    %get3A_7 = vector.load %arg0[%get3A_4, %get3A_5, %get3A_6] : memref<2x10112x128xf32, #tpu.memory_space<vmem>>, vector<1x10112x128xf32>
    %get3A_8 = vector.shape_cast %get3A_7 : vector<1x10112x128xf32> to vector<10112x128xf32>
    %add3A = arith.addf %get3A_3, %get3A_8 : vector<10112x128xf32>
    %get3A_9 = arith.constant 0 : index
    %get3A_10 = arith.constant 0 : index
    %get3A_11 = vector.load %arg1[%get3A_9, %get3A_10] : memref<10112x1xf32, #tpu.memory_space<vmem>>, vector<10112x1xf32>
    %mul3A = vector.broadcast %get3A_11 : vector<10112x1xf32> to vector<10112x128xf32>
    %mul3A_12 = arith.mulf %mul3A, %add3A : vector<10112x128xf32>
    %mul3A_13 = arith.mulf %get3A_11, %get3A_11 : vector<10112x1xf32>
    %get3A_14 = arith.constant 0 : index
    %get3A_15 = arith.constant 0 : index
    %get3A_16 = vector.load %arg2[%get3A_14, %get3A_15] : memref<10112x128xf32, #tpu.memory_space<vmem>>, vector<10112x128xf32>
    %mul3A_17 = vector.broadcast %mul3A_13 : vector<10112x1xf32> to vector<10112x128xf32>
    %mul3A_18 = arith.mulf %mul3A_17, %get3A_16 : vector<10112x128xf32>
    %add3A_19 = arith.addf %mul3A_12, %mul3A_18 : vector<10112x128xf32>
    %get3A_20 = arith.constant 0 : index
    %get3A_21 = arith.constant 0 : index
    %get3A_22 = vector.load %arg3[%get3A_20, %get3A_21] : memref<128x128xf32, #tpu.memory_space<vmem>>, vector<128x128xf32>
    %dot_general3A = arith.constant dense<0.000000e+00> : vector<10112x128xf32>
    %dot_general3A_23 = tpu.matmul %add3A_19, %get3A_22, %dot_general3A {dimension_numbers = #tpu.dot_dimension_numbers<[1], [0], [0], [1], [0, 0, 1, 1], [], []>, transpose_lhs_hint = false} : vector<10112x128xf32>, vector<128x128xf32>, vector<10112x128xf32> -> vector<10112x128xf32>
    %get3A_24 = arith.constant 0 : index
    %get3A_25 = arith.constant 0 : index
    %get3A_26 = vector.load %arg4[%get3A_24, %get3A_25] : memref<1x128xf32, #tpu.memory_space<vmem>>, vector<1x128xf32>
    %add3A_27 = vector.broadcast %get3A_26 : vector<1x128xf32> to vector<10112x128xf32>
    %add3A_28 = arith.addf %dot_general3A_23, %add3A_27 : vector<10112x128xf32>
    %max3A = arith.constant 0.000000e+00 : f32
    %max3A_29 = vector.broadcast %max3A : f32 to vector<10112x128xf32>
    %max3A_30 = arith.maximumf %add3A_28, %max3A_29 : vector<10112x128xf32>
    %get3A_31 = arith.constant 0 : index
    %get3A_32 = arith.constant 0 : index
    %get3A_33 = vector.load %arg2[%get3A_31, %get3A_32] : memref<10112x128xf32, #tpu.memory_space<vmem>>, vector<10112x128xf32>
    %add3A_34 = arith.addf %max3A_30, %get3A_33 : vector<10112x128xf32>
    %swap3A = arith.constant 0 : index
    %swap3A_35 = arith.constant 0 : index
    %swap3A_36 = vector.load %arg5[%swap3A, %swap3A_35] : memref<10112x128xf32, #tpu.memory_space<vmem>>, vector<10112x128xf32>
    tpu.vector_store %arg5[%swap3A, %swap3A_35], %add3A_34 {strides = array<i32>} : memref<10112x128xf32, #tpu.memory_space<vmem>>, vector<10112x128xf32>,
    %mul3A_37 = vector.broadcast %get3A_11 : vector<10112x1xf32> to vector<10112x128xf32>
    %mul3A_38 = arith.mulf %add3A_34, %mul3A_37 : vector<10112x128xf32>
    %swap3A_39 = arith.constant 0 : index
    %swap3A_40 = arith.constant 0 : index
    %swap3A_41 = vector.load %arg6[%swap3A_39, %swap3A_40] : memref<10112x128xf32, #tpu.memory_space<vmem>>, vector<10112x128xf32>
    tpu.vector_store %arg6[%swap3A_39, %swap3A_40], %mul3A_38 {strides = array<i32>} : memref<10112x128xf32, #tpu.memory_space<vmem>>, vector<10112x128xf32>,
    return
  }
}

module attributes {stable_mosaic.version = 14 : i64} {
  func.func @_tail_body(%arg0: memref<2x10112x128xf32, #tpu.memory_space<vmem>>, %arg1: memref<10112x1xf32, #tpu.memory_space<vmem>>, %arg2: memref<10112x128xf32, #tpu.memory_space<vmem>>, %arg3: memref<128x128xf32, #tpu.memory_space<vmem>>, %arg4: memref<1x128xf32, #tpu.memory_space<vmem>>, %arg5: memref<10112x128xf32, #tpu.memory_space<vmem>>, %arg6: memref<10112x128xf32, #tpu.memory_space<vmem>>) attributes {dimension_semantics = [], scalar_prefetch = 0 : i64, scratch_operands = 0 : i64, tpu.core_type = #tpu.core_type<tc>} {
    %get3A = arith.constant 0 : index
    %get3A_0 = arith.constant 0 : index
    %get3A_1 = arith.constant 0 : index
    %get3A_2 = vector.load %arg0[%get3A, %get3A_0, %get3A_1] : memref<2x10112x128xf32, #tpu.memory_space<vmem>>, vector<1x10112x128xf32>
    %get3A_3 = vector.shape_cast %get3A_2 : vector<1x10112x128xf32> to vector<10112x128xf32>
    %get3A_4 = arith.constant 1 : index
    %get3A_5 = arith.constant 0 : index
    %get3A_6 = arith.constant 0 : index
    %get3A_7 = vector.load %arg0[%get3A_4, %get3A_5, %get3A_6] : memref<2x10112x128xf32, #tpu.memory_space<vmem>>, vector<1x10112x128xf32>
    %get3A_8 = vector.shape_cast %get3A_7 : vector<1x10112x128xf32> to vector<10112x128xf32>
    %add3A = arith.addf %get3A_3, %get3A_8 : vector<10112x128xf32>
    %get3A_9 = arith.constant 0 : index
    %get3A_10 = arith.constant 0 : index
    %get3A_11 = vector.load %arg1[%get3A_9, %get3A_10] : memref<10112x1xf32, #tpu.memory_space<vmem>>, vector<10112x1xf32>
    %mul3A = vector.broadcast %get3A_11 : vector<10112x1xf32> to vector<10112x128xf32>
    %mul3A_12 = arith.mulf %mul3A, %add3A : vector<10112x128xf32>
    %mul3A_13 = arith.mulf %get3A_11, %get3A_11 : vector<10112x1xf32>
    %get3A_14 = arith.constant 0 : index
    %get3A_15 = arith.constant 0 : index
    %get3A_16 = vector.load %arg2[%get3A_14, %get3A_15] : memref<10112x128xf32, #tpu.memory_space<vmem>>, vector<10112x128xf32>
    %mul3A_17 = vector.broadcast %mul3A_13 : vector<10112x1xf32> to vector<10112x128xf32>
    %mul3A_18 = arith.mulf %mul3A_17, %get3A_16 : vector<10112x128xf32>
    %add3A_19 = arith.addf %mul3A_12, %mul3A_18 : vector<10112x128xf32>
    %get3A_20 = arith.constant 0 : index
    %get3A_21 = arith.constant 0 : index
    %get3A_22 = vector.load %arg3[%get3A_20, %get3A_21] : memref<128x128xf32, #tpu.memory_space<vmem>>, vector<128x128xf32>
    %dot_general3A = arith.constant dense<0.000000e+00> : vector<10112x128xf32>
    %dot_general3A_23 = tpu.matmul %add3A_19, %get3A_22, %dot_general3A {dimension_numbers = #tpu.dot_dimension_numbers<[1], [0], [0], [1], [0, 0, 1, 1], [], []>, transpose_lhs_hint = false} : vector<10112x128xf32>, vector<128x128xf32>, vector<10112x128xf32> -> vector<10112x128xf32>
    %get3A_24 = arith.constant 0 : index
    %get3A_25 = arith.constant 0 : index
    %get3A_26 = vector.load %arg4[%get3A_24, %get3A_25] : memref<1x128xf32, #tpu.memory_space<vmem>>, vector<1x128xf32>
    %add3A_27 = vector.broadcast %get3A_26 : vector<1x128xf32> to vector<10112x128xf32>
    %add3A_28 = arith.addf %dot_general3A_23, %add3A_27 : vector<10112x128xf32>
    %max3A = arith.constant 0.000000e+00 : f32
    %max3A_29 = vector.broadcast %max3A : f32 to vector<10112x128xf32>
    %max3A_30 = arith.maximumf %add3A_28, %max3A_29 : vector<10112x128xf32>
    %get3A_31 = arith.constant 0 : index
    %get3A_32 = arith.constant 0 : index
    %get3A_33 = vector.load %arg2[%get3A_31, %get3A_32] : memref<10112x128xf32, #tpu.memory_space<vmem>>, vector<10112x128xf32>
    %add3A_34 = arith.addf %max3A_30, %get3A_33 : vector<10112x128xf32>
    %swap3A = arith.constant 0 : index
    %swap3A_35 = arith.constant 0 : index
    %swap3A_36 = vector.load %arg5[%swap3A, %swap3A_35] : memref<10112x128xf32, #tpu.memory_space<vmem>>, vector<10112x128xf32>
    tpu.vector_store %arg5[%swap3A, %swap3A_35], %add3A_34 {strides = array<i32>} : memref<10112x128xf32, #tpu.memory_space<vmem>>, vector<10112x128xf32>,
    %mul3A_37 = vector.broadcast %get3A_11 : vector<10112x1xf32> to vector<10112x128xf32>
    %mul3A_38 = arith.mulf %add3A_34, %mul3A_37 : vector<10112x128xf32>
    %swap3A_39 = arith.constant 0 : index
    %swap3A_40 = arith.constant 0 : index
    %swap3A_41 = vector.load %arg6[%swap3A_39, %swap3A_40] : memref<10112x128xf32, #tpu.memory_space<vmem>>, vector<10112x128xf32>
    tpu.vector_store %arg6[%swap3A_39, %swap3A_40], %mul3A_38 {strides = array<i32>} : memref<10112x128xf32, #tpu.memory_space<vmem>>, vector<10112x128xf32>,
    return
  }
}

module attributes {stable_mosaic.version = 14 : i64} {
  func.func @_head_body(%arg0: memref<4352x128xf32, #tpu.memory_space<vmem>>, %arg1: memref<4352x128xf32, #tpu.memory_space<vmem>>, %arg2: memref<128x32xf32, #tpu.memory_space<vmem>>, %arg3: memref<32x32xf32, #tpu.memory_space<vmem>>, %arg4: memref<1x32xf32, #tpu.memory_space<vmem>>, %arg5: memref<1x32xf32, #tpu.memory_space<vmem>>, %arg6: memref<1x32xf32, #tpu.memory_space<vmem>>, %arg7: memref<288x128xf32, #tpu.memory_space<vmem>>, %arg8: memref<1x128xf32, #tpu.memory_space<vmem>>, %arg9: memref<128x1xf32, #tpu.memory_space<vmem>>, %arg10: memref<1x1xf32, #tpu.memory_space<vmem>>, %arg11: memref<128x1xf32, #tpu.memory_space<vmem>>) attributes {dimension_semantics = [], scalar_prefetch = 0 : i64, scratch_operands = 0 : i64, tpu.core_type = #tpu.core_type<tc>} {
    %broadcast_in_dim3A = arith.constant 0xFF800000 : f32
    %broadcast_in_dim3A_0 = vector.broadcast %broadcast_in_dim3A : f32 to vector<136x128xf32>
    %broadcast_in_dim3A_1 = arith.constant 0.000000e+00 : f32
    %broadcast_in_dim3A_2 = vector.broadcast %broadcast_in_dim3A_1 : f32 to vector<136x128xf32>
    %get3A = arith.constant 0 : index
    %get3A_3 = arith.constant 0 : index
    %get3A_4 = vector.load %arg0[%get3A, %get3A_3] : memref<4352x128xf32, #tpu.memory_space<vmem>>, vector<136x128xf32>
    %max3A = arith.maximumf %broadcast_in_dim3A_0, %get3A_4 : vector<136x128xf32>
    %get3A_5 = arith.constant 0 : index
    %get3A_6 = arith.constant 0 : index
    %get3A_7 = vector.load %arg1[%get3A_5, %get3A_6] : memref<4352x128xf32, #tpu.memory_space<vmem>>, vector<136x128xf32>
    %add3A = arith.addf %broadcast_in_dim3A_2, %get3A_7 : vector<136x128xf32>
    %get3A_8 = arith.constant 136 : index
    %get3A_9 = arith.constant 0 : index
    %get3A_10 = vector.load %arg0[%get3A_8, %get3A_9] : memref<4352x128xf32, #tpu.memory_space<vmem>>, vector<136x128xf32>
    %max3A_11 = arith.maximumf %max3A, %get3A_10 : vector<136x128xf32>
    %get3A_12 = arith.constant 136 : index
    %get3A_13 = arith.constant 0 : index
    %get3A_14 = vector.load %arg1[%get3A_12, %get3A_13] : memref<4352x128xf32, #tpu.memory_space<vmem>>, vector<136x128xf32>
    %add3A_15 = arith.addf %add3A, %get3A_14 : vector<136x128xf32>
    %get3A_16 = arith.constant 272 : index
    %get3A_17 = arith.constant 0 : index
    %get3A_18 = vector.load %arg0[%get3A_16, %get3A_17] : memref<4352x128xf32, #tpu.memory_space<vmem>>, vector<136x128xf32>
    %max3A_19 = arith.maximumf %max3A_11, %get3A_18 : vector<136x128xf32>
    %get3A_20 = arith.constant 272 : index
    %get3A_21 = arith.constant 0 : index
    %get3A_22 = vector.load %arg1[%get3A_20, %get3A_21] : memref<4352x128xf32, #tpu.memory_space<vmem>>, vector<136x128xf32>
    %add3A_23 = arith.addf %add3A_15, %get3A_22 : vector<136x128xf32>
    %get3A_24 = arith.constant 408 : index
    %get3A_25 = arith.constant 0 : index
    %get3A_26 = vector.load %arg0[%get3A_24, %get3A_25] : memref<4352x128xf32, #tpu.memory_space<vmem>>, vector<136x128xf32>
    %max3A_27 = arith.maximumf %max3A_19, %get3A_26 : vector<136x128xf32>
    %get3A_28 = arith.constant 408 : index
    %get3A_29 = arith.constant 0 : index
    %get3A_30 = vector.load %arg1[%get3A_28, %get3A_29] : memref<4352x128xf32, #tpu.memory_space<vmem>>, vector<136x128xf32>
    %add3A_31 = arith.addf %add3A_23, %get3A_30 : vector<136x128xf32>
    %get3A_32 = arith.constant 544 : index
    %get3A_33 = arith.constant 0 : index
    %get3A_34 = vector.load %arg0[%get3A_32, %get3A_33] : memref<4352x128xf32, #tpu.memory_space<vmem>>, vector<136x128xf32>
    %max3A_35 = arith.maximumf %max3A_27, %get3A_34 : vector<136x128xf32>
    %get3A_36 = arith.constant 544 : index
    %get3A_37 = arith.constant 0 : index
    %get3A_38 = vector.load %arg1[%get3A_36, %get3A_37] : memref<4352x128xf32, #tpu.memory_space<vmem>>, vector<136x128xf32>
    %add3A_39 = arith.addf %add3A_31, %get3A_38 : vector<136x128xf32>
    %get3A_40 = arith.constant 680 : index
    %get3A_41 = arith.constant 0 : index
    %get3A_42 = vector.load %arg0[%get3A_40, %get3A_41] : memref<4352x128xf32, #tpu.memory_space<vmem>>, vector<136x128xf32>
    %max3A_43 = arith.maximumf %max3A_35, %get3A_42 : vector<136x128xf32>
    %get3A_44 = arith.constant 680 : index
    %get3A_45 = arith.constant 0 : index
    %get3A_46 = vector.load %arg1[%get3A_44, %get3A_45] : memref<4352x128xf32, #tpu.memory_space<vmem>>, vector<136x128xf32>
    %add3A_47 = arith.addf %add3A_39, %get3A_46 : vector<136x128xf32>
    %get3A_48 = arith.constant 816 : index
    %get3A_49 = arith.constant 0 : index
    %get3A_50 = vector.load %arg0[%get3A_48, %get3A_49] : memref<4352x128xf32, #tpu.memory_space<vmem>>, vector<136x128xf32>
    %max3A_51 = arith.maximumf %max3A_43, %get3A_50 : vector<136x128xf32>
    %get3A_52 = arith.constant 816 : index
    %get3A_53 = arith.constant 0 : index
    %get3A_54 = vector.load %arg1[%get3A_52, %get3A_53] : memref<4352x128xf32, #tpu.memory_space<vmem>>, vector<136x128xf32>
    %add3A_55 = arith.addf %add3A_47, %get3A_54 : vector<136x128xf32>
    %get3A_56 = arith.constant 952 : index
    %get3A_57 = arith.constant 0 : index
    %get3A_58 = vector.load %arg0[%get3A_56, %get3A_57] : memref<4352x128xf32, #tpu.memory_space<vmem>>, vector<136x128xf32>
    %max3A_59 = arith.maximumf %max3A_51, %get3A_58 : vector<136x128xf32>
    %get3A_60 = arith.constant 952 : index
    %get3A_61 = arith.constant 0 : index
    %get3A_62 = vector.load %arg1[%get3A_60, %get3A_61] : memref<4352x128xf32, #tpu.memory_space<vmem>>, vector<136x128xf32>
    %add3A_63 = arith.addf %add3A_55, %get3A_62 : vector<136x128xf32>
    %get3A_64 = arith.constant 1088 : index
    %get3A_65 = arith.constant 0 : index
    %get3A_66 = vector.load %arg0[%get3A_64, %get3A_65] : memref<4352x128xf32, #tpu.memory_space<vmem>>, vector<136x128xf32>
    %max3A_67 = arith.maximumf %max3A_59, %get3A_66 : vector<136x128xf32>
    %get3A_68 = arith.constant 1088 : index
    %get3A_69 = arith.constant 0 : index
    %get3A_70 = vector.load %arg1[%get3A_68, %get3A_69] : memref<4352x128xf32, #tpu.memory_space<vmem>>, vector<136x128xf32>
    %add3A_71 = arith.addf %add3A_63, %get3A_70 : vector<136x128xf32>
    %get3A_72 = arith.constant 1224 : index
    %get3A_73 = arith.constant 0 : index
    %get3A_74 = vector.load %arg0[%get3A_72, %get3A_73] : memref<4352x128xf32, #tpu.memory_space<vmem>>, vector<136x128xf32>
    %max3A_75 = arith.maximumf %max3A_67, %get3A_74 : vector<136x128xf32>
    %get3A_76 = arith.constant 1224 : index
    %get3A_77 = arith.constant 0 : index
    %get3A_78 = vector.load %arg1[%get3A_76, %get3A_77] : memref<4352x128xf32, #tpu.memory_space<vmem>>, vector<136x128xf32>
    %add3A_79 = arith.addf %add3A_71, %get3A_78 : vector<136x128xf32>
    %get3A_80 = arith.constant 1360 : index
    %get3A_81 = arith.constant 0 : index
    %get3A_82 = vector.load %arg0[%get3A_80, %get3A_81] : memref<4352x128xf32, #tpu.memory_space<vmem>>, vector<136x128xf32>
    %max3A_83 = arith.maximumf %max3A_75, %get3A_82 : vector<136x128xf32>
    %get3A_84 = arith.constant 1360 : index
    %get3A_85 = arith.constant 0 : index
    %get3A_86 = vector.load %arg1[%get3A_84, %get3A_85] : memref<4352x128xf32, #tpu.memory_space<vmem>>, vector<136x128xf32>
    %add3A_87 = arith.addf %add3A_79, %get3A_86 : vector<136x128xf32>
    %get3A_88 = arith.constant 1496 : index
    %get3A_89 = arith.constant 0 : index
    %get3A_90 = vector.load %arg0[%get3A_88, %get3A_89] : memref<4352x128xf32, #tpu.memory_space<vmem>>, vector<136x128xf32>
    %max3A_91 = arith.maximumf %max3A_83, %get3A_90 : vector<136x128xf32>
    %get3A_92 = arith.constant 1496 : index
    %get3A_93 = arith.constant 0 : index
    %get3A_94 = vector.load %arg1[%get3A_92, %get3A_93] : memref<4352x128xf32, #tpu.memory_space<vmem>>, vector<136x128xf32>
    %add3A_95 = arith.addf %add3A_87, %get3A_94 : vector<136x128xf32>
    %get3A_96 = arith.constant 1632 : index
    %get3A_97 = arith.constant 0 : index
    %get3A_98 = vector.load %arg0[%get3A_96, %get3A_97] : memref<4352x128xf32, #tpu.memory_space<vmem>>, vector<136x128xf32>
    %max3A_99 = arith.maximumf %max3A_91, %get3A_98 : vector<136x128xf32>
    %get3A_100 = arith.constant 1632 : index
    %get3A_101 = arith.constant 0 : index
    %get3A_102 = vector.load %arg1[%get3A_100, %get3A_101] : memref<4352x128xf32, #tpu.memory_space<vmem>>, vector<136x128xf32>
    %add3A_103 = arith.addf %add3A_95, %get3A_102 : vector<136x128xf32>
    %get3A_104 = arith.constant 1768 : index
    %get3A_105 = arith.constant 0 : index
    %get3A_106 = vector.load %arg0[%get3A_104, %get3A_105] : memref<4352x128xf32, #tpu.memory_space<vmem>>, vector<136x128xf32>
    %max3A_107 = arith.maximumf %max3A_99, %get3A_106 : vector<136x128xf32>
    %get3A_108 = arith.constant 1768 : index
    %get3A_109 = arith.constant 0 : index
    %get3A_110 = vector.load %arg1[%get3A_108, %get3A_109] : memref<4352x128xf32, #tpu.memory_space<vmem>>, vector<136x128xf32>
    %add3A_111 = arith.addf %add3A_103, %get3A_110 : vector<136x128xf32>
    %get3A_112 = arith.constant 1904 : index
    %get3A_113 = arith.constant 0 : index
    %get3A_114 = vector.load %arg0[%get3A_112, %get3A_113] : memref<4352x128xf32, #tpu.memory_space<vmem>>, vector<136x128xf32>
    %max3A_115 = arith.maximumf %max3A_107, %get3A_114 : vector<136x128xf32>
    %get3A_116 = arith.constant 1904 : index
    %get3A_117 = arith.constant 0 : index
    %get3A_118 = vector.load %arg1[%get3A_116, %get3A_117] : memref<4352x128xf32, #tpu.memory_space<vmem>>, vector<136x128xf32>
    %add3A_119 = arith.addf %add3A_111, %get3A_118 : vector<136x128xf32>
    %get3A_120 = arith.constant 2040 : index
    %get3A_121 = arith.constant 0 : index
    %get3A_122 = vector.load %arg0[%get3A_120, %get3A_121] : memref<4352x128xf32, #tpu.memory_space<vmem>>, vector<136x128xf32>
    %max3A_123 = arith.maximumf %max3A_115, %get3A_122 : vector<136x128xf32>
    %get3A_124 = arith.constant 2040 : index
    %get3A_125 = arith.constant 0 : index
    %get3A_126 = vector.load %arg1[%get3A_124, %get3A_125] : memref<4352x128xf32, #tpu.memory_space<vmem>>, vector<136x128xf32>
    %add3A_127 = arith.addf %add3A_119, %get3A_126 : vector<136x128xf32>
    %get3A_128 = arith.constant 2176 : index
    %get3A_129 = arith.constant 0 : index
    %get3A_130 = vector.load %arg0[%get3A_128, %get3A_129] : memref<4352x128xf32, #tpu.memory_space<vmem>>, vector<136x128xf32>
    %max3A_131 = arith.maximumf %max3A_123, %get3A_130 : vector<136x128xf32>
    %get3A_132 = arith.constant 2176 : index
    %get3A_133 = arith.constant 0 : index
    %get3A_134 = vector.load %arg1[%get3A_132, %get3A_133] : memref<4352x128xf32, #tpu.memory_space<vmem>>, vector<136x128xf32>
    %add3A_135 = arith.addf %add3A_127, %get3A_134 : vector<136x128xf32>
    %get3A_136 = arith.constant 2312 : index
    %get3A_137 = arith.constant 0 : index
    %get3A_138 = vector.load %arg0[%get3A_136, %get3A_137] : memref<4352x128xf32, #tpu.memory_space<vmem>>, vector<136x128xf32>
    %max3A_139 = arith.maximumf %max3A_131, %get3A_138 : vector<136x128xf32>
    %get3A_140 = arith.constant 2312 : index
    %get3A_141 = arith.constant 0 : index
    %get3A_142 = vector.load %arg1[%get3A_140, %get3A_141] : memref<4352x128xf32, #tpu.memory_space<vmem>>, vector<136x128xf32>
    %add3A_143 = arith.addf %add3A_135, %get3A_142 : vector<136x128xf32>
    %get3A_144 = arith.constant 2448 : index
    %get3A_145 = arith.constant 0 : index
    %get3A_146 = vector.load %arg0[%get3A_144, %get3A_145] : memref<4352x128xf32, #tpu.memory_space<vmem>>, vector<136x128xf32>
    %max3A_147 = arith.maximumf %max3A_139, %get3A_146 : vector<136x128xf32>
    %get3A_148 = arith.constant 2448 : index
    %get3A_149 = arith.constant 0 : index
    %get3A_150 = vector.load %arg1[%get3A_148, %get3A_149] : memref<4352x128xf32, #tpu.memory_space<vmem>>, vector<136x128xf32>
    %add3A_151 = arith.addf %add3A_143, %get3A_150 : vector<136x128xf32>
    %get3A_152 = arith.constant 2584 : index
    %get3A_153 = arith.constant 0 : index
    %get3A_154 = vector.load %arg0[%get3A_152, %get3A_153] : memref<4352x128xf32, #tpu.memory_space<vmem>>, vector<136x128xf32>
    %max3A_155 = arith.maximumf %max3A_147, %get3A_154 : vector<136x128xf32>
    %get3A_156 = arith.constant 2584 : index
    %get3A_157 = arith.constant 0 : index
    %get3A_158 = vector.load %arg1[%get3A_156, %get3A_157] : memref<4352x128xf32, #tpu.memory_space<vmem>>, vector<136x128xf32>
    %add3A_159 = arith.addf %add3A_151, %get3A_158 : vector<136x128xf32>
    %get3A_160 = arith.constant 2720 : index
    %get3A_161 = arith.constant 0 : index
    %get3A_162 = vector.load %arg0[%get3A_160, %get3A_161] : memref<4352x128xf32, #tpu.memory_space<vmem>>, vector<136x128xf32>
    %max3A_163 = arith.maximumf %max3A_155, %get3A_162 : vector<136x128xf32>
    %get3A_164 = arith.constant 2720 : index
    %get3A_165 = arith.constant 0 : index
    %get3A_166 = vector.load %arg1[%get3A_164, %get3A_165] : memref<4352x128xf32, #tpu.memory_space<vmem>>, vector<136x128xf32>
    %add3A_167 = arith.addf %add3A_159, %get3A_166 : vector<136x128xf32>
    %get3A_168 = arith.constant 2856 : index
    %get3A_169 = arith.constant 0 : index
    %get3A_170 = vector.load %arg0[%get3A_168, %get3A_169] : memref<4352x128xf32, #tpu.memory_space<vmem>>, vector<136x128xf32>
    %max3A_171 = arith.maximumf %max3A_163, %get3A_170 : vector<136x128xf32>
    %get3A_172 = arith.constant 2856 : index
    %get3A_173 = arith.constant 0 : index
    %get3A_174 = vector.load %arg1[%get3A_172, %get3A_173] : memref<4352x128xf32, #tpu.memory_space<vmem>>, vector<136x128xf32>
    %add3A_175 = arith.addf %add3A_167, %get3A_174 : vector<136x128xf32>
    %get3A_176 = arith.constant 2992 : index
    %get3A_177 = arith.constant 0 : index
    %get3A_178 = vector.load %arg0[%get3A_176, %get3A_177] : memref<4352x128xf32, #tpu.memory_space<vmem>>, vector<136x128xf32>
    %max3A_179 = arith.maximumf %max3A_171, %get3A_178 : vector<136x128xf32>
    %get3A_180 = arith.constant 2992 : index
    %get3A_181 = arith.constant 0 : index
    %get3A_182 = vector.load %arg1[%get3A_180, %get3A_181] : memref<4352x128xf32, #tpu.memory_space<vmem>>, vector<136x128xf32>
    %add3A_183 = arith.addf %add3A_175, %get3A_182 : vector<136x128xf32>
    %get3A_184 = arith.constant 3128 : index
    %get3A_185 = arith.constant 0 : index
    %get3A_186 = vector.load %arg0[%get3A_184, %get3A_185] : memref<4352x128xf32, #tpu.memory_space<vmem>>, vector<136x128xf32>
    %max3A_187 = arith.maximumf %max3A_179, %get3A_186 : vector<136x128xf32>
    %get3A_188 = arith.constant 3128 : index
    %get3A_189 = arith.constant 0 : index
    %get3A_190 = vector.load %arg1[%get3A_188, %get3A_189] : memref<4352x128xf32, #tpu.memory_space<vmem>>, vector<136x128xf32>
    %add3A_191 = arith.addf %add3A_183, %get3A_190 : vector<136x128xf32>
    %get3A_192 = arith.constant 3264 : index
    %get3A_193 = arith.constant 0 : index
    %get3A_194 = vector.load %arg0[%get3A_192, %get3A_193] : memref<4352x128xf32, #tpu.memory_space<vmem>>, vector<136x128xf32>
    %max3A_195 = arith.maximumf %max3A_187, %get3A_194 : vector<136x128xf32>
    %get3A_196 = arith.constant 3264 : index
    %get3A_197 = arith.constant 0 : index
    %get3A_198 = vector.load %arg1[%get3A_196, %get3A_197] : memref<4352x128xf32, #tpu.memory_space<vmem>>, vector<136x128xf32>
    %add3A_199 = arith.addf %add3A_191, %get3A_198 : vector<136x128xf32>
    %get3A_200 = arith.constant 3400 : index
    %get3A_201 = arith.constant 0 : index
    %get3A_202 = vector.load %arg0[%get3A_200, %get3A_201] : memref<4352x128xf32, #tpu.memory_space<vmem>>, vector<136x128xf32>
    %max3A_203 = arith.maximumf %max3A_195, %get3A_202 : vector<136x128xf32>
    %get3A_204 = arith.constant 3400 : index
    %get3A_205 = arith.constant 0 : index
    %get3A_206 = vector.load %arg1[%get3A_204, %get3A_205] : memref<4352x128xf32, #tpu.memory_space<vmem>>, vector<136x128xf32>
    %add3A_207 = arith.addf %add3A_199, %get3A_206 : vector<136x128xf32>
    %get3A_208 = arith.constant 3536 : index
    %get3A_209 = arith.constant 0 : index
    %get3A_210 = vector.load %arg0[%get3A_208, %get3A_209] : memref<4352x128xf32, #tpu.memory_space<vmem>>, vector<136x128xf32>
    %max3A_211 = arith.maximumf %max3A_203, %get3A_210 : vector<136x128xf32>
    %get3A_212 = arith.constant 3536 : index
    %get3A_213 = arith.constant 0 : index
    %get3A_214 = vector.load %arg1[%get3A_212, %get3A_213] : memref<4352x128xf32, #tpu.memory_space<vmem>>, vector<136x128xf32>
    %add3A_215 = arith.addf %add3A_207, %get3A_214 : vector<136x128xf32>
    %get3A_216 = arith.constant 3672 : index
    %get3A_217 = arith.constant 0 : index
    %get3A_218 = vector.load %arg0[%get3A_216, %get3A_217] : memref<4352x128xf32, #tpu.memory_space<vmem>>, vector<136x128xf32>
    %max3A_219 = arith.maximumf %max3A_211, %get3A_218 : vector<136x128xf32>
    %get3A_220 = arith.constant 3672 : index
    %get3A_221 = arith.constant 0 : index
    %get3A_222 = vector.load %arg1[%get3A_220, %get3A_221] : memref<4352x128xf32, #tpu.memory_space<vmem>>, vector<136x128xf32>
    %add3A_223 = arith.addf %add3A_215, %get3A_222 : vector<136x128xf32>
    %get3A_224 = arith.constant 3808 : index
    %get3A_225 = arith.constant 0 : index
    %get3A_226 = vector.load %arg0[%get3A_224, %get3A_225] : memref<4352x128xf32, #tpu.memory_space<vmem>>, vector<136x128xf32>
    %max3A_227 = arith.maximumf %max3A_219, %get3A_226 : vector<136x128xf32>
    %get3A_228 = arith.constant 3808 : index
    %get3A_229 = arith.constant 0 : index
    %get3A_230 = vector.load %arg1[%get3A_228, %get3A_229] : memref<4352x128xf32, #tpu.memory_space<vmem>>, vector<136x128xf32>
    %add3A_231 = arith.addf %add3A_223, %get3A_230 : vector<136x128xf32>
    %get3A_232 = arith.constant 3944 : index
    %get3A_233 = arith.constant 0 : index
    %get3A_234 = vector.load %arg0[%get3A_232, %get3A_233] : memref<4352x128xf32, #tpu.memory_space<vmem>>, vector<136x128xf32>
    %max3A_235 = arith.maximumf %max3A_227, %get3A_234 : vector<136x128xf32>
    %get3A_236 = arith.constant 3944 : index
    %get3A_237 = arith.constant 0 : index
    %get3A_238 = vector.load %arg1[%get3A_236, %get3A_237] : memref<4352x128xf32, #tpu.memory_space<vmem>>, vector<136x128xf32>
    %add3A_239 = arith.addf %add3A_231, %get3A_238 : vector<136x128xf32>
    %get3A_240 = arith.constant 4080 : index
    %get3A_241 = arith.constant 0 : index
    %get3A_242 = vector.load %arg0[%get3A_240, %get3A_241] : memref<4352x128xf32, #tpu.memory_space<vmem>>, vector<136x128xf32>
    %max3A_243 = arith.maximumf %max3A_235, %get3A_242 : vector<136x128xf32>
    %get3A_244 = arith.constant 4080 : index
    %get3A_245 = arith.constant 0 : index
    %get3A_246 = vector.load %arg1[%get3A_244, %get3A_245] : memref<4352x128xf32, #tpu.memory_space<vmem>>, vector<136x128xf32>
    %add3A_247 = arith.addf %add3A_239, %get3A_246 : vector<136x128xf32>
    %get3A_248 = arith.constant 4216 : index
    %get3A_249 = arith.constant 0 : index
    %get3A_250 = vector.load %arg0[%get3A_248, %get3A_249] : memref<4352x128xf32, #tpu.memory_space<vmem>>, vector<136x128xf32>
    %max3A_251 = arith.maximumf %max3A_243, %get3A_250 : vector<136x128xf32>
    %get3A_252 = arith.constant 4216 : index
    %get3A_253 = arith.constant 0 : index
    %get3A_254 = vector.load %arg1[%get3A_252, %get3A_253] : memref<4352x128xf32, #tpu.memory_space<vmem>>, vector<136x128xf32>
    %add3A_255 = arith.addf %add3A_247, %get3A_254 : vector<136x128xf32>
    %slice3A = vector.extract_strided_slice %max3A_251 {offsets = [0, 0], sizes = [128, 128], strides = [1, 1]} : vector<136x128xf32> to vector<128x128xf32>
    %slice3A_256 = vector.extract_strided_slice %add3A_255 {offsets = [0, 0], sizes = [128, 128], strides = [1, 1]} : vector<136x128xf32> to vector<128x128xf32>
    %get3A_257 = arith.constant 0 : index
    %get3A_258 = arith.constant 0 : index
    %get3A_259 = vector.load %arg2[%get3A_257, %get3A_258] : memref<128x32xf32, #tpu.memory_space<vmem>>, vector<128x32xf32>
    %get3A_260 = arith.constant 0 : index
    %get3A_261 = arith.constant 0 : index
    %get3A_262 = vector.load %arg3[%get3A_260, %get3A_261] : memref<32x32xf32, #tpu.memory_space<vmem>>, vector<32x32xf32>
    %dot_general3A = arith.constant dense<0.000000e+00> : vector<128x32xf32>
    %dot_general3A_263 = tpu.matmul %get3A_259, %get3A_262, %dot_general3A {dimension_numbers = #tpu.dot_dimension_numbers<[1], [0], [0], [1], [0, 0, 1, 1], [], []>, transpose_lhs_hint = false} : vector<128x32xf32>, vector<32x32xf32>, vector<128x32xf32> -> vector<128x32xf32>
    %get3A_264 = arith.constant 0 : index
    %get3A_265 = arith.constant 0 : index
    %get3A_266 = vector.load %arg4[%get3A_264, %get3A_265] : memref<1x32xf32, #tpu.memory_space<vmem>>, vector<1x32xf32>
    %add3A_267 = vector.broadcast %get3A_266 : vector<1x32xf32> to vector<128x32xf32>
    %add3A_268 = arith.addf %dot_general3A_263, %add3A_267 : vector<128x32xf32>
    %get3A_269 = arith.constant 0 : index
    %get3A_270 = arith.constant 0 : index
    %get3A_271 = vector.load %arg5[%get3A_269, %get3A_270] : memref<1x32xf32, #tpu.memory_space<vmem>>, vector<1x32xf32>
    %mul3A = vector.broadcast %get3A_271 : vector<1x32xf32> to vector<128x32xf32>
    %mul3A_272 = arith.mulf %mul3A, %add3A_268 : vector<128x32xf32>
    %get3A_273 = arith.constant 0 : index
    %get3A_274 = arith.constant 0 : index
    %get3A_275 = vector.load %arg6[%get3A_273, %get3A_274] : memref<1x32xf32, #tpu.memory_space<vmem>>, vector<1x32xf32>
    %add3A_276 = vector.broadcast %get3A_275 : vector<1x32xf32> to vector<128x32xf32>
    %add3A_277 = arith.addf %mul3A_272, %add3A_276 : vector<128x32xf32>
    %max3A_278 = arith.constant 0.000000e+00 : f32
    %max3A_279 = vector.broadcast %max3A_278 : f32 to vector<128x32xf32>
    %max3A_280 = arith.maximumf %add3A_277, %max3A_279 : vector<128x32xf32>
    %concatenate3A = tpu.concatenate %slice3A, %slice3A_256, %max3A_280 in 1 : vector<128x128xf32>, vector<128x128xf32>, vector<128x32xf32> -> vector<128x288xf32>
    %get3A_281 = arith.constant 0 : index
    %get3A_282 = arith.constant 0 : index
    %get3A_283 = vector.load %arg7[%get3A_281, %get3A_282] : memref<288x128xf32, #tpu.memory_space<vmem>>, vector<288x128xf32>
    %dot_general3A_284 = arith.constant dense<0.000000e+00> : vector<128x128xf32>
    %dot_general3A_285 = tpu.matmul %concatenate3A, %get3A_283, %dot_general3A_284 {dimension_numbers = #tpu.dot_dimension_numbers<[1], [0], [0], [1], [0, 0, 1, 1], [], []>, transpose_lhs_hint = false} : vector<128x288xf32>, vector<288x128xf32>, vector<128x128xf32> -> vector<128x128xf32>
    %get3A_286 = arith.constant 0 : index
    %get3A_287 = arith.constant 0 : index
    %get3A_288 = vector.load %arg8[%get3A_286, %get3A_287] : memref<1x128xf32, #tpu.memory_space<vmem>>, vector<1x128xf32>
    %add3A_289 = vector.broadcast %get3A_288 : vector<1x128xf32> to vector<128x128xf32>
    %add3A_290 = arith.addf %dot_general3A_285, %add3A_289 : vector<128x128xf32>
    %max3A_291 = arith.constant 0.000000e+00 : f32
    %max3A_292 = vector.broadcast %max3A_291 : f32 to vector<128x128xf32>
    %max3A_293 = arith.maximumf %add3A_290, %max3A_292 : vector<128x128xf32>
    %get3A_294 = arith.constant 0 : index
    %get3A_295 = arith.constant 0 : index
    %get3A_296 = vector.load %arg9[%get3A_294, %get3A_295] : memref<128x1xf32, #tpu.memory_space<vmem>>, vector<128x1xf32>
    %dot_general3A_297 = arith.constant dense<0.000000e+00> : vector<128x1xf32>
    %dot_general3A_298 = tpu.matmul %max3A_293, %get3A_296, %dot_general3A_297 {dimension_numbers = #tpu.dot_dimension_numbers<[1], [0], [0], [1], [0, 0, 1, 1], [], []>, transpose_lhs_hint = false} : vector<128x128xf32>, vector<128x1xf32>, vector<128x1xf32> -> vector<128x1xf32>
    %get3A_299 = arith.constant 0 : index
    %get3A_300 = arith.constant 0 : index
    %get3A_301 = vector.load %arg10[%get3A_299, %get3A_300] : memref<1x1xf32, #tpu.memory_space<vmem>>, vector<1x1xf32>
    %add3A_302 = vector.broadcast %get3A_301 : vector<1x1xf32> to vector<128x1xf32>
    %add3A_303 = arith.addf %dot_general3A_298, %add3A_302 : vector<128x1xf32>
    %swap3A = arith.constant 0 : index
    %swap3A_304 = arith.constant 0 : index
    %swap3A_305 = vector.load %arg11[%swap3A, %swap3A_304] : memref<128x1xf32, #tpu.memory_space<vmem>>, vector<128x1xf32>
    tpu.vector_store %arg11[%swap3A, %swap3A_304], %add3A_303 {strides = array<i32>} : memref<128x1xf32, #tpu.memory_space<vmem>>, vector<128x1xf32>,
    return
  }
}

</mosaic_0001>

<sc_bundles>
// kernel: kernel.10.cloned.1.call-start
scs
__scs_entry_jumppad:
0x0: {  	(pc) =	sbr.rel $0x88, $3  }
0x1: {  	(tag) =	ssettag $0x0;
	lr =	simm.s32 $0x1  }
0x2: {  	[smem:$0x3F91] =	sst lr;
	_ =	strace $0xD0000000  }
0x3: {  	_ = 	snop  }
0x4: {  	_ = 	snop  }
0x5: {  	_ = 	snop  }
0x6: {  	_ = 	snop  }
0x7: {  	_ = 	snop  }
__scs_overlays_trampoline_lowered:
0x8: {  	[smem:$0x3FA0] =	sst s0  }
0x9: {  	[smem:$0x3FA1] =	sst s1  }
0xa: {  	[smem:$0x3FA2] =	sst s2  }
0xb: {  	[smem:$0x3FA3] =	sst s3  }
0xc: {  	[smem:$0x3FA4] =	sst s4  }
0xd: {  	[smem:$0x3FA5] =	sst s5  }
0xe: {  	[smem:$0x3FA6] =	sst s6  }
0xf: {  	[smem:$0x3FA7] =	sst s7  }
0x10: {  	[smem:$0x3FA8] =	sst s8  }
0x11: {  	[smem:$0x3FA9] =	sst s9;
	s0 =	simm.s32 @!p0 $0x0  }
0x12: {  	s1 =	sld [smem:$0x3F8F];
	s0 =	simm.s32 @p0 $0x1  }
0x13: {  	[smem:$0x3FAA] =	sst s0;
	s0 =	simm.s32 @!p1 $0x0  }
0x14: {  	s2 =	sld [smem:$0x3F8E];
	s0 =	simm.s32 @p1 $0x1  }
0x15: {  	[smem:$0x3FAB] =	sst s0;
	s0 =	simm.s32 @!p2 $0x0  }
0x16: {  	s3 =	sld [smem:$0x3FDB];
	s0 =	simm.s32 @p2 $0x1  }
0x17: {  	s4 =	simm.s32 $0x1BF5;
	[smem:$0x3FAD] =	sst s0  }
0x18: {  	s0 =	sld [smem:$0x3F90];
	_ =	swait.ge [sflag:s4], $0x0  }
0x19: {  	s7 =	sld [smem:$0x3F91]  }
0x1a: {  	s8 =	sadd.s32 $0xFFFFE003, lr  }
0x1b: {  	s9 =	sadd.s32 $0xFFFFFEF7, lr;
	s5 =	simm.s32 $0xFFFFFFFF;
	p2 =	slt.u32 s8, $0xFFFFF086  }
0x1c: {  	p1 =	slt.u32 s9, $0xF7A;
	s5 =	simm.s32 @!p2 $0x0  }
0x1d: {  	s5 =	simm.s32 @p1 $0x1;
	p0 =	seq.s32 s7, s2  }
0x1e: {  	s7 =	smul.u32 @!p0 $0xF7A, s2;
	p2 =	seq.s32 @!p0 s5, $0x0  }
0x1f: {  	s9 =	smul.u32 $0xF7A, s1;
	s8 =	simm.s32 @!p0 $0x1BF5;
	p2 =	por !p2, p0  }
0x20: {  	[sflag:s8] =	ssyncset.s32 @!p0 $0xFFFFF086;
	s6 =	sadd.s32 @!p0 s3, s7;
	s7 =	simm.s32 @!p0 $0x108  }
0x21: {  	s3 =	sadd.s32 s3, s9;
	s6 =	sadd.s32 @!p0 $0x88, s6;
	s7 =	simm.s32 @p2 $0x1082  }
0x22: {  	[simem:s7], [sflag:s8] =	dma.local @!p0 [hbm:s6], $0xF7A  }
0x23: {  	s9 =	sor.u32 $0xD0000000, s2;
	s6 =	simm.s32 $0x108;
	_ =	swait.ge @!p0 [sflag:s8], $0x0  }
0x24: {  	s3 =	sadd.s32 $0x88, s3;
	s6 =	simm.s32 @!p1 $0x1082;
	[sflag:s4] =	ssyncset.s32 $0xFFFFF086  }
0x25: {  	[simem:s6], [sflag:s4] =	dma.local [hbm:s3], $0xF7A  }
0x26: {  	[smem:$0x3F91] =	sst s1;
	(tag) =	ssettag s2;
	_ =	strace s9  }
0x27: {  	s1 =	sld [smem:$0x3FA1]  }
0x28: {  	s2 =	sld [smem:$0x3FA2]  }
0x29: {  	s4 =	sld [smem:$0x3FA4]  }
0x2a: {  	p0 =	seq.s32 s5, $0x0;
	s5 =	sld [smem:$0x3FA5]  }
0x2b: {  	s6 =	sld [smem:$0x3FA6]  }
0x2c: {  	s7 =	sld [smem:$0x3FA7]  }
0x2d: {  	s3 =	simm.s32 $0x108;
	s8 =	sld [smem:$0x3FA8]  }
0x2e: {  	s3 =	simm.s32 @!p0 $0x1082;
	s9 =	sld [smem:$0x3FA9]  }
0x2f: {  	lr =	sadd.s32 s0, s3;
	s0 =	sld [smem:$0x3FA0]  }
0x30: {  	s3 =	sld [smem:$0x3FA3]  }
0x31: {  	[smem:$0x3FAC] =	sst s10  }
0x32: {  	s10 =	sld [smem:$0x3FAA];
	_ =	sdelay $0x3  }
0x33: {  	p0 =	seq.s32 s10, $0x1;
	s10 =	sld [smem:$0x3FAC];
	_ =	sdelay $0x3  }
0x34: {  	[smem:$0x3FAC] =	sst s10  }
0x35: {  	s10 =	sld [smem:$0x3FAB];
	_ =	sdelay $0x3  }
0x36: {  	p1 =	seq.s32 s10, $0x1;
	s10 =	sld [smem:$0x3FAC];
	_ =	sdelay $0x3  }
0x37: {  	[smem:$0x3FAC] =	sst s10  }
0x38: {  	s10 =	sld [smem:$0x3FAD]  }
0x39: {  	_ = 	snop;
	(pc) =	sbr.ind lr, $3  }
0x3a: {  	_ = 	snop  }
0x3b: {  	_ = 	snop  }
0x3c: {  	p2 =	seq.s32 s10, $0x1;
	s10 =	sld [smem:$0x3FAC]  }
0x3d: {  	_ =	shalt  }
0x3e: {  	_ =	shalt  }
0x3f: {  	_ =	shalt  }
0x40: {  	_ =	shalt  }
0x41: {  	_ =	shalt  }
0x42: {  	_ =	shalt  }
0x43: {  	_ =	shalt  }
0x44: {  	_ =	shalt  }
0x45: {  	_ =	shalt  }
0x46: {  	_ =	shalt  }
0x47: {  	_ =	shalt  }
0x48: {  	_ =	shalt  }
0x49: {  	_ =	shalt  }
0x4a: {  	_ =	shalt  }
0x4b: {  	_ =	shalt  }
0x4c: {  	_ =	shalt  }
0x4d: {  	_ =	shalt  }
0x4e: {  	_ =	shalt  }
0x4f: {  	_ =	shalt  }
0x50: {  	_ =	shalt  }
0x51: {  	_ =	shalt  }
0x52: {  	_ =	shalt  }
0x53: {  	_ =	shalt  }
0x54: {  	_ =	shalt  }
0x55: {  	_ =	shalt  }
0x56: {  	_ =	shalt  }
0x57: {  	_ =	shalt  }
0x58: {  	_ =	shalt  }
0x59: {  	_ =	shalt  }
0x5a: {  	_ =	shalt  }
0x5b: {  	_ =	shalt  }
0x5c: {  	_ =	shalt  }
0x5d: {  	_ =	shalt  }
0x5e: {  	_ =	shalt  }
0x5f: {  	_ =	shalt  }
0x60: {  	_ =	shalt  }
0x61: {  	_ =	shalt  }
0x62: {  	_ =	shalt  }
0x63: {  	_ =	shalt  }
0x64: {  	_ =	shalt  }
0x65: {  	_ =	shalt  }
0x66: {  	_ =	shalt  }
0x67: {  	_ =	shalt  }
0x68: {  	_ =	shalt  }
0x69: {  	_ =	shalt  }
0x6a: {  	_ =	shalt  }
0x6b: {  	_ =	shalt  }
0x6c: {  	_ =	shalt  }
0x6d: {  	_ =	shalt  }
0x6e: {  	_ =	shalt  }
0x6f: {  	_ =	shalt  }
0x70: {  	_ =	shalt  }
0x71: {  	_ =	shalt  }
0x72: {  	_ =	shalt  }
0x73: {  	_ =	shalt  }
0x74: {  	_ =	shalt  }
0x75: {  	_ =	shalt  }
0x76: {  	_ =	shalt  }
0x77: {  	_ =	shalt  }
0x78: {  	_ =	shalt  }
0x79: {  	_ =	shalt  }
0x7a: {  	_ =	shalt  }
0x7b: {  	_ =	shalt  }
0x7c: {  	_ =	shalt  }
0x7d: {  	_ =	shalt  }
0x7e: {  	_ =	shalt  }
0x7f: {  	_ =	shalt  }
0x80: {  	_ =	shalt  }
0x81: {  	_ =	shalt  }
0x82: {  	_ =	shalt  }
0x83: {  	_ =	shalt  }
0x84: {  	_ =	shalt  }
0x85: {  	_ =	shalt  }
0x86: {  	_ =	shalt  }
0x87: {  	_ =	shalt  }
.Lfunc_end0:
.L_simem_size_0:
called_computation_lowered:
.L_overlay_start_0:
0x88: {  	s2 =	sld [smem:$0x3FD9]  }
0x89: {  	s3 =	sld [smem:$0x3FFE];
	_ =	sdelay $0x1  }
0x8a: {  	s1 =	srdreg.scid  }
0x8b: {  	s0 =	sand.u32 $0x1, s1  }
0x8c: {  	s16 =	sshll.u32 s0, $0xA;
	s2 =	sadd.s32 s3, s2  }
0x8d: {  	s2 =	sadd.s32 s2, s16  }
0x8e: {  	[smem:$0x3FB8] =	sst s2  }
0x8f: {  	_ = 	snop  }
0x90: {  	(tm) =	ssettm $0x1  }
0x91: {  	s17 =	sld [smem:$0x3FFB];
	_ =	sdelay $0x3  }
0x92: {  	_ =	strace s17  }
0x93: {  	s2 =	sld [smem:$0x3FFC];
	_ =	sdelay $0x3  }
0x94: {  	_ =	strace s2  }
0x95: {  	s2 =	sld [smem:$0x3FFD];
	_ =	sdelay $0x3  }
0x96: {  	_ =	strace s2  }
0x97: {  	_ =	strace $0x8FFFFFFF  }
0x98: {  	s18 =	sld [smem:$0x3FDB];
	_ =	sdelay $0x1  }
0x99: {  	s19 =	simm.s32 $_scs_section_size  }
0x9a: {  	s4 =	simm.s32 $_size__tile_overlayer_lowered;
	s5 =	simm.s32 $_tile_overlayer_lowered  }
0x9b: {  	s22 =	simm.s32 $0x1BFF;
	s21 =	sshll.u32 s5, $0x1;
	s2 =	sadd.s32 s19, s18  }
0x9c: {  	s6 =	simm.s32 $0x0;
	s20 =	sshll.u32 s4, $0x1;
	s4 =	sadd.s32 s21, s2  }
0x9d: {  	[timem:s6], [sflag:s22] =	dma.local [hbm:s4], s20  }
0x9e: {  	_ =	swait.ge [sflag:s22], s20  }
0x9f: {  	s3 =	ssub.s32 $0x0, s20;
	[sflag:s22] =	ssyncset.done $0x0  }
0xa0: {  	[sflag:s22] =	ssyncadd.s32 s3;
	_ =	sdelay $0x1  }
0xa1: {  	s23 =	simm.s32 $0x1B8B  }
0xa2: {  	_ =	swait.ge [sflag:s23], $0x1  }
0xa3: {  	[sflag:s23] =	ssyncset.done $0x0  }
0xa4: {  	s25 =	simm.s32 $0x1B8E;
	s24 =	sld [smem:$0x3FFE];
	[sflag:s23] =	ssyncadd.s32 $0xFFFFFFFF  }
0xa5: {  	s26 =	simm.s32 $execute0_lowered;
	[smem:$0x3FD2] =	sst s25  }
0xa6: {  	s4 =	sshll.u32 s26, $0x1;
	_ =	strace $0x80000046;
	[dreg:$0x1] =	wrdreg $0xFFFFFFFF  }
0xa7: {  	s28 =	simm.s32 $_size_execute0_lowered;
	s2 =	sadd.s32 s2, s4;
	[dreg:$0x0] =	wrdreg $0x0  }
0xa8: {  	s4 =	sshll.u32 s28, $0x1;
	[dreg:$0x2] =	wrdreg s2  }
0xa9: {  	[dreg:$0x3] =	wrdreg s4  }
0xaa: {  	[dreg:$0x4] =	wrdreg $0xC0  }
0xab: {  	_ =	task [dreg:s6], $0x5FFFF  }
0xac: {  	[dreg:$0x1] =	wrdreg $0xFFFFFFFF  }
0xad: {  	[dreg:$0x0] =	wrdreg $0x60  }
0xae: {  	[dreg:$0x2] =	wrdreg s24  }
0xaf: {  	[dreg:$0x3] =	wrdreg $0x9  }
0xb0: {  	_ =	task.clear_ibuf [dreg:s6], $0x4FFFF;
	_ =	strace $0x90000046  }
0xb1: {  	s29 =	simm.s32 $0x9;
	_ =	strace $0x80000048  }
0xb2: {  	_ =	swait.ge [sflag:s29], $0x1  }
0xb3: {  	[sflag:s29] =	ssyncadd.s32 $0xFFFFFFFF  }
0xb4: {  	_ =	strace $0x90000048  }
0xb5: {  	_ =	sfence  }
0xb6: {  	s30 =	sld [smem:$0x0];
	_ =	sdelay $0x2  }
0xb7: {  	s31 =	sshll.u32 s1, $0xD;
	s1 =	sshrl.u32 s1, $0x2  }
0xb8: {  	s3 =	sand.u32 $0x4000, s31;
	s1 =	sadd.s32 s1, s30  }
0xb9: {  	s0 =	sor.u32 s3, s0;
	s1 =	sshll.u32 s1, $0x11  }
0xba: {  	s0 =	sor.u32 s1, s0  }
0xbb: {  	s0 =	sadd.s32 $0x8F2B, s0  }
0xbc: {  	[sflag:s0] =	ssyncadd.remote.s32 $0x1  }
0xbd: {  	_ =	sfence.sel $0xFFFF  }
0xbe: {  	[dreg:$0x0] =	wrdreg $0xFFFFFFFF;
	(pc) =	sbr.abs _section_cstart, $3  }
0xbf: {  	[dreg:$0x1] =	wrdreg $0xFFFFFFFF  }
0xc0: {  	_ =	task.clear_ibuf [dreg:s6], $0x2FFFF;
	_ =	strace $0x9FFFFFFF  }
0xc1: {  	(tm) =	ssettm $0x7FFFFFFF  }
tec
execute0_lowered:
.L_overlay_start_1:
0x0: {  	(tag) =	ssettag $0x1  }
0x1: {  	s1 =	srdreg.scid;
	s0 =	stileid.u32  }
0x2: {  	s4 =	rddreg [dreg:$0x0];
	s3 =	sand.u32 $0x1, s1;
	s30 =	sshll.u32 s0, $0x1  }
0x3: {  	s2 =	simm.s32 $0x0;
	s8 =	simm.s32 $0x0;
	s5 =	sor.u32 s3, s30  }
0x4: {  	s1 =	rddreg [dreg:$0x1];
	s3 =	ssub.s32 $0x2, s3;
	s6 =	smul.u32 $0x4EC, s5  }
0x5: {  	[smem:$0x7FF] =	sst s2;
	s5 =	smul.u32 $0x4F0, s5;
	s7 =	sshrl.u32 s3, $0x1  }
0x6: {  	_ =	strace $0x80000047;
	s31 =	ssub.s32 s3, s7;
	s7 =	simm.s32 $0x2760  }
0x7: {  	s6 =	sadd.s32 s6, s4;
	s4 =	sadd.s32 s5, s4;
	s5 =	smax.u32 s31, $0x1  }
0x8: {  	v0 =	vimm.f32 $0.0e+00;
	v1 =	vimm.f32 $1.000000000e+00;
	s3 =	sadd.s32 $0x3800, s6;
	s4 =	sadd.s32 $0xD600, s4;
	s6 =	simm.s32 $0x1  }
.LBB2_1:
0x9: {  	[tilespmem:s2], [sflag:$0x1] =	stream.linear.gather [hbm4b:s3+s2], $0x2760, $0x38;
	[tilespmem:$0x4EE0] =	vst v63  }
0xa: {  	_ =	swait.ge [sflag:s6], $0x2760  }
0xb: {  	[sflag:s6] =	ssyncset.done $0x0  }
0xc: {  	s9 =	simm.s32 $0x0;
	[sflag:s6] =	ssyncadd.s32 $0xFFFFD8A0  }
.LBB2_2:
0xd: {  	p0 =	sne.s32 s9, $0x9DC0  }
.Ltmp0:
0xe: {  	_ = 	snop;
	(pc) =	sbr.rel @p0 .LBB2_2-.Ltmp0, $3  }
0xf: {  	_ =	sdelay $0x1  }
0x10: {  	s10 =	sshra.s32 s9, $0x2  }
0x11: {  	s9 =	sadd.s32 $0x40, s9;
	[tilespmem:s10+$0x2760] =	vst v0  }
0x12: {  	s10 =	simm.s32 $0x0;
	s9 =	simm.s32 $0x40  }
.LBB2_4:
0x13: {  	p0 =	sne.s32 s9, $0x9D40;
	v2 =	vld [tilespmem:s10+$0x0];
	_ =	sdelay $0x4  }
0x14: {  	v2 =	vshrl.u32 v2, $0x10  }
.Ltmp1:
0x15: {  	(pc) =	sbr.rel @p0 .LBB2_4-.Ltmp1, $2  }
0x16: {  	_ =	sdelay $0x2  }
0x17: {  	s10 =	sshra.s32 s9, $0x2;
	s9 =	sadd.s32 $0x40, s9;
	[tilespmem:v2+s7+$0x0] =	vst.idx.add.f32.msk $0xffff, v1  }
0x18: {  	v2 =	vld [tilespmem:s10+$0x0];
	_ =	sdelay $0x4  }
0x19: {  	v2 =	vshrl.u32 v2, $0x10;
	_ =	sdelay $0x2  }
0x1a: {  	s8 =	sadd.s32 $0x1, s8  }
0x1b: {  	p0 =	sne.s32 s8, s5  }
.Ltmp2:
0x1c: {  	[tilespmem:v2+s7+$0x0] =	vst.idx.add.f32.msk $0xffff, v1;
	(pc) =	sbr.rel @p0 .LBB2_1-.Ltmp2, $4  }
0x1d: {  	[hbm4b:s4+s2] =	stream.linear.scatter [tilespmem:s7], [sflag:$0x1], $0x2780, $0x38;
	[tilespmem:$0x4EE0] =	vst v63  }
0x1e: {  	_ =	swait.ge [sflag:s6], $0x2780  }
0x1f: {  	[sflag:s6] =	ssyncset.done $0x0  }
0x20: {  	[sflag:s6] =	ssyncadd.s32 $0xFFFFD880  }
0x21: {  	_ =	sfence.sel $0x180000  }
0x22: {  	[bflag:$0x0] =	sbarrier.arrive $0xFFFF  }
0x23: {  	p0 =	sne.s32 s0, $0x0;
	_ =	strace $0x90000047  }
0x24: {  	s0 =	sadd.s32 @!p0 $0x100000, s1;
	[bflag:$0x2] =	sbarrier.arrive $0xFFFF  }
0x25: {  	[sflag:s0] =	ssyncadd.tile.s32 @!p0 $0x1;
	_ =	shalt  }
.Lfunc_end2:
_tile_overlayer_lowered:
.L_overlay_start_2:
0x26: {  	(tag) =	ssettag $0x2  }
0x27: {  	s0 =	rddreg [dreg:$0x0];
	s2 =	stileid.u32  }
0x28: {  	s1 =	rddreg [dreg:$0x1];
	p0 =	sne.s32 s2, $0x0  }
0x29: {  	s3 =	rddreg [dreg:$0x2];
	[bflag:$0x3] =	sbarrier.arrive $0xFFFF;
	s2 =	simm.s32 @!p0 $0x1C01  }
0x2a: {  	[timem:s3], [sflag:s2] =	dma.local @!p0 [hbm:s0], s1  }
0x2b: {  	s0 =	simm.s32 @!p0 $0x1  }
0x2c: {  	_ =	swait.ge @!p0 [sflag:s0], s1  }
0x2d: {  	s1 =	ssub.s32 @!p0 $0x0, s1;
	[sflag:s0] =	ssyncset.done @!p0 $0x0  }
0x2e: {  	[sflag:s0] =	ssyncadd.s32 @!p0 s1  }
0x2f: {  	[bflag:$0x3] =	sbarrier.arrive $0xFFFF  }
0x30: {  	_ =	shalt  }

// kernel: kernel.13.cloned.1.call-start
scs
__scs_entry_jumppad:
0x0: {  	(pc) =	sbr.rel $0x88, $3  }
0x1: {  	(tag) =	ssettag $0x0;
	lr =	simm.s32 $0x1  }
0x2: {  	[smem:$0x3F91] =	sst lr;
	_ =	strace $0xD0000000  }
0x3: {  	_ = 	snop  }
0x4: {  	_ = 	snop  }
0x5: {  	_ = 	snop  }
0x6: {  	_ = 	snop  }
0x7: {  	_ = 	snop  }
__scs_overlays_trampoline_lowered:
0x8: {  	[smem:$0x3FA0] =	sst s0  }
0x9: {  	[smem:$0x3FA1] =	sst s1  }
0xa: {  	[smem:$0x3FA2] =	sst s2  }
0xb: {  	[smem:$0x3FA3] =	sst s3  }
0xc: {  	[smem:$0x3FA4] =	sst s4  }
0xd: {  	[smem:$0x3FA5] =	sst s5  }
0xe: {  	[smem:$0x3FA6] =	sst s6  }
0xf: {  	[smem:$0x3FA7] =	sst s7  }
0x10: {  	[smem:$0x3FA8] =	sst s8  }
0x11: {  	[smem:$0x3FA9] =	sst s9;
	s0 =	simm.s32 @!p0 $0x0  }
0x12: {  	s1 =	sld [smem:$0x3F8F];
	s0 =	simm.s32 @p0 $0x1  }
0x13: {  	[smem:$0x3FAA] =	sst s0;
	s0 =	simm.s32 @!p1 $0x0  }
0x14: {  	s2 =	sld [smem:$0x3F8E];
	s0 =	simm.s32 @p1 $0x1  }
0x15: {  	[smem:$0x3FAB] =	sst s0;
	s0 =	simm.s32 @!p2 $0x0  }
0x16: {  	s3 =	sld [smem:$0x3FDB];
	s0 =	simm.s32 @p2 $0x1  }
0x17: {  	s4 =	simm.s32 $0x1BF5;
	[smem:$0x3FAD] =	sst s0  }
0x18: {  	s0 =	sld [smem:$0x3F90];
	_ =	swait.ge [sflag:s4], $0x0  }
0x19: {  	s7 =	sld [smem:$0x3F91]  }
0x1a: {  	s8 =	sadd.s32 $0xFFFFE003, lr  }
0x1b: {  	s9 =	sadd.s32 $0xFFFFFEF7, lr;
	s5 =	simm.s32 $0xFFFFFFFF;
	p2 =	slt.u32 s8, $0xFFFFF086  }
0x1c: {  	p1 =	slt.u32 s9, $0xF7A;
	s5 =	simm.s32 @!p2 $0x0  }
0x1d: {  	s5 =	simm.s32 @p1 $0x1;
	p0 =	seq.s32 s7, s2  }
0x1e: {  	s7 =	smul.u32 @!p0 $0xF7A, s2;
	p2 =	seq.s32 @!p0 s5, $0x0  }
0x1f: {  	s9 =	smul.u32 $0xF7A, s1;
	s8 =	simm.s32 @!p0 $0x1BF5;
	p2 =	por !p2, p0  }
0x20: {  	[sflag:s8] =	ssyncset.s32 @!p0 $0xFFFFF086;
	s6 =	sadd.s32 @!p0 s3, s7;
	s7 =	simm.s32 @!p0 $0x108  }
0x21: {  	s3 =	sadd.s32 s3, s9;
	s6 =	sadd.s32 @!p0 $0x88, s6;
	s7 =	simm.s32 @p2 $0x1082  }
0x22: {  	[simem:s7], [sflag:s8] =	dma.local @!p0 [hbm:s6], $0xF7A  }
0x23: {  	s9 =	sor.u32 $0xD0000000, s2;
	s6 =	simm.s32 $0x108;
	_ =	swait.ge @!p0 [sflag:s8], $0x0  }
0x24: {  	s3 =	sadd.s32 $0x88, s3;
	s6 =	simm.s32 @!p1 $0x1082;
	[sflag:s4] =	ssyncset.s32 $0xFFFFF086  }
0x25: {  	[simem:s6], [sflag:s4] =	dma.local [hbm:s3], $0xF7A  }
0x26: {  	[smem:$0x3F91] =	sst s1;
	(tag) =	ssettag s2;
	_ =	strace s9  }
0x27: {  	s1 =	sld [smem:$0x3FA1]  }
0x28: {  	s2 =	sld [smem:$0x3FA2]  }
0x29: {  	s4 =	sld [smem:$0x3FA4]  }
0x2a: {  	p0 =	seq.s32 s5, $0x0;
	s5 =	sld [smem:$0x3FA5]  }
0x2b: {  	s6 =	sld [smem:$0x3FA6]  }
0x2c: {  	s7 =	sld [smem:$0x3FA7]  }
0x2d: {  	s3 =	simm.s32 $0x108;
	s8 =	sld [smem:$0x3FA8]  }
0x2e: {  	s3 =	simm.s32 @!p0 $0x1082;
	s9 =	sld [smem:$0x3FA9]  }
0x2f: {  	lr =	sadd.s32 s0, s3;
	s0 =	sld [smem:$0x3FA0]  }
0x30: {  	s3 =	sld [smem:$0x3FA3]  }
0x31: {  	[smem:$0x3FAC] =	sst s10  }
0x32: {  	s10 =	sld [smem:$0x3FAA];
	_ =	sdelay $0x3  }
0x33: {  	p0 =	seq.s32 s10, $0x1;
	s10 =	sld [smem:$0x3FAC];
	_ =	sdelay $0x3  }
0x34: {  	[smem:$0x3FAC] =	sst s10  }
0x35: {  	s10 =	sld [smem:$0x3FAB];
	_ =	sdelay $0x3  }
0x36: {  	p1 =	seq.s32 s10, $0x1;
	s10 =	sld [smem:$0x3FAC];
	_ =	sdelay $0x3  }
0x37: {  	[smem:$0x3FAC] =	sst s10  }
0x38: {  	s10 =	sld [smem:$0x3FAD]  }
0x39: {  	_ = 	snop;
	(pc) =	sbr.ind lr, $3  }
0x3a: {  	_ = 	snop  }
0x3b: {  	_ = 	snop  }
0x3c: {  	p2 =	seq.s32 s10, $0x1;
	s10 =	sld [smem:$0x3FAC]  }
0x3d: {  	_ =	shalt  }
0x3e: {  	_ =	shalt  }
0x3f: {  	_ =	shalt  }
0x40: {  	_ =	shalt  }
0x41: {  	_ =	shalt  }
0x42: {  	_ =	shalt  }
0x43: {  	_ =	shalt  }
0x44: {  	_ =	shalt  }
0x45: {  	_ =	shalt  }
0x46: {  	_ =	shalt  }
0x47: {  	_ =	shalt  }
0x48: {  	_ =	shalt  }
0x49: {  	_ =	shalt  }
0x4a: {  	_ =	shalt  }
0x4b: {  	_ =	shalt  }
0x4c: {  	_ =	shalt  }
0x4d: {  	_ =	shalt  }
0x4e: {  	_ =	shalt  }
0x4f: {  	_ =	shalt  }
0x50: {  	_ =	shalt  }
0x51: {  	_ =	shalt  }
0x52: {  	_ =	shalt  }
0x53: {  	_ =	shalt  }
0x54: {  	_ =	shalt  }
0x55: {  	_ =	shalt  }
0x56: {  	_ =	shalt  }
0x57: {  	_ =	shalt  }
0x58: {  	_ =	shalt  }
0x59: {  	_ =	shalt  }
0x5a: {  	_ =	shalt  }
0x5b: {  	_ =	shalt  }
0x5c: {  	_ =	shalt  }
0x5d: {  	_ =	shalt  }
0x5e: {  	_ =	shalt  }
0x5f: {  	_ =	shalt  }
0x60: {  	_ =	shalt  }
0x61: {  	_ =	shalt  }
0x62: {  	_ =	shalt  }
0x63: {  	_ =	shalt  }
0x64: {  	_ =	shalt  }
0x65: {  	_ =	shalt  }
0x66: {  	_ =	shalt  }
0x67: {  	_ =	shalt  }
0x68: {  	_ =	shalt  }
0x69: {  	_ =	shalt  }
0x6a: {  	_ =	shalt  }
0x6b: {  	_ =	shalt  }
0x6c: {  	_ =	shalt  }
0x6d: {  	_ =	shalt  }
0x6e: {  	_ =	shalt  }
0x6f: {  	_ =	shalt  }
0x70: {  	_ =	shalt  }
0x71: {  	_ =	shalt  }
0x72: {  	_ =	shalt  }
0x73: {  	_ =	shalt  }
0x74: {  	_ =	shalt  }
0x75: {  	_ =	shalt  }
0x76: {  	_ =	shalt  }
0x77: {  	_ =	shalt  }
0x78: {  	_ =	shalt  }
0x79: {  	_ =	shalt  }
0x7a: {  	_ =	shalt  }
0x7b: {  	_ =	shalt  }
0x7c: {  	_ =	shalt  }
0x7d: {  	_ =	shalt  }
0x7e: {  	_ =	shalt  }
0x7f: {  	_ =	shalt  }
0x80: {  	_ =	shalt  }
0x81: {  	_ =	shalt  }
0x82: {  	_ =	shalt  }
0x83: {  	_ =	shalt  }
0x84: {  	_ =	shalt  }
0x85: {  	_ =	shalt  }
0x86: {  	_ =	shalt  }
0x87: {  	_ =	shalt  }
.Lfunc_end0:
.L_simem_size_0:
called_computation.1_lowered:
.L_overlay_start_0:
0x88: {  	s2 =	sld [smem:$0x3FD9]  }
0x89: {  	s3 =	sld [smem:$0x3FFE];
	_ =	sdelay $0x1  }
0x8a: {  	s1 =	srdreg.scid  }
0x8b: {  	s0 =	sand.u32 $0x1, s1  }
0x8c: {  	s16 =	sshll.u32 s0, $0xA;
	s2 =	sadd.s32 s3, s2  }
0x8d: {  	s2 =	sadd.s32 s2, s16  }
0x8e: {  	[smem:$0x3FB8] =	sst s2  }
0x8f: {  	_ = 	snop  }
0x90: {  	(tm) =	ssettm $0x1  }
0x91: {  	s17 =	sld [smem:$0x3FFB];
	_ =	sdelay $0x3  }
0x92: {  	_ =	strace s17  }
0x93: {  	s2 =	sld [smem:$0x3FFC];
	_ =	sdelay $0x3  }
0x94: {  	_ =	strace s2  }
0x95: {  	s2 =	sld [smem:$0x3FFD];
	_ =	sdelay $0x3  }
0x96: {  	_ =	strace s2  }
0x97: {  	_ =	strace $0x8FFFFFFF  }
0x98: {  	s18 =	sld [smem:$0x3FDB];
	_ =	sdelay $0x1  }
0x99: {  	s19 =	simm.s32 $_scs_section_size  }
0x9a: {  	s4 =	simm.s32 $_size__tile_overlayer_lowered;
	s5 =	simm.s32 $_tile_overlayer_lowered  }
0x9b: {  	s22 =	simm.s32 $0x1BFF;
	s21 =	sshll.u32 s5, $0x1;
	s2 =	sadd.s32 s19, s18  }
0x9c: {  	s6 =	simm.s32 $0x0;
	s20 =	sshll.u32 s4, $0x1;
	s4 =	sadd.s32 s21, s2  }
0x9d: {  	[timem:s6], [sflag:s22] =	dma.local [hbm:s4], s20  }
0x9e: {  	_ =	swait.ge [sflag:s22], s20  }
0x9f: {  	s3 =	ssub.s32 $0x0, s20;
	[sflag:s22] =	ssyncset.done $0x0  }
0xa0: {  	[sflag:s22] =	ssyncadd.s32 s3;
	_ =	sdelay $0x1  }
0xa1: {  	s23 =	simm.s32 $0x1B8B  }
0xa2: {  	_ =	swait.ge [sflag:s23], $0x1  }
0xa3: {  	[sflag:s23] =	ssyncset.done $0x0  }
0xa4: {  	s25 =	simm.s32 $0x1B8E;
	s24 =	sld [smem:$0x3FFE];
	[sflag:s23] =	ssyncadd.s32 $0xFFFFFFFF  }
0xa5: {  	s26 =	simm.s32 $execute0_lowered;
	[smem:$0x3FD2] =	sst s25  }
0xa6: {  	s4 =	sshll.u32 s26, $0x1;
	_ =	strace $0x80000049;
	[dreg:$0x1] =	wrdreg $0xFFFFFFFF  }
0xa7: {  	s28 =	simm.s32 $_size_execute0_lowered;
	s2 =	sadd.s32 s2, s4;
	[dreg:$0x0] =	wrdreg $0x0  }
0xa8: {  	s4 =	sshll.u32 s28, $0x1;
	[dreg:$0x2] =	wrdreg s2  }
0xa9: {  	[dreg:$0x3] =	wrdreg s4  }
0xaa: {  	[dreg:$0x4] =	wrdreg $0xC0  }
0xab: {  	_ =	task [dreg:s6], $0x5FFFF  }
0xac: {  	[dreg:$0x1] =	wrdreg $0xFFFFFFFF  }
0xad: {  	[dreg:$0x0] =	wrdreg $0x60  }
0xae: {  	[dreg:$0x2] =	wrdreg s24  }
0xaf: {  	[dreg:$0x3] =	wrdreg $0xB9A00  }
0xb0: {  	[dreg:$0x4] =	wrdreg $0x9  }
0xb1: {  	_ =	task.clear_ibuf [dreg:s6], $0x5FFFF;
	_ =	strace $0x90000049  }
0xb2: {  	s29 =	simm.s32 $0x9;
	_ =	strace $0x8000004B  }
0xb3: {  	_ =	swait.ge [sflag:s29], $0x1  }
0xb4: {  	[sflag:s29] =	ssyncadd.s32 $0xFFFFFFFF  }
0xb5: {  	_ =	strace $0x9000004B  }
0xb6: {  	_ =	sfence  }
0xb7: {  	s30 =	sld [smem:$0x0];
	_ =	sdelay $0x2  }
0xb8: {  	s31 =	sshll.u32 s1, $0xD;
	s1 =	sshrl.u32 s1, $0x2  }
0xb9: {  	s3 =	sand.u32 $0x4000, s31;
	s1 =	sadd.s32 s1, s30  }
0xba: {  	s0 =	sor.u32 s3, s0;
	s1 =	sshll.u32 s1, $0x11  }
0xbb: {  	s0 =	sor.u32 s1, s0  }
0xbc: {  	s0 =	sadd.s32 $0x8F2B, s0  }
0xbd: {  	[sflag:s0] =	ssyncadd.remote.s32 $0x1  }
0xbe: {  	_ =	sfence.sel $0xFFFF  }
0xbf: {  	[dreg:$0x0] =	wrdreg $0xFFFFFFFF;
	(pc) =	sbr.abs _section_cstart, $3  }
0xc0: {  	[dreg:$0x1] =	wrdreg $0xFFFFFFFF  }
0xc1: {  	_ =	task.clear_ibuf [dreg:s6], $0x2FFFF;
	_ =	strace $0x9FFFFFFF  }
0xc2: {  	(tm) =	ssettm $0x7FFFFFFF  }
0xc3: {  	_ =	shalt  }
tec
execute0_lowered:
.L_overlay_start_1:
0x0: {  	(tag) =	ssettag $0x1  }
0x1: {  	s1 =	srdreg.scid;
	s6 =	rddreg [dreg:$0x0]  }
0x2: {  	s0 =	stileid.u32;
	s2 =	rddreg [dreg:$0x1]  }
0x3: {  	s3 =	simm.s32 $0x0;
	s13 =	simm.s32 $0x2760;
	s14 =	simm.s32 $0x29A0  }
0x4: {  	s15 =	simm.s32 $0x1;
	s16 =	simm.s32 $0x2880;
	s17 =	simm.s32 $0x71A0  }
0x5: {  	s18 =	simm.s32 $0x27F0;
	s19 =	simm.s32 $0x2;
	s20 =	simm.s32 $0x2910  }
0x6: {  	s21 =	simm.s32 $0x0;
	s5 =	sand.u32 $0x1, s1;
	s30 =	sshll.u32 s0, $0x1  }
0x7: {  	s8 =	smul.u32 $0x13C00, s0;
	[smem:$0x7FF] =	sst s3;
	s4 =	sadd.s32 $0xD600, s6  }
0x8: {  	s31 =	sshll.u32 s0, $0x6;
	s1 =	sor.u32 s5, s30;
	s9 =	smul.u32 $0x13C000, s5  }
0x9: {  	s5 =	ssub.s32 $0x2, s5;
	s7 =	smul.u32 $0x4EC, s1;
	s1 =	rddreg [dreg:$0x2]  }
0xa: {  	_ =	strace $0x8000004A;
	s10 =	sshrl.u32 s8, $0x3;
	s11 =	sshrl.u32 s5, $0x1  }
0xb: {  	s12 =	sadd.s32 s8, s2;
	s9 =	sadd.s32 s8, s9;
	s10 =	sadd.s32 s10, s6  }
0xc: {  	s11 =	ssub.s32 s5, s11;
	s7 =	sadd.s32 s7, s6;
	s9 =	sshrl.u32 s9, $0x3  }
0xd: {  	s8 =	smax.u32 s11, $0x1;
	s11 =	sshrl.u32 s12, $0x3;
	s12 =	simm.s32 $0x90  }
0xe: {  	s9 =	sadd.s32 s9, s6;
	s5 =	sadd.s32 $0x3800, s7;
	s6 =	sadd.s32 $0x34E00, s10  }
0xf: {  	s10 =	sor.u32 $0x1C03, s31;
	s7 =	sadd.s32 $0x5C600, s9;
	s9 =	simm.s32 $0x3  }
.LBB2_1:
0x10: {  	[tilespmem:s3], [sflag:$0x3] =	stream.linear.gather [hbm4b:s5+s3], $0x2760, $0x38;
	[tilespmem:$0x1F5A0] =	vst v63  }
0x11: {  	_ =	swait.ge [sflag:s9], $0x2760  }
0x12: {  	[sflag:s9] =	ssyncset.done $0x0  }
0x13: {  	[sflag:s9] =	ssyncadd.s32 $0xFFFFD8A0  }
0x14: {  	[spmem:s11], [sflag:s10] =	dma.local [hbm:s6], $0x2780  }
0x15: {  	_ =	swait.ge [sflag:s9], $0x2780  }
0x16: {  	[sflag:s9] =	ssyncset.done $0x0  }
0x17: {  	[sflag:s9] =	ssyncadd.s32 $0xFFFFD880  }
0x18: {  	[bflag:$0x0] =	sbarrier.arrive $0xFFFF  }
0x19: {  	v0 =	vld [tilespmem:$0x0];
	_ =	sdelay $0x1  }
0x1a: {  	v1 =	vld [tilespmem:$0x10];
	_ =	sdelay $0x1  }
0x1b: {  	v2 =	vld [tilespmem:$0x20]  }
0x1c: {  	v3 =	vand.u32 $0xFFFF, v0  }
0x1d: {  	v0 =	vshrl.u32 v0, $0x10;
	[tilespmem:$0x2760] =	vst v3;
	v3 =	vld [tilespmem:$0x30]  }
0x1e: {  	[tilespmem:$0x27F0] =	vst v0;
	v0 =	vand.u32 $0xFFFF, v1  }
0x1f: {  	[tilespmem:$0x2770] =	vst v0;
	v0 =	vshrl.u32 v1, $0x10;
	v1 =	vld [tilespmem:$0x40]  }
0x20: {  	[tilespmem:$0x2800] =	vst v0;
	v0 =	vand.u32 $0xFFFF, v2  }
0x21: {  	[tilespmem:$0x2780] =	vst v0;
	v0 =	vshrl.u32 v2, $0x10;
	v2 =	vld [tilespmem:$0x50]  }
0x22: {  	[tilespmem:$0x2810] =	vst v0;
	v0 =	vand.u32 $0xFFFF, v3  }
0x23: {  	[tilespmem:$0x2790] =	vst v0;
	v0 =	vshrl.u32 v3, $0x10;
	v3 =	vld [tilespmem:$0x60]  }
0x24: {  	[tilespmem:$0x2820] =	vst v0;
	v0 =	vand.u32 $0xFFFF, v1  }
0x25: {  	[tilespmem:$0x27A0] =	vst v0;
	v0 =	vshrl.u32 v1, $0x10;
	v1 =	vld [tilespmem:$0x70]  }
0x26: {  	[tilespmem:$0x2830] =	vst v0;
	v0 =	vand.u32 $0xFFFF, v2  }
0x27: {  	[tilespmem:$0x27B0] =	vst v0;
	v0 =	vshrl.u32 v2, $0x10;
	v2 =	vld [tilespmem:$0x80]  }
0x28: {  	[tilespmem:$0x2840] =	vst v0;
	v0 =	vand.u32 $0xFFFF, v3  }
0x29: {  	[tilespmem:$0x27C0] =	vst v0;
	v0 =	vshrl.u32 v3, $0x10  }
0x2a: {  	[tilespmem:$0x2850] =	vst v0;
	v0 =	vand.u32 $0xFFFF, v1  }
0x2b: {  	[tilespmem:$0x27D0] =	vst v0;
	v0 =	vshrl.u32 v1, $0x10  }
0x2c: {  	[tilespmem:$0x2860] =	vst v0;
	v0 =	vand.u32 $0xFFFF, v2  }
0x2d: {  	[tilespmem:$0x27E0] =	vst v0;
	v0 =	vshrl.u32 v2, $0x10  }
0x2e: {  	s22 =	simm.s32 $0x0;
	[tilespmem:$0x2870] =	vst v0  }
0x2f: {  	[tilespmem:s14], [sflag:$0x1] =	stream.indirect.gather [hbm4b:s4+s12], $0x80, s13, s12, $0xb8;
	[tilespmem:$0x1F5A0] =	vst v63  }
0x30: {  	v0 =	vld [tilespmem:s22+$0x90];
	_ =	sdelay $0x4  }
0x31: {  	v1 =	vand.u32 $0xFFFF, v0  }
0x32: {  	v0 =	vshrl.u32 v0, $0x10;
	[tilespmem:$0x2880] =	vst v1  }
0x33: {  	[tilespmem:$0x2910] =	vst v0  }
0x34: {  	v0 =	vld [tilespmem:s22+$0xA0];
	_ =	sdelay $0x4  }
0x35: {  	v1 =	vand.u32 $0xFFFF, v0  }
0x36: {  	v0 =	vshrl.u32 v0, $0x10;
	[tilespmem:$0x2890] =	vst v1  }
0x37: {  	[tilespmem:$0x2920] =	vst v0  }
0x38: {  	v0 =	vld [tilespmem:s22+$0xB0];
	_ =	sdelay $0x4  }
0x39: {  	v1 =	vand.u32 $0xFFFF, v0  }
0x3a: {  	v0 =	vshrl.u32 v0, $0x10;
	[tilespmem:$0x28A0] =	vst v1  }
0x3b: {  	[tilespmem:$0x2930] =	vst v0  }
0x3c: {  	v0 =	vld [tilespmem:s22+$0xC0];
	_ =	sdelay $0x4  }
0x3d: {  	v1 =	vand.u32 $0xFFFF, v0  }
0x3e: {  	v0 =	vshrl.u32 v0, $0x10;
	[tilespmem:$0x28B0] =	vst v1  }
0x3f: {  	[tilespmem:$0x2940] =	vst v0  }
0x40: {  	v0 =	vld [tilespmem:s22+$0xD0];
	_ =	sdelay $0x4  }
0x41: {  	v1 =	vand.u32 $0xFFFF, v0  }
0x42: {  	v0 =	vshrl.u32 v0, $0x10;
	[tilespmem:$0x28C0] =	vst v1  }
0x43: {  	[tilespmem:$0x2950] =	vst v0  }
0x44: {  	v0 =	vld [tilespmem:s22+$0xE0];
	_ =	sdelay $0x4  }
0x45: {  	v1 =	vand.u32 $0xFFFF, v0  }
0x46: {  	v0 =	vshrl.u32 v0, $0x10;
	[tilespmem:$0x28D0] =	vst v1  }
0x47: {  	[tilespmem:$0x2960] =	vst v0  }
0x48: {  	v0 =	vld [tilespmem:s22+$0xF0];
	_ =	sdelay $0x4  }
0x49: {  	v1 =	vand.u32 $0xFFFF, v0  }
0x4a: {  	v0 =	vshrl.u32 v0, $0x10;
	[tilespmem:$0x28E0] =	vst v1  }
0x4b: {  	[tilespmem:$0x2970] =	vst v0  }
0x4c: {  	v0 =	vld [tilespmem:s22+$0x100];
	_ =	sdelay $0x4  }
0x4d: {  	v1 =	vand.u32 $0xFFFF, v0  }
0x4e: {  	v0 =	vshrl.u32 v0, $0x10;
	[tilespmem:$0x28F0] =	vst v1  }
0x4f: {  	[tilespmem:$0x2980] =	vst v0  }
0x50: {  	v0 =	vld [tilespmem:s22+$0x110];
	_ =	sdelay $0x4  }
0x51: {  	v1 =	vand.u32 $0xFFFF, v0  }
0x52: {  	v0 =	vshrl.u32 v0, $0x10;
	[tilespmem:$0x2900] =	vst v1  }
0x53: {  	[tilespmem:$0x2990] =	vst v0  }
0x54: {  	_ =	swait.ge [sflag:s15], $0x4800  }
0x55: {  	[sflag:s15] =	ssyncset.done $0x0  }
0x56: {  	[sflag:s15] =	ssyncadd.s32 $0xFFFFB800  }
0x57: {  	[tilespmem:s17], [sflag:$0x2] =	stream.indirect.gather [hbm4b:s4+s12], $0x80, s16, s12, $0xb8;
	[tilespmem:$0x1F5A0] =	vst v63  }
0x58: {  	_ = 	snop  }
0x59: {  	[spmem:s2] =	stream.indirect.scatter.add.f32 [tilespmem:s14], [sflag:$0x3], $0x80, s18, s12, $0xb8;
	[tilespmem:$0x1F5A0] =	vst v63  }
0x5a: {  	_ =	swait.ge [sflag:s9], $0x4800  }
0x5b: {  	p1 =	por $0x0, $0x0;
	[sflag:s9] =	ssyncset.done $0x0  }
0x5c: {  	s23 =	simm.s32 @!p1 $0x0;
	[sflag:s9] =	ssyncadd.s32 $0xFFFFB800  }
0x5d: {  	v0 =	vld @!p1 [tilespmem:s23+$0x120];
	_ =	sdelay $0x4  }
0x5e: {  	v1 =	vand.u32 @!p1 $0xFFFF, v0  }
0x5f: {  	v0 =	vshrl.u32 @!p1 v0, $0x10;
	[tilespmem:$0x2760] =	vst @!p1 v1  }
0x60: {  	[tilespmem:$0x27F0] =	vst @!p1 v0  }
0x61: {  	v0 =	vld @!p1 [tilespmem:s23+$0x130];
	_ =	sdelay $0x4  }
0x62: {  	v1 =	vand.u32 @!p1 $0xFFFF, v0  }
0x63: {  	v0 =	vshrl.u32 @!p1 v0, $0x10;
	[tilespmem:$0x2770] =	vst @!p1 v1  }
0x64: {  	[tilespmem:$0x2800] =	vst @!p1 v0  }
0x65: {  	v0 =	vld @!p1 [tilespmem:s23+$0x140];
	_ =	sdelay $0x4  }
0x66: {  	v1 =	vand.u32 @!p1 $0xFFFF, v0  }
0x67: {  	v0 =	vshrl.u32 @!p1 v0, $0x10;
	[tilespmem:$0x2780] =	vst @!p1 v1  }
0x68: {  	[tilespmem:$0x2810] =	vst @!p1 v0  }
0x69: {  	v0 =	vld @!p1 [tilespmem:s23+$0x150];
	_ =	sdelay $0x4  }
0x6a: {  	v1 =	vand.u32 @!p1 $0xFFFF, v0  }
0x6b: {  	v0 =	vshrl.u32 @!p1 v0, $0x10;
	[tilespmem:$0x2790] =	vst @!p1 v1  }
0x6c: {  	[tilespmem:$0x2820] =	vst @!p1 v0  }
0x6d: {  	v0 =	vld @!p1 [tilespmem:s23+$0x160];
	_ =	sdelay $0x4  }
0x6e: {  	v1 =	vand.u32 @!p1 $0xFFFF, v0  }
0x6f: {  	v0 =	vshrl.u32 @!p1 v0, $0x10;
	[tilespmem:$0x27A0] =	vst @!p1 v1  }
0x70: {  	[tilespmem:$0x2830] =	vst @!p1 v0  }
0x71: {  	v0 =	vld @!p1 [tilespmem:s23+$0x170];
	_ =	sdelay $0x4  }
0x72: {  	v1 =	vand.u32 @!p1 $0xFFFF, v0  }
0x73: {  	v0 =	vshrl.u32 @!p1 v0, $0x10;
	[tilespmem:$0x27B0] =	vst @!p1 v1  }
0x74: {  	[tilespmem:$0x2840] =	vst @!p1 v0  }
0x75: {  	v0 =	vld @!p1 [tilespmem:s23+$0x180];
	_ =	sdelay $0x4  }
0x76: {  	v1 =	vand.u32 @!p1 $0xFFFF, v0  }
0x77: {  	v0 =	vshrl.u32 @!p1 v0, $0x10;
	[tilespmem:$0x27C0] =	vst @!p1 v1  }
0x78: {  	s25 =	simm.s32 @!p1 $0x90;
	[tilespmem:$0x2850] =	vst @!p1 v0  }
0x79: {  	s26 =	simm.s32 @!p1 $0x2760;
	s28 =	simm.s32 @!p1 $0x29A0;
	s22 =	simm.s32 $0x480;
	v0 =	vld @!p1 [tilespmem:s23+$0x190]  }
.LBB2_2:
0x7a: {  	_ =	sdelay $0x3  }
0x7b: {  	s24 =	smov.u32 s22;
	s22 =	sadd.s32 $0x480, s22;
	v1 =	vand.u32 @!p1 $0xFFFF, v0;
	v0 =	vshrl.u32 @!p1 v0, $0x10  }
0x7c: {  	p0 =	sne.s32 s22, $0x9D80;
	[tilespmem:$0x27D0] =	vst @!p1 v1  }
0x7d: {  	[tilespmem:$0x2860] =	vst @!p1 v0  }
0x7e: {  	v0 =	vld @!p1 [tilespmem:s23+$0x1A0];
	_ =	sdelay $0x4  }
0x7f: {  	v1 =	vand.u32 @!p1 $0xFFFF, v0;
	v0 =	vshrl.u32 @!p1 v0, $0x10  }
0x80: {  	[tilespmem:$0x27E0] =	vst @!p1 v1  }
0x81: {  	[tilespmem:$0x2870] =	vst @!p1 v0  }
0x82: {  	[tilespmem:s28], [sflag:$0x1] =	stream.indirect.gather @!p1 [hbm4b:s4+s25], $0x80, s26, s25, $0xb8;
	[tilespmem:$0x1F5A0] =	vst v63  }
0x83: {  	_ =	swait.ge [sflag:s19], $0x4800  }
0x84: {  	[sflag:s19] =	ssyncset.done $0x0  }
0x85: {  	[sflag:s19] =	ssyncadd.s32 $0xFFFFB800  }
0x86: {  	[spmem:s2] =	stream.indirect.scatter.add.f32 [tilespmem:s17], [sflag:$0x3], $0x80, s20, s12, $0xb8;
	[tilespmem:$0x1F5A0] =	vst v63  }
0x87: {  	_ =	swait.ge [sflag:s9], $0x4800  }
0x88: {  	[sflag:s9] =	ssyncset.done $0x0  }
0x89: {  	s23 =	sshra.s32 s24, $0x2;
	[sflag:s9] =	ssyncadd.s32 $0xFFFFB800  }
0x8a: {  	v0 =	vld [tilespmem:s23+$0x90];
	_ =	sdelay $0x4  }
0x8b: {  	v1 =	vand.u32 $0xFFFF, v0;
	v0 =	vshrl.u32 v0, $0x10  }
0x8c: {  	[tilespmem:$0x2880] =	vst v1  }
0x8d: {  	[tilespmem:$0x2910] =	vst v0  }
0x8e: {  	v0 =	vld [tilespmem:s23+$0xA0];
	_ =	sdelay $0x4  }
0x8f: {  	v1 =	vand.u32 $0xFFFF, v0;
	v0 =	vshrl.u32 v0, $0x10  }
0x90: {  	[tilespmem:$0x2890] =	vst v1  }
0x91: {  	[tilespmem:$0x2920] =	vst v0  }
0x92: {  	v0 =	vld [tilespmem:s23+$0xB0];
	_ =	sdelay $0x4  }
0x93: {  	v1 =	vand.u32 $0xFFFF, v0;
	v0 =	vshrl.u32 v0, $0x10  }
0x94: {  	[tilespmem:$0x28A0] =	vst v1  }
0x95: {  	[tilespmem:$0x2930] =	vst v0  }
0x96: {  	v0 =	vld [tilespmem:s23+$0xC0];
	_ =	sdelay $0x4  }
0x97: {  	v1 =	vand.u32 $0xFFFF, v0;
	v0 =	vshrl.u32 v0, $0x10  }
0x98: {  	[tilespmem:$0x28B0] =	vst v1  }
0x99: {  	[tilespmem:$0x2940] =	vst v0  }
0x9a: {  	v0 =	vld [tilespmem:s23+$0xD0];
	_ =	sdelay $0x4  }
0x9b: {  	v1 =	vand.u32 $0xFFFF, v0;
	v0 =	vshrl.u32 v0, $0x10  }
0x9c: {  	[tilespmem:$0x28C0] =	vst v1  }
0x9d: {  	[tilespmem:$0x2950] =	vst v0  }
0x9e: {  	v0 =	vld [tilespmem:s23+$0xE0];
	_ =	sdelay $0x4  }
0x9f: {  	v1 =	vand.u32 $0xFFFF, v0;
	v0 =	vshrl.u32 v0, $0x10  }
0xa0: {  	[tilespmem:$0x28D0] =	vst v1  }
0xa1: {  	[tilespmem:$0x2960] =	vst v0  }
0xa2: {  	v0 =	vld [tilespmem:s23+$0xF0];
	_ =	sdelay $0x4  }
0xa3: {  	v1 =	vand.u32 $0xFFFF, v0;
	v0 =	vshrl.u32 v0, $0x10  }
0xa4: {  	[tilespmem:$0x28E0] =	vst v1  }
0xa5: {  	[tilespmem:$0x2970] =	vst v0  }
0xa6: {  	v0 =	vld [tilespmem:s23+$0x100];
	_ =	sdelay $0x4  }
0xa7: {  	v1 =	vand.u32 $0xFFFF, v0;
	v0 =	vshrl.u32 v0, $0x10  }
0xa8: {  	[tilespmem:$0x28F0] =	vst v1  }
0xa9: {  	[tilespmem:$0x2980] =	vst v0  }
0xaa: {  	v0 =	vld [tilespmem:s23+$0x110];
	_ =	sdelay $0x4  }
0xab: {  	v1 =	vand.u32 $0xFFFF, v0;
	v0 =	vshrl.u32 v0, $0x10  }
0xac: {  	p1 =	seq.s32 s24, $0x9900;
	[tilespmem:$0x2900] =	vst v1  }
0xad: {  	s23 =	sshra.s32 @!p1 s24, $0x2;
	[tilespmem:$0x2990] =	vst v0  }
0xae: {  	_ =	swait.ge [sflag:s15], $0x4800  }
0xaf: {  	[sflag:s15] =	ssyncset.done $0x0  }
0xb0: {  	[sflag:s15] =	ssyncadd.s32 $0xFFFFB800  }
0xb1: {  	[tilespmem:s17], [sflag:$0x2] =	stream.indirect.gather [hbm4b:s4+s12], $0x80, s16, s12, $0xb8;
	[tilespmem:$0x1F5A0] =	vst v63  }
0xb2: {  	_ = 	snop  }
0xb3: {  	[spmem:s2] =	stream.indirect.scatter.add.f32 [tilespmem:s14], [sflag:$0x3], $0x80, s18, s12, $0xb8;
	[tilespmem:$0x1F5A0] =	vst v63  }
0xb4: {  	_ =	swait.ge [sflag:s9], $0x4800  }
0xb5: {  	[sflag:s9] =	ssyncset.done $0x0  }
0xb6: {  	[sflag:s9] =	ssyncadd.s32 $0xFFFFB800  }
0xb7: {  	v0 =	vld @!p1 [tilespmem:s23+$0x120];
	_ =	sdelay $0x4  }
0xb8: {  	v1 =	vand.u32 @!p1 $0xFFFF, v0;
	v0 =	vshrl.u32 @!p1 v0, $0x10  }
0xb9: {  	[tilespmem:$0x2760] =	vst @!p1 v1  }
0xba: {  	[tilespmem:$0x27F0] =	vst @!p1 v0  }
0xbb: {  	v0 =	vld @!p1 [tilespmem:s23+$0x130];
	_ =	sdelay $0x4  }
0xbc: {  	v1 =	vand.u32 @!p1 $0xFFFF, v0;
	v0 =	vshrl.u32 @!p1 v0, $0x10  }
0xbd: {  	[tilespmem:$0x2770] =	vst @!p1 v1  }
0xbe: {  	[tilespmem:$0x2800] =	vst @!p1 v0  }
0xbf: {  	v0 =	vld @!p1 [tilespmem:s23+$0x140];
	_ =	sdelay $0x4  }
0xc0: {  	v1 =	vand.u32 @!p1 $0xFFFF, v0;
	v0 =	vshrl.u32 @!p1 v0, $0x10  }
0xc1: {  	[tilespmem:$0x2780] =	vst @!p1 v1  }
0xc2: {  	[tilespmem:$0x2810] =	vst @!p1 v0  }
0xc3: {  	v0 =	vld @!p1 [tilespmem:s23+$0x150];
	_ =	sdelay $0x4  }
0xc4: {  	v1 =	vand.u32 @!p1 $0xFFFF, v0;
	v0 =	vshrl.u32 @!p1 v0, $0x10  }
0xc5: {  	[tilespmem:$0x2790] =	vst @!p1 v1  }
0xc6: {  	[tilespmem:$0x2820] =	vst @!p1 v0  }
0xc7: {  	v0 =	vld @!p1 [tilespmem:s23+$0x160];
	_ =	sdelay $0x4  }
0xc8: {  	v1 =	vand.u32 @!p1 $0xFFFF, v0;
	v0 =	vshrl.u32 @!p1 v0, $0x10  }
0xc9: {  	[tilespmem:$0x27A0] =	vst @!p1 v1  }
0xca: {  	[tilespmem:$0x2830] =	vst @!p1 v0  }
0xcb: {  	v0 =	vld @!p1 [tilespmem:s23+$0x170];
	_ =	sdelay $0x4  }
0xcc: {  	v1 =	vand.u32 @!p1 $0xFFFF, v0;
	v0 =	vshrl.u32 @!p1 v0, $0x10  }
0xcd: {  	[tilespmem:$0x27B0] =	vst @!p1 v1  }
0xce: {  	[tilespmem:$0x2840] =	vst @!p1 v0  }
0xcf: {  	v0 =	vld @!p1 [tilespmem:s23+$0x180];
	_ =	sdelay $0x3  }
.Ltmp0:
0xd0: {  	(pc) =	sbr.rel @p0 .LBB2_2-.Ltmp0, $4  }
0xd1: {  	s25 =	simm.s32 @!p1 $0x90;
	s26 =	simm.s32 @!p1 $0x2760;
	s28 =	simm.s32 @!p1 $0x29A0;
	v1 =	vand.u32 @!p1 $0xFFFF, v0;
	v0 =	vshrl.u32 @!p1 v0, $0x10  }
0xd2: {  	[tilespmem:$0x27C0] =	vst @!p1 v1  }
0xd3: {  	[tilespmem:$0x2850] =	vst @!p1 v0  }
0xd4: {  	v0 =	vld @!p1 [tilespmem:s23+$0x190]  }
0xd5: {  	_ =	sdelay $0x3  }
0xd6: {  	v1 =	vand.u32 @!p1 $0xFFFF, v0  }
0xd7: {  	v0 =	vshrl.u32 @!p1 v0, $0x10;
	[tilespmem:$0x27D0] =	vst @!p1 v1  }
0xd8: {  	[tilespmem:$0x2860] =	vst @!p1 v0  }
0xd9: {  	v0 =	vld @!p1 [tilespmem:s23+$0x1A0];
	_ =	sdelay $0x4  }
0xda: {  	v1 =	vand.u32 @!p1 $0xFFFF, v0  }
0xdb: {  	v0 =	vshrl.u32 @!p1 v0, $0x10;
	[tilespmem:$0x27E0] =	vst @!p1 v1  }
0xdc: {  	[tilespmem:$0x2870] =	vst @!p1 v0  }
0xdd: {  	[tilespmem:s28], [sflag:$0x1] =	stream.indirect.gather @!p1 [hbm4b:s4+s25], $0x80, s26, s25, $0xb8;
	[tilespmem:$0x1F5A0] =	vst v63  }
0xde: {  	_ =	swait.ge [sflag:s19], $0x4800  }
0xdf: {  	[sflag:s19] =	ssyncset.done $0x0  }
0xe0: {  	[sflag:s19] =	ssyncadd.s32 $0xFFFFB800  }
0xe1: {  	[spmem:s2] =	stream.indirect.scatter.add.f32 [tilespmem:s17], [sflag:$0x3], $0x80, s20, s12, $0xb8;
	[tilespmem:$0x1F5A0] =	vst v63  }
0xe2: {  	_ =	swait.ge [sflag:s9], $0x4800  }
0xe3: {  	s21 =	sadd.s32 $0x1, s21;
	[sflag:s9] =	ssyncset.done $0x0  }
0xe4: {  	p0 =	sne.s32 s21, s8;
	[sflag:s9] =	ssyncadd.s32 $0xFFFFB800  }
.Ltmp1:
0xe5: {  	[bflag:$0x0] =	sbarrier.arrive $0xFFFF;
	(pc) =	sbr.rel @p0 .LBB2_1-.Ltmp1, $4  }
0xe6: {  	[hbm:s7], [sflag:s10] =	dma.local [spmem:s11], $0x2780  }
0xe7: {  	_ =	swait.ge [sflag:s9], $0x2780  }
0xe8: {  	[sflag:s9] =	ssyncset.done $0x0  }
0xe9: {  	[sflag:s9] =	ssyncadd.s32 $0xFFFFD880  }
0xea: {  	_ =	sfence.sel $0x180000  }
0xeb: {  	[bflag:$0x0] =	sbarrier.arrive $0xFFFF  }
0xec: {  	p0 =	sne.s32 s0, $0x0;
	_ =	strace $0x9000004A  }
0xed: {  	s0 =	sadd.s32 @!p0 $0x100000, s1;
	[bflag:$0x2] =	sbarrier.arrive $0xFFFF  }
0xee: {  	[sflag:s0] =	ssyncadd.tile.s32 @!p0 $0x1;
	_ =	shalt  }
.Lfunc_end2:
_tile_overlayer_lowered:
.L_overlay_start_2:
0xef: {  	(tag) =	ssettag $0x2  }
0xf0: {  	s0 =	rddreg [dreg:$0x0];
	s2 =	stileid.u32  }
0xf1: {  	s1 =	rddreg [dreg:$0x1];
	p0 =	sne.s32 s2, $0x0  }
0xf2: {  	s3 =	rddreg [dreg:$0x2];
	[bflag:$0x3] =	sbarrier.arrive $0xFFFF;
	s2 =	simm.s32 @!p0 $0x1C03  }
0xf3: {  	[timem:s3], [sflag:s2] =	dma.local @!p0 [hbm:s0], s1  }
0xf4: {  	s0 =	simm.s32 @!p0 $0x3  }
0xf5: {  	_ =	swait.ge @!p0 [sflag:s0], s1  }
0xf6: {  	s1 =	ssub.s32 @!p0 $0x0, s1;
	[sflag:s0] =	ssyncset.done @!p0 $0x0  }
0xf7: {  	[sflag:s0] =	ssyncadd.s32 @!p0 s1  }
0xf8: {  	[bflag:$0x3] =	sbarrier.arrive $0xFFFF  }
0xf9: {  	_ =	shalt  }

// kernel: kernel.16.cloned.1.call-start
scs
__scs_entry_jumppad:
0x0: {  	(pc) =	sbr.rel $0x88, $3  }
0x1: {  	(tag) =	ssettag $0x0;
	lr =	simm.s32 $0x1  }
0x2: {  	[smem:$0x3F91] =	sst lr;
	_ =	strace $0xD0000000  }
0x3: {  	_ = 	snop  }
0x4: {  	_ = 	snop  }
0x5: {  	_ = 	snop  }
0x6: {  	_ = 	snop  }
0x7: {  	_ = 	snop  }
__scs_overlays_trampoline_lowered:
0x8: {  	[smem:$0x3FA0] =	sst s0  }
0x9: {  	[smem:$0x3FA1] =	sst s1  }
0xa: {  	[smem:$0x3FA2] =	sst s2  }
0xb: {  	[smem:$0x3FA3] =	sst s3  }
0xc: {  	[smem:$0x3FA4] =	sst s4  }
0xd: {  	[smem:$0x3FA5] =	sst s5  }
0xe: {  	[smem:$0x3FA6] =	sst s6  }
0xf: {  	[smem:$0x3FA7] =	sst s7  }
0x10: {  	[smem:$0x3FA8] =	sst s8  }
0x11: {  	[smem:$0x3FA9] =	sst s9;
	s0 =	simm.s32 @!p0 $0x0  }
0x12: {  	s1 =	sld [smem:$0x3F8F];
	s0 =	simm.s32 @p0 $0x1  }
0x13: {  	[smem:$0x3FAA] =	sst s0;
	s0 =	simm.s32 @!p1 $0x0  }
0x14: {  	s2 =	sld [smem:$0x3F8E];
	s0 =	simm.s32 @p1 $0x1  }
0x15: {  	[smem:$0x3FAB] =	sst s0;
	s0 =	simm.s32 @!p2 $0x0  }
0x16: {  	s3 =	sld [smem:$0x3FDB];
	s0 =	simm.s32 @p2 $0x1  }
0x17: {  	s4 =	simm.s32 $0x1BF5;
	[smem:$0x3FAD] =	sst s0  }
0x18: {  	s0 =	sld [smem:$0x3F90];
	_ =	swait.ge [sflag:s4], $0x0  }
0x19: {  	s7 =	sld [smem:$0x3F91]  }
0x1a: {  	s8 =	sadd.s32 $0xFFFFE003, lr  }
0x1b: {  	s9 =	sadd.s32 $0xFFFFFEF7, lr;
	s5 =	simm.s32 $0xFFFFFFFF;
	p2 =	slt.u32 s8, $0xFFFFF086  }
0x1c: {  	p1 =	slt.u32 s9, $0xF7A;
	s5 =	simm.s32 @!p2 $0x0  }
0x1d: {  	s5 =	simm.s32 @p1 $0x1;
	p0 =	seq.s32 s7, s2  }
0x1e: {  	s7 =	smul.u32 @!p0 $0xF7A, s2;
	p2 =	seq.s32 @!p0 s5, $0x0  }
0x1f: {  	s9 =	smul.u32 $0xF7A, s1;
	s8 =	simm.s32 @!p0 $0x1BF5;
	p2 =	por !p2, p0  }
0x20: {  	[sflag:s8] =	ssyncset.s32 @!p0 $0xFFFFF086;
	s6 =	sadd.s32 @!p0 s3, s7;
	s7 =	simm.s32 @!p0 $0x108  }
0x21: {  	s3 =	sadd.s32 s3, s9;
	s6 =	sadd.s32 @!p0 $0x88, s6;
	s7 =	simm.s32 @p2 $0x1082  }
0x22: {  	[simem:s7], [sflag:s8] =	dma.local @!p0 [hbm:s6], $0xF7A  }
0x23: {  	s9 =	sor.u32 $0xD0000000, s2;
	s6 =	simm.s32 $0x108;
	_ =	swait.ge @!p0 [sflag:s8], $0x0  }
0x24: {  	s3 =	sadd.s32 $0x88, s3;
	s6 =	simm.s32 @!p1 $0x1082;
	[sflag:s4] =	ssyncset.s32 $0xFFFFF086  }
0x25: {  	[simem:s6], [sflag:s4] =	dma.local [hbm:s3], $0xF7A  }
0x26: {  	[smem:$0x3F91] =	sst s1;
	(tag) =	ssettag s2;
	_ =	strace s9  }
0x27: {  	s1 =	sld [smem:$0x3FA1]  }
0x28: {  	s2 =	sld [smem:$0x3FA2]  }
0x29: {  	s4 =	sld [smem:$0x3FA4]  }
0x2a: {  	p0 =	seq.s32 s5, $0x0;
	s5 =	sld [smem:$0x3FA5]  }
0x2b: {  	s6 =	sld [smem:$0x3FA6]  }
0x2c: {  	s7 =	sld [smem:$0x3FA7]  }
0x2d: {  	s3 =	simm.s32 $0x108;
	s8 =	sld [smem:$0x3FA8]  }
0x2e: {  	s3 =	simm.s32 @!p0 $0x1082;
	s9 =	sld [smem:$0x3FA9]  }
0x2f: {  	lr =	sadd.s32 s0, s3;
	s0 =	sld [smem:$0x3FA0]  }
0x30: {  	s3 =	sld [smem:$0x3FA3]  }
0x31: {  	[smem:$0x3FAC] =	sst s10  }
0x32: {  	s10 =	sld [smem:$0x3FAA];
	_ =	sdelay $0x3  }
0x33: {  	p0 =	seq.s32 s10, $0x1;
	s10 =	sld [smem:$0x3FAC];
	_ =	sdelay $0x3  }
0x34: {  	[smem:$0x3FAC] =	sst s10  }
0x35: {  	s10 =	sld [smem:$0x3FAB];
	_ =	sdelay $0x3  }
0x36: {  	p1 =	seq.s32 s10, $0x1;
	s10 =	sld [smem:$0x3FAC];
	_ =	sdelay $0x3  }
0x37: {  	[smem:$0x3FAC] =	sst s10  }
0x38: {  	s10 =	sld [smem:$0x3FAD]  }
0x39: {  	_ = 	snop;
	(pc) =	sbr.ind lr, $3  }
0x3a: {  	_ = 	snop  }
0x3b: {  	_ = 	snop  }
0x3c: {  	p2 =	seq.s32 s10, $0x1;
	s10 =	sld [smem:$0x3FAC]  }
0x3d: {  	_ =	shalt  }
0x3e: {  	_ =	shalt  }
0x3f: {  	_ =	shalt  }
0x40: {  	_ =	shalt  }
0x41: {  	_ =	shalt  }
0x42: {  	_ =	shalt  }
0x43: {  	_ =	shalt  }
0x44: {  	_ =	shalt  }
0x45: {  	_ =	shalt  }
0x46: {  	_ =	shalt  }
0x47: {  	_ =	shalt  }
0x48: {  	_ =	shalt  }
0x49: {  	_ =	shalt  }
0x4a: {  	_ =	shalt  }
0x4b: {  	_ =	shalt  }
0x4c: {  	_ =	shalt  }
0x4d: {  	_ =	shalt  }
0x4e: {  	_ =	shalt  }
0x4f: {  	_ =	shalt  }
0x50: {  	_ =	shalt  }
0x51: {  	_ =	shalt  }
0x52: {  	_ =	shalt  }
0x53: {  	_ =	shalt  }
0x54: {  	_ =	shalt  }
0x55: {  	_ =	shalt  }
0x56: {  	_ =	shalt  }
0x57: {  	_ =	shalt  }
0x58: {  	_ =	shalt  }
0x59: {  	_ =	shalt  }
0x5a: {  	_ =	shalt  }
0x5b: {  	_ =	shalt  }
0x5c: {  	_ =	shalt  }
0x5d: {  	_ =	shalt  }
0x5e: {  	_ =	shalt  }
0x5f: {  	_ =	shalt  }
0x60: {  	_ =	shalt  }
0x61: {  	_ =	shalt  }
0x62: {  	_ =	shalt  }
0x63: {  	_ =	shalt  }
0x64: {  	_ =	shalt  }
0x65: {  	_ =	shalt  }
0x66: {  	_ =	shalt  }
0x67: {  	_ =	shalt  }
0x68: {  	_ =	shalt  }
0x69: {  	_ =	shalt  }
0x6a: {  	_ =	shalt  }
0x6b: {  	_ =	shalt  }
0x6c: {  	_ =	shalt  }
0x6d: {  	_ =	shalt  }
0x6e: {  	_ =	shalt  }
0x6f: {  	_ =	shalt  }
0x70: {  	_ =	shalt  }
0x71: {  	_ =	shalt  }
0x72: {  	_ =	shalt  }
0x73: {  	_ =	shalt  }
0x74: {  	_ =	shalt  }
0x75: {  	_ =	shalt  }
0x76: {  	_ =	shalt  }
0x77: {  	_ =	shalt  }
0x78: {  	_ =	shalt  }
0x79: {  	_ =	shalt  }
0x7a: {  	_ =	shalt  }
0x7b: {  	_ =	shalt  }
0x7c: {  	_ =	shalt  }
0x7d: {  	_ =	shalt  }
0x7e: {  	_ =	shalt  }
0x7f: {  	_ =	shalt  }
0x80: {  	_ =	shalt  }
0x81: {  	_ =	shalt  }
0x82: {  	_ =	shalt  }
0x83: {  	_ =	shalt  }
0x84: {  	_ =	shalt  }
0x85: {  	_ =	shalt  }
0x86: {  	_ =	shalt  }
0x87: {  	_ =	shalt  }
.Lfunc_end0:
.L_simem_size_0:
called_computation.2_lowered:
.L_overlay_start_0:
0x88: {  	s2 =	sld [smem:$0x3FD9]  }
0x89: {  	s3 =	sld [smem:$0x3FFE];
	_ =	sdelay $0x1  }
0x8a: {  	s1 =	srdreg.scid  }
0x8b: {  	s0 =	sand.u32 $0x1, s1  }
0x8c: {  	s16 =	sshll.u32 s0, $0xA;
	s2 =	sadd.s32 s3, s2  }
0x8d: {  	s2 =	sadd.s32 s2, s16  }
0x8e: {  	[smem:$0x3FB8] =	sst s2  }
0x8f: {  	_ = 	snop  }
0x90: {  	(tm) =	ssettm $0x1  }
0x91: {  	s17 =	sld [smem:$0x3FFB];
	_ =	sdelay $0x3  }
0x92: {  	_ =	strace s17  }
0x93: {  	s2 =	sld [smem:$0x3FFC];
	_ =	sdelay $0x3  }
0x94: {  	_ =	strace s2  }
0x95: {  	s2 =	sld [smem:$0x3FFD];
	_ =	sdelay $0x3  }
0x96: {  	_ =	strace s2  }
0x97: {  	_ =	strace $0x8FFFFFFF  }
0x98: {  	s18 =	sld [smem:$0x3FDB];
	_ =	sdelay $0x1  }
0x99: {  	s19 =	simm.s32 $_scs_section_size  }
0x9a: {  	s4 =	simm.s32 $_size__tile_overlayer_lowered;
	s5 =	simm.s32 $_tile_overlayer_lowered  }
0x9b: {  	s22 =	simm.s32 $0x1BFF;
	s21 =	sshll.u32 s5, $0x1;
	s2 =	sadd.s32 s19, s18  }
0x9c: {  	s6 =	simm.s32 $0x0;
	s20 =	sshll.u32 s4, $0x1;
	s4 =	sadd.s32 s21, s2  }
0x9d: {  	[timem:s6], [sflag:s22] =	dma.local [hbm:s4], s20  }
0x9e: {  	_ =	swait.ge [sflag:s22], s20  }
0x9f: {  	s3 =	ssub.s32 $0x0, s20;
	[sflag:s22] =	ssyncset.done $0x0  }
0xa0: {  	[sflag:s22] =	ssyncadd.s32 s3;
	_ =	sdelay $0x1  }
0xa1: {  	s23 =	simm.s32 $0x1B8B  }
0xa2: {  	_ =	swait.ge [sflag:s23], $0x1  }
0xa3: {  	[sflag:s23] =	ssyncset.done $0x0  }
0xa4: {  	s25 =	simm.s32 $0x1B8E;
	s24 =	sld [smem:$0x3FFE];
	[sflag:s23] =	ssyncadd.s32 $0xFFFFFFFF  }
0xa5: {  	s26 =	simm.s32 $execute0_lowered;
	[smem:$0x3FD2] =	sst s25  }
0xa6: {  	s4 =	sshll.u32 s26, $0x1;
	_ =	strace $0x8000004C;
	[dreg:$0x1] =	wrdreg $0xFFFFFFFF  }
0xa7: {  	s28 =	simm.s32 $_size_execute0_lowered;
	s2 =	sadd.s32 s2, s4;
	[dreg:$0x0] =	wrdreg $0x0  }
0xa8: {  	s4 =	sshll.u32 s28, $0x1;
	[dreg:$0x2] =	wrdreg s2  }
0xa9: {  	[dreg:$0x3] =	wrdreg s4  }
0xaa: {  	[dreg:$0x4] =	wrdreg $0xC0  }
0xab: {  	_ =	task [dreg:s6], $0x5FFFF  }
0xac: {  	[dreg:$0x1] =	wrdreg $0xFFFFFFFF  }
0xad: {  	[dreg:$0x0] =	wrdreg $0x60  }
0xae: {  	[dreg:$0x2] =	wrdreg s24  }
0xaf: {  	[dreg:$0x3] =	wrdreg $0xB9A00  }
0xb0: {  	[dreg:$0x4] =	wrdreg $0x9  }
0xb1: {  	_ =	task.clear_ibuf [dreg:s6], $0x5FFFF;
	_ =	strace $0x9000004C  }
0xb2: {  	s29 =	simm.s32 $0x9;
	_ =	strace $0x8000004E  }
0xb3: {  	_ =	swait.ge [sflag:s29], $0x1  }
0xb4: {  	[sflag:s29] =	ssyncadd.s32 $0xFFFFFFFF  }
0xb5: {  	_ =	strace $0x9000004E  }
0xb6: {  	_ =	sfence  }
0xb7: {  	s30 =	sld [smem:$0x0];
	_ =	sdelay $0x2  }
0xb8: {  	s31 =	sshll.u32 s1, $0xD;
	s1 =	sshrl.u32 s1, $0x2  }
0xb9: {  	s3 =	sand.u32 $0x4000, s31;
	s1 =	sadd.s32 s1, s30  }
0xba: {  	s0 =	sor.u32 s3, s0;
	s1 =	sshll.u32 s1, $0x11  }
0xbb: {  	s0 =	sor.u32 s1, s0  }
0xbc: {  	s0 =	sadd.s32 $0x8F2B, s0  }
0xbd: {  	[sflag:s0] =	ssyncadd.remote.s32 $0x1  }
0xbe: {  	_ =	sfence.sel $0xFFFF  }
0xbf: {  	[dreg:$0x0] =	wrdreg $0xFFFFFFFF;
	(pc) =	sbr.abs _section_cstart, $3  }
0xc0: {  	[dreg:$0x1] =	wrdreg $0xFFFFFFFF  }
0xc1: {  	_ =	task.clear_ibuf [dreg:s6], $0x2FFFF;
	_ =	strace $0x9FFFFFFF  }
0xc2: {  	(tm) =	ssettm $0x7FFFFFFF  }
0xc3: {  	_ =	shalt  }
tec
execute0_lowered:
.L_overlay_start_1:
0x0: {  	(tag) =	ssettag $0x1  }
0x1: {  	s1 =	srdreg.scid;
	s6 =	rddreg [dreg:$0x0]  }
0x2: {  	s0 =	stileid.u32;
	s2 =	rddreg [dreg:$0x1]  }
0x3: {  	s3 =	simm.s32 $0x0;
	s13 =	simm.s32 $0x2760;
	s14 =	simm.s32 $0x29A0  }
0x4: {  	s15 =	simm.s32 $0x1;
	s16 =	simm.s32 $0x2880;
	s17 =	simm.s32 $0x71A0  }
0x5: {  	s18 =	simm.s32 $0x27F0;
	s19 =	simm.s32 $0x2;
	s20 =	simm.s32 $0x2910  }
0x6: {  	s21 =	simm.s32 $0x0;
	s5 =	sand.u32 $0x1, s1;
	s30 =	sshll.u32 s0, $0x1  }
0x7: {  	s8 =	smul.u32 $0x13C00, s0;
	[smem:$0x7FF] =	sst s3;
	s4 =	sadd.s32 $0xD600, s6  }
0x8: {  	s31 =	sshll.u32 s0, $0x6;
	s1 =	sor.u32 s5, s30;
	s9 =	smul.u32 $0x13C000, s5  }
0x9: {  	s5 =	ssub.s32 $0x2, s5;
	s7 =	smul.u32 $0x4EC, s1;
	s1 =	rddreg [dreg:$0x2]  }
0xa: {  	_ =	strace $0x8000004D;
	s10 =	sshrl.u32 s8, $0x3;
	s11 =	sshrl.u32 s5, $0x1  }
0xb: {  	s12 =	sadd.s32 s8, s2;
	s9 =	sadd.s32 s8, s9;
	s10 =	sadd.s32 s10, s6  }
0xc: {  	s11 =	ssub.s32 s5, s11;
	s7 =	sadd.s32 s7, s6;
	s9 =	sshrl.u32 s9, $0x3  }
0xd: {  	s8 =	smax.u32 s11, $0x1;
	s11 =	sshrl.u32 s12, $0x3;
	s12 =	simm.s32 $0x90  }
0xe: {  	s9 =	sadd.s32 s9, s6;
	s5 =	sadd.s32 $0x3800, s7;
	s6 =	sadd.s32 $0x34E00, s10  }
0xf: {  	s10 =	sor.u32 $0x1C03, s31;
	s7 =	sadd.s32 $0x5C600, s9;
	s9 =	simm.s32 $0x3  }
.LBB2_1:
0x10: {  	[tilespmem:s3], [sflag:$0x3] =	stream.linear.gather [hbm4b:s5+s3], $0x2760, $0x38;
	[tilespmem:$0x1F5A0] =	vst v63  }
0x11: {  	_ =	swait.ge [sflag:s9], $0x2760  }
0x12: {  	[sflag:s9] =	ssyncset.done $0x0  }
0x13: {  	[sflag:s9] =	ssyncadd.s32 $0xFFFFD8A0  }
0x14: {  	[spmem:s11], [sflag:s10] =	dma.local [hbm:s6], $0x2780  }
0x15: {  	_ =	swait.ge [sflag:s9], $0x2780  }
0x16: {  	[sflag:s9] =	ssyncset.done $0x0  }
0x17: {  	[sflag:s9] =	ssyncadd.s32 $0xFFFFD880  }
0x18: {  	[bflag:$0x0] =	sbarrier.arrive $0xFFFF  }
0x19: {  	v0 =	vld [tilespmem:$0x0];
	_ =	sdelay $0x1  }
0x1a: {  	v1 =	vld [tilespmem:$0x10];
	_ =	sdelay $0x1  }
0x1b: {  	v2 =	vld [tilespmem:$0x20]  }
0x1c: {  	v3 =	vand.u32 $0xFFFF, v0  }
0x1d: {  	v0 =	vshrl.u32 v0, $0x10;
	[tilespmem:$0x2760] =	vst v3;
	v3 =	vld [tilespmem:$0x30]  }
0x1e: {  	[tilespmem:$0x27F0] =	vst v0;
	v0 =	vand.u32 $0xFFFF, v1  }
0x1f: {  	[tilespmem:$0x2770] =	vst v0;
	v0 =	vshrl.u32 v1, $0x10;
	v1 =	vld [tilespmem:$0x40]  }
0x20: {  	[tilespmem:$0x2800] =	vst v0;
	v0 =	vand.u32 $0xFFFF, v2  }
0x21: {  	[tilespmem:$0x2780] =	vst v0;
	v0 =	vshrl.u32 v2, $0x10;
	v2 =	vld [tilespmem:$0x50]  }
0x22: {  	[tilespmem:$0x2810] =	vst v0;
	v0 =	vand.u32 $0xFFFF, v3  }
0x23: {  	[tilespmem:$0x2790] =	vst v0;
	v0 =	vshrl.u32 v3, $0x10;
	v3 =	vld [tilespmem:$0x60]  }
0x24: {  	[tilespmem:$0x2820] =	vst v0;
	v0 =	vand.u32 $0xFFFF, v1  }
0x25: {  	[tilespmem:$0x27A0] =	vst v0;
	v0 =	vshrl.u32 v1, $0x10;
	v1 =	vld [tilespmem:$0x70]  }
0x26: {  	[tilespmem:$0x2830] =	vst v0;
	v0 =	vand.u32 $0xFFFF, v2  }
0x27: {  	[tilespmem:$0x27B0] =	vst v0;
	v0 =	vshrl.u32 v2, $0x10;
	v2 =	vld [tilespmem:$0x80]  }
0x28: {  	[tilespmem:$0x2840] =	vst v0;
	v0 =	vand.u32 $0xFFFF, v3  }
0x29: {  	[tilespmem:$0x27C0] =	vst v0;
	v0 =	vshrl.u32 v3, $0x10  }
0x2a: {  	[tilespmem:$0x2850] =	vst v0;
	v0 =	vand.u32 $0xFFFF, v1  }
0x2b: {  	[tilespmem:$0x27D0] =	vst v0;
	v0 =	vshrl.u32 v1, $0x10  }
0x2c: {  	[tilespmem:$0x2860] =	vst v0;
	v0 =	vand.u32 $0xFFFF, v2  }
0x2d: {  	[tilespmem:$0x27E0] =	vst v0;
	v0 =	vshrl.u32 v2, $0x10  }
0x2e: {  	s22 =	simm.s32 $0x0;
	[tilespmem:$0x2870] =	vst v0  }
0x2f: {  	[tilespmem:s14], [sflag:$0x1] =	stream.indirect.gather [hbm4b:s4+s12], $0x80, s13, s12, $0xb8;
	[tilespmem:$0x1F5A0] =	vst v63  }
0x30: {  	v0 =	vld [tilespmem:s22+$0x90];
	_ =	sdelay $0x4  }
0x31: {  	v1 =	vand.u32 $0xFFFF, v0  }
0x32: {  	v0 =	vshrl.u32 v0, $0x10;
	[tilespmem:$0x2880] =	vst v1  }
0x33: {  	[tilespmem:$0x2910] =	vst v0  }
0x34: {  	v0 =	vld [tilespmem:s22+$0xA0];
	_ =	sdelay $0x4  }
0x35: {  	v1 =	vand.u32 $0xFFFF, v0  }
0x36: {  	v0 =	vshrl.u32 v0, $0x10;
	[tilespmem:$0x2890] =	vst v1  }
0x37: {  	[tilespmem:$0x2920] =	vst v0  }
0x38: {  	v0 =	vld [tilespmem:s22+$0xB0];
	_ =	sdelay $0x4  }
0x39: {  	v1 =	vand.u32 $0xFFFF, v0  }
0x3a: {  	v0 =	vshrl.u32 v0, $0x10;
	[tilespmem:$0x28A0] =	vst v1  }
0x3b: {  	[tilespmem:$0x2930] =	vst v0  }
0x3c: {  	v0 =	vld [tilespmem:s22+$0xC0];
	_ =	sdelay $0x4  }
0x3d: {  	v1 =	vand.u32 $0xFFFF, v0  }
0x3e: {  	v0 =	vshrl.u32 v0, $0x10;
	[tilespmem:$0x28B0] =	vst v1  }
0x3f: {  	[tilespmem:$0x2940] =	vst v0  }
0x40: {  	v0 =	vld [tilespmem:s22+$0xD0];
	_ =	sdelay $0x4  }
0x41: {  	v1 =	vand.u32 $0xFFFF, v0  }
0x42: {  	v0 =	vshrl.u32 v0, $0x10;
	[tilespmem:$0x28C0] =	vst v1  }
0x43: {  	[tilespmem:$0x2950] =	vst v0  }
0x44: {  	v0 =	vld [tilespmem:s22+$0xE0];
	_ =	sdelay $0x4  }
0x45: {  	v1 =	vand.u32 $0xFFFF, v0  }
0x46: {  	v0 =	vshrl.u32 v0, $0x10;
	[tilespmem:$0x28D0] =	vst v1  }
0x47: {  	[tilespmem:$0x2960] =	vst v0  }
0x48: {  	v0 =	vld [tilespmem:s22+$0xF0];
	_ =	sdelay $0x4  }
0x49: {  	v1 =	vand.u32 $0xFFFF, v0  }
0x4a: {  	v0 =	vshrl.u32 v0, $0x10;
	[tilespmem:$0x28E0] =	vst v1  }
0x4b: {  	[tilespmem:$0x2970] =	vst v0  }
0x4c: {  	v0 =	vld [tilespmem:s22+$0x100];
	_ =	sdelay $0x4  }
0x4d: {  	v1 =	vand.u32 $0xFFFF, v0  }
0x4e: {  	v0 =	vshrl.u32 v0, $0x10;
	[tilespmem:$0x28F0] =	vst v1  }
0x4f: {  	[tilespmem:$0x2980] =	vst v0  }
0x50: {  	v0 =	vld [tilespmem:s22+$0x110];
	_ =	sdelay $0x4  }
0x51: {  	v1 =	vand.u32 $0xFFFF, v0  }
0x52: {  	v0 =	vshrl.u32 v0, $0x10;
	[tilespmem:$0x2900] =	vst v1  }
0x53: {  	[tilespmem:$0x2990] =	vst v0  }
0x54: {  	_ =	swait.ge [sflag:s15], $0x4800  }
0x55: {  	[sflag:s15] =	ssyncset.done $0x0  }
0x56: {  	[sflag:s15] =	ssyncadd.s32 $0xFFFFB800  }
0x57: {  	[tilespmem:s17], [sflag:$0x2] =	stream.indirect.gather [hbm4b:s4+s12], $0x80, s16, s12, $0xb8;
	[tilespmem:$0x1F5A0] =	vst v63  }
0x58: {  	_ = 	snop  }
0x59: {  	[spmem:s2] =	stream.indirect.scatter.add.f32 [tilespmem:s14], [sflag:$0x3], $0x80, s18, s12, $0xb8;
	[tilespmem:$0x1F5A0] =	vst v63  }
0x5a: {  	_ =	swait.ge [sflag:s9], $0x4800  }
0x5b: {  	p1 =	por $0x0, $0x0;
	[sflag:s9] =	ssyncset.done $0x0  }
0x5c: {  	s23 =	simm.s32 @!p1 $0x0;
	[sflag:s9] =	ssyncadd.s32 $0xFFFFB800  }
0x5d: {  	v0 =	vld @!p1 [tilespmem:s23+$0x120];
	_ =	sdelay $0x4  }
0x5e: {  	v1 =	vand.u32 @!p1 $0xFFFF, v0  }
0x5f: {  	v0 =	vshrl.u32 @!p1 v0, $0x10;
	[tilespmem:$0x2760] =	vst @!p1 v1  }
0x60: {  	[tilespmem:$0x27F0] =	vst @!p1 v0  }
0x61: {  	v0 =	vld @!p1 [tilespmem:s23+$0x130];
	_ =	sdelay $0x4  }
0x62: {  	v1 =	vand.u32 @!p1 $0xFFFF, v0  }
0x63: {  	v0 =	vshrl.u32 @!p1 v0, $0x10;
	[tilespmem:$0x2770] =	vst @!p1 v1  }
0x64: {  	[tilespmem:$0x2800] =	vst @!p1 v0  }
0x65: {  	v0 =	vld @!p1 [tilespmem:s23+$0x140];
	_ =	sdelay $0x4  }
0x66: {  	v1 =	vand.u32 @!p1 $0xFFFF, v0  }
0x67: {  	v0 =	vshrl.u32 @!p1 v0, $0x10;
	[tilespmem:$0x2780] =	vst @!p1 v1  }
0x68: {  	[tilespmem:$0x2810] =	vst @!p1 v0  }
0x69: {  	v0 =	vld @!p1 [tilespmem:s23+$0x150];
	_ =	sdelay $0x4  }
0x6a: {  	v1 =	vand.u32 @!p1 $0xFFFF, v0  }
0x6b: {  	v0 =	vshrl.u32 @!p1 v0, $0x10;
	[tilespmem:$0x2790] =	vst @!p1 v1  }
0x6c: {  	[tilespmem:$0x2820] =	vst @!p1 v0  }
0x6d: {  	v0 =	vld @!p1 [tilespmem:s23+$0x160];
	_ =	sdelay $0x4  }
0x6e: {  	v1 =	vand.u32 @!p1 $0xFFFF, v0  }
0x6f: {  	v0 =	vshrl.u32 @!p1 v0, $0x10;
	[tilespmem:$0x27A0] =	vst @!p1 v1  }
0x70: {  	[tilespmem:$0x2830] =	vst @!p1 v0  }
0x71: {  	v0 =	vld @!p1 [tilespmem:s23+$0x170];
	_ =	sdelay $0x4  }
0x72: {  	v1 =	vand.u32 @!p1 $0xFFFF, v0  }
0x73: {  	v0 =	vshrl.u32 @!p1 v0, $0x10;
	[tilespmem:$0x27B0] =	vst @!p1 v1  }
0x74: {  	[tilespmem:$0x2840] =	vst @!p1 v0  }
0x75: {  	v0 =	vld @!p1 [tilespmem:s23+$0x180];
	_ =	sdelay $0x4  }
0x76: {  	v1 =	vand.u32 @!p1 $0xFFFF, v0  }
0x77: {  	v0 =	vshrl.u32 @!p1 v0, $0x10;
	[tilespmem:$0x27C0] =	vst @!p1 v1  }
0x78: {  	s25 =	simm.s32 @!p1 $0x90;
	[tilespmem:$0x2850] =	vst @!p1 v0  }
0x79: {  	s26 =	simm.s32 @!p1 $0x2760;
	s28 =	simm.s32 @!p1 $0x29A0;
	s22 =	simm.s32 $0x480;
	v0 =	vld @!p1 [tilespmem:s23+$0x190]  }
.LBB2_2:
0x7a: {  	_ =	sdelay $0x3  }
0x7b: {  	s24 =	smov.u32 s22;
	s22 =	sadd.s32 $0x480, s22;
	v1 =	vand.u32 @!p1 $0xFFFF, v0;
	v0 =	vshrl.u32 @!p1 v0, $0x10  }
0x7c: {  	p0 =	sne.s32 s22, $0x9D80;
	[tilespmem:$0x27D0] =	vst @!p1 v1  }
0x7d: {  	[tilespmem:$0x2860] =	vst @!p1 v0  }
0x7e: {  	v0 =	vld @!p1 [tilespmem:s23+$0x1A0];
	_ =	sdelay $0x4  }
0x7f: {  	v1 =	vand.u32 @!p1 $0xFFFF, v0;
	v0 =	vshrl.u32 @!p1 v0, $0x10  }
0x80: {  	[tilespmem:$0x27E0] =	vst @!p1 v1  }
0x81: {  	[tilespmem:$0x2870] =	vst @!p1 v0  }
0x82: {  	[tilespmem:s28], [sflag:$0x1] =	stream.indirect.gather @!p1 [hbm4b:s4+s25], $0x80, s26, s25, $0xb8;
	[tilespmem:$0x1F5A0] =	vst v63  }
0x83: {  	_ =	swait.ge [sflag:s19], $0x4800  }
0x84: {  	[sflag:s19] =	ssyncset.done $0x0  }
0x85: {  	[sflag:s19] =	ssyncadd.s32 $0xFFFFB800  }
0x86: {  	[spmem:s2] =	stream.indirect.scatter.add.f32 [tilespmem:s17], [sflag:$0x3], $0x80, s20, s12, $0xb8;
	[tilespmem:$0x1F5A0] =	vst v63  }
0x87: {  	_ =	swait.ge [sflag:s9], $0x4800  }
0x88: {  	[sflag:s9] =	ssyncset.done $0x0  }
0x89: {  	s23 =	sshra.s32 s24, $0x2;
	[sflag:s9] =	ssyncadd.s32 $0xFFFFB800  }
0x8a: {  	v0 =	vld [tilespmem:s23+$0x90];
	_ =	sdelay $0x4  }
0x8b: {  	v1 =	vand.u32 $0xFFFF, v0;
	v0 =	vshrl.u32 v0, $0x10  }
0x8c: {  	[tilespmem:$0x2880] =	vst v1  }
0x8d: {  	[tilespmem:$0x2910] =	vst v0  }
0x8e: {  	v0 =	vld [tilespmem:s23+$0xA0];
	_ =	sdelay $0x4  }
0x8f: {  	v1 =	vand.u32 $0xFFFF, v0;
	v0 =	vshrl.u32 v0, $0x10  }
0x90: {  	[tilespmem:$0x2890] =	vst v1  }
0x91: {  	[tilespmem:$0x2920] =	vst v0  }
0x92: {  	v0 =	vld [tilespmem:s23+$0xB0];
	_ =	sdelay $0x4  }
0x93: {  	v1 =	vand.u32 $0xFFFF, v0;
	v0 =	vshrl.u32 v0, $0x10  }
0x94: {  	[tilespmem:$0x28A0] =	vst v1  }
0x95: {  	[tilespmem:$0x2930] =	vst v0  }
0x96: {  	v0 =	vld [tilespmem:s23+$0xC0];
	_ =	sdelay $0x4  }
0x97: {  	v1 =	vand.u32 $0xFFFF, v0;
	v0 =	vshrl.u32 v0, $0x10  }
0x98: {  	[tilespmem:$0x28B0] =	vst v1  }
0x99: {  	[tilespmem:$0x2940] =	vst v0  }
0x9a: {  	v0 =	vld [tilespmem:s23+$0xD0];
	_ =	sdelay $0x4  }
0x9b: {  	v1 =	vand.u32 $0xFFFF, v0;
	v0 =	vshrl.u32 v0, $0x10  }
0x9c: {  	[tilespmem:$0x28C0] =	vst v1  }
0x9d: {  	[tilespmem:$0x2950] =	vst v0  }
0x9e: {  	v0 =	vld [tilespmem:s23+$0xE0];
	_ =	sdelay $0x4  }
0x9f: {  	v1 =	vand.u32 $0xFFFF, v0;
	v0 =	vshrl.u32 v0, $0x10  }
0xa0: {  	[tilespmem:$0x28D0] =	vst v1  }
0xa1: {  	[tilespmem:$0x2960] =	vst v0  }
0xa2: {  	v0 =	vld [tilespmem:s23+$0xF0];
	_ =	sdelay $0x4  }
0xa3: {  	v1 =	vand.u32 $0xFFFF, v0;
	v0 =	vshrl.u32 v0, $0x10  }
0xa4: {  	[tilespmem:$0x28E0] =	vst v1  }
0xa5: {  	[tilespmem:$0x2970] =	vst v0  }
0xa6: {  	v0 =	vld [tilespmem:s23+$0x100];
	_ =	sdelay $0x4  }
0xa7: {  	v1 =	vand.u32 $0xFFFF, v0;
	v0 =	vshrl.u32 v0, $0x10  }
0xa8: {  	[tilespmem:$0x28F0] =	vst v1  }
0xa9: {  	[tilespmem:$0x2980] =	vst v0  }
0xaa: {  	v0 =	vld [tilespmem:s23+$0x110];
	_ =	sdelay $0x4  }
0xab: {  	v1 =	vand.u32 $0xFFFF, v0;
	v0 =	vshrl.u32 v0, $0x10  }
0xac: {  	p1 =	seq.s32 s24, $0x9900;
	[tilespmem:$0x2900] =	vst v1  }
0xad: {  	s23 =	sshra.s32 @!p1 s24, $0x2;
	[tilespmem:$0x2990] =	vst v0  }
0xae: {  	_ =	swait.ge [sflag:s15], $0x4800  }
0xaf: {  	[sflag:s15] =	ssyncset.done $0x0  }
0xb0: {  	[sflag:s15] =	ssyncadd.s32 $0xFFFFB800  }
0xb1: {  	[tilespmem:s17], [sflag:$0x2] =	stream.indirect.gather [hbm4b:s4+s12], $0x80, s16, s12, $0xb8;
	[tilespmem:$0x1F5A0] =	vst v63  }
0xb2: {  	_ = 	snop  }
0xb3: {  	[spmem:s2] =	stream.indirect.scatter.add.f32 [tilespmem:s14], [sflag:$0x3], $0x80, s18, s12, $0xb8;
	[tilespmem:$0x1F5A0] =	vst v63  }
0xb4: {  	_ =	swait.ge [sflag:s9], $0x4800  }
0xb5: {  	[sflag:s9] =	ssyncset.done $0x0  }
0xb6: {  	[sflag:s9] =	ssyncadd.s32 $0xFFFFB800  }
0xb7: {  	v0 =	vld @!p1 [tilespmem:s23+$0x120];
	_ =	sdelay $0x4  }
0xb8: {  	v1 =	vand.u32 @!p1 $0xFFFF, v0;
	v0 =	vshrl.u32 @!p1 v0, $0x10  }
0xb9: {  	[tilespmem:$0x2760] =	vst @!p1 v1  }
0xba: {  	[tilespmem:$0x27F0] =	vst @!p1 v0  }
0xbb: {  	v0 =	vld @!p1 [tilespmem:s23+$0x130];
	_ =	sdelay $0x4  }
0xbc: {  	v1 =	vand.u32 @!p1 $0xFFFF, v0;
	v0 =	vshrl.u32 @!p1 v0, $0x10  }
0xbd: {  	[tilespmem:$0x2770] =	vst @!p1 v1  }
0xbe: {  	[tilespmem:$0x2800] =	vst @!p1 v0  }
0xbf: {  	v0 =	vld @!p1 [tilespmem:s23+$0x140];
	_ =	sdelay $0x4  }
0xc0: {  	v1 =	vand.u32 @!p1 $0xFFFF, v0;
	v0 =	vshrl.u32 @!p1 v0, $0x10  }
0xc1: {  	[tilespmem:$0x2780] =	vst @!p1 v1  }
0xc2: {  	[tilespmem:$0x2810] =	vst @!p1 v0  }
0xc3: {  	v0 =	vld @!p1 [tilespmem:s23+$0x150];
	_ =	sdelay $0x4  }
0xc4: {  	v1 =	vand.u32 @!p1 $0xFFFF, v0;
	v0 =	vshrl.u32 @!p1 v0, $0x10  }
0xc5: {  	[tilespmem:$0x2790] =	vst @!p1 v1  }
0xc6: {  	[tilespmem:$0x2820] =	vst @!p1 v0  }
0xc7: {  	v0 =	vld @!p1 [tilespmem:s23+$0x160];
	_ =	sdelay $0x4  }
0xc8: {  	v1 =	vand.u32 @!p1 $0xFFFF, v0;
	v0 =	vshrl.u32 @!p1 v0, $0x10  }
0xc9: {  	[tilespmem:$0x27A0] =	vst @!p1 v1  }
0xca: {  	[tilespmem:$0x2830] =	vst @!p1 v0  }
0xcb: {  	v0 =	vld @!p1 [tilespmem:s23+$0x170];
	_ =	sdelay $0x4  }
0xcc: {  	v1 =	vand.u32 @!p1 $0xFFFF, v0;
	v0 =	vshrl.u32 @!p1 v0, $0x10  }
0xcd: {  	[tilespmem:$0x27B0] =	vst @!p1 v1  }
0xce: {  	[tilespmem:$0x2840] =	vst @!p1 v0  }
0xcf: {  	v0 =	vld @!p1 [tilespmem:s23+$0x180];
	_ =	sdelay $0x3  }
.Ltmp0:
0xd0: {  	(pc) =	sbr.rel @p0 .LBB2_2-.Ltmp0, $4  }
0xd1: {  	s25 =	simm.s32 @!p1 $0x90;
	s26 =	simm.s32 @!p1 $0x2760;
	s28 =	simm.s32 @!p1 $0x29A0;
	v1 =	vand.u32 @!p1 $0xFFFF, v0;
	v0 =	vshrl.u32 @!p1 v0, $0x10  }
0xd2: {  	[tilespmem:$0x27C0] =	vst @!p1 v1  }
0xd3: {  	[tilespmem:$0x2850] =	vst @!p1 v0  }
0xd4: {  	v0 =	vld @!p1 [tilespmem:s23+$0x190]  }
0xd5: {  	_ =	sdelay $0x3  }
0xd6: {  	v1 =	vand.u32 @!p1 $0xFFFF, v0  }
0xd7: {  	v0 =	vshrl.u32 @!p1 v0, $0x10;
	[tilespmem:$0x27D0] =	vst @!p1 v1  }
0xd8: {  	[tilespmem:$0x2860] =	vst @!p1 v0  }
0xd9: {  	v0 =	vld @!p1 [tilespmem:s23+$0x1A0];
	_ =	sdelay $0x4  }
0xda: {  	v1 =	vand.u32 @!p1 $0xFFFF, v0  }
0xdb: {  	v0 =	vshrl.u32 @!p1 v0, $0x10;
	[tilespmem:$0x27E0] =	vst @!p1 v1  }
0xdc: {  	[tilespmem:$0x2870] =	vst @!p1 v0  }
0xdd: {  	[tilespmem:s28], [sflag:$0x1] =	stream.indirect.gather @!p1 [hbm4b:s4+s25], $0x80, s26, s25, $0xb8;
	[tilespmem:$0x1F5A0] =	vst v63  }
0xde: {  	_ =	swait.ge [sflag:s19], $0x4800  }
0xdf: {  	[sflag:s19] =	ssyncset.done $0x0  }
0xe0: {  	[sflag:s19] =	ssyncadd.s32 $0xFFFFB800  }
0xe1: {  	[spmem:s2] =	stream.indirect.scatter.add.f32 [tilespmem:s17], [sflag:$0x3], $0x80, s20, s12, $0xb8;
	[tilespmem:$0x1F5A0] =	vst v63  }
0xe2: {  	_ =	swait.ge [sflag:s9], $0x4800  }
0xe3: {  	s21 =	sadd.s32 $0x1, s21;
	[sflag:s9] =	ssyncset.done $0x0  }
0xe4: {  	p0 =	sne.s32 s21, s8;
	[sflag:s9] =	ssyncadd.s32 $0xFFFFB800  }
.Ltmp1:
0xe5: {  	[bflag:$0x0] =	sbarrier.arrive $0xFFFF;
	(pc) =	sbr.rel @p0 .LBB2_1-.Ltmp1, $4  }
0xe6: {  	[hbm:s7], [sflag:s10] =	dma.local [spmem:s11], $0x2780  }
0xe7: {  	_ =	swait.ge [sflag:s9], $0x2780  }
0xe8: {  	[sflag:s9] =	ssyncset.done $0x0  }
0xe9: {  	[sflag:s9] =	ssyncadd.s32 $0xFFFFD880  }
0xea: {  	_ =	sfence.sel $0x180000  }
0xeb: {  	[bflag:$0x0] =	sbarrier.arrive $0xFFFF  }
0xec: {  	p0 =	sne.s32 s0, $0x0;
	_ =	strace $0x9000004D  }
0xed: {  	s0 =	sadd.s32 @!p0 $0x100000, s1;
	[bflag:$0x2] =	sbarrier.arrive $0xFFFF  }
0xee: {  	[sflag:s0] =	ssyncadd.tile.s32 @!p0 $0x1;
	_ =	shalt  }
.Lfunc_end2:
_tile_overlayer_lowered:
.L_overlay_start_2:
0xef: {  	(tag) =	ssettag $0x2  }
0xf0: {  	s0 =	rddreg [dreg:$0x0];
	s2 =	stileid.u32  }
0xf1: {  	s1 =	rddreg [dreg:$0x1];
	p0 =	sne.s32 s2, $0x0  }
0xf2: {  	s3 =	rddreg [dreg:$0x2];
	[bflag:$0x3] =	sbarrier.arrive $0xFFFF;
	s2 =	simm.s32 @!p0 $0x1C03  }
0xf3: {  	[timem:s3], [sflag:s2] =	dma.local @!p0 [hbm:s0], s1  }
0xf4: {  	s0 =	simm.s32 @!p0 $0x3  }
0xf5: {  	_ =	swait.ge @!p0 [sflag:s0], s1  }
0xf6: {  	s1 =	ssub.s32 @!p0 $0x0, s1;
	[sflag:s0] =	ssyncset.done @!p0 $0x0  }
0xf7: {  	[sflag:s0] =	ssyncadd.s32 @!p0 s1  }
0xf8: {  	[bflag:$0x3] =	sbarrier.arrive $0xFFFF  }
0xf9: {  	_ =	shalt  }

// kernel: kernel.19.cloned.1.call-start
scs
__scs_entry_jumppad:
0x0: {  	(pc) =	sbr.rel $0x88, $3  }
0x1: {  	(tag) =	ssettag $0x0;
	lr =	simm.s32 $0x1  }
0x2: {  	[smem:$0x3F91] =	sst lr;
	_ =	strace $0xD0000000  }
0x3: {  	_ = 	snop  }
0x4: {  	_ = 	snop  }
0x5: {  	_ = 	snop  }
0x6: {  	_ = 	snop  }
0x7: {  	_ = 	snop  }
__scs_overlays_trampoline_lowered:
0x8: {  	[smem:$0x3FA0] =	sst s0  }
0x9: {  	[smem:$0x3FA1] =	sst s1  }
0xa: {  	[smem:$0x3FA2] =	sst s2  }
0xb: {  	[smem:$0x3FA3] =	sst s3  }
0xc: {  	[smem:$0x3FA4] =	sst s4  }
0xd: {  	[smem:$0x3FA5] =	sst s5  }
0xe: {  	[smem:$0x3FA6] =	sst s6  }
0xf: {  	[smem:$0x3FA7] =	sst s7  }
0x10: {  	[smem:$0x3FA8] =	sst s8  }
0x11: {  	[smem:$0x3FA9] =	sst s9;
	s0 =	simm.s32 @!p0 $0x0  }
0x12: {  	s1 =	sld [smem:$0x3F8F];
	s0 =	simm.s32 @p0 $0x1  }
0x13: {  	[smem:$0x3FAA] =	sst s0;
	s0 =	simm.s32 @!p1 $0x0  }
0x14: {  	s2 =	sld [smem:$0x3F8E];
	s0 =	simm.s32 @p1 $0x1  }
0x15: {  	[smem:$0x3FAB] =	sst s0;
	s0 =	simm.s32 @!p2 $0x0  }
0x16: {  	s3 =	sld [smem:$0x3FDB];
	s0 =	simm.s32 @p2 $0x1  }
0x17: {  	s4 =	simm.s32 $0x1BF5;
	[smem:$0x3FAD] =	sst s0  }
0x18: {  	s0 =	sld [smem:$0x3F90];
	_ =	swait.ge [sflag:s4], $0x0  }
0x19: {  	s7 =	sld [smem:$0x3F91]  }
0x1a: {  	s8 =	sadd.s32 $0xFFFFE003, lr  }
0x1b: {  	s9 =	sadd.s32 $0xFFFFFEF7, lr;
	s5 =	simm.s32 $0xFFFFFFFF;
	p2 =	slt.u32 s8, $0xFFFFF086  }
0x1c: {  	p1 =	slt.u32 s9, $0xF7A;
	s5 =	simm.s32 @!p2 $0x0  }
0x1d: {  	s5 =	simm.s32 @p1 $0x1;
	p0 =	seq.s32 s7, s2  }
0x1e: {  	s7 =	smul.u32 @!p0 $0xF7A, s2;
	p2 =	seq.s32 @!p0 s5, $0x0  }
0x1f: {  	s9 =	smul.u32 $0xF7A, s1;
	s8 =	simm.s32 @!p0 $0x1BF5;
	p2 =	por !p2, p0  }
0x20: {  	[sflag:s8] =	ssyncset.s32 @!p0 $0xFFFFF086;
	s6 =	sadd.s32 @!p0 s3, s7;
	s7 =	simm.s32 @!p0 $0x108  }
0x21: {  	s3 =	sadd.s32 s3, s9;
	s6 =	sadd.s32 @!p0 $0x88, s6;
	s7 =	simm.s32 @p2 $0x1082  }
0x22: {  	[simem:s7], [sflag:s8] =	dma.local @!p0 [hbm:s6], $0xF7A  }
0x23: {  	s9 =	sor.u32 $0xD0000000, s2;
	s6 =	simm.s32 $0x108;
	_ =	swait.ge @!p0 [sflag:s8], $0x0  }
0x24: {  	s3 =	sadd.s32 $0x88, s3;
	s6 =	simm.s32 @!p1 $0x1082;
	[sflag:s4] =	ssyncset.s32 $0xFFFFF086  }
0x25: {  	[simem:s6], [sflag:s4] =	dma.local [hbm:s3], $0xF7A  }
0x26: {  	[smem:$0x3F91] =	sst s1;
	(tag) =	ssettag s2;
	_ =	strace s9  }
0x27: {  	s1 =	sld [smem:$0x3FA1]  }
0x28: {  	s2 =	sld [smem:$0x3FA2]  }
0x29: {  	s4 =	sld [smem:$0x3FA4]  }
0x2a: {  	p0 =	seq.s32 s5, $0x0;
	s5 =	sld [smem:$0x3FA5]  }
0x2b: {  	s6 =	sld [smem:$0x3FA6]  }
0x2c: {  	s7 =	sld [smem:$0x3FA7]  }
0x2d: {  	s3 =	simm.s32 $0x108;
	s8 =	sld [smem:$0x3FA8]  }
0x2e: {  	s3 =	simm.s32 @!p0 $0x1082;
	s9 =	sld [smem:$0x3FA9]  }
0x2f: {  	lr =	sadd.s32 s0, s3;
	s0 =	sld [smem:$0x3FA0]  }
0x30: {  	s3 =	sld [smem:$0x3FA3]  }
0x31: {  	[smem:$0x3FAC] =	sst s10  }
0x32: {  	s10 =	sld [smem:$0x3FAA];
	_ =	sdelay $0x3  }
0x33: {  	p0 =	seq.s32 s10, $0x1;
	s10 =	sld [smem:$0x3FAC];
	_ =	sdelay $0x3  }
0x34: {  	[smem:$0x3FAC] =	sst s10  }
0x35: {  	s10 =	sld [smem:$0x3FAB];
	_ =	sdelay $0x3  }
0x36: {  	p1 =	seq.s32 s10, $0x1;
	s10 =	sld [smem:$0x3FAC];
	_ =	sdelay $0x3  }
0x37: {  	[smem:$0x3FAC] =	sst s10  }
0x38: {  	s10 =	sld [smem:$0x3FAD]  }
0x39: {  	_ = 	snop;
	(pc) =	sbr.ind lr, $3  }
0x3a: {  	_ = 	snop  }
0x3b: {  	_ = 	snop  }
0x3c: {  	p2 =	seq.s32 s10, $0x1;
	s10 =	sld [smem:$0x3FAC]  }
0x3d: {  	_ =	shalt  }
0x3e: {  	_ =	shalt  }
0x3f: {  	_ =	shalt  }
0x40: {  	_ =	shalt  }
0x41: {  	_ =	shalt  }
0x42: {  	_ =	shalt  }
0x43: {  	_ =	shalt  }
0x44: {  	_ =	shalt  }
0x45: {  	_ =	shalt  }
0x46: {  	_ =	shalt  }
0x47: {  	_ =	shalt  }
0x48: {  	_ =	shalt  }
0x49: {  	_ =	shalt  }
0x4a: {  	_ =	shalt  }
0x4b: {  	_ =	shalt  }
0x4c: {  	_ =	shalt  }
0x4d: {  	_ =	shalt  }
0x4e: {  	_ =	shalt  }
0x4f: {  	_ =	shalt  }
0x50: {  	_ =	shalt  }
0x51: {  	_ =	shalt  }
0x52: {  	_ =	shalt  }
0x53: {  	_ =	shalt  }
0x54: {  	_ =	shalt  }
0x55: {  	_ =	shalt  }
0x56: {  	_ =	shalt  }
0x57: {  	_ =	shalt  }
0x58: {  	_ =	shalt  }
0x59: {  	_ =	shalt  }
0x5a: {  	_ =	shalt  }
0x5b: {  	_ =	shalt  }
0x5c: {  	_ =	shalt  }
0x5d: {  	_ =	shalt  }
0x5e: {  	_ =	shalt  }
0x5f: {  	_ =	shalt  }
0x60: {  	_ =	shalt  }
0x61: {  	_ =	shalt  }
0x62: {  	_ =	shalt  }
0x63: {  	_ =	shalt  }
0x64: {  	_ =	shalt  }
0x65: {  	_ =	shalt  }
0x66: {  	_ =	shalt  }
0x67: {  	_ =	shalt  }
0x68: {  	_ =	shalt  }
0x69: {  	_ =	shalt  }
0x6a: {  	_ =	shalt  }
0x6b: {  	_ =	shalt  }
0x6c: {  	_ =	shalt  }
0x6d: {  	_ =	shalt  }
0x6e: {  	_ =	shalt  }
0x6f: {  	_ =	shalt  }
0x70: {  	_ =	shalt  }
0x71: {  	_ =	shalt  }
0x72: {  	_ =	shalt  }
0x73: {  	_ =	shalt  }
0x74: {  	_ =	shalt  }
0x75: {  	_ =	shalt  }
0x76: {  	_ =	shalt  }
0x77: {  	_ =	shalt  }
0x78: {  	_ =	shalt  }
0x79: {  	_ =	shalt  }
0x7a: {  	_ =	shalt  }
0x7b: {  	_ =	shalt  }
0x7c: {  	_ =	shalt  }
0x7d: {  	_ =	shalt  }
0x7e: {  	_ =	shalt  }
0x7f: {  	_ =	shalt  }
0x80: {  	_ =	shalt  }
0x81: {  	_ =	shalt  }
0x82: {  	_ =	shalt  }
0x83: {  	_ =	shalt  }
0x84: {  	_ =	shalt  }
0x85: {  	_ =	shalt  }
0x86: {  	_ =	shalt  }
0x87: {  	_ =	shalt  }
.Lfunc_end0:
.L_simem_size_0:
called_computation.3_lowered:
.L_overlay_start_0:
0x88: {  	s2 =	sld [smem:$0x3FD9]  }
0x89: {  	s3 =	sld [smem:$0x3FFE];
	_ =	sdelay $0x1  }
0x8a: {  	s1 =	srdreg.scid  }
0x8b: {  	s0 =	sand.u32 $0x1, s1  }
0x8c: {  	s16 =	sshll.u32 s0, $0xA;
	s2 =	sadd.s32 s3, s2  }
0x8d: {  	s2 =	sadd.s32 s2, s16  }
0x8e: {  	[smem:$0x3FB8] =	sst s2  }
0x8f: {  	_ = 	snop  }
0x90: {  	(tm) =	ssettm $0x1  }
0x91: {  	s17 =	sld [smem:$0x3FFB];
	_ =	sdelay $0x3  }
0x92: {  	_ =	strace s17  }
0x93: {  	s2 =	sld [smem:$0x3FFC];
	_ =	sdelay $0x3  }
0x94: {  	_ =	strace s2  }
0x95: {  	s2 =	sld [smem:$0x3FFD];
	_ =	sdelay $0x3  }
0x96: {  	_ =	strace s2  }
0x97: {  	_ =	strace $0x8FFFFFFF  }
0x98: {  	s18 =	sld [smem:$0x3FDB];
	_ =	sdelay $0x1  }
0x99: {  	s19 =	simm.s32 $_scs_section_size  }
0x9a: {  	s4 =	simm.s32 $_size__tile_overlayer_lowered;
	s5 =	simm.s32 $_tile_overlayer_lowered  }
0x9b: {  	s22 =	simm.s32 $0x1BFF;
	s21 =	sshll.u32 s5, $0x1;
	s2 =	sadd.s32 s19, s18  }
0x9c: {  	s6 =	simm.s32 $0x0;
	s20 =	sshll.u32 s4, $0x1;
	s4 =	sadd.s32 s21, s2  }
0x9d: {  	[timem:s6], [sflag:s22] =	dma.local [hbm:s4], s20  }
0x9e: {  	_ =	swait.ge [sflag:s22], s20  }
0x9f: {  	s3 =	ssub.s32 $0x0, s20;
	[sflag:s22] =	ssyncset.done $0x0  }
0xa0: {  	[sflag:s22] =	ssyncadd.s32 s3;
	_ =	sdelay $0x1  }
0xa1: {  	s23 =	simm.s32 $0x1B8B  }
0xa2: {  	_ =	swait.ge [sflag:s23], $0x1  }
0xa3: {  	[sflag:s23] =	ssyncset.done $0x0  }
0xa4: {  	s25 =	simm.s32 $0x1B8E;
	s24 =	sld [smem:$0x3FFE];
	[sflag:s23] =	ssyncadd.s32 $0xFFFFFFFF  }
0xa5: {  	s26 =	simm.s32 $execute0_lowered;
	[smem:$0x3FD2] =	sst s25  }
0xa6: {  	s4 =	sshll.u32 s26, $0x1;
	_ =	strace $0x8000004F;
	[dreg:$0x1] =	wrdreg $0xFFFFFFFF  }
0xa7: {  	s28 =	simm.s32 $_size_execute0_lowered;
	s2 =	sadd.s32 s2, s4;
	[dreg:$0x0] =	wrdreg $0x0  }
0xa8: {  	s4 =	sshll.u32 s28, $0x1;
	[dreg:$0x2] =	wrdreg s2  }
0xa9: {  	[dreg:$0x3] =	wrdreg s4  }
0xaa: {  	[dreg:$0x4] =	wrdreg $0xC0  }
0xab: {  	_ =	task [dreg:s6], $0x5FFFF  }
0xac: {  	[dreg:$0x1] =	wrdreg $0xFFFFFFFF  }
0xad: {  	[dreg:$0x0] =	wrdreg $0x60  }
0xae: {  	[dreg:$0x2] =	wrdreg s24  }
0xaf: {  	[dreg:$0x3] =	wrdreg $0x9  }
0xb0: {  	_ =	task.clear_ibuf [dreg:s6], $0x4FFFF;
	_ =	strace $0x9000004F  }
0xb1: {  	s29 =	simm.s32 $0x9;
	_ =	strace $0x80000051  }
0xb2: {  	_ =	swait.ge [sflag:s29], $0x1  }
0xb3: {  	[sflag:s29] =	ssyncadd.s32 $0xFFFFFFFF  }
0xb4: {  	_ =	strace $0x90000051  }
0xb5: {  	_ =	sfence  }
0xb6: {  	s30 =	sld [smem:$0x0];
	_ =	sdelay $0x2  }
0xb7: {  	s31 =	sshll.u32 s1, $0xD;
	s1 =	sshrl.u32 s1, $0x2  }
0xb8: {  	s3 =	sand.u32 $0x4000, s31;
	s1 =	sadd.s32 s1, s30  }
0xb9: {  	s0 =	sor.u32 s3, s0;
	s1 =	sshll.u32 s1, $0x11  }
0xba: {  	s0 =	sor.u32 s1, s0  }
0xbb: {  	s0 =	sadd.s32 $0x8F2B, s0  }
0xbc: {  	[sflag:s0] =	ssyncadd.remote.s32 $0x1  }
0xbd: {  	_ =	sfence.sel $0xFFFF  }
0xbe: {  	[dreg:$0x0] =	wrdreg $0xFFFFFFFF;
	(pc) =	sbr.abs _section_cstart, $3  }
0xbf: {  	[dreg:$0x1] =	wrdreg $0xFFFFFFFF  }
0xc0: {  	_ =	task.clear_ibuf [dreg:s6], $0x2FFFF;
	_ =	strace $0x9FFFFFFF  }
0xc1: {  	(tm) =	ssettm $0x7FFFFFFF  }
tec
execute0_lowered:
.L_overlay_start_1:
0x0: {  	(tag) =	ssettag $0x1  }
0x1: {  	s1 =	srdreg.scid;
	s0 =	stileid.u32  }
0x2: {  	s4 =	rddreg [dreg:$0x0];
	s3 =	sand.u32 $0x1, s1;
	s31 =	sshll.u32 s0, $0x1  }
0x3: {  	s2 =	simm.s32 $0x0;
	s10 =	simm.s32 $0x9F50;
	s5 =	sor.u32 s3, s31  }
0x4: {  	s11 =	simm.s32 $0xE350;
	s12 =	simm.s32 $0x0;
	s6 =	smul.u32 $0x13C0, s5  }
0x5: {  	s1 =	rddreg [dreg:$0x1];
	s3 =	ssub.s32 $0x2, s3;
	s7 =	smul.u32 $0x2A, s5  }
0x6: {  	[smem:$0x7FF] =	sst s2;
	s5 =	smul.u32 $0x880, s5;
	s8 =	sshrl.u32 s3, $0x1  }
0x7: {  	_ =	strace $0x80000050;
	s8 =	ssub.s32 s3, s8;
	s6 =	sadd.s32 s6, s4  }
0x8: {  	s7 =	sadd.s32 s7, s4;
	s9 =	sadd.s32 s5, s4;
	s3 =	sadd.s32 $0x3800, s6  }
0x9: {  	s4 =	sadd.s32 $0xAB600, s7;
	s5 =	sadd.s32 $0x2B000, s9;
	s6 =	sadd.s32 $0x3C000, s9  }
0xa: {  	v0 =	vimm.f32 $-Inf;
	v1 =	vimm.f32 $0.0e+00;
	s7 =	smax.u32 s8, $0x1;
	s8 =	simm.s32 $0x1;
	s9 =	simm.s32 $0x9E00  }
.LBB2_1:
0xb: {  	[tilespmem:s2], [sflag:$0x1] =	stream.linear.gather [hbm4b:s3+s2], $0x9E00, $0x38;
	[tilespmem:$0x12750] =	vst v63  }
0xc: {  	_ =	swait.ge [sflag:s8], $0x9E00  }
0xd: {  	[sflag:s8] =	ssyncset.done $0x0  }
0xe: {  	[sflag:s8] =	ssyncadd.s32 $0xFFFF6200  }
0xf: {  	[tilespmem:s9], [sflag:$0x1] =	stream.linear.gather [hbm4b:s4+s2], $0x150, $0x38;
	[tilespmem:$0x12750] =	vst v63  }
0x10: {  	_ =	swait.ge [sflag:s8], $0x150  }
0x11: {  	[sflag:s8] =	ssyncset.done $0x0  }
0x12: {  	s13 =	simm.s32 $0x0;
	[sflag:s8] =	ssyncadd.s32 $0xFFFFFEB0  }
.LBB2_2:
0x13: {  	p0 =	sne.s32 s13, $0x10FC0  }
.Ltmp0:
0x14: {  	_ = 	snop;
	(pc) =	sbr.rel @p0 .LBB2_2-.Ltmp0, $4  }
0x15: {  	_ = 	snop  }
0x16: {  	s14 =	sshra.s32 s13, $0x2  }
0x17: {  	[tilespmem:s14+$0x9F50] =	vst v0  }
0x18: {  	s13 =	sadd.s32 $0x40, s13;
	[tilespmem:s14+$0xE350] =	vst v1  }
0x19: {  	s13 =	simm.s32 $0x0  }
0x1a: {  	v2 =	vld [tilespmem:s13+$0x9E00];
	_ =	sdelay $0x4  }
0x1b: {  	(v2sf) =	vpush v2, $0x0;
	_ =	sdelay $0xe  }
0x1c: {  	s13 =	simm.s32 $0x40;
	s14 =	spop (v2sf)  }
0x1d: {  	v2 =	vld [tilespmem:s13+$0xFFFFFFC0];
	s14 =	sshll.u32 s14, $0x7  }
0x1e: {  	v3 =	vld [tilespmem:s14+$0xE350]  }
0x1f: {  	v4 =	vld [tilespmem:s14+$0x9F50];
	_ =	sdelay $0x4  }
0x20: {  	v3 =	vadd.f32 v3, v2;
	v2 =	vmax.f32 v4, v2  }
0x21: {  	v4 =	vld [tilespmem:s14+$0xE360];
	[tilespmem:s14+$0x9F50] =	vst v2  }
0x22: {  	[tilespmem:s14+$0xE350] =	vst v3;
	v3 =	vld [tilespmem:s14+$0x9F60]  }
0x23: {  	v2 =	vld [tilespmem:s13+$0xFFFFFFD0];
	_ =	sdelay $0x4  }
0x24: {  	v3 =	vmax.f32 v3, v2;
	v2 =	vadd.f32 v4, v2  }
0x25: {  	v4 =	vld [tilespmem:s14+$0xE370];
	[tilespmem:s14+$0x9F60] =	vst v3  }
0x26: {  	v3 =	vld [tilespmem:s14+$0x9F70];
	[tilespmem:s14+$0xE360] =	vst v2  }
0x27: {  	v2 =	vld [tilespmem:s13+$0xFFFFFFE0];
	_ =	sdelay $0x4  }
0x28: {  	v3 =	vmax.f32 v3, v2;
	v2 =	vadd.f32 v4, v2  }
0x29: {  	v4 =	vld [tilespmem:s14+$0xE380];
	[tilespmem:s14+$0x9F70] =	vst v3  }
0x2a: {  	v3 =	vld [tilespmem:s14+$0x9F80];
	[tilespmem:s14+$0xE370] =	vst v2  }
0x2b: {  	v2 =	vld [tilespmem:s13+$0xFFFFFFF0];
	_ =	sdelay $0x4  }
0x2c: {  	v3 =	vmax.f32 v3, v2;
	v2 =	vadd.f32 v4, v2  }
0x2d: {  	v4 =	vld [tilespmem:s14+$0xE390];
	[tilespmem:s14+$0x9F80] =	vst v3  }
0x2e: {  	v3 =	vld [tilespmem:s14+$0x9F90];
	[tilespmem:s14+$0xE380] =	vst v2  }
0x2f: {  	v2 =	vld [tilespmem:s13+$0x0];
	_ =	sdelay $0x4  }
0x30: {  	v3 =	vmax.f32 v3, v2;
	v2 =	vadd.f32 v4, v2  }
0x31: {  	v4 =	vld [tilespmem:s14+$0xE3A0];
	[tilespmem:s14+$0x9F90] =	vst v3  }
0x32: {  	v3 =	vld [tilespmem:s14+$0x9FA0];
	[tilespmem:s14+$0xE390] =	vst v2  }
0x33: {  	v2 =	vld [tilespmem:s13+$0x10];
	_ =	sdelay $0x4  }
0x34: {  	v3 =	vmax.f32 v3, v2;
	v2 =	vadd.f32 v4, v2  }
0x35: {  	v4 =	vld [tilespmem:s14+$0xE3B0];
	[tilespmem:s14+$0x9FA0] =	vst v3  }
0x36: {  	v3 =	vld [tilespmem:s14+$0x9FB0];
	[tilespmem:s14+$0xE3A0] =	vst v2  }
0x37: {  	v2 =	vld [tilespmem:s13+$0x20];
	_ =	sdelay $0x4  }
0x38: {  	v3 =	vmax.f32 v3, v2;
	v2 =	vadd.f32 v4, v2  }
0x39: {  	[tilespmem:s14+$0x9FB0] =	vst v3;
	v3 =	vld [tilespmem:s14+$0x9FC0]  }
0x3a: {  	[tilespmem:s14+$0xE3B0] =	vst v2;
	v2 =	vld [tilespmem:s14+$0xE3C0]  }
0x3b: {  	v4 =	vld [tilespmem:s13+$0x30];
	_ =	sdelay $0x4  }
0x3c: {  	s15 =	simm.s32 $0x4;
	v3 =	vmax.f32 v3, v4;
	v2 =	vadd.f32 v2, v4  }
.LBB2_4:
0x3d: {  	p0 =	sne.s32 s15, $0x4EC  }
0x3e: {  	[tilespmem:s14+$0x9FC0] =	vst v3;
	s13 =	sadd.s32 $0x80, s13;
	s16 =	smov.u32 s15;
	s15 =	sadd.s32 $0x4, s15  }
0x3f: {  	s16 =	sshra.s32 s16, $0x2;
	[tilespmem:s14+$0xE3C0] =	vst v2  }
0x40: {  	v2 =	vld [tilespmem:s16+$0x9E00];
	_ =	sdelay $0x4  }
0x41: {  	(v2sf) =	vpush v2, $0x0;
	_ =	sdelay $0xe  }
0x42: {  	s14 =	spop (v2sf)  }
0x43: {  	s14 =	sshll.u32 s14, $0x7;
	v2 =	vld [tilespmem:s13+$0xFFFFFFC0]  }
0x44: {  	v3 =	vld [tilespmem:s14+$0xE350]  }
0x45: {  	v4 =	vld [tilespmem:s14+$0x9F50];
	_ =	sdelay $0x3  }
0x46: {  	v3 =	vadd.f32 v3, v2  }
0x47: {  	v2 =	vmax.f32 v4, v2  }
0x48: {  	[tilespmem:s14+$0xE350] =	vst v3;
	v3 =	vld [tilespmem:s14+$0x9F60]  }
0x49: {  	[tilespmem:s14+$0x9F50] =	vst v2;
	v2 =	vld [tilespmem:s14+$0xE360]  }
0x4a: {  	v4 =	vld [tilespmem:s13+$0xFFFFFFD0];
	_ =	sdelay $0x4  }
0x4b: {  	v3 =	vmax.f32 v3, v4;
	v2 =	vadd.f32 v2, v4  }
0x4c: {  	[tilespmem:s14+$0x9F60] =	vst v3;
	v3 =	vld [tilespmem:s14+$0x9F70]  }
0x4d: {  	[tilespmem:s14+$0xE360] =	vst v2;
	v2 =	vld [tilespmem:s14+$0xE370]  }
0x4e: {  	v4 =	vld [tilespmem:s13+$0xFFFFFFE0];
	_ =	sdelay $0x4  }
0x4f: {  	v3 =	vmax.f32 v3, v4;
	v2 =	vadd.f32 v2, v4  }
0x50: {  	[tilespmem:s14+$0x9F70] =	vst v3;
	v3 =	vld [tilespmem:s14+$0x9F80]  }
0x51: {  	[tilespmem:s14+$0xE370] =	vst v2;
	v2 =	vld [tilespmem:s14+$0xE380]  }
0x52: {  	v4 =	vld [tilespmem:s13+$0xFFFFFFF0];
	_ =	sdelay $0x4  }
0x53: {  	v3 =	vmax.f32 v3, v4;
	v2 =	vadd.f32 v2, v4  }
0x54: {  	[tilespmem:s14+$0x9F80] =	vst v3;
	v3 =	vld [tilespmem:s14+$0x9F90]  }
0x55: {  	[tilespmem:s14+$0xE380] =	vst v2;
	v2 =	vld [tilespmem:s14+$0xE390]  }
0x56: {  	v4 =	vld [tilespmem:s13+$0x0];
	_ =	sdelay $0x4  }
0x57: {  	v3 =	vmax.f32 v3, v4;
	v2 =	vadd.f32 v2, v4  }
0x58: {  	[tilespmem:s14+$0x9F90] =	vst v3;
	v3 =	vld [tilespmem:s14+$0x9FA0]  }
0x59: {  	[tilespmem:s14+$0xE390] =	vst v2;
	v2 =	vld [tilespmem:s14+$0xE3A0]  }
0x5a: {  	v4 =	vld [tilespmem:s13+$0x10];
	_ =	sdelay $0x4  }
0x5b: {  	v3 =	vmax.f32 v3, v4;
	v2 =	vadd.f32 v2, v4  }
0x5c: {  	[tilespmem:s14+$0x9FA0] =	vst v3;
	v3 =	vld [tilespmem:s14+$0x9FB0]  }
0x5d: {  	[tilespmem:s14+$0xE3A0] =	vst v2;
	v2 =	vld [tilespmem:s14+$0xE3B0]  }
0x5e: {  	v4 =	vld [tilespmem:s13+$0x20];
	_ =	sdelay $0x4  }
0x5f: {  	v3 =	vmax.f32 v3, v4;
	v2 =	vadd.f32 v2, v4  }
0x60: {  	[tilespmem:s14+$0x9FB0] =	vst v3;
	v3 =	vld [tilespmem:s14+$0x9FC0]  }
0x61: {  	[tilespmem:s14+$0xE3B0] =	vst v2;
	v2 =	vld [tilespmem:s14+$0xE3C0]  }
0x62: {  	v4 =	vld [tilespmem:s13+$0x30]  }
.Ltmp1:
0x63: {  	(pc) =	sbr.rel @p0 .LBB2_4-.Ltmp1, $2  }
0x64: {  	_ =	sdelay $0x2  }
0x65: {  	v3 =	vmax.f32 v3, v4;
	v2 =	vadd.f32 v2, v4  }
0x66: {  	[tilespmem:s14+$0x9FC0] =	vst v3  }
0x67: {  	[tilespmem:s14+$0xE3C0] =	vst v2  }
0x68: {  	[hbm4b:s5+s2] =	stream.linear.scatter [tilespmem:s10], [sflag:$0x1], $0x4400, $0x38;
	[tilespmem:$0x12750] =	vst v63  }
0x69: {  	s12 =	sadd.s32 $0x1, s12;
	_ =	swait.ge [sflag:s8], $0x4400  }
0x6a: {  	p0 =	sne.s32 s12, s7;
	[sflag:s8] =	ssyncset.done $0x0  }
.Ltmp2:
0x6b: {  	[sflag:s8] =	ssyncadd.s32 $0xFFFFBC00;
	(pc) =	sbr.rel @p0 .LBB2_1-.Ltmp2, $4  }
0x6c: {  	[hbm4b:s6+s2] =	stream.linear.scatter [tilespmem:s11], [sflag:$0x1], $0x4400, $0x38;
	[tilespmem:$0x12750] =	vst v63  }
0x6d: {  	_ =	swait.ge [sflag:s8], $0x4400  }
0x6e: {  	[sflag:s8] =	ssyncset.done $0x0  }
0x6f: {  	[sflag:s8] =	ssyncadd.s32 $0xFFFFBC00  }
0x70: {  	_ =	sfence.sel $0x180000  }
0x71: {  	[bflag:$0x0] =	sbarrier.arrive $0xFFFF  }
0x72: {  	p0 =	sne.s32 s0, $0x0;
	_ =	strace $0x90000050  }
0x73: {  	s0 =	sadd.s32 @!p0 $0x100000, s1;
	[bflag:$0x2] =	sbarrier.arrive $0xFFFF  }
0x74: {  	[sflag:s0] =	ssyncadd.tile.s32 @!p0 $0x1;
	_ =	shalt  }
.Lfunc_end2:
_tile_overlayer_lowered:
.L_overlay_start_2:
0x75: {  	(tag) =	ssettag $0x2  }
0x76: {  	s0 =	rddreg [dreg:$0x0];
	s2 =	stileid.u32  }
0x77: {  	s1 =	rddreg [dreg:$0x1];
	p0 =	sne.s32 s2, $0x0  }
0x78: {  	s3 =	rddreg [dreg:$0x2];
	[bflag:$0x3] =	sbarrier.arrive $0xFFFF;
	s2 =	simm.s32 @!p0 $0x1C01  }
0x79: {  	[timem:s3], [sflag:s2] =	dma.local @!p0 [hbm:s0], s1  }
0x7a: {  	s0 =	simm.s32 @!p0 $0x1  }
0x7b: {  	_ =	swait.ge @!p0 [sflag:s0], s1  }
0x7c: {  	s1 =	ssub.s32 @!p0 $0x0, s1;
	[sflag:s0] =	ssyncset.done @!p0 $0x0  }
0x7d: {  	[sflag:s0] =	ssyncadd.s32 @!p0 s1  }
0x7e: {  	[bflag:$0x3] =	sbarrier.arrive $0xFFFF  }
0x7f: {  	_ =	shalt  }

</sc_bundles>
